<compile_context>
chip_gen: v7x
topology: tpu7x:2x2x1
jax: 0.10.2.dev20260603
libtpu: 0.0.44.dev20260713+nightly
codegen_flags: <defaults>
</compile_context>

<pallas_src>
import functools

import jax
import jax.numpy as jnp
from jax import lax
from jax.experimental import pallas as pl
from jax.experimental.pallas import tpu as pltpu
from jax.experimental.pallas import tpu_sc as plsc

VOCAB = 1000000
HIDDEN = 64
OUT = 128
B = 4096
L = 50
LPAD = 52

NC = 2
NS = 16
NW = NC * NS
BPW = B // NW
CB = 2
CBL = CB * LPAD
NCH = BPW // CB
NBUF = 8


def _pool_sc(x_hbm, tbl_hbm, h_hbm, idx_v, rows, acc_v, sems):
    wid = lax.axis_index("s") * NC + lax.axis_index("c")
    base = wid * BPW
    pltpu.sync_copy(x_hbm.at[pl.ds(base * LPAD, BPW * LPAD)], idx_v)

    def fire(c, b):
        pltpu.async_copy(tbl_hbm.at[idx_v.at[pl.ds(c * CBL, CBL)]],
                         rows[b], sems[b])

    def wait(c, b):
        pltpu.make_async_copy(tbl_hbm.at[idx_v.at[pl.ds(c * CBL, CBL)]],
                              rows[b], sems[b]).wait()

    def process(c, b):
        rbuf = rows[b]
        for i2 in range(CB):
            roff = i2 * LPAD

            def red(r, accs):
                a0, a1, a2, a3, a4, a5, a6, a7 = accs
                r2 = roff + 2 * r
                a0 = a0 + rbuf[r2, pl.ds(0, 16)]
                a1 = a1 + rbuf[r2, pl.ds(16, 16)]
                a2 = a2 + rbuf[r2, pl.ds(32, 16)]
                a3 = a3 + rbuf[r2, pl.ds(48, 16)]
                a4 = a4 + rbuf[r2 + 1, pl.ds(0, 16)]
                a5 = a5 + rbuf[r2 + 1, pl.ds(16, 16)]
                a6 = a6 + rbuf[r2 + 1, pl.ds(32, 16)]
                a7 = a7 + rbuf[r2 + 1, pl.ds(48, 16)]
                return (a0, a1, a2, a3, a4, a5, a6, a7)

            z = jnp.zeros((16,), jnp.float32)
            a = lax.fori_loop(0, L // 2, red, (z,) * 8)
            j = c * CB + i2
            acc_v[j, pl.ds(0, 16)] = a[0] + a[4]
            acc_v[j, pl.ds(16, 16)] = a[1] + a[5]
            acc_v[j, pl.ds(32, 16)] = a[2] + a[6]
            acc_v[j, pl.ds(48, 16)] = a[3] + a[7]

    for b in range(NBUF):
        fire(b, b)

    def group(i, carry):
        g = i * NBUF
        for b in range(NBUF):
            c = g + b
            wait(c, b)
            process(c, b)
            fire(c + NBUF, b)
        return carry

    lax.fori_loop(0, (NCH - NBUF) // NBUF, group, 0)

    for b in range(NBUF):
        c = NCH - NBUF + b
        wait(c, b)
        process(c, b)

    pltpu.sync_copy(acc_v, h_hbm.at[pl.ds(base, BPW)])


def _pool_body(x_hbm, tbl_hbm, h_hbm, idx_v, *rest):
    rows = rest[:NBUF]
    acc_v = rest[NBUF]
    sems = rest[NBUF + 1:]
    _pool_sc(x_hbm, tbl_hbm, h_hbm, idx_v, rows, acc_v, sems)


@jax.jit
def _pool(x_flat, emb_table):
    mesh = plsc.VectorSubcoreMesh(core_axis_name="c", subcore_axis_name="s")
    return pl.kernel(
        _pool_body,
        mesh=mesh,
        compiler_params=pltpu.CompilerParams(use_tc_tiling_on_sc=False),
        out_type=jax.ShapeDtypeStruct((B, HIDDEN), jnp.float32),
        scratch_types=(
            [pltpu.VMEM((BPW * LPAD,), jnp.int32)]
            + [pltpu.VMEM((CBL, HIDDEN), jnp.float32) for _ in range(NBUF)]
            + [pltpu.VMEM((BPW, HIDDEN), jnp.float32)]
            + [pltpu.SemaphoreType.DMA for _ in range(NBUF)]
        ),
    )(x_flat, emb_table)


def _mm_body(h_ref, w_ref, b_ref, o_ref):
    o_ref[...] = (
        lax.dot_general(
            h_ref[...], w_ref[...],
            dimension_numbers=(((1,), (1,)), ((), ())),
            preferred_element_type=jnp.float32,
        )
        + b_ref[...]
    )


@jax.jit
def _linear(h, W, b2d):
    bm = 512
    return pl.pallas_call(
        _mm_body,
        out_shape=jax.ShapeDtypeStruct((B, OUT), jnp.float32),
        grid=(B // bm,),
        in_specs=[
            pl.BlockSpec((bm, HIDDEN), lambda i: (i, 0)),
            pl.BlockSpec((OUT, HIDDEN), lambda i: (0, 0)),
            pl.BlockSpec((1, OUT), lambda i: (0, 0)),
        ],
        out_specs=pl.BlockSpec((bm, OUT), lambda i: (i, 0)),
    )(h, W, b2d)


def kernel(x, emb_table, W, b):
    x_flat = jnp.pad(x.astype(jnp.int32), ((0, 0), (0, LPAD - L))).reshape(-1)
    h = _pool(x_flat, emb_table)
    return _linear(h, W, b.reshape(1, OUT))

# --- scband reference (transcript-rebuilt; emitter-appended) ---
"""Pipeline reference for scband-derivation-tree-model-9268539425033 (READ-ONLY COPY).

The authoritative reference and input builder live on the scoring server;
editing this copy changes nothing except your own understanding.
"""

import jax, jax.numpy as jnp
import numpy as np

VOCAB = 1000000
HIDDEN = 64
OUT = 128
B = 4096
L = 50

def setup_inputs(seed: int = 0) -> dict:
    key = jax.random.key(seed)
    k_idx, k_emb, k_w, k_b = jax.random.split(key, 4)
    x = jax.random.randint(k_idx, (B, L), 0, VOCAB, dtype=jnp.int64) if jax.config.jax_enable_x64 else jax.random.randint(k_idx, (B, L), 0, VOCAB, dtype=jnp.int32)
    emb_table = jax.random.normal(k_emb, (VOCAB, HIDDEN), dtype=jnp.float32) * 0.02
    # nn.Linear: weight [out, in], bias [out]
    bound = 1.0 / np.sqrt(HIDDEN)
    W = jax.random.uniform(k_w, (OUT, HIDDEN), dtype=jnp.float32, minval=-bound, maxval=bound)
    b = jax.random.uniform(k_b, (OUT,), dtype=jnp.float32, minval=-bound, maxval=bound)
    return {"x": x, "emb_table": emb_table, "W": W, "b": b}

def reference(x, emb_table, W, b):
    # x = self.embedding(x)  -> gather rows from table
    h = jnp.take(emb_table, x, axis=0)          # [B, L, HIDDEN]
    # x = torch.sum(x, dim=1)
    h = jnp.sum(h, axis=1)                       # [B, HIDDEN]
    # x = self.fc(x)
    out = h @ W.T + b                            # [B, OUT]
    return out

if __name__ == "__main__":
    import jax
    _d = setup_inputs()
    print(jax.jit(kernel)(*tuple(_d.values())))

</pallas_src>

<mosaic_0001>
#map = affine_map<(d0, d1) -> (0)>
#map1 = affine_map<(d0, d1) -> (0, 0)>
module attributes {stable_mosaic.version = 14 : i64} {
  func.func @_pool_body(%arg0: i32, %arg1: i32, %arg2: memref<212992xi32, #tpu.memory_space<hbm>>, %arg3: memref<1000000x64xf32, #tpu.memory_space<hbm>>, %arg4: memref<4096x64xf32, #tpu.memory_space<hbm>>, %arg5: memref<6656xi32, #tpu.memory_space<vmem>>, %arg6: memref<104x64xf32, #tpu.memory_space<vmem>>, %arg7: memref<104x64xf32, #tpu.memory_space<vmem>>, %arg8: memref<104x64xf32, #tpu.memory_space<vmem>>, %arg9: memref<104x64xf32, #tpu.memory_space<vmem>>, %arg10: memref<104x64xf32, #tpu.memory_space<vmem>>, %arg11: memref<104x64xf32, #tpu.memory_space<vmem>>, %arg12: memref<104x64xf32, #tpu.memory_space<vmem>>, %arg13: memref<104x64xf32, #tpu.memory_space<vmem>>, %arg14: memref<128x64xf32, #tpu.memory_space<vmem>>, %arg15: memref<!tpu.dma_semaphore, #tpu.memory_space<semaphore_mem>>, %arg16: memref<!tpu.dma_semaphore, #tpu.memory_space<semaphore_mem>>, %arg17: memref<!tpu.dma_semaphore, #tpu.memory_space<semaphore_mem>>, %arg18: memref<!tpu.dma_semaphore, #tpu.memory_space<semaphore_mem>>, %arg19: memref<!tpu.dma_semaphore, #tpu.memory_space<semaphore_mem>>, %arg20: memref<!tpu.dma_semaphore, #tpu.memory_space<semaphore_mem>>, %arg21: memref<!tpu.dma_semaphore, #tpu.memory_space<semaphore_mem>>, %arg22: memref<!tpu.dma_semaphore, #tpu.memory_space<semaphore_mem>>) attributes {dimension_semantics = [#tpu.dimension_semantics<core_parallel>, #tpu.dimension_semantics<subcore_parallel>], iteration_bounds = array<i64: 2, 16>, scalar_prefetch = 0 : i64, scratch_operands = 18 : i64, tpu.core_type = #tpu.core_type<sc_vector_subcore>, window_params = [{transform_indices = #map}, {transform_indices = #map1}, {transform_indices = #map1}]} {
    %mul3A = arith.constant 2 : i32
    %mul3A_0 = arith.muli %arg1, %mul3A : i32
    %add3A = arith.addi %mul3A_0, %arg0 : i32
    %mul3A_1 = arith.constant 128 : i32
    %mul3A_2 = arith.muli %add3A, %mul3A_1 : i32
    %mul3A_3 = arith.constant 52 : i32
    %mul3A_4 = arith.muli %mul3A_2, %mul3A_3 : i32
    "tpu.region"() ({
      %run_scoped3A = tpu.sem_alloc : memref<!tpu.dma_semaphore, #tpu.memory_space<semaphore_mem>>
      %dma_start3A_662 = tpu.memref_slice %arg2[%mul3A_4] : memref<212992xi32, #tpu.memory_space<hbm>> -> memref<6656xi32, #tpu.memory_space<hbm>>
      %dma_start3A_663 = tpu.memref_slice %arg2[%mul3A_4] : memref<212992xi32, #tpu.memory_space<hbm>> -> memref<6656xi32, #tpu.memory_space<hbm>>
      tpu.enqueue_dma source(%dma_start3A_663 : memref<6656xi32, #tpu.memory_space<hbm>>) target(%arg5 : memref<6656xi32, #tpu.memory_space<vmem>>) target_semaphore(%run_scoped3A : memref<!tpu.dma_semaphore, #tpu.memory_space<semaphore_mem>>)
      %dma_wait3A_664 = tpu.memref_slice %arg2[%mul3A_4] : memref<212992xi32, #tpu.memory_space<hbm>> -> memref<6656xi32, #tpu.memory_space<hbm>>
      %dma_wait3A_665 = tpu.memref_slice %arg2[%mul3A_4] : memref<212992xi32, #tpu.memory_space<hbm>> -> memref<6656xi32, #tpu.memory_space<hbm>>
      tpu.wait_dma2 semaphore(%run_scoped3A : memref<!tpu.dma_semaphore, #tpu.memory_space<semaphore_mem>>) src(%dma_wait3A_665 : memref<6656xi32, #tpu.memory_space<hbm>>) dst(%arg5 : memref<6656xi32, #tpu.memory_space<vmem>>)
      tpu.yield
    }) : () -> ()
    %dma_start3A = arith.constant 0 : i32
    %dma_start3A_5 = tpu.memref_slice %arg5[%dma_start3A] : memref<6656xi32, #tpu.memory_space<vmem>> -> memref<104xi32, #tpu.memory_space<vmem>>
    %dma_start3A_6 = arith.constant 0 : i32
    %dma_start3A_7 = arith.constant 0 : i32
    %dma_start3A_8 = tpu.memref_slice %arg3[%dma_start3A_6, %dma_start3A_7] : memref<1000000x64xf32, #tpu.memory_space<hbm>> -> memref<1000000x64xf32, #tpu.memory_space<hbm>>
    tpu.enqueue_indirect_dma source(%dma_start3A_8 : memref<1000000x64xf32, #tpu.memory_space<hbm>>) target(%arg6 : memref<104x64xf32, #tpu.memory_space<vmem>>) offsets(%dma_start3A_5 : memref<104xi32, #tpu.memory_space<vmem>>) semaphore(%arg15 : memref<!tpu.dma_semaphore, #tpu.memory_space<semaphore_mem>>)
    %dma_start3A_9 = arith.constant 104 : i32
    %dma_start3A_10 = tpu.memref_slice %arg5[%dma_start3A_9] : memref<6656xi32, #tpu.memory_space<vmem>> -> memref<104xi32, #tpu.memory_space<vmem>>
    %dma_start3A_11 = arith.constant 0 : i32
    %dma_start3A_12 = arith.constant 0 : i32
    %dma_start3A_13 = tpu.memref_slice %arg3[%dma_start3A_11, %dma_start3A_12] : memref<1000000x64xf32, #tpu.memory_space<hbm>> -> memref<1000000x64xf32, #tpu.memory_space<hbm>>
    tpu.enqueue_indirect_dma source(%dma_start3A_13 : memref<1000000x64xf32, #tpu.memory_space<hbm>>) target(%arg7 : memref<104x64xf32, #tpu.memory_space<vmem>>) offsets(%dma_start3A_10 : memref<104xi32, #tpu.memory_space<vmem>>) semaphore(%arg16 : memref<!tpu.dma_semaphore, #tpu.memory_space<semaphore_mem>>)
    %dma_start3A_14 = arith.constant 208 : i32
    %dma_start3A_15 = tpu.memref_slice %arg5[%dma_start3A_14] : memref<6656xi32, #tpu.memory_space<vmem>> -> memref<104xi32, #tpu.memory_space<vmem>>
    %dma_start3A_16 = arith.constant 0 : i32
    %dma_start3A_17 = arith.constant 0 : i32
    %dma_start3A_18 = tpu.memref_slice %arg3[%dma_start3A_16, %dma_start3A_17] : memref<1000000x64xf32, #tpu.memory_space<hbm>> -> memref<1000000x64xf32, #tpu.memory_space<hbm>>
    tpu.enqueue_indirect_dma source(%dma_start3A_18 : memref<1000000x64xf32, #tpu.memory_space<hbm>>) target(%arg8 : memref<104x64xf32, #tpu.memory_space<vmem>>) offsets(%dma_start3A_15 : memref<104xi32, #tpu.memory_space<vmem>>) semaphore(%arg17 : memref<!tpu.dma_semaphore, #tpu.memory_space<semaphore_mem>>)
    %dma_start3A_19 = arith.constant 312 : i32
    %dma_start3A_20 = tpu.memref_slice %arg5[%dma_start3A_19] : memref<6656xi32, #tpu.memory_space<vmem>> -> memref<104xi32, #tpu.memory_space<vmem>>
    %dma_start3A_21 = arith.constant 0 : i32
    %dma_start3A_22 = arith.constant 0 : i32
    %dma_start3A_23 = tpu.memref_slice %arg3[%dma_start3A_21, %dma_start3A_22] : memref<1000000x64xf32, #tpu.memory_space<hbm>> -> memref<1000000x64xf32, #tpu.memory_space<hbm>>
    tpu.enqueue_indirect_dma source(%dma_start3A_23 : memref<1000000x64xf32, #tpu.memory_space<hbm>>) target(%arg9 : memref<104x64xf32, #tpu.memory_space<vmem>>) offsets(%dma_start3A_20 : memref<104xi32, #tpu.memory_space<vmem>>) semaphore(%arg18 : memref<!tpu.dma_semaphore, #tpu.memory_space<semaphore_mem>>)
    %dma_start3A_24 = arith.constant 416 : i32
    %dma_start3A_25 = tpu.memref_slice %arg5[%dma_start3A_24] : memref<6656xi32, #tpu.memory_space<vmem>> -> memref<104xi32, #tpu.memory_space<vmem>>
    %dma_start3A_26 = arith.constant 0 : i32
    %dma_start3A_27 = arith.constant 0 : i32
    %dma_start3A_28 = tpu.memref_slice %arg3[%dma_start3A_26, %dma_start3A_27] : memref<1000000x64xf32, #tpu.memory_space<hbm>> -> memref<1000000x64xf32, #tpu.memory_space<hbm>>
    tpu.enqueue_indirect_dma source(%dma_start3A_28 : memref<1000000x64xf32, #tpu.memory_space<hbm>>) target(%arg10 : memref<104x64xf32, #tpu.memory_space<vmem>>) offsets(%dma_start3A_25 : memref<104xi32, #tpu.memory_space<vmem>>) semaphore(%arg19 : memref<!tpu.dma_semaphore, #tpu.memory_space<semaphore_mem>>)
    %dma_start3A_29 = arith.constant 520 : i32
    %dma_start3A_30 = tpu.memref_slice %arg5[%dma_start3A_29] : memref<6656xi32, #tpu.memory_space<vmem>> -> memref<104xi32, #tpu.memory_space<vmem>>
    %dma_start3A_31 = arith.constant 0 : i32
    %dma_start3A_32 = arith.constant 0 : i32
    %dma_start3A_33 = tpu.memref_slice %arg3[%dma_start3A_31, %dma_start3A_32] : memref<1000000x64xf32, #tpu.memory_space<hbm>> -> memref<1000000x64xf32, #tpu.memory_space<hbm>>
    tpu.enqueue_indirect_dma source(%dma_start3A_33 : memref<1000000x64xf32, #tpu.memory_space<hbm>>) target(%arg11 : memref<104x64xf32, #tpu.memory_space<vmem>>) offsets(%dma_start3A_30 : memref<104xi32, #tpu.memory_space<vmem>>) semaphore(%arg20 : memref<!tpu.dma_semaphore, #tpu.memory_space<semaphore_mem>>)
    %dma_start3A_34 = arith.constant 624 : i32
    %dma_start3A_35 = tpu.memref_slice %arg5[%dma_start3A_34] : memref<6656xi32, #tpu.memory_space<vmem>> -> memref<104xi32, #tpu.memory_space<vmem>>
    %dma_start3A_36 = arith.constant 0 : i32
    %dma_start3A_37 = arith.constant 0 : i32
    %dma_start3A_38 = tpu.memref_slice %arg3[%dma_start3A_36, %dma_start3A_37] : memref<1000000x64xf32, #tpu.memory_space<hbm>> -> memref<1000000x64xf32, #tpu.memory_space<hbm>>
    tpu.enqueue_indirect_dma source(%dma_start3A_38 : memref<1000000x64xf32, #tpu.memory_space<hbm>>) target(%arg12 : memref<104x64xf32, #tpu.memory_space<vmem>>) offsets(%dma_start3A_35 : memref<104xi32, #tpu.memory_space<vmem>>) semaphore(%arg21 : memref<!tpu.dma_semaphore, #tpu.memory_space<semaphore_mem>>)
    %dma_start3A_39 = arith.constant 728 : i32
    %dma_start3A_40 = tpu.memref_slice %arg5[%dma_start3A_39] : memref<6656xi32, #tpu.memory_space<vmem>> -> memref<104xi32, #tpu.memory_space<vmem>>
    %dma_start3A_41 = arith.constant 0 : i32
    %dma_start3A_42 = arith.constant 0 : i32
    %dma_start3A_43 = tpu.memref_slice %arg3[%dma_start3A_41, %dma_start3A_42] : memref<1000000x64xf32, #tpu.memory_space<hbm>> -> memref<1000000x64xf32, #tpu.memory_space<hbm>>
    tpu.enqueue_indirect_dma source(%dma_start3A_43 : memref<1000000x64xf32, #tpu.memory_space<hbm>>) target(%arg13 : memref<104x64xf32, #tpu.memory_space<vmem>>) offsets(%dma_start3A_40 : memref<104xi32, #tpu.memory_space<vmem>>) semaphore(%arg22 : memref<!tpu.dma_semaphore, #tpu.memory_space<semaphore_mem>>)
    %scan3A = arith.constant 0 : i32
    %scan3A_44 = arith.constant 0 : i32
    %scan3A_45 = arith.constant 7 : i32
    %scan3A_46 = arith.addi %scan3A_44, %scan3A_45 : i32
    %scan3A_47 = arith.constant 1 : i32
    scf.for %scan3A_662 = %scan3A_44 to %scan3A_46 step %scan3A_47  : i32 {
      %mul3A_663 = arith.constant 8 : i32
      %mul3A_664 = arith.muli %scan3A_662, %mul3A_663 : i32
      %add3A_665 = arith.constant 0 : i32
      %add3A_666 = arith.addi %mul3A_664, %add3A_665 : i32
      %mul3A_667 = arith.constant 104 : i32
      %mul3A_668 = arith.muli %add3A_666, %mul3A_667 : i32
      %dma_wait3A_669 = tpu.memref_slice %arg5[%mul3A_668] : memref<6656xi32, #tpu.memory_space<vmem>> -> memref<104xi32, #tpu.memory_space<vmem>>
      %dma_wait3A_670 = arith.constant 0 : i32
      %dma_wait3A_671 = arith.constant 0 : i32
      %dma_wait3A_672 = tpu.memref_slice %arg3[%dma_wait3A_670, %dma_wait3A_671] : memref<1000000x64xf32, #tpu.memory_space<hbm>> -> memref<1000000x64xf32, #tpu.memory_space<hbm>>
      tpu.wait_indirect_dma semaphore(%arg15 : memref<!tpu.dma_semaphore, #tpu.memory_space<semaphore_mem>>) src(%dma_wait3A_672 : memref<1000000x64xf32, #tpu.memory_space<hbm>>) dst(%arg6 : memref<104x64xf32, #tpu.memory_space<vmem>>)
      %broadcast_in_dim3A_673 = arith.constant 0.000000e+00 : f32
      %broadcast_in_dim3A_674 = vector.broadcast %broadcast_in_dim3A_673 : f32 to vector<16xf32>
      %scan3A_675 = arith.constant 0 : i32
      %scan3A_676 = arith.constant 25 : i32
      %scan3A_677 = arith.addi %scan3A_675, %scan3A_676 : i32
      %scan3A_678 = arith.constant 1 : i32
      %scan3A_679:8 = scf.for %scan3A_1369 = %scan3A_675 to %scan3A_677 step %scan3A_678 iter_args(%scan3A_1370 = %broadcast_in_dim3A_674, %scan3A_1371 = %broadcast_in_dim3A_674, %scan3A_1372 = %broadcast_in_dim3A_674, %scan3A_1373 = %broadcast_in_dim3A_674, %scan3A_1374 = %broadcast_in_dim3A_674, %scan3A_1375 = %broadcast_in_dim3A_674, %scan3A_1376 = %broadcast_in_dim3A_674, %scan3A_1377 = %broadcast_in_dim3A_674) -> (vector<16xf32>, vector<16xf32>, vector<16xf32>, vector<16xf32>, vector<16xf32>, vector<16xf32>, vector<16xf32>, vector<16xf32>)  : i32 {
        %mul3A_1378 = arith.constant 2 : i32
        %mul3A_1379 = arith.muli %mul3A_1378, %scan3A_1369 : i32
        %add3A_1380 = arith.constant 0 : i32
        %add3A_1381 = arith.addi %add3A_1380, %mul3A_1379 : i32
        %get3A = arith.index_cast %add3A_1381 : i32 to index
        %get3A_1382 = arith.constant 0 : index
        %get3A_1383 = tpu.vector_load %arg6[%get3A, %get3A_1382] {strides = array<i32>} : memref<104x64xf32, #tpu.memory_space<vmem>>, vector<1x16xf32>,
        %get3A_1384 = vector.shape_cast %get3A_1383 : vector<1x16xf32> to vector<16xf32>
        %add3A_1385 = arith.addf %scan3A_1370, %get3A_1384 : vector<16xf32>
        %get3A_1386 = arith.index_cast %add3A_1381 : i32 to index
        %get3A_1387 = arith.constant 16 : index
        %get3A_1388 = tpu.vector_load %arg6[%get3A_1386, %get3A_1387] {strides = array<i32>} : memref<104x64xf32, #tpu.memory_space<vmem>>, vector<1x16xf32>,
        %get3A_1389 = vector.shape_cast %get3A_1388 : vector<1x16xf32> to vector<16xf32>
        %add3A_1390 = arith.addf %scan3A_1371, %get3A_1389 : vector<16xf32>
        %get3A_1391 = arith.index_cast %add3A_1381 : i32 to index
        %get3A_1392 = arith.constant 32 : index
        %get3A_1393 = tpu.vector_load %arg6[%get3A_1391, %get3A_1392] {strides = array<i32>} : memref<104x64xf32, #tpu.memory_space<vmem>>, vector<1x16xf32>,
        %get3A_1394 = vector.shape_cast %get3A_1393 : vector<1x16xf32> to vector<16xf32>
        %add3A_1395 = arith.addf %scan3A_1372, %get3A_1394 : vector<16xf32>
        %get3A_1396 = arith.index_cast %add3A_1381 : i32 to index
        %get3A_1397 = arith.constant 48 : index
        %get3A_1398 = tpu.vector_load %arg6[%get3A_1396, %get3A_1397] {strides = array<i32>} : memref<104x64xf32, #tpu.memory_space<vmem>>, vector<1x16xf32>,
        %get3A_1399 = vector.shape_cast %get3A_1398 : vector<1x16xf32> to vector<16xf32>
        %add3A_1400 = arith.addf %scan3A_1373, %get3A_1399 : vector<16xf32>
        %add3A_1401 = arith.constant 1 : i32
        %add3A_1402 = arith.addi %add3A_1381, %add3A_1401 : i32
        %get3A_1403 = arith.index_cast %add3A_1402 : i32 to index
        %get3A_1404 = arith.constant 0 : index
        %get3A_1405 = tpu.vector_load %arg6[%get3A_1403, %get3A_1404] {strides = array<i32>} : memref<104x64xf32, #tpu.memory_space<vmem>>, vector<1x16xf32>,
        %get3A_1406 = vector.shape_cast %get3A_1405 : vector<1x16xf32> to vector<16xf32>
        %add3A_1407 = arith.addf %scan3A_1374, %get3A_1406 : vector<16xf32>
        %add3A_1408 = arith.constant 1 : i32
        %add3A_1409 = arith.addi %add3A_1381, %add3A_1408 : i32
        %get3A_1410 = arith.index_cast %add3A_1409 : i32 to index
        %get3A_1411 = arith.constant 16 : index
        %get3A_1412 = tpu.vector_load %arg6[%get3A_1410, %get3A_1411] {strides = array<i32>} : memref<104x64xf32, #tpu.memory_space<vmem>>, vector<1x16xf32>,
        %get3A_1413 = vector.shape_cast %get3A_1412 : vector<1x16xf32> to vector<16xf32>
        %add3A_1414 = arith.addf %scan3A_1375, %get3A_1413 : vector<16xf32>
        %add3A_1415 = arith.constant 1 : i32
        %add3A_1416 = arith.addi %add3A_1381, %add3A_1415 : i32
        %get3A_1417 = arith.index_cast %add3A_1416 : i32 to index
        %get3A_1418 = arith.constant 32 : index
        %get3A_1419 = tpu.vector_load %arg6[%get3A_1417, %get3A_1418] {strides = array<i32>} : memref<104x64xf32, #tpu.memory_space<vmem>>, vector<1x16xf32>,
        %get3A_1420 = vector.shape_cast %get3A_1419 : vector<1x16xf32> to vector<16xf32>
        %add3A_1421 = arith.addf %scan3A_1376, %get3A_1420 : vector<16xf32>
        %add3A_1422 = arith.constant 1 : i32
        %add3A_1423 = arith.addi %add3A_1381, %add3A_1422 : i32
        %get3A_1424 = arith.index_cast %add3A_1423 : i32 to index
        %get3A_1425 = arith.constant 48 : index
        %get3A_1426 = tpu.vector_load %arg6[%get3A_1424, %get3A_1425] {strides = array<i32>} : memref<104x64xf32, #tpu.memory_space<vmem>>, vector<1x16xf32>,
        %get3A_1427 = vector.shape_cast %get3A_1426 : vector<1x16xf32> to vector<16xf32>
        %add3A_1428 = arith.addf %scan3A_1377, %get3A_1427 : vector<16xf32>
        scf.yield %add3A_1385, %add3A_1390, %add3A_1395, %add3A_1400, %add3A_1407, %add3A_1414, %add3A_1421, %add3A_1428 : vector<16xf32>, vector<16xf32>, vector<16xf32>, vector<16xf32>, vector<16xf32>, vector<16xf32>, vector<16xf32>, vector<16xf32>
      }
      %scan3A_680 = arith.constant 25 : i32
      %mul3A_681 = arith.constant 2 : i32
      %mul3A_682 = arith.muli %add3A_666, %mul3A_681 : i32
      %add3A_683 = arith.constant 0 : i32
      %add3A_684 = arith.addi %mul3A_682, %add3A_683 : i32
      %add3A_685 = arith.addf %scan3A_679#0, %scan3A_679#4 : vector<16xf32>
      %swap3A_686 = arith.index_cast %add3A_684 : i32 to index
      %swap3A_687 = arith.constant 0 : index
      %swap3A_688 = tpu.vector_load %arg14[%swap3A_686, %swap3A_687] {strides = array<i32>} : memref<128x64xf32, #tpu.memory_space<vmem>>, vector<1x16xf32>,
      %swap3A_689 = vector.shape_cast %swap3A_688 : vector<1x16xf32> to vector<16xf32>
      %swap3A_690 = vector.shape_cast %add3A_685 : vector<16xf32> to vector<1x16xf32>
      tpu.vector_store %arg14[%swap3A_686, %swap3A_687], %swap3A_690 {strides = array<i32>} : memref<128x64xf32, #tpu.memory_space<vmem>>, vector<1x16xf32>,
      %add3A_691 = arith.addf %scan3A_679#1, %scan3A_679#5 : vector<16xf32>
      %swap3A_692 = arith.index_cast %add3A_684 : i32 to index
      %swap3A_693 = arith.constant 16 : index
      %swap3A_694 = tpu.vector_load %arg14[%swap3A_692, %swap3A_693] {strides = array<i32>} : memref<128x64xf32, #tpu.memory_space<vmem>>, vector<1x16xf32>,
      %swap3A_695 = vector.shape_cast %swap3A_694 : vector<1x16xf32> to vector<16xf32>
      %swap3A_696 = vector.shape_cast %add3A_691 : vector<16xf32> to vector<1x16xf32>
      tpu.vector_store %arg14[%swap3A_692, %swap3A_693], %swap3A_696 {strides = array<i32>} : memref<128x64xf32, #tpu.memory_space<vmem>>, vector<1x16xf32>,
      %add3A_697 = arith.addf %scan3A_679#2, %scan3A_679#6 : vector<16xf32>
      %swap3A_698 = arith.index_cast %add3A_684 : i32 to index
      %swap3A_699 = arith.constant 32 : index
      %swap3A_700 = tpu.vector_load %arg14[%swap3A_698, %swap3A_699] {strides = array<i32>} : memref<128x64xf32, #tpu.memory_space<vmem>>, vector<1x16xf32>,
      %swap3A_701 = vector.shape_cast %swap3A_700 : vector<1x16xf32> to vector<16xf32>
      %swap3A_702 = vector.shape_cast %add3A_697 : vector<16xf32> to vector<1x16xf32>
      tpu.vector_store %arg14[%swap3A_698, %swap3A_699], %swap3A_702 {strides = array<i32>} : memref<128x64xf32, #tpu.memory_space<vmem>>, vector<1x16xf32>,
      %add3A_703 = arith.addf %scan3A_679#3, %scan3A_679#7 : vector<16xf32>
      %swap3A_704 = arith.index_cast %add3A_684 : i32 to index
      %swap3A_705 = arith.constant 48 : index
      %swap3A_706 = tpu.vector_load %arg14[%swap3A_704, %swap3A_705] {strides = array<i32>} : memref<128x64xf32, #tpu.memory_space<vmem>>, vector<1x16xf32>,
      %swap3A_707 = vector.shape_cast %swap3A_706 : vector<1x16xf32> to vector<16xf32>
      %swap3A_708 = vector.shape_cast %add3A_703 : vector<16xf32> to vector<1x16xf32>
      tpu.vector_store %arg14[%swap3A_704, %swap3A_705], %swap3A_708 {strides = array<i32>} : memref<128x64xf32, #tpu.memory_space<vmem>>, vector<1x16xf32>,
      %broadcast_in_dim3A_709 = arith.constant 0.000000e+00 : f32
      %broadcast_in_dim3A_710 = vector.broadcast %broadcast_in_dim3A_709 : f32 to vector<16xf32>
      %scan3A_711 = arith.constant 0 : i32
      %scan3A_712 = arith.constant 25 : i32
      %scan3A_713 = arith.addi %scan3A_711, %scan3A_712 : i32
      %scan3A_714 = arith.constant 1 : i32
      %scan3A_715:8 = scf.for %scan3A_1369 = %scan3A_711 to %scan3A_713 step %scan3A_714 iter_args(%scan3A_1370 = %broadcast_in_dim3A_710, %scan3A_1371 = %broadcast_in_dim3A_710, %scan3A_1372 = %broadcast_in_dim3A_710, %scan3A_1373 = %broadcast_in_dim3A_710, %scan3A_1374 = %broadcast_in_dim3A_710, %scan3A_1375 = %broadcast_in_dim3A_710, %scan3A_1376 = %broadcast_in_dim3A_710, %scan3A_1377 = %broadcast_in_dim3A_710) -> (vector<16xf32>, vector<16xf32>, vector<16xf32>, vector<16xf32>, vector<16xf32>, vector<16xf32>, vector<16xf32>, vector<16xf32>)  : i32 {
        %mul3A_1378 = arith.constant 2 : i32
        %mul3A_1379 = arith.muli %mul3A_1378, %scan3A_1369 : i32
        %add3A_1380 = arith.constant 52 : i32
        %add3A_1381 = arith.addi %add3A_1380, %mul3A_1379 : i32
        %get3A = arith.index_cast %add3A_1381 : i32 to index
        %get3A_1382 = arith.constant 0 : index
        %get3A_1383 = tpu.vector_load %arg6[%get3A, %get3A_1382] {strides = array<i32>} : memref<104x64xf32, #tpu.memory_space<vmem>>, vector<1x16xf32>,
        %get3A_1384 = vector.shape_cast %get3A_1383 : vector<1x16xf32> to vector<16xf32>
        %add3A_1385 = arith.addf %scan3A_1370, %get3A_1384 : vector<16xf32>
        %get3A_1386 = arith.index_cast %add3A_1381 : i32 to index
        %get3A_1387 = arith.constant 16 : index
        %get3A_1388 = tpu.vector_load %arg6[%get3A_1386, %get3A_1387] {strides = array<i32>} : memref<104x64xf32, #tpu.memory_space<vmem>>, vector<1x16xf32>,
        %get3A_1389 = vector.shape_cast %get3A_1388 : vector<1x16xf32> to vector<16xf32>
        %add3A_1390 = arith.addf %scan3A_1371, %get3A_1389 : vector<16xf32>
        %get3A_1391 = arith.index_cast %add3A_1381 : i32 to index
        %get3A_1392 = arith.constant 32 : index
        %get3A_1393 = tpu.vector_load %arg6[%get3A_1391, %get3A_1392] {strides = array<i32>} : memref<104x64xf32, #tpu.memory_space<vmem>>, vector<1x16xf32>,
        %get3A_1394 = vector.shape_cast %get3A_1393 : vector<1x16xf32> to vector<16xf32>
        %add3A_1395 = arith.addf %scan3A_1372, %get3A_1394 : vector<16xf32>
        %get3A_1396 = arith.index_cast %add3A_1381 : i32 to index
        %get3A_1397 = arith.constant 48 : index
        %get3A_1398 = tpu.vector_load %arg6[%get3A_1396, %get3A_1397] {strides = array<i32>} : memref<104x64xf32, #tpu.memory_space<vmem>>, vector<1x16xf32>,
        %get3A_1399 = vector.shape_cast %get3A_1398 : vector<1x16xf32> to vector<16xf32>
        %add3A_1400 = arith.addf %scan3A_1373, %get3A_1399 : vector<16xf32>
        %add3A_1401 = arith.constant 1 : i32
        %add3A_1402 = arith.addi %add3A_1381, %add3A_1401 : i32
        %get3A_1403 = arith.index_cast %add3A_1402 : i32 to index
        %get3A_1404 = arith.constant 0 : index
        %get3A_1405 = tpu.vector_load %arg6[%get3A_1403, %get3A_1404] {strides = array<i32>} : memref<104x64xf32, #tpu.memory_space<vmem>>, vector<1x16xf32>,
        %get3A_1406 = vector.shape_cast %get3A_1405 : vector<1x16xf32> to vector<16xf32>
        %add3A_1407 = arith.addf %scan3A_1374, %get3A_1406 : vector<16xf32>
        %add3A_1408 = arith.constant 1 : i32
        %add3A_1409 = arith.addi %add3A_1381, %add3A_1408 : i32
        %get3A_1410 = arith.index_cast %add3A_1409 : i32 to index
        %get3A_1411 = arith.constant 16 : index
        %get3A_1412 = tpu.vector_load %arg6[%get3A_1410, %get3A_1411] {strides = array<i32>} : memref<104x64xf32, #tpu.memory_space<vmem>>, vector<1x16xf32>,
        %get3A_1413 = vector.shape_cast %get3A_1412 : vector<1x16xf32> to vector<16xf32>
        %add3A_1414 = arith.addf %scan3A_1375, %get3A_1413 : vector<16xf32>
        %add3A_1415 = arith.constant 1 : i32
        %add3A_1416 = arith.addi %add3A_1381, %add3A_1415 : i32
        %get3A_1417 = arith.index_cast %add3A_1416 : i32 to index
        %get3A_1418 = arith.constant 32 : index
        %get3A_1419 = tpu.vector_load %arg6[%get3A_1417, %get3A_1418] {strides = array<i32>} : memref<104x64xf32, #tpu.memory_space<vmem>>, vector<1x16xf32>,
        %get3A_1420 = vector.shape_cast %get3A_1419 : vector<1x16xf32> to vector<16xf32>
        %add3A_1421 = arith.addf %scan3A_1376, %get3A_1420 : vector<16xf32>
        %add3A_1422 = arith.constant 1 : i32
        %add3A_1423 = arith.addi %add3A_1381, %add3A_1422 : i32
        %get3A_1424 = arith.index_cast %add3A_1423 : i32 to index
        %get3A_1425 = arith.constant 48 : index
        %get3A_1426 = tpu.vector_load %arg6[%get3A_1424, %get3A_1425] {strides = array<i32>} : memref<104x64xf32, #tpu.memory_space<vmem>>, vector<1x16xf32>,
        %get3A_1427 = vector.shape_cast %get3A_1426 : vector<1x16xf32> to vector<16xf32>
        %add3A_1428 = arith.addf %scan3A_1377, %get3A_1427 : vector<16xf32>
        scf.yield %add3A_1385, %add3A_1390, %add3A_1395, %add3A_1400, %add3A_1407, %add3A_1414, %add3A_1421, %add3A_1428 : vector<16xf32>, vector<16xf32>, vector<16xf32>, vector<16xf32>, vector<16xf32>, vector<16xf32>, vector<16xf32>, vector<16xf32>
      }
      %scan3A_716 = arith.constant 25 : i32
      %mul3A_717 = arith.constant 2 : i32
      %mul3A_718 = arith.muli %add3A_666, %mul3A_717 : i32
      %add3A_719 = arith.constant 1 : i32
      %add3A_720 = arith.addi %mul3A_718, %add3A_719 : i32
      %add3A_721 = arith.addf %scan3A_715#0, %scan3A_715#4 : vector<16xf32>
      %swap3A_722 = arith.index_cast %add3A_720 : i32 to index
      %swap3A_723 = arith.constant 0 : index
      %swap3A_724 = tpu.vector_load %arg14[%swap3A_722, %swap3A_723] {strides = array<i32>} : memref<128x64xf32, #tpu.memory_space<vmem>>, vector<1x16xf32>,
      %swap3A_725 = vector.shape_cast %swap3A_724 : vector<1x16xf32> to vector<16xf32>
      %swap3A_726 = vector.shape_cast %add3A_721 : vector<16xf32> to vector<1x16xf32>
      tpu.vector_store %arg14[%swap3A_722, %swap3A_723], %swap3A_726 {strides = array<i32>} : memref<128x64xf32, #tpu.memory_space<vmem>>, vector<1x16xf32>,
      %add3A_727 = arith.addf %scan3A_715#1, %scan3A_715#5 : vector<16xf32>
      %swap3A_728 = arith.index_cast %add3A_720 : i32 to index
      %swap3A_729 = arith.constant 16 : index
      %swap3A_730 = tpu.vector_load %arg14[%swap3A_728, %swap3A_729] {strides = array<i32>} : memref<128x64xf32, #tpu.memory_space<vmem>>, vector<1x16xf32>,
      %swap3A_731 = vector.shape_cast %swap3A_730 : vector<1x16xf32> to vector<16xf32>
      %swap3A_732 = vector.shape_cast %add3A_727 : vector<16xf32> to vector<1x16xf32>
      tpu.vector_store %arg14[%swap3A_728, %swap3A_729], %swap3A_732 {strides = array<i32>} : memref<128x64xf32, #tpu.memory_space<vmem>>, vector<1x16xf32>,
      %add3A_733 = arith.addf %scan3A_715#2, %scan3A_715#6 : vector<16xf32>
      %swap3A_734 = arith.index_cast %add3A_720 : i32 to index
      %swap3A_735 = arith.constant 32 : index
      %swap3A_736 = tpu.vector_load %arg14[%swap3A_734, %swap3A_735] {strides = array<i32>} : memref<128x64xf32, #tpu.memory_space<vmem>>, vector<1x16xf32>,
      %swap3A_737 = vector.shape_cast %swap3A_736 : vector<1x16xf32> to vector<16xf32>
      %swap3A_738 = vector.shape_cast %add3A_733 : vector<16xf32> to vector<1x16xf32>
      tpu.vector_store %arg14[%swap3A_734, %swap3A_735], %swap3A_738 {strides = array<i32>} : memref<128x64xf32, #tpu.memory_space<vmem>>, vector<1x16xf32>,
      %add3A_739 = arith.addf %scan3A_715#3, %scan3A_715#7 : vector<16xf32>
      %swap3A_740 = arith.index_cast %add3A_720 : i32 to index
      %swap3A_741 = arith.constant 48 : index
      %swap3A_742 = tpu.vector_load %arg14[%swap3A_740, %swap3A_741] {strides = array<i32>} : memref<128x64xf32, #tpu.memory_space<vmem>>, vector<1x16xf32>,
      %swap3A_743 = vector.shape_cast %swap3A_742 : vector<1x16xf32> to vector<16xf32>
      %swap3A_744 = vector.shape_cast %add3A_739 : vector<16xf32> to vector<1x16xf32>
      tpu.vector_store %arg14[%swap3A_740, %swap3A_741], %swap3A_744 {strides = array<i32>} : memref<128x64xf32, #tpu.memory_space<vmem>>, vector<1x16xf32>,
      %add3A_745 = arith.constant 8 : i32
      %add3A_746 = arith.addi %add3A_666, %add3A_745 : i32
      %mul3A_747 = arith.constant 104 : i32
      %mul3A_748 = arith.muli %add3A_746, %mul3A_747 : i32
      %dma_start3A_749 = tpu.memref_slice %arg5[%mul3A_748] : memref<6656xi32, #tpu.memory_space<vmem>> -> memref<104xi32, #tpu.memory_space<vmem>>
      %dma_start3A_750 = arith.constant 0 : i32
      %dma_start3A_751 = arith.constant 0 : i32
      %dma_start3A_752 = tpu.memref_slice %arg3[%dma_start3A_750, %dma_start3A_751] : memref<1000000x64xf32, #tpu.memory_space<hbm>> -> memref<1000000x64xf32, #tpu.memory_space<hbm>>
      tpu.enqueue_indirect_dma source(%dma_start3A_752 : memref<1000000x64xf32, #tpu.memory_space<hbm>>) target(%arg6 : memref<104x64xf32, #tpu.memory_space<vmem>>) offsets(%dma_start3A_749 : memref<104xi32, #tpu.memory_space<vmem>>) semaphore(%arg15 : memref<!tpu.dma_semaphore, #tpu.memory_space<semaphore_mem>>)
      %add3A_753 = arith.constant 1 : i32
      %add3A_754 = arith.addi %mul3A_664, %add3A_753 : i32
      %mul3A_755 = arith.constant 104 : i32
      %mul3A_756 = arith.muli %add3A_754, %mul3A_755 : i32
      %dma_wait3A_757 = tpu.memref_slice %arg5[%mul3A_756] : memref<6656xi32, #tpu.memory_space<vmem>> -> memref<104xi32, #tpu.memory_space<vmem>>
      %dma_wait3A_758 = arith.constant 0 : i32
      %dma_wait3A_759 = arith.constant 0 : i32
      %dma_wait3A_760 = tpu.memref_slice %arg3[%dma_wait3A_758, %dma_wait3A_759] : memref<1000000x64xf32, #tpu.memory_space<hbm>> -> memref<1000000x64xf32, #tpu.memory_space<hbm>>
      tpu.wait_indirect_dma semaphore(%arg16 : memref<!tpu.dma_semaphore, #tpu.memory_space<semaphore_mem>>) src(%dma_wait3A_760 : memref<1000000x64xf32, #tpu.memory_space<hbm>>) dst(%arg7 : memref<104x64xf32, #tpu.memory_space<vmem>>)
      %broadcast_in_dim3A_761 = arith.constant 0.000000e+00 : f32
      %broadcast_in_dim3A_762 = vector.broadcast %broadcast_in_dim3A_761 : f32 to vector<16xf32>
      %scan3A_763 = arith.constant 0 : i32
      %scan3A_764 = arith.constant 25 : i32
      %scan3A_765 = arith.addi %scan3A_763, %scan3A_764 : i32
      %scan3A_766 = arith.constant 1 : i32
      %scan3A_767:8 = scf.for %scan3A_1369 = %scan3A_763 to %scan3A_765 step %scan3A_766 iter_args(%scan3A_1370 = %broadcast_in_dim3A_762, %scan3A_1371 = %broadcast_in_dim3A_762, %scan3A_1372 = %broadcast_in_dim3A_762, %scan3A_1373 = %broadcast_in_dim3A_762, %scan3A_1374 = %broadcast_in_dim3A_762, %scan3A_1375 = %broadcast_in_dim3A_762, %scan3A_1376 = %broadcast_in_dim3A_762, %scan3A_1377 = %broadcast_in_dim3A_762) -> (vector<16xf32>, vector<16xf32>, vector<16xf32>, vector<16xf32>, vector<16xf32>, vector<16xf32>, vector<16xf32>, vector<16xf32>)  : i32 {
        %mul3A_1378 = arith.constant 2 : i32
        %mul3A_1379 = arith.muli %mul3A_1378, %scan3A_1369 : i32
        %add3A_1380 = arith.constant 0 : i32
        %add3A_1381 = arith.addi %add3A_1380, %mul3A_1379 : i32
        %get3A = arith.index_cast %add3A_1381 : i32 to index
        %get3A_1382 = arith.constant 0 : index
        %get3A_1383 = tpu.vector_load %arg7[%get3A, %get3A_1382] {strides = array<i32>} : memref<104x64xf32, #tpu.memory_space<vmem>>, vector<1x16xf32>,
        %get3A_1384 = vector.shape_cast %get3A_1383 : vector<1x16xf32> to vector<16xf32>
        %add3A_1385 = arith.addf %scan3A_1370, %get3A_1384 : vector<16xf32>
        %get3A_1386 = arith.index_cast %add3A_1381 : i32 to index
        %get3A_1387 = arith.constant 16 : index
        %get3A_1388 = tpu.vector_load %arg7[%get3A_1386, %get3A_1387] {strides = array<i32>} : memref<104x64xf32, #tpu.memory_space<vmem>>, vector<1x16xf32>,
        %get3A_1389 = vector.shape_cast %get3A_1388 : vector<1x16xf32> to vector<16xf32>
        %add3A_1390 = arith.addf %scan3A_1371, %get3A_1389 : vector<16xf32>
        %get3A_1391 = arith.index_cast %add3A_1381 : i32 to index
        %get3A_1392 = arith.constant 32 : index
        %get3A_1393 = tpu.vector_load %arg7[%get3A_1391, %get3A_1392] {strides = array<i32>} : memref<104x64xf32, #tpu.memory_space<vmem>>, vector<1x16xf32>,
        %get3A_1394 = vector.shape_cast %get3A_1393 : vector<1x16xf32> to vector<16xf32>
        %add3A_1395 = arith.addf %scan3A_1372, %get3A_1394 : vector<16xf32>
        %get3A_1396 = arith.index_cast %add3A_1381 : i32 to index
        %get3A_1397 = arith.constant 48 : index
        %get3A_1398 = tpu.vector_load %arg7[%get3A_1396, %get3A_1397] {strides = array<i32>} : memref<104x64xf32, #tpu.memory_space<vmem>>, vector<1x16xf32>,
        %get3A_1399 = vector.shape_cast %get3A_1398 : vector<1x16xf32> to vector<16xf32>
        %add3A_1400 = arith.addf %scan3A_1373, %get3A_1399 : vector<16xf32>
        %add3A_1401 = arith.constant 1 : i32
        %add3A_1402 = arith.addi %add3A_1381, %add3A_1401 : i32
        %get3A_1403 = arith.index_cast %add3A_1402 : i32 to index
        %get3A_1404 = arith.constant 0 : index
        %get3A_1405 = tpu.vector_load %arg7[%get3A_1403, %get3A_1404] {strides = array<i32>} : memref<104x64xf32, #tpu.memory_space<vmem>>, vector<1x16xf32>,
        %get3A_1406 = vector.shape_cast %get3A_1405 : vector<1x16xf32> to vector<16xf32>
        %add3A_1407 = arith.addf %scan3A_1374, %get3A_1406 : vector<16xf32>
        %add3A_1408 = arith.constant 1 : i32
        %add3A_1409 = arith.addi %add3A_1381, %add3A_1408 : i32
        %get3A_1410 = arith.index_cast %add3A_1409 : i32 to index
        %get3A_1411 = arith.constant 16 : index
        %get3A_1412 = tpu.vector_load %arg7[%get3A_1410, %get3A_1411] {strides = array<i32>} : memref<104x64xf32, #tpu.memory_space<vmem>>, vector<1x16xf32>,
        %get3A_1413 = vector.shape_cast %get3A_1412 : vector<1x16xf32> to vector<16xf32>
        %add3A_1414 = arith.addf %scan3A_1375, %get3A_1413 : vector<16xf32>
        %add3A_1415 = arith.constant 1 : i32
        %add3A_1416 = arith.addi %add3A_1381, %add3A_1415 : i32
        %get3A_1417 = arith.index_cast %add3A_1416 : i32 to index
        %get3A_1418 = arith.constant 32 : index
        %get3A_1419 = tpu.vector_load %arg7[%get3A_1417, %get3A_1418] {strides = array<i32>} : memref<104x64xf32, #tpu.memory_space<vmem>>, vector<1x16xf32>,
        %get3A_1420 = vector.shape_cast %get3A_1419 : vector<1x16xf32> to vector<16xf32>
        %add3A_1421 = arith.addf %scan3A_1376, %get3A_1420 : vector<16xf32>
        %add3A_1422 = arith.constant 1 : i32
        %add3A_1423 = arith.addi %add3A_1381, %add3A_1422 : i32
        %get3A_1424 = arith.index_cast %add3A_1423 : i32 to index
        %get3A_1425 = arith.constant 48 : index
        %get3A_1426 = tpu.vector_load %arg7[%get3A_1424, %get3A_1425] {strides = array<i32>} : memref<104x64xf32, #tpu.memory_space<vmem>>, vector<1x16xf32>,
        %get3A_1427 = vector.shape_cast %get3A_1426 : vector<1x16xf32> to vector<16xf32>
        %add3A_1428 = arith.addf %scan3A_1377, %get3A_1427 : vector<16xf32>
        scf.yield %add3A_1385, %add3A_1390, %add3A_1395, %add3A_1400, %add3A_1407, %add3A_1414, %add3A_1421, %add3A_1428 : vector<16xf32>, vector<16xf32>, vector<16xf32>, vector<16xf32>, vector<16xf32>, vector<16xf32>, vector<16xf32>, vector<16xf32>
      }
      %scan3A_768 = arith.constant 25 : i32
      %mul3A_769 = arith.constant 2 : i32
      %mul3A_770 = arith.muli %add3A_754, %mul3A_769 : i32
      %add3A_771 = arith.constant 0 : i32
      %add3A_772 = arith.addi %mul3A_770, %add3A_771 : i32
      %add3A_773 = arith.addf %scan3A_767#0, %scan3A_767#4 : vector<16xf32>
      %swap3A_774 = arith.index_cast %add3A_772 : i32 to index
      %swap3A_775 = arith.constant 0 : index
      %swap3A_776 = tpu.vector_load %arg14[%swap3A_774, %swap3A_775] {strides = array<i32>} : memref<128x64xf32, #tpu.memory_space<vmem>>, vector<1x16xf32>,
      %swap3A_777 = vector.shape_cast %swap3A_776 : vector<1x16xf32> to vector<16xf32>
      %swap3A_778 = vector.shape_cast %add3A_773 : vector<16xf32> to vector<1x16xf32>
      tpu.vector_store %arg14[%swap3A_774, %swap3A_775], %swap3A_778 {strides = array<i32>} : memref<128x64xf32, #tpu.memory_space<vmem>>, vector<1x16xf32>,
      %add3A_779 = arith.addf %scan3A_767#1, %scan3A_767#5 : vector<16xf32>
      %swap3A_780 = arith.index_cast %add3A_772 : i32 to index
      %swap3A_781 = arith.constant 16 : index
      %swap3A_782 = tpu.vector_load %arg14[%swap3A_780, %swap3A_781] {strides = array<i32>} : memref<128x64xf32, #tpu.memory_space<vmem>>, vector<1x16xf32>,
      %swap3A_783 = vector.shape_cast %swap3A_782 : vector<1x16xf32> to vector<16xf32>
      %swap3A_784 = vector.shape_cast %add3A_779 : vector<16xf32> to vector<1x16xf32>
      tpu.vector_store %arg14[%swap3A_780, %swap3A_781], %swap3A_784 {strides = array<i32>} : memref<128x64xf32, #tpu.memory_space<vmem>>, vector<1x16xf32>,
      %add3A_785 = arith.addf %scan3A_767#2, %scan3A_767#6 : vector<16xf32>
      %swap3A_786 = arith.index_cast %add3A_772 : i32 to index
      %swap3A_787 = arith.constant 32 : index
      %swap3A_788 = tpu.vector_load %arg14[%swap3A_786, %swap3A_787] {strides = array<i32>} : memref<128x64xf32, #tpu.memory_space<vmem>>, vector<1x16xf32>,
      %swap3A_789 = vector.shape_cast %swap3A_788 : vector<1x16xf32> to vector<16xf32>
      %swap3A_790 = vector.shape_cast %add3A_785 : vector<16xf32> to vector<1x16xf32>
      tpu.vector_store %arg14[%swap3A_786, %swap3A_787], %swap3A_790 {strides = array<i32>} : memref<128x64xf32, #tpu.memory_space<vmem>>, vector<1x16xf32>,
      %add3A_791 = arith.addf %scan3A_767#3, %scan3A_767#7 : vector<16xf32>
      %swap3A_792 = arith.index_cast %add3A_772 : i32 to index
      %swap3A_793 = arith.constant 48 : index
      %swap3A_794 = tpu.vector_load %arg14[%swap3A_792, %swap3A_793] {strides = array<i32>} : memref<128x64xf32, #tpu.memory_space<vmem>>, vector<1x16xf32>,
      %swap3A_795 = vector.shape_cast %swap3A_794 : vector<1x16xf32> to vector<16xf32>
      %swap3A_796 = vector.shape_cast %add3A_791 : vector<16xf32> to vector<1x16xf32>
      tpu.vector_store %arg14[%swap3A_792, %swap3A_793], %swap3A_796 {strides = array<i32>} : memref<128x64xf32, #tpu.memory_space<vmem>>, vector<1x16xf32>,
      %broadcast_in_dim3A_797 = arith.constant 0.000000e+00 : f32
      %broadcast_in_dim3A_798 = vector.broadcast %broadcast_in_dim3A_797 : f32 to vector<16xf32>
      %scan3A_799 = arith.constant 0 : i32
      %scan3A_800 = arith.constant 25 : i32
      %scan3A_801 = arith.addi %scan3A_799, %scan3A_800 : i32
      %scan3A_802 = arith.constant 1 : i32
      %scan3A_803:8 = scf.for %scan3A_1369 = %scan3A_799 to %scan3A_801 step %scan3A_802 iter_args(%scan3A_1370 = %broadcast_in_dim3A_798, %scan3A_1371 = %broadcast_in_dim3A_798, %scan3A_1372 = %broadcast_in_dim3A_798, %scan3A_1373 = %broadcast_in_dim3A_798, %scan3A_1374 = %broadcast_in_dim3A_798, %scan3A_1375 = %broadcast_in_dim3A_798, %scan3A_1376 = %broadcast_in_dim3A_798, %scan3A_1377 = %broadcast_in_dim3A_798) -> (vector<16xf32>, vector<16xf32>, vector<16xf32>, vector<16xf32>, vector<16xf32>, vector<16xf32>, vector<16xf32>, vector<16xf32>)  : i32 {
        %mul3A_1378 = arith.constant 2 : i32
        %mul3A_1379 = arith.muli %mul3A_1378, %scan3A_1369 : i32
        %add3A_1380 = arith.constant 52 : i32
        %add3A_1381 = arith.addi %add3A_1380, %mul3A_1379 : i32
        %get3A = arith.index_cast %add3A_1381 : i32 to index
        %get3A_1382 = arith.constant 0 : index
        %get3A_1383 = tpu.vector_load %arg7[%get3A, %get3A_1382] {strides = array<i32>} : memref<104x64xf32, #tpu.memory_space<vmem>>, vector<1x16xf32>,
        %get3A_1384 = vector.shape_cast %get3A_1383 : vector<1x16xf32> to vector<16xf32>
        %add3A_1385 = arith.addf %scan3A_1370, %get3A_1384 : vector<16xf32>
        %get3A_1386 = arith.index_cast %add3A_1381 : i32 to index
        %get3A_1387 = arith.constant 16 : index
        %get3A_1388 = tpu.vector_load %arg7[%get3A_1386, %get3A_1387] {strides = array<i32>} : memref<104x64xf32, #tpu.memory_space<vmem>>, vector<1x16xf32>,
        %get3A_1389 = vector.shape_cast %get3A_1388 : vector<1x16xf32> to vector<16xf32>
        %add3A_1390 = arith.addf %scan3A_1371, %get3A_1389 : vector<16xf32>
        %get3A_1391 = arith.index_cast %add3A_1381 : i32 to index
        %get3A_1392 = arith.constant 32 : index
        %get3A_1393 = tpu.vector_load %arg7[%get3A_1391, %get3A_1392] {strides = array<i32>} : memref<104x64xf32, #tpu.memory_space<vmem>>, vector<1x16xf32>,
        %get3A_1394 = vector.shape_cast %get3A_1393 : vector<1x16xf32> to vector<16xf32>
        %add3A_1395 = arith.addf %scan3A_1372, %get3A_1394 : vector<16xf32>
        %get3A_1396 = arith.index_cast %add3A_1381 : i32 to index
        %get3A_1397 = arith.constant 48 : index
        %get3A_1398 = tpu.vector_load %arg7[%get3A_1396, %get3A_1397] {strides = array<i32>} : memref<104x64xf32, #tpu.memory_space<vmem>>, vector<1x16xf32>,
        %get3A_1399 = vector.shape_cast %get3A_1398 : vector<1x16xf32> to vector<16xf32>
        %add3A_1400 = arith.addf %scan3A_1373, %get3A_1399 : vector<16xf32>
        %add3A_1401 = arith.constant 1 : i32
        %add3A_1402 = arith.addi %add3A_1381, %add3A_1401 : i32
        %get3A_1403 = arith.index_cast %add3A_1402 : i32 to index
        %get3A_1404 = arith.constant 0 : index
        %get3A_1405 = tpu.vector_load %arg7[%get3A_1403, %get3A_1404] {strides = array<i32>} : memref<104x64xf32, #tpu.memory_space<vmem>>, vector<1x16xf32>,
        %get3A_1406 = vector.shape_cast %get3A_1405 : vector<1x16xf32> to vector<16xf32>
        %add3A_1407 = arith.addf %scan3A_1374, %get3A_1406 : vector<16xf32>
        %add3A_1408 = arith.constant 1 : i32
        %add3A_1409 = arith.addi %add3A_1381, %add3A_1408 : i32
        %get3A_1410 = arith.index_cast %add3A_1409 : i32 to index
        %get3A_1411 = arith.constant 16 : index
        %get3A_1412 = tpu.vector_load %arg7[%get3A_1410, %get3A_1411] {strides = array<i32>} : memref<104x64xf32, #tpu.memory_space<vmem>>, vector<1x16xf32>,
        %get3A_1413 = vector.shape_cast %get3A_1412 : vector<1x16xf32> to vector<16xf32>
        %add3A_1414 = arith.addf %scan3A_1375, %get3A_1413 : vector<16xf32>
        %add3A_1415 = arith.constant 1 : i32
        %add3A_1416 = arith.addi %add3A_1381, %add3A_1415 : i32
        %get3A_1417 = arith.index_cast %add3A_1416 : i32 to index
        %get3A_1418 = arith.constant 32 : index
        %get3A_1419 = tpu.vector_load %arg7[%get3A_1417, %get3A_1418] {strides = array<i32>} : memref<104x64xf32, #tpu.memory_space<vmem>>, vector<1x16xf32>,
        %get3A_1420 = vector.shape_cast %get3A_1419 : vector<1x16xf32> to vector<16xf32>
        %add3A_1421 = arith.addf %scan3A_1376, %get3A_1420 : vector<16xf32>
        %add3A_1422 = arith.constant 1 : i32
        %add3A_1423 = arith.addi %add3A_1381, %add3A_1422 : i32
        %get3A_1424 = arith.index_cast %add3A_1423 : i32 to index
        %get3A_1425 = arith.constant 48 : index
        %get3A_1426 = tpu.vector_load %arg7[%get3A_1424, %get3A_1425] {strides = array<i32>} : memref<104x64xf32, #tpu.memory_space<vmem>>, vector<1x16xf32>,
        %get3A_1427 = vector.shape_cast %get3A_1426 : vector<1x16xf32> to vector<16xf32>
        %add3A_1428 = arith.addf %scan3A_1377, %get3A_1427 : vector<16xf32>
        scf.yield %add3A_1385, %add3A_1390, %add3A_1395, %add3A_1400, %add3A_1407, %add3A_1414, %add3A_1421, %add3A_1428 : vector<16xf32>, vector<16xf32>, vector<16xf32>, vector<16xf32>, vector<16xf32>, vector<16xf32>, vector<16xf32>, vector<16xf32>
      }
      %scan3A_804 = arith.constant 25 : i32
      %mul3A_805 = arith.constant 2 : i32
      %mul3A_806 = arith.muli %add3A_754, %mul3A_805 : i32
      %add3A_807 = arith.constant 1 : i32
      %add3A_808 = arith.addi %mul3A_806, %add3A_807 : i32
      %add3A_809 = arith.addf %scan3A_803#0, %scan3A_803#4 : vector<16xf32>
      %swap3A_810 = arith.index_cast %add3A_808 : i32 to index
      %swap3A_811 = arith.constant 0 : index
      %swap3A_812 = tpu.vector_load %arg14[%swap3A_810, %swap3A_811] {strides = array<i32>} : memref<128x64xf32, #tpu.memory_space<vmem>>, vector<1x16xf32>,
      %swap3A_813 = vector.shape_cast %swap3A_812 : vector<1x16xf32> to vector<16xf32>
      %swap3A_814 = vector.shape_cast %add3A_809 : vector<16xf32> to vector<1x16xf32>
      tpu.vector_store %arg14[%swap3A_810, %swap3A_811], %swap3A_814 {strides = array<i32>} : memref<128x64xf32, #tpu.memory_space<vmem>>, vector<1x16xf32>,
      %add3A_815 = arith.addf %scan3A_803#1, %scan3A_803#5 : vector<16xf32>
      %swap3A_816 = arith.index_cast %add3A_808 : i32 to index
      %swap3A_817 = arith.constant 16 : index
      %swap3A_818 = tpu.vector_load %arg14[%swap3A_816, %swap3A_817] {strides = array<i32>} : memref<128x64xf32, #tpu.memory_space<vmem>>, vector<1x16xf32>,
      %swap3A_819 = vector.shape_cast %swap3A_818 : vector<1x16xf32> to vector<16xf32>
      %swap3A_820 = vector.shape_cast %add3A_815 : vector<16xf32> to vector<1x16xf32>
      tpu.vector_store %arg14[%swap3A_816, %swap3A_817], %swap3A_820 {strides = array<i32>} : memref<128x64xf32, #tpu.memory_space<vmem>>, vector<1x16xf32>,
      %add3A_821 = arith.addf %scan3A_803#2, %scan3A_803#6 : vector<16xf32>
      %swap3A_822 = arith.index_cast %add3A_808 : i32 to index
      %swap3A_823 = arith.constant 32 : index
      %swap3A_824 = tpu.vector_load %arg14[%swap3A_822, %swap3A_823] {strides = array<i32>} : memref<128x64xf32, #tpu.memory_space<vmem>>, vector<1x16xf32>,
      %swap3A_825 = vector.shape_cast %swap3A_824 : vector<1x16xf32> to vector<16xf32>
      %swap3A_826 = vector.shape_cast %add3A_821 : vector<16xf32> to vector<1x16xf32>
      tpu.vector_store %arg14[%swap3A_822, %swap3A_823], %swap3A_826 {strides = array<i32>} : memref<128x64xf32, #tpu.memory_space<vmem>>, vector<1x16xf32>,
      %add3A_827 = arith.addf %scan3A_803#3, %scan3A_803#7 : vector<16xf32>
      %swap3A_828 = arith.index_cast %add3A_808 : i32 to index
      %swap3A_829 = arith.constant 48 : index
      %swap3A_830 = tpu.vector_load %arg14[%swap3A_828, %swap3A_829] {strides = array<i32>} : memref<128x64xf32, #tpu.memory_space<vmem>>, vector<1x16xf32>,
      %swap3A_831 = vector.shape_cast %swap3A_830 : vector<1x16xf32> to vector<16xf32>
      %swap3A_832 = vector.shape_cast %add3A_827 : vector<16xf32> to vector<1x16xf32>
      tpu.vector_store %arg14[%swap3A_828, %swap3A_829], %swap3A_832 {strides = array<i32>} : memref<128x64xf32, #tpu.memory_space<vmem>>, vector<1x16xf32>,
      %add3A_833 = arith.constant 8 : i32
      %add3A_834 = arith.addi %add3A_754, %add3A_833 : i32
      %mul3A_835 = arith.constant 104 : i32
      %mul3A_836 = arith.muli %add3A_834, %mul3A_835 : i32
      %dma_start3A_837 = tpu.memref_slice %arg5[%mul3A_836] : memref<6656xi32, #tpu.memory_space<vmem>> -> memref<104xi32, #tpu.memory_space<vmem>>
      %dma_start3A_838 = arith.constant 0 : i32
      %dma_start3A_839 = arith.constant 0 : i32
      %dma_start3A_840 = tpu.memref_slice %arg3[%dma_start3A_838, %dma_start3A_839] : memref<1000000x64xf32, #tpu.memory_space<hbm>> -> memref<1000000x64xf32, #tpu.memory_space<hbm>>
      tpu.enqueue_indirect_dma source(%dma_start3A_840 : memref<1000000x64xf32, #tpu.memory_space<hbm>>) target(%arg7 : memref<104x64xf32, #tpu.memory_space<vmem>>) offsets(%dma_start3A_837 : memref<104xi32, #tpu.memory_space<vmem>>) semaphore(%arg16 : memref<!tpu.dma_semaphore, #tpu.memory_space<semaphore_mem>>)
      %add3A_841 = arith.constant 2 : i32
      %add3A_842 = arith.addi %mul3A_664, %add3A_841 : i32
      %mul3A_843 = arith.constant 104 : i32
      %mul3A_844 = arith.muli %add3A_842, %mul3A_843 : i32
      %dma_wait3A_845 = tpu.memref_slice %arg5[%mul3A_844] : memref<6656xi32, #tpu.memory_space<vmem>> -> memref<104xi32, #tpu.memory_space<vmem>>
      %dma_wait3A_846 = arith.constant 0 : i32
      %dma_wait3A_847 = arith.constant 0 : i32
      %dma_wait3A_848 = tpu.memref_slice %arg3[%dma_wait3A_846, %dma_wait3A_847] : memref<1000000x64xf32, #tpu.memory_space<hbm>> -> memref<1000000x64xf32, #tpu.memory_space<hbm>>
      tpu.wait_indirect_dma semaphore(%arg17 : memref<!tpu.dma_semaphore, #tpu.memory_space<semaphore_mem>>) src(%dma_wait3A_848 : memref<1000000x64xf32, #tpu.memory_space<hbm>>) dst(%arg8 : memref<104x64xf32, #tpu.memory_space<vmem>>)
      %broadcast_in_dim3A_849 = arith.constant 0.000000e+00 : f32
      %broadcast_in_dim3A_850 = vector.broadcast %broadcast_in_dim3A_849 : f32 to vector<16xf32>
      %scan3A_851 = arith.constant 0 : i32
      %scan3A_852 = arith.constant 25 : i32
      %scan3A_853 = arith.addi %scan3A_851, %scan3A_852 : i32
      %scan3A_854 = arith.constant 1 : i32
      %scan3A_855:8 = scf.for %scan3A_1369 = %scan3A_851 to %scan3A_853 step %scan3A_854 iter_args(%scan3A_1370 = %broadcast_in_dim3A_850, %scan3A_1371 = %broadcast_in_dim3A_850, %scan3A_1372 = %broadcast_in_dim3A_850, %scan3A_1373 = %broadcast_in_dim3A_850, %scan3A_1374 = %broadcast_in_dim3A_850, %scan3A_1375 = %broadcast_in_dim3A_850, %scan3A_1376 = %broadcast_in_dim3A_850, %scan3A_1377 = %broadcast_in_dim3A_850) -> (vector<16xf32>, vector<16xf32>, vector<16xf32>, vector<16xf32>, vector<16xf32>, vector<16xf32>, vector<16xf32>, vector<16xf32>)  : i32 {
        %mul3A_1378 = arith.constant 2 : i32
        %mul3A_1379 = arith.muli %mul3A_1378, %scan3A_1369 : i32
        %add3A_1380 = arith.constant 0 : i32
        %add3A_1381 = arith.addi %add3A_1380, %mul3A_1379 : i32
        %get3A = arith.index_cast %add3A_1381 : i32 to index
        %get3A_1382 = arith.constant 0 : index
        %get3A_1383 = tpu.vector_load %arg8[%get3A, %get3A_1382] {strides = array<i32>} : memref<104x64xf32, #tpu.memory_space<vmem>>, vector<1x16xf32>,
        %get3A_1384 = vector.shape_cast %get3A_1383 : vector<1x16xf32> to vector<16xf32>
        %add3A_1385 = arith.addf %scan3A_1370, %get3A_1384 : vector<16xf32>
        %get3A_1386 = arith.index_cast %add3A_1381 : i32 to index
        %get3A_1387 = arith.constant 16 : index
        %get3A_1388 = tpu.vector_load %arg8[%get3A_1386, %get3A_1387] {strides = array<i32>} : memref<104x64xf32, #tpu.memory_space<vmem>>, vector<1x16xf32>,
        %get3A_1389 = vector.shape_cast %get3A_1388 : vector<1x16xf32> to vector<16xf32>
        %add3A_1390 = arith.addf %scan3A_1371, %get3A_1389 : vector<16xf32>
        %get3A_1391 = arith.index_cast %add3A_1381 : i32 to index
        %get3A_1392 = arith.constant 32 : index
        %get3A_1393 = tpu.vector_load %arg8[%get3A_1391, %get3A_1392] {strides = array<i32>} : memref<104x64xf32, #tpu.memory_space<vmem>>, vector<1x16xf32>,
        %get3A_1394 = vector.shape_cast %get3A_1393 : vector<1x16xf32> to vector<16xf32>
        %add3A_1395 = arith.addf %scan3A_1372, %get3A_1394 : vector<16xf32>
        %get3A_1396 = arith.index_cast %add3A_1381 : i32 to index
        %get3A_1397 = arith.constant 48 : index
        %get3A_1398 = tpu.vector_load %arg8[%get3A_1396, %get3A_1397] {strides = array<i32>} : memref<104x64xf32, #tpu.memory_space<vmem>>, vector<1x16xf32>,
        %get3A_1399 = vector.shape_cast %get3A_1398 : vector<1x16xf32> to vector<16xf32>
        %add3A_1400 = arith.addf %scan3A_1373, %get3A_1399 : vector<16xf32>
        %add3A_1401 = arith.constant 1 : i32
        %add3A_1402 = arith.addi %add3A_1381, %add3A_1401 : i32
        %get3A_1403 = arith.index_cast %add3A_1402 : i32 to index
        %get3A_1404 = arith.constant 0 : index
        %get3A_1405 = tpu.vector_load %arg8[%get3A_1403, %get3A_1404] {strides = array<i32>} : memref<104x64xf32, #tpu.memory_space<vmem>>, vector<1x16xf32>,
        %get3A_1406 = vector.shape_cast %get3A_1405 : vector<1x16xf32> to vector<16xf32>
        %add3A_1407 = arith.addf %scan3A_1374, %get3A_1406 : vector<16xf32>
        %add3A_1408 = arith.constant 1 : i32
        %add3A_1409 = arith.addi %add3A_1381, %add3A_1408 : i32
        %get3A_1410 = arith.index_cast %add3A_1409 : i32 to index
        %get3A_1411 = arith.constant 16 : index
        %get3A_1412 = tpu.vector_load %arg8[%get3A_1410, %get3A_1411] {strides = array<i32>} : memref<104x64xf32, #tpu.memory_space<vmem>>, vector<1x16xf32>,
        %get3A_1413 = vector.shape_cast %get3A_1412 : vector<1x16xf32> to vector<16xf32>
        %add3A_1414 = arith.addf %scan3A_1375, %get3A_1413 : vector<16xf32>
        %add3A_1415 = arith.constant 1 : i32
        %add3A_1416 = arith.addi %add3A_1381, %add3A_1415 : i32
        %get3A_1417 = arith.index_cast %add3A_1416 : i32 to index
        %get3A_1418 = arith.constant 32 : index
        %get3A_1419 = tpu.vector_load %arg8[%get3A_1417, %get3A_1418] {strides = array<i32>} : memref<104x64xf32, #tpu.memory_space<vmem>>, vector<1x16xf32>,
        %get3A_1420 = vector.shape_cast %get3A_1419 : vector<1x16xf32> to vector<16xf32>
        %add3A_1421 = arith.addf %scan3A_1376, %get3A_1420 : vector<16xf32>
        %add3A_1422 = arith.constant 1 : i32
        %add3A_1423 = arith.addi %add3A_1381, %add3A_1422 : i32
        %get3A_1424 = arith.index_cast %add3A_1423 : i32 to index
        %get3A_1425 = arith.constant 48 : index
        %get3A_1426 = tpu.vector_load %arg8[%get3A_1424, %get3A_1425] {strides = array<i32>} : memref<104x64xf32, #tpu.memory_space<vmem>>, vector<1x16xf32>,
        %get3A_1427 = vector.shape_cast %get3A_1426 : vector<1x16xf32> to vector<16xf32>
        %add3A_1428 = arith.addf %scan3A_1377, %get3A_1427 : vector<16xf32>
        scf.yield %add3A_1385, %add3A_1390, %add3A_1395, %add3A_1400, %add3A_1407, %add3A_1414, %add3A_1421, %add3A_1428 : vector<16xf32>, vector<16xf32>, vector<16xf32>, vector<16xf32>, vector<16xf32>, vector<16xf32>, vector<16xf32>, vector<16xf32>
      }
      %scan3A_856 = arith.constant 25 : i32
      %mul3A_857 = arith.constant 2 : i32
      %mul3A_858 = arith.muli %add3A_842, %mul3A_857 : i32
      %add3A_859 = arith.constant 0 : i32
      %add3A_860 = arith.addi %mul3A_858, %add3A_859 : i32
      %add3A_861 = arith.addf %scan3A_855#0, %scan3A_855#4 : vector<16xf32>
      %swap3A_862 = arith.index_cast %add3A_860 : i32 to index
      %swap3A_863 = arith.constant 0 : index
      %swap3A_864 = tpu.vector_load %arg14[%swap3A_862, %swap3A_863] {strides = array<i32>} : memref<128x64xf32, #tpu.memory_space<vmem>>, vector<1x16xf32>,
      %swap3A_865 = vector.shape_cast %swap3A_864 : vector<1x16xf32> to vector<16xf32>
      %swap3A_866 = vector.shape_cast %add3A_861 : vector<16xf32> to vector<1x16xf32>
      tpu.vector_store %arg14[%swap3A_862, %swap3A_863], %swap3A_866 {strides = array<i32>} : memref<128x64xf32, #tpu.memory_space<vmem>>, vector<1x16xf32>,
      %add3A_867 = arith.addf %scan3A_855#1, %scan3A_855#5 : vector<16xf32>
      %swap3A_868 = arith.index_cast %add3A_860 : i32 to index
      %swap3A_869 = arith.constant 16 : index
      %swap3A_870 = tpu.vector_load %arg14[%swap3A_868, %swap3A_869] {strides = array<i32>} : memref<128x64xf32, #tpu.memory_space<vmem>>, vector<1x16xf32>,
      %swap3A_871 = vector.shape_cast %swap3A_870 : vector<1x16xf32> to vector<16xf32>
      %swap3A_872 = vector.shape_cast %add3A_867 : vector<16xf32> to vector<1x16xf32>
      tpu.vector_store %arg14[%swap3A_868, %swap3A_869], %swap3A_872 {strides = array<i32>} : memref<128x64xf32, #tpu.memory_space<vmem>>, vector<1x16xf32>,
      %add3A_873 = arith.addf %scan3A_855#2, %scan3A_855#6 : vector<16xf32>
      %swap3A_874 = arith.index_cast %add3A_860 : i32 to index
      %swap3A_875 = arith.constant 32 : index
      %swap3A_876 = tpu.vector_load %arg14[%swap3A_874, %swap3A_875] {strides = array<i32>} : memref<128x64xf32, #tpu.memory_space<vmem>>, vector<1x16xf32>,
      %swap3A_877 = vector.shape_cast %swap3A_876 : vector<1x16xf32> to vector<16xf32>
      %swap3A_878 = vector.shape_cast %add3A_873 : vector<16xf32> to vector<1x16xf32>
      tpu.vector_store %arg14[%swap3A_874, %swap3A_875], %swap3A_878 {strides = array<i32>} : memref<128x64xf32, #tpu.memory_space<vmem>>, vector<1x16xf32>,
      %add3A_879 = arith.addf %scan3A_855#3, %scan3A_855#7 : vector<16xf32>
      %swap3A_880 = arith.index_cast %add3A_860 : i32 to index
      %swap3A_881 = arith.constant 48 : index
      %swap3A_882 = tpu.vector_load %arg14[%swap3A_880, %swap3A_881] {strides = array<i32>} : memref<128x64xf32, #tpu.memory_space<vmem>>, vector<1x16xf32>,
      %swap3A_883 = vector.shape_cast %swap3A_882 : vector<1x16xf32> to vector<16xf32>
      %swap3A_884 = vector.shape_cast %add3A_879 : vector<16xf32> to vector<1x16xf32>
      tpu.vector_store %arg14[%swap3A_880, %swap3A_881], %swap3A_884 {strides = array<i32>} : memref<128x64xf32, #tpu.memory_space<vmem>>, vector<1x16xf32>,
      %broadcast_in_dim3A_885 = arith.constant 0.000000e+00 : f32
      %broadcast_in_dim3A_886 = vector.broadcast %broadcast_in_dim3A_885 : f32 to vector<16xf32>
      %scan3A_887 = arith.constant 0 : i32
      %scan3A_888 = arith.constant 25 : i32
      %scan3A_889 = arith.addi %scan3A_887, %scan3A_888 : i32
      %scan3A_890 = arith.constant 1 : i32
      %scan3A_891:8 = scf.for %scan3A_1369 = %scan3A_887 to %scan3A_889 step %scan3A_890 iter_args(%scan3A_1370 = %broadcast_in_dim3A_886, %scan3A_1371 = %broadcast_in_dim3A_886, %scan3A_1372 = %broadcast_in_dim3A_886, %scan3A_1373 = %broadcast_in_dim3A_886, %scan3A_1374 = %broadcast_in_dim3A_886, %scan3A_1375 = %broadcast_in_dim3A_886, %scan3A_1376 = %broadcast_in_dim3A_886, %scan3A_1377 = %broadcast_in_dim3A_886) -> (vector<16xf32>, vector<16xf32>, vector<16xf32>, vector<16xf32>, vector<16xf32>, vector<16xf32>, vector<16xf32>, vector<16xf32>)  : i32 {
        %mul3A_1378 = arith.constant 2 : i32
        %mul3A_1379 = arith.muli %mul3A_1378, %scan3A_1369 : i32
        %add3A_1380 = arith.constant 52 : i32
        %add3A_1381 = arith.addi %add3A_1380, %mul3A_1379 : i32
        %get3A = arith.index_cast %add3A_1381 : i32 to index
        %get3A_1382 = arith.constant 0 : index
        %get3A_1383 = tpu.vector_load %arg8[%get3A, %get3A_1382] {strides = array<i32>} : memref<104x64xf32, #tpu.memory_space<vmem>>, vector<1x16xf32>,
        %get3A_1384 = vector.shape_cast %get3A_1383 : vector<1x16xf32> to vector<16xf32>
        %add3A_1385 = arith.addf %scan3A_1370, %get3A_1384 : vector<16xf32>
        %get3A_1386 = arith.index_cast %add3A_1381 : i32 to index
        %get3A_1387 = arith.constant 16 : index
        %get3A_1388 = tpu.vector_load %arg8[%get3A_1386, %get3A_1387] {strides = array<i32>} : memref<104x64xf32, #tpu.memory_space<vmem>>, vector<1x16xf32>,
        %get3A_1389 = vector.shape_cast %get3A_1388 : vector<1x16xf32> to vector<16xf32>
        %add3A_1390 = arith.addf %scan3A_1371, %get3A_1389 : vector<16xf32>
        %get3A_1391 = arith.index_cast %add3A_1381 : i32 to index
        %get3A_1392 = arith.constant 32 : index
        %get3A_1393 = tpu.vector_load %arg8[%get3A_1391, %get3A_1392] {strides = array<i32>} : memref<104x64xf32, #tpu.memory_space<vmem>>, vector<1x16xf32>,
        %get3A_1394 = vector.shape_cast %get3A_1393 : vector<1x16xf32> to vector<16xf32>
        %add3A_1395 = arith.addf %scan3A_1372, %get3A_1394 : vector<16xf32>
        %get3A_1396 = arith.index_cast %add3A_1381 : i32 to index
        %get3A_1397 = arith.constant 48 : index
        %get3A_1398 = tpu.vector_load %arg8[%get3A_1396, %get3A_1397] {strides = array<i32>} : memref<104x64xf32, #tpu.memory_space<vmem>>, vector<1x16xf32>,
        %get3A_1399 = vector.shape_cast %get3A_1398 : vector<1x16xf32> to vector<16xf32>
        %add3A_1400 = arith.addf %scan3A_1373, %get3A_1399 : vector<16xf32>
        %add3A_1401 = arith.constant 1 : i32
        %add3A_1402 = arith.addi %add3A_1381, %add3A_1401 : i32
        %get3A_1403 = arith.index_cast %add3A_1402 : i32 to index
        %get3A_1404 = arith.constant 0 : index
        %get3A_1405 = tpu.vector_load %arg8[%get3A_1403, %get3A_1404] {strides = array<i32>} : memref<104x64xf32, #tpu.memory_space<vmem>>, vector<1x16xf32>,
        %get3A_1406 = vector.shape_cast %get3A_1405 : vector<1x16xf32> to vector<16xf32>
        %add3A_1407 = arith.addf %scan3A_1374, %get3A_1406 : vector<16xf32>
        %add3A_1408 = arith.constant 1 : i32
        %add3A_1409 = arith.addi %add3A_1381, %add3A_1408 : i32
        %get3A_1410 = arith.index_cast %add3A_1409 : i32 to index
        %get3A_1411 = arith.constant 16 : index
        %get3A_1412 = tpu.vector_load %arg8[%get3A_1410, %get3A_1411] {strides = array<i32>} : memref<104x64xf32, #tpu.memory_space<vmem>>, vector<1x16xf32>,
        %get3A_1413 = vector.shape_cast %get3A_1412 : vector<1x16xf32> to vector<16xf32>
        %add3A_1414 = arith.addf %scan3A_1375, %get3A_1413 : vector<16xf32>
        %add3A_1415 = arith.constant 1 : i32
        %add3A_1416 = arith.addi %add3A_1381, %add3A_1415 : i32
        %get3A_1417 = arith.index_cast %add3A_1416 : i32 to index
        %get3A_1418 = arith.constant 32 : index
        %get3A_1419 = tpu.vector_load %arg8[%get3A_1417, %get3A_1418] {strides = array<i32>} : memref<104x64xf32, #tpu.memory_space<vmem>>, vector<1x16xf32>,
        %get3A_1420 = vector.shape_cast %get3A_1419 : vector<1x16xf32> to vector<16xf32>
        %add3A_1421 = arith.addf %scan3A_1376, %get3A_1420 : vector<16xf32>
        %add3A_1422 = arith.constant 1 : i32
        %add3A_1423 = arith.addi %add3A_1381, %add3A_1422 : i32
        %get3A_1424 = arith.index_cast %add3A_1423 : i32 to index
        %get3A_1425 = arith.constant 48 : index
        %get3A_1426 = tpu.vector_load %arg8[%get3A_1424, %get3A_1425] {strides = array<i32>} : memref<104x64xf32, #tpu.memory_space<vmem>>, vector<1x16xf32>,
        %get3A_1427 = vector.shape_cast %get3A_1426 : vector<1x16xf32> to vector<16xf32>
        %add3A_1428 = arith.addf %scan3A_1377, %get3A_1427 : vector<16xf32>
        scf.yield %add3A_1385, %add3A_1390, %add3A_1395, %add3A_1400, %add3A_1407, %add3A_1414, %add3A_1421, %add3A_1428 : vector<16xf32>, vector<16xf32>, vector<16xf32>, vector<16xf32>, vector<16xf32>, vector<16xf32>, vector<16xf32>, vector<16xf32>
      }
      %scan3A_892 = arith.constant 25 : i32
      %mul3A_893 = arith.constant 2 : i32
      %mul3A_894 = arith.muli %add3A_842, %mul3A_893 : i32
      %add3A_895 = arith.constant 1 : i32
      %add3A_896 = arith.addi %mul3A_894, %add3A_895 : i32
      %add3A_897 = arith.addf %scan3A_891#0, %scan3A_891#4 : vector<16xf32>
      %swap3A_898 = arith.index_cast %add3A_896 : i32 to index
      %swap3A_899 = arith.constant 0 : index
      %swap3A_900 = tpu.vector_load %arg14[%swap3A_898, %swap3A_899] {strides = array<i32>} : memref<128x64xf32, #tpu.memory_space<vmem>>, vector<1x16xf32>,
      %swap3A_901 = vector.shape_cast %swap3A_900 : vector<1x16xf32> to vector<16xf32>
      %swap3A_902 = vector.shape_cast %add3A_897 : vector<16xf32> to vector<1x16xf32>
      tpu.vector_store %arg14[%swap3A_898, %swap3A_899], %swap3A_902 {strides = array<i32>} : memref<128x64xf32, #tpu.memory_space<vmem>>, vector<1x16xf32>,
      %add3A_903 = arith.addf %scan3A_891#1, %scan3A_891#5 : vector<16xf32>
      %swap3A_904 = arith.index_cast %add3A_896 : i32 to index
      %swap3A_905 = arith.constant 16 : index
      %swap3A_906 = tpu.vector_load %arg14[%swap3A_904, %swap3A_905] {strides = array<i32>} : memref<128x64xf32, #tpu.memory_space<vmem>>, vector<1x16xf32>,
      %swap3A_907 = vector.shape_cast %swap3A_906 : vector<1x16xf32> to vector<16xf32>
      %swap3A_908 = vector.shape_cast %add3A_903 : vector<16xf32> to vector<1x16xf32>
      tpu.vector_store %arg14[%swap3A_904, %swap3A_905], %swap3A_908 {strides = array<i32>} : memref<128x64xf32, #tpu.memory_space<vmem>>, vector<1x16xf32>,
      %add3A_909 = arith.addf %scan3A_891#2, %scan3A_891#6 : vector<16xf32>
      %swap3A_910 = arith.index_cast %add3A_896 : i32 to index
      %swap3A_911 = arith.constant 32 : index
      %swap3A_912 = tpu.vector_load %arg14[%swap3A_910, %swap3A_911] {strides = array<i32>} : memref<128x64xf32, #tpu.memory_space<vmem>>, vector<1x16xf32>,
      %swap3A_913 = vector.shape_cast %swap3A_912 : vector<1x16xf32> to vector<16xf32>
      %swap3A_914 = vector.shape_cast %add3A_909 : vector<16xf32> to vector<1x16xf32>
      tpu.vector_store %arg14[%swap3A_910, %swap3A_911], %swap3A_914 {strides = array<i32>} : memref<128x64xf32, #tpu.memory_space<vmem>>, vector<1x16xf32>,
      %add3A_915 = arith.addf %scan3A_891#3, %scan3A_891#7 : vector<16xf32>
      %swap3A_916 = arith.index_cast %add3A_896 : i32 to index
      %swap3A_917 = arith.constant 48 : index
      %swap3A_918 = tpu.vector_load %arg14[%swap3A_916, %swap3A_917] {strides = array<i32>} : memref<128x64xf32, #tpu.memory_space<vmem>>, vector<1x16xf32>,
      %swap3A_919 = vector.shape_cast %swap3A_918 : vector<1x16xf32> to vector<16xf32>
      %swap3A_920 = vector.shape_cast %add3A_915 : vector<16xf32> to vector<1x16xf32>
      tpu.vector_store %arg14[%swap3A_916, %swap3A_917], %swap3A_920 {strides = array<i32>} : memref<128x64xf32, #tpu.memory_space<vmem>>, vector<1x16xf32>,
      %add3A_921 = arith.constant 8 : i32
      %add3A_922 = arith.addi %add3A_842, %add3A_921 : i32
      %mul3A_923 = arith.constant 104 : i32
      %mul3A_924 = arith.muli %add3A_922, %mul3A_923 : i32
      %dma_start3A_925 = tpu.memref_slice %arg5[%mul3A_924] : memref<6656xi32, #tpu.memory_space<vmem>> -> memref<104xi32, #tpu.memory_space<vmem>>
      %dma_start3A_926 = arith.constant 0 : i32
      %dma_start3A_927 = arith.constant 0 : i32
      %dma_start3A_928 = tpu.memref_slice %arg3[%dma_start3A_926, %dma_start3A_927] : memref<1000000x64xf32, #tpu.memory_space<hbm>> -> memref<1000000x64xf32, #tpu.memory_space<hbm>>
      tpu.enqueue_indirect_dma source(%dma_start3A_928 : memref<1000000x64xf32, #tpu.memory_space<hbm>>) target(%arg8 : memref<104x64xf32, #tpu.memory_space<vmem>>) offsets(%dma_start3A_925 : memref<104xi32, #tpu.memory_space<vmem>>) semaphore(%arg17 : memref<!tpu.dma_semaphore, #tpu.memory_space<semaphore_mem>>)
      %add3A_929 = arith.constant 3 : i32
      %add3A_930 = arith.addi %mul3A_664, %add3A_929 : i32
      %mul3A_931 = arith.constant 104 : i32
      %mul3A_932 = arith.muli %add3A_930, %mul3A_931 : i32
      %dma_wait3A_933 = tpu.memref_slice %arg5[%mul3A_932] : memref<6656xi32, #tpu.memory_space<vmem>> -> memref<104xi32, #tpu.memory_space<vmem>>
      %dma_wait3A_934 = arith.constant 0 : i32
      %dma_wait3A_935 = arith.constant 0 : i32
      %dma_wait3A_936 = tpu.memref_slice %arg3[%dma_wait3A_934, %dma_wait3A_935] : memref<1000000x64xf32, #tpu.memory_space<hbm>> -> memref<1000000x64xf32, #tpu.memory_space<hbm>>
      tpu.wait_indirect_dma semaphore(%arg18 : memref<!tpu.dma_semaphore, #tpu.memory_space<semaphore_mem>>) src(%dma_wait3A_936 : memref<1000000x64xf32, #tpu.memory_space<hbm>>) dst(%arg9 : memref<104x64xf32, #tpu.memory_space<vmem>>)
      %broadcast_in_dim3A_937 = arith.constant 0.000000e+00 : f32
      %broadcast_in_dim3A_938 = vector.broadcast %broadcast_in_dim3A_937 : f32 to vector<16xf32>
      %scan3A_939 = arith.constant 0 : i32
      %scan3A_940 = arith.constant 25 : i32
      %scan3A_941 = arith.addi %scan3A_939, %scan3A_940 : i32
      %scan3A_942 = arith.constant 1 : i32
      %scan3A_943:8 = scf.for %scan3A_1369 = %scan3A_939 to %scan3A_941 step %scan3A_942 iter_args(%scan3A_1370 = %broadcast_in_dim3A_938, %scan3A_1371 = %broadcast_in_dim3A_938, %scan3A_1372 = %broadcast_in_dim3A_938, %scan3A_1373 = %broadcast_in_dim3A_938, %scan3A_1374 = %broadcast_in_dim3A_938, %scan3A_1375 = %broadcast_in_dim3A_938, %scan3A_1376 = %broadcast_in_dim3A_938, %scan3A_1377 = %broadcast_in_dim3A_938) -> (vector<16xf32>, vector<16xf32>, vector<16xf32>, vector<16xf32>, vector<16xf32>, vector<16xf32>, vector<16xf32>, vector<16xf32>)  : i32 {
        %mul3A_1378 = arith.constant 2 : i32
        %mul3A_1379 = arith.muli %mul3A_1378, %scan3A_1369 : i32
        %add3A_1380 = arith.constant 0 : i32
        %add3A_1381 = arith.addi %add3A_1380, %mul3A_1379 : i32
        %get3A = arith.index_cast %add3A_1381 : i32 to index
        %get3A_1382 = arith.constant 0 : index
        %get3A_1383 = tpu.vector_load %arg9[%get3A, %get3A_1382] {strides = array<i32>} : memref<104x64xf32, #tpu.memory_space<vmem>>, vector<1x16xf32>,
        %get3A_1384 = vector.shape_cast %get3A_1383 : vector<1x16xf32> to vector<16xf32>
        %add3A_1385 = arith.addf %scan3A_1370, %get3A_1384 : vector<16xf32>
        %get3A_1386 = arith.index_cast %add3A_1381 : i32 to index
        %get3A_1387 = arith.constant 16 : index
        %get3A_1388 = tpu.vector_load %arg9[%get3A_1386, %get3A_1387] {strides = array<i32>} : memref<104x64xf32, #tpu.memory_space<vmem>>, vector<1x16xf32>,
        %get3A_1389 = vector.shape_cast %get3A_1388 : vector<1x16xf32> to vector<16xf32>
        %add3A_1390 = arith.addf %scan3A_1371, %get3A_1389 : vector<16xf32>
        %get3A_1391 = arith.index_cast %add3A_1381 : i32 to index
        %get3A_1392 = arith.constant 32 : index
        %get3A_1393 = tpu.vector_load %arg9[%get3A_1391, %get3A_1392] {strides = array<i32>} : memref<104x64xf32, #tpu.memory_space<vmem>>, vector<1x16xf32>,
        %get3A_1394 = vector.shape_cast %get3A_1393 : vector<1x16xf32> to vector<16xf32>
        %add3A_1395 = arith.addf %scan3A_1372, %get3A_1394 : vector<16xf32>
        %get3A_1396 = arith.index_cast %add3A_1381 : i32 to index
        %get3A_1397 = arith.constant 48 : index
        %get3A_1398 = tpu.vector_load %arg9[%get3A_1396, %get3A_1397] {strides = array<i32>} : memref<104x64xf32, #tpu.memory_space<vmem>>, vector<1x16xf32>,
        %get3A_1399 = vector.shape_cast %get3A_1398 : vector<1x16xf32> to vector<16xf32>
        %add3A_1400 = arith.addf %scan3A_1373, %get3A_1399 : vector<16xf32>
        %add3A_1401 = arith.constant 1 : i32
        %add3A_1402 = arith.addi %add3A_1381, %add3A_1401 : i32
        %get3A_1403 = arith.index_cast %add3A_1402 : i32 to index
        %get3A_1404 = arith.constant 0 : index
        %get3A_1405 = tpu.vector_load %arg9[%get3A_1403, %get3A_1404] {strides = array<i32>} : memref<104x64xf32, #tpu.memory_space<vmem>>, vector<1x16xf32>,
        %get3A_1406 = vector.shape_cast %get3A_1405 : vector<1x16xf32> to vector<16xf32>
        %add3A_1407 = arith.addf %scan3A_1374, %get3A_1406 : vector<16xf32>
        %add3A_1408 = arith.constant 1 : i32
        %add3A_1409 = arith.addi %add3A_1381, %add3A_1408 : i32
        %get3A_1410 = arith.index_cast %add3A_1409 : i32 to index
        %get3A_1411 = arith.constant 16 : index
        %get3A_1412 = tpu.vector_load %arg9[%get3A_1410, %get3A_1411] {strides = array<i32>} : memref<104x64xf32, #tpu.memory_space<vmem>>, vector<1x16xf32>,
        %get3A_1413 = vector.shape_cast %get3A_1412 : vector<1x16xf32> to vector<16xf32>
        %add3A_1414 = arith.addf %scan3A_1375, %get3A_1413 : vector<16xf32>
        %add3A_1415 = arith.constant 1 : i32
        %add3A_1416 = arith.addi %add3A_1381, %add3A_1415 : i32
        %get3A_1417 = arith.index_cast %add3A_1416 : i32 to index
        %get3A_1418 = arith.constant 32 : index
        %get3A_1419 = tpu.vector_load %arg9[%get3A_1417, %get3A_1418] {strides = array<i32>} : memref<104x64xf32, #tpu.memory_space<vmem>>, vector<1x16xf32>,
        %get3A_1420 = vector.shape_cast %get3A_1419 : vector<1x16xf32> to vector<16xf32>
        %add3A_1421 = arith.addf %scan3A_1376, %get3A_1420 : vector<16xf32>
        %add3A_1422 = arith.constant 1 : i32
        %add3A_1423 = arith.addi %add3A_1381, %add3A_1422 : i32
        %get3A_1424 = arith.index_cast %add3A_1423 : i32 to index
        %get3A_1425 = arith.constant 48 : index
        %get3A_1426 = tpu.vector_load %arg9[%get3A_1424, %get3A_1425] {strides = array<i32>} : memref<104x64xf32, #tpu.memory_space<vmem>>, vector<1x16xf32>,
        %get3A_1427 = vector.shape_cast %get3A_1426 : vector<1x16xf32> to vector<16xf32>
        %add3A_1428 = arith.addf %scan3A_1377, %get3A_1427 : vector<16xf32>
        scf.yield %add3A_1385, %add3A_1390, %add3A_1395, %add3A_1400, %add3A_1407, %add3A_1414, %add3A_1421, %add3A_1428 : vector<16xf32>, vector<16xf32>, vector<16xf32>, vector<16xf32>, vector<16xf32>, vector<16xf32>, vector<16xf32>, vector<16xf32>
      }
      %scan3A_944 = arith.constant 25 : i32
      %mul3A_945 = arith.constant 2 : i32
      %mul3A_946 = arith.muli %add3A_930, %mul3A_945 : i32
      %add3A_947 = arith.constant 0 : i32
      %add3A_948 = arith.addi %mul3A_946, %add3A_947 : i32
      %add3A_949 = arith.addf %scan3A_943#0, %scan3A_943#4 : vector<16xf32>
      %swap3A_950 = arith.index_cast %add3A_948 : i32 to index
      %swap3A_951 = arith.constant 0 : index
      %swap3A_952 = tpu.vector_load %arg14[%swap3A_950, %swap3A_951] {strides = array<i32>} : memref<128x64xf32, #tpu.memory_space<vmem>>, vector<1x16xf32>,
      %swap3A_953 = vector.shape_cast %swap3A_952 : vector<1x16xf32> to vector<16xf32>
      %swap3A_954 = vector.shape_cast %add3A_949 : vector<16xf32> to vector<1x16xf32>
      tpu.vector_store %arg14[%swap3A_950, %swap3A_951], %swap3A_954 {strides = array<i32>} : memref<128x64xf32, #tpu.memory_space<vmem>>, vector<1x16xf32>,
      %add3A_955 = arith.addf %scan3A_943#1, %scan3A_943#5 : vector<16xf32>
      %swap3A_956 = arith.index_cast %add3A_948 : i32 to index
      %swap3A_957 = arith.constant 16 : index
      %swap3A_958 = tpu.vector_load %arg14[%swap3A_956, %swap3A_957] {strides = array<i32>} : memref<128x64xf32, #tpu.memory_space<vmem>>, vector<1x16xf32>,
      %swap3A_959 = vector.shape_cast %swap3A_958 : vector<1x16xf32> to vector<16xf32>
      %swap3A_960 = vector.shape_cast %add3A_955 : vector<16xf32> to vector<1x16xf32>
      tpu.vector_store %arg14[%swap3A_956, %swap3A_957], %swap3A_960 {strides = array<i32>} : memref<128x64xf32, #tpu.memory_space<vmem>>, vector<1x16xf32>,
      %add3A_961 = arith.addf %scan3A_943#2, %scan3A_943#6 : vector<16xf32>
      %swap3A_962 = arith.index_cast %add3A_948 : i32 to index
      %swap3A_963 = arith.constant 32 : index
      %swap3A_964 = tpu.vector_load %arg14[%swap3A_962, %swap3A_963] {strides = array<i32>} : memref<128x64xf32, #tpu.memory_space<vmem>>, vector<1x16xf32>,
      %swap3A_965 = vector.shape_cast %swap3A_964 : vector<1x16xf32> to vector<16xf32>
      %swap3A_966 = vector.shape_cast %add3A_961 : vector<16xf32> to vector<1x16xf32>
      tpu.vector_store %arg14[%swap3A_962, %swap3A_963], %swap3A_966 {strides = array<i32>} : memref<128x64xf32, #tpu.memory_space<vmem>>, vector<1x16xf32>,
      %add3A_967 = arith.addf %scan3A_943#3, %scan3A_943#7 : vector<16xf32>
      %swap3A_968 = arith.index_cast %add3A_948 : i32 to index
      %swap3A_969 = arith.constant 48 : index
      %swap3A_970 = tpu.vector_load %arg14[%swap3A_968, %swap3A_969] {strides = array<i32>} : memref<128x64xf32, #tpu.memory_space<vmem>>, vector<1x16xf32>,
      %swap3A_971 = vector.shape_cast %swap3A_970 : vector<1x16xf32> to vector<16xf32>
      %swap3A_972 = vector.shape_cast %add3A_967 : vector<16xf32> to vector<1x16xf32>
      tpu.vector_store %arg14[%swap3A_968, %swap3A_969], %swap3A_972 {strides = array<i32>} : memref<128x64xf32, #tpu.memory_space<vmem>>, vector<1x16xf32>,
      %broadcast_in_dim3A_973 = arith.constant 0.000000e+00 : f32
      %broadcast_in_dim3A_974 = vector.broadcast %broadcast_in_dim3A_973 : f32 to vector<16xf32>
      %scan3A_975 = arith.constant 0 : i32
      %scan3A_976 = arith.constant 25 : i32
      %scan3A_977 = arith.addi %scan3A_975, %scan3A_976 : i32
      %scan3A_978 = arith.constant 1 : i32
      %scan3A_979:8 = scf.for %scan3A_1369 = %scan3A_975 to %scan3A_977 step %scan3A_978 iter_args(%scan3A_1370 = %broadcast_in_dim3A_974, %scan3A_1371 = %broadcast_in_dim3A_974, %scan3A_1372 = %broadcast_in_dim3A_974, %scan3A_1373 = %broadcast_in_dim3A_974, %scan3A_1374 = %broadcast_in_dim3A_974, %scan3A_1375 = %broadcast_in_dim3A_974, %scan3A_1376 = %broadcast_in_dim3A_974, %scan3A_1377 = %broadcast_in_dim3A_974) -> (vector<16xf32>, vector<16xf32>, vector<16xf32>, vector<16xf32>, vector<16xf32>, vector<16xf32>, vector<16xf32>, vector<16xf32>)  : i32 {
        %mul3A_1378 = arith.constant 2 : i32
        %mul3A_1379 = arith.muli %mul3A_1378, %scan3A_1369 : i32
        %add3A_1380 = arith.constant 52 : i32
        %add3A_1381 = arith.addi %add3A_1380, %mul3A_1379 : i32
        %get3A = arith.index_cast %add3A_1381 : i32 to index
        %get3A_1382 = arith.constant 0 : index
        %get3A_1383 = tpu.vector_load %arg9[%get3A, %get3A_1382] {strides = array<i32>} : memref<104x64xf32, #tpu.memory_space<vmem>>, vector<1x16xf32>,
        %get3A_1384 = vector.shape_cast %get3A_1383 : vector<1x16xf32> to vector<16xf32>
        %add3A_1385 = arith.addf %scan3A_1370, %get3A_1384 : vector<16xf32>
        %get3A_1386 = arith.index_cast %add3A_1381 : i32 to index
        %get3A_1387 = arith.constant 16 : index
        %get3A_1388 = tpu.vector_load %arg9[%get3A_1386, %get3A_1387] {strides = array<i32>} : memref<104x64xf32, #tpu.memory_space<vmem>>, vector<1x16xf32>,
        %get3A_1389 = vector.shape_cast %get3A_1388 : vector<1x16xf32> to vector<16xf32>
        %add3A_1390 = arith.addf %scan3A_1371, %get3A_1389 : vector<16xf32>
        %get3A_1391 = arith.index_cast %add3A_1381 : i32 to index
        %get3A_1392 = arith.constant 32 : index
        %get3A_1393 = tpu.vector_load %arg9[%get3A_1391, %get3A_1392] {strides = array<i32>} : memref<104x64xf32, #tpu.memory_space<vmem>>, vector<1x16xf32>,
        %get3A_1394 = vector.shape_cast %get3A_1393 : vector<1x16xf32> to vector<16xf32>
        %add3A_1395 = arith.addf %scan3A_1372, %get3A_1394 : vector<16xf32>
        %get3A_1396 = arith.index_cast %add3A_1381 : i32 to index
        %get3A_1397 = arith.constant 48 : index
        %get3A_1398 = tpu.vector_load %arg9[%get3A_1396, %get3A_1397] {strides = array<i32>} : memref<104x64xf32, #tpu.memory_space<vmem>>, vector<1x16xf32>,
        %get3A_1399 = vector.shape_cast %get3A_1398 : vector<1x16xf32> to vector<16xf32>
        %add3A_1400 = arith.addf %scan3A_1373, %get3A_1399 : vector<16xf32>
        %add3A_1401 = arith.constant 1 : i32
        %add3A_1402 = arith.addi %add3A_1381, %add3A_1401 : i32
        %get3A_1403 = arith.index_cast %add3A_1402 : i32 to index
        %get3A_1404 = arith.constant 0 : index
        %get3A_1405 = tpu.vector_load %arg9[%get3A_1403, %get3A_1404] {strides = array<i32>} : memref<104x64xf32, #tpu.memory_space<vmem>>, vector<1x16xf32>,
        %get3A_1406 = vector.shape_cast %get3A_1405 : vector<1x16xf32> to vector<16xf32>
        %add3A_1407 = arith.addf %scan3A_1374, %get3A_1406 : vector<16xf32>
        %add3A_1408 = arith.constant 1 : i32
        %add3A_1409 = arith.addi %add3A_1381, %add3A_1408 : i32
        %get3A_1410 = arith.index_cast %add3A_1409 : i32 to index
        %get3A_1411 = arith.constant 16 : index
        %get3A_1412 = tpu.vector_load %arg9[%get3A_1410, %get3A_1411] {strides = array<i32>} : memref<104x64xf32, #tpu.memory_space<vmem>>, vector<1x16xf32>,
        %get3A_1413 = vector.shape_cast %get3A_1412 : vector<1x16xf32> to vector<16xf32>
        %add3A_1414 = arith.addf %scan3A_1375, %get3A_1413 : vector<16xf32>
        %add3A_1415 = arith.constant 1 : i32
        %add3A_1416 = arith.addi %add3A_1381, %add3A_1415 : i32
        %get3A_1417 = arith.index_cast %add3A_1416 : i32 to index
        %get3A_1418 = arith.constant 32 : index
        %get3A_1419 = tpu.vector_load %arg9[%get3A_1417, %get3A_1418] {strides = array<i32>} : memref<104x64xf32, #tpu.memory_space<vmem>>, vector<1x16xf32>,
        %get3A_1420 = vector.shape_cast %get3A_1419 : vector<1x16xf32> to vector<16xf32>
        %add3A_1421 = arith.addf %scan3A_1376, %get3A_1420 : vector<16xf32>
        %add3A_1422 = arith.constant 1 : i32
        %add3A_1423 = arith.addi %add3A_1381, %add3A_1422 : i32
        %get3A_1424 = arith.index_cast %add3A_1423 : i32 to index
        %get3A_1425 = arith.constant 48 : index
        %get3A_1426 = tpu.vector_load %arg9[%get3A_1424, %get3A_1425] {strides = array<i32>} : memref<104x64xf32, #tpu.memory_space<vmem>>, vector<1x16xf32>,
        %get3A_1427 = vector.shape_cast %get3A_1426 : vector<1x16xf32> to vector<16xf32>
        %add3A_1428 = arith.addf %scan3A_1377, %get3A_1427 : vector<16xf32>
        scf.yield %add3A_1385, %add3A_1390, %add3A_1395, %add3A_1400, %add3A_1407, %add3A_1414, %add3A_1421, %add3A_1428 : vector<16xf32>, vector<16xf32>, vector<16xf32>, vector<16xf32>, vector<16xf32>, vector<16xf32>, vector<16xf32>, vector<16xf32>
      }
      %scan3A_980 = arith.constant 25 : i32
      %mul3A_981 = arith.constant 2 : i32
      %mul3A_982 = arith.muli %add3A_930, %mul3A_981 : i32
      %add3A_983 = arith.constant 1 : i32
      %add3A_984 = arith.addi %mul3A_982, %add3A_983 : i32
      %add3A_985 = arith.addf %scan3A_979#0, %scan3A_979#4 : vector<16xf32>
      %swap3A_986 = arith.index_cast %add3A_984 : i32 to index
      %swap3A_987 = arith.constant 0 : index
      %swap3A_988 = tpu.vector_load %arg14[%swap3A_986, %swap3A_987] {strides = array<i32>} : memref<128x64xf32, #tpu.memory_space<vmem>>, vector<1x16xf32>,
      %swap3A_989 = vector.shape_cast %swap3A_988 : vector<1x16xf32> to vector<16xf32>
      %swap3A_990 = vector.shape_cast %add3A_985 : vector<16xf32> to vector<1x16xf32>
      tpu.vector_store %arg14[%swap3A_986, %swap3A_987], %swap3A_990 {strides = array<i32>} : memref<128x64xf32, #tpu.memory_space<vmem>>, vector<1x16xf32>,
      %add3A_991 = arith.addf %scan3A_979#1, %scan3A_979#5 : vector<16xf32>
      %swap3A_992 = arith.index_cast %add3A_984 : i32 to index
      %swap3A_993 = arith.constant 16 : index
      %swap3A_994 = tpu.vector_load %arg14[%swap3A_992, %swap3A_993] {strides = array<i32>} : memref<128x64xf32, #tpu.memory_space<vmem>>, vector<1x16xf32>,
      %swap3A_995 = vector.shape_cast %swap3A_994 : vector<1x16xf32> to vector<16xf32>
      %swap3A_996 = vector.shape_cast %add3A_991 : vector<16xf32> to vector<1x16xf32>
      tpu.vector_store %arg14[%swap3A_992, %swap3A_993], %swap3A_996 {strides = array<i32>} : memref<128x64xf32, #tpu.memory_space<vmem>>, vector<1x16xf32>,
      %add3A_997 = arith.addf %scan3A_979#2, %scan3A_979#6 : vector<16xf32>
      %swap3A_998 = arith.index_cast %add3A_984 : i32 to index
      %swap3A_999 = arith.constant 32 : index
      %swap3A_1000 = tpu.vector_load %arg14[%swap3A_998, %swap3A_999] {strides = array<i32>} : memref<128x64xf32, #tpu.memory_space<vmem>>, vector<1x16xf32>,
      %swap3A_1001 = vector.shape_cast %swap3A_1000 : vector<1x16xf32> to vector<16xf32>
      %swap3A_1002 = vector.shape_cast %add3A_997 : vector<16xf32> to vector<1x16xf32>
      tpu.vector_store %arg14[%swap3A_998, %swap3A_999], %swap3A_1002 {strides = array<i32>} : memref<128x64xf32, #tpu.memory_space<vmem>>, vector<1x16xf32>,
      %add3A_1003 = arith.addf %scan3A_979#3, %scan3A_979#7 : vector<16xf32>
      %swap3A_1004 = arith.index_cast %add3A_984 : i32 to index
      %swap3A_1005 = arith.constant 48 : index
      %swap3A_1006 = tpu.vector_load %arg14[%swap3A_1004, %swap3A_1005] {strides = array<i32>} : memref<128x64xf32, #tpu.memory_space<vmem>>, vector<1x16xf32>,
      %swap3A_1007 = vector.shape_cast %swap3A_1006 : vector<1x16xf32> to vector<16xf32>
      %swap3A_1008 = vector.shape_cast %add3A_1003 : vector<16xf32> to vector<1x16xf32>
      tpu.vector_store %arg14[%swap3A_1004, %swap3A_1005], %swap3A_1008 {strides = array<i32>} : memref<128x64xf32, #tpu.memory_space<vmem>>, vector<1x16xf32>,
      %add3A_1009 = arith.constant 8 : i32
      %add3A_1010 = arith.addi %add3A_930, %add3A_1009 : i32
      %mul3A_1011 = arith.constant 104 : i32
      %mul3A_1012 = arith.muli %add3A_1010, %mul3A_1011 : i32
      %dma_start3A_1013 = tpu.memref_slice %arg5[%mul3A_1012] : memref<6656xi32, #tpu.memory_space<vmem>> -> memref<104xi32, #tpu.memory_space<vmem>>
      %dma_start3A_1014 = arith.constant 0 : i32
      %dma_start3A_1015 = arith.constant 0 : i32
      %dma_start3A_1016 = tpu.memref_slice %arg3[%dma_start3A_1014, %dma_start3A_1015] : memref<1000000x64xf32, #tpu.memory_space<hbm>> -> memref<1000000x64xf32, #tpu.memory_space<hbm>>
      tpu.enqueue_indirect_dma source(%dma_start3A_1016 : memref<1000000x64xf32, #tpu.memory_space<hbm>>) target(%arg9 : memref<104x64xf32, #tpu.memory_space<vmem>>) offsets(%dma_start3A_1013 : memref<104xi32, #tpu.memory_space<vmem>>) semaphore(%arg18 : memref<!tpu.dma_semaphore, #tpu.memory_space<semaphore_mem>>)
      %add3A_1017 = arith.constant 4 : i32
      %add3A_1018 = arith.addi %mul3A_664, %add3A_1017 : i32
      %mul3A_1019 = arith.constant 104 : i32
      %mul3A_1020 = arith.muli %add3A_1018, %mul3A_1019 : i32
      %dma_wait3A_1021 = tpu.memref_slice %arg5[%mul3A_1020] : memref<6656xi32, #tpu.memory_space<vmem>> -> memref<104xi32, #tpu.memory_space<vmem>>
      %dma_wait3A_1022 = arith.constant 0 : i32
      %dma_wait3A_1023 = arith.constant 0 : i32
      %dma_wait3A_1024 = tpu.memref_slice %arg3[%dma_wait3A_1022, %dma_wait3A_1023] : memref<1000000x64xf32, #tpu.memory_space<hbm>> -> memref<1000000x64xf32, #tpu.memory_space<hbm>>
      tpu.wait_indirect_dma semaphore(%arg19 : memref<!tpu.dma_semaphore, #tpu.memory_space<semaphore_mem>>) src(%dma_wait3A_1024 : memref<1000000x64xf32, #tpu.memory_space<hbm>>) dst(%arg10 : memref<104x64xf32, #tpu.memory_space<vmem>>)
      %broadcast_in_dim3A_1025 = arith.constant 0.000000e+00 : f32
      %broadcast_in_dim3A_1026 = vector.broadcast %broadcast_in_dim3A_1025 : f32 to vector<16xf32>
      %scan3A_1027 = arith.constant 0 : i32
      %scan3A_1028 = arith.constant 25 : i32
      %scan3A_1029 = arith.addi %scan3A_1027, %scan3A_1028 : i32
      %scan3A_1030 = arith.constant 1 : i32
      %scan3A_1031:8 = scf.for %scan3A_1369 = %scan3A_1027 to %scan3A_1029 step %scan3A_1030 iter_args(%scan3A_1370 = %broadcast_in_dim3A_1026, %scan3A_1371 = %broadcast_in_dim3A_1026, %scan3A_1372 = %broadcast_in_dim3A_1026, %scan3A_1373 = %broadcast_in_dim3A_1026, %scan3A_1374 = %broadcast_in_dim3A_1026, %scan3A_1375 = %broadcast_in_dim3A_1026, %scan3A_1376 = %broadcast_in_dim3A_1026, %scan3A_1377 = %broadcast_in_dim3A_1026) -> (vector<16xf32>, vector<16xf32>, vector<16xf32>, vector<16xf32>, vector<16xf32>, vector<16xf32>, vector<16xf32>, vector<16xf32>)  : i32 {
        %mul3A_1378 = arith.constant 2 : i32
        %mul3A_1379 = arith.muli %mul3A_1378, %scan3A_1369 : i32
        %add3A_1380 = arith.constant 0 : i32
        %add3A_1381 = arith.addi %add3A_1380, %mul3A_1379 : i32
        %get3A = arith.index_cast %add3A_1381 : i32 to index
        %get3A_1382 = arith.constant 0 : index
        %get3A_1383 = tpu.vector_load %arg10[%get3A, %get3A_1382] {strides = array<i32>} : memref<104x64xf32, #tpu.memory_space<vmem>>, vector<1x16xf32>,
        %get3A_1384 = vector.shape_cast %get3A_1383 : vector<1x16xf32> to vector<16xf32>
        %add3A_1385 = arith.addf %scan3A_1370, %get3A_1384 : vector<16xf32>
        %get3A_1386 = arith.index_cast %add3A_1381 : i32 to index
        %get3A_1387 = arith.constant 16 : index
        %get3A_1388 = tpu.vector_load %arg10[%get3A_1386, %get3A_1387] {strides = array<i32>} : memref<104x64xf32, #tpu.memory_space<vmem>>, vector<1x16xf32>,
        %get3A_1389 = vector.shape_cast %get3A_1388 : vector<1x16xf32> to vector<16xf32>
        %add3A_1390 = arith.addf %scan3A_1371, %get3A_1389 : vector<16xf32>
        %get3A_1391 = arith.index_cast %add3A_1381 : i32 to index
        %get3A_1392 = arith.constant 32 : index
        %get3A_1393 = tpu.vector_load %arg10[%get3A_1391, %get3A_1392] {strides = array<i32>} : memref<104x64xf32, #tpu.memory_space<vmem>>, vector<1x16xf32>,
        %get3A_1394 = vector.shape_cast %get3A_1393 : vector<1x16xf32> to vector<16xf32>
        %add3A_1395 = arith.addf %scan3A_1372, %get3A_1394 : vector<16xf32>
        %get3A_1396 = arith.index_cast %add3A_1381 : i32 to index
        %get3A_1397 = arith.constant 48 : index
        %get3A_1398 = tpu.vector_load %arg10[%get3A_1396, %get3A_1397] {strides = array<i32>} : memref<104x64xf32, #tpu.memory_space<vmem>>, vector<1x16xf32>,
        %get3A_1399 = vector.shape_cast %get3A_1398 : vector<1x16xf32> to vector<16xf32>
        %add3A_1400 = arith.addf %scan3A_1373, %get3A_1399 : vector<16xf32>
        %add3A_1401 = arith.constant 1 : i32
        %add3A_1402 = arith.addi %add3A_1381, %add3A_1401 : i32
        %get3A_1403 = arith.index_cast %add3A_1402 : i32 to index
        %get3A_1404 = arith.constant 0 : index
        %get3A_1405 = tpu.vector_load %arg10[%get3A_1403, %get3A_1404] {strides = array<i32>} : memref<104x64xf32, #tpu.memory_space<vmem>>, vector<1x16xf32>,
        %get3A_1406 = vector.shape_cast %get3A_1405 : vector<1x16xf32> to vector<16xf32>
        %add3A_1407 = arith.addf %scan3A_1374, %get3A_1406 : vector<16xf32>
        %add3A_1408 = arith.constant 1 : i32
        %add3A_1409 = arith.addi %add3A_1381, %add3A_1408 : i32
        %get3A_1410 = arith.index_cast %add3A_1409 : i32 to index
        %get3A_1411 = arith.constant 16 : index
        %get3A_1412 = tpu.vector_load %arg10[%get3A_1410, %get3A_1411] {strides = array<i32>} : memref<104x64xf32, #tpu.memory_space<vmem>>, vector<1x16xf32>,
        %get3A_1413 = vector.shape_cast %get3A_1412 : vector<1x16xf32> to vector<16xf32>
        %add3A_1414 = arith.addf %scan3A_1375, %get3A_1413 : vector<16xf32>
        %add3A_1415 = arith.constant 1 : i32
        %add3A_1416 = arith.addi %add3A_1381, %add3A_1415 : i32
        %get3A_1417 = arith.index_cast %add3A_1416 : i32 to index
        %get3A_1418 = arith.constant 32 : index
        %get3A_1419 = tpu.vector_load %arg10[%get3A_1417, %get3A_1418] {strides = array<i32>} : memref<104x64xf32, #tpu.memory_space<vmem>>, vector<1x16xf32>,
        %get3A_1420 = vector.shape_cast %get3A_1419 : vector<1x16xf32> to vector<16xf32>
        %add3A_1421 = arith.addf %scan3A_1376, %get3A_1420 : vector<16xf32>
        %add3A_1422 = arith.constant 1 : i32
        %add3A_1423 = arith.addi %add3A_1381, %add3A_1422 : i32
        %get3A_1424 = arith.index_cast %add3A_1423 : i32 to index
        %get3A_1425 = arith.constant 48 : index
        %get3A_1426 = tpu.vector_load %arg10[%get3A_1424, %get3A_1425] {strides = array<i32>} : memref<104x64xf32, #tpu.memory_space<vmem>>, vector<1x16xf32>,
        %get3A_1427 = vector.shape_cast %get3A_1426 : vector<1x16xf32> to vector<16xf32>
        %add3A_1428 = arith.addf %scan3A_1377, %get3A_1427 : vector<16xf32>
        scf.yield %add3A_1385, %add3A_1390, %add3A_1395, %add3A_1400, %add3A_1407, %add3A_1414, %add3A_1421, %add3A_1428 : vector<16xf32>, vector<16xf32>, vector<16xf32>, vector<16xf32>, vector<16xf32>, vector<16xf32>, vector<16xf32>, vector<16xf32>
      }
      %scan3A_1032 = arith.constant 25 : i32
      %mul3A_1033 = arith.constant 2 : i32
      %mul3A_1034 = arith.muli %add3A_1018, %mul3A_1033 : i32
      %add3A_1035 = arith.constant 0 : i32
      %add3A_1036 = arith.addi %mul3A_1034, %add3A_1035 : i32
      %add3A_1037 = arith.addf %scan3A_1031#0, %scan3A_1031#4 : vector<16xf32>
      %swap3A_1038 = arith.index_cast %add3A_1036 : i32 to index
      %swap3A_1039 = arith.constant 0 : index
      %swap3A_1040 = tpu.vector_load %arg14[%swap3A_1038, %swap3A_1039] {strides = array<i32>} : memref<128x64xf32, #tpu.memory_space<vmem>>, vector<1x16xf32>,
      %swap3A_1041 = vector.shape_cast %swap3A_1040 : vector<1x16xf32> to vector<16xf32>
      %swap3A_1042 = vector.shape_cast %add3A_1037 : vector<16xf32> to vector<1x16xf32>
      tpu.vector_store %arg14[%swap3A_1038, %swap3A_1039], %swap3A_1042 {strides = array<i32>} : memref<128x64xf32, #tpu.memory_space<vmem>>, vector<1x16xf32>,
      %add3A_1043 = arith.addf %scan3A_1031#1, %scan3A_1031#5 : vector<16xf32>
      %swap3A_1044 = arith.index_cast %add3A_1036 : i32 to index
      %swap3A_1045 = arith.constant 16 : index
      %swap3A_1046 = tpu.vector_load %arg14[%swap3A_1044, %swap3A_1045] {strides = array<i32>} : memref<128x64xf32, #tpu.memory_space<vmem>>, vector<1x16xf32>,
      %swap3A_1047 = vector.shape_cast %swap3A_1046 : vector<1x16xf32> to vector<16xf32>
      %swap3A_1048 = vector.shape_cast %add3A_1043 : vector<16xf32> to vector<1x16xf32>
      tpu.vector_store %arg14[%swap3A_1044, %swap3A_1045], %swap3A_1048 {strides = array<i32>} : memref<128x64xf32, #tpu.memory_space<vmem>>, vector<1x16xf32>,
      %add3A_1049 = arith.addf %scan3A_1031#2, %scan3A_1031#6 : vector<16xf32>
      %swap3A_1050 = arith.index_cast %add3A_1036 : i32 to index
      %swap3A_1051 = arith.constant 32 : index
      %swap3A_1052 = tpu.vector_load %arg14[%swap3A_1050, %swap3A_1051] {strides = array<i32>} : memref<128x64xf32, #tpu.memory_space<vmem>>, vector<1x16xf32>,
      %swap3A_1053 = vector.shape_cast %swap3A_1052 : vector<1x16xf32> to vector<16xf32>
      %swap3A_1054 = vector.shape_cast %add3A_1049 : vector<16xf32> to vector<1x16xf32>
      tpu.vector_store %arg14[%swap3A_1050, %swap3A_1051], %swap3A_1054 {strides = array<i32>} : memref<128x64xf32, #tpu.memory_space<vmem>>, vector<1x16xf32>,
      %add3A_1055 = arith.addf %scan3A_1031#3, %scan3A_1031#7 : vector<16xf32>
      %swap3A_1056 = arith.index_cast %add3A_1036 : i32 to index
      %swap3A_1057 = arith.constant 48 : index
      %swap3A_1058 = tpu.vector_load %arg14[%swap3A_1056, %swap3A_1057] {strides = array<i32>} : memref<128x64xf32, #tpu.memory_space<vmem>>, vector<1x16xf32>,
      %swap3A_1059 = vector.shape_cast %swap3A_1058 : vector<1x16xf32> to vector<16xf32>
      %swap3A_1060 = vector.shape_cast %add3A_1055 : vector<16xf32> to vector<1x16xf32>
      tpu.vector_store %arg14[%swap3A_1056, %swap3A_1057], %swap3A_1060 {strides = array<i32>} : memref<128x64xf32, #tpu.memory_space<vmem>>, vector<1x16xf32>,
      %broadcast_in_dim3A_1061 = arith.constant 0.000000e+00 : f32
      %broadcast_in_dim3A_1062 = vector.broadcast %broadcast_in_dim3A_1061 : f32 to vector<16xf32>
      %scan3A_1063 = arith.constant 0 : i32
      %scan3A_1064 = arith.constant 25 : i32
      %scan3A_1065 = arith.addi %scan3A_1063, %scan3A_1064 : i32
      %scan3A_1066 = arith.constant 1 : i32
      %scan3A_1067:8 = scf.for %scan3A_1369 = %scan3A_1063 to %scan3A_1065 step %scan3A_1066 iter_args(%scan3A_1370 = %broadcast_in_dim3A_1062, %scan3A_1371 = %broadcast_in_dim3A_1062, %scan3A_1372 = %broadcast_in_dim3A_1062, %scan3A_1373 = %broadcast_in_dim3A_1062, %scan3A_1374 = %broadcast_in_dim3A_1062, %scan3A_1375 = %broadcast_in_dim3A_1062, %scan3A_1376 = %broadcast_in_dim3A_1062, %scan3A_1377 = %broadcast_in_dim3A_1062) -> (vector<16xf32>, vector<16xf32>, vector<16xf32>, vector<16xf32>, vector<16xf32>, vector<16xf32>, vector<16xf32>, vector<16xf32>)  : i32 {
        %mul3A_1378 = arith.constant 2 : i32
        %mul3A_1379 = arith.muli %mul3A_1378, %scan3A_1369 : i32
        %add3A_1380 = arith.constant 52 : i32
        %add3A_1381 = arith.addi %add3A_1380, %mul3A_1379 : i32
        %get3A = arith.index_cast %add3A_1381 : i32 to index
        %get3A_1382 = arith.constant 0 : index
        %get3A_1383 = tpu.vector_load %arg10[%get3A, %get3A_1382] {strides = array<i32>} : memref<104x64xf32, #tpu.memory_space<vmem>>, vector<1x16xf32>,
        %get3A_1384 = vector.shape_cast %get3A_1383 : vector<1x16xf32> to vector<16xf32>
        %add3A_1385 = arith.addf %scan3A_1370, %get3A_1384 : vector<16xf32>
        %get3A_1386 = arith.index_cast %add3A_1381 : i32 to index
        %get3A_1387 = arith.constant 16 : index
        %get3A_1388 = tpu.vector_load %arg10[%get3A_1386, %get3A_1387] {strides = array<i32>} : memref<104x64xf32, #tpu.memory_space<vmem>>, vector<1x16xf32>,
        %get3A_1389 = vector.shape_cast %get3A_1388 : vector<1x16xf32> to vector<16xf32>
        %add3A_1390 = arith.addf %scan3A_1371, %get3A_1389 : vector<16xf32>
        %get3A_1391 = arith.index_cast %add3A_1381 : i32 to index
        %get3A_1392 = arith.constant 32 : index
        %get3A_1393 = tpu.vector_load %arg10[%get3A_1391, %get3A_1392] {strides = array<i32>} : memref<104x64xf32, #tpu.memory_space<vmem>>, vector<1x16xf32>,
        %get3A_1394 = vector.shape_cast %get3A_1393 : vector<1x16xf32> to vector<16xf32>
        %add3A_1395 = arith.addf %scan3A_1372, %get3A_1394 : vector<16xf32>
        %get3A_1396 = arith.index_cast %add3A_1381 : i32 to index
        %get3A_1397 = arith.constant 48 : index
        %get3A_1398 = tpu.vector_load %arg10[%get3A_1396, %get3A_1397] {strides = array<i32>} : memref<104x64xf32, #tpu.memory_space<vmem>>, vector<1x16xf32>,
        %get3A_1399 = vector.shape_cast %get3A_1398 : vector<1x16xf32> to vector<16xf32>
        %add3A_1400 = arith.addf %scan3A_1373, %get3A_1399 : vector<16xf32>
        %add3A_1401 = arith.constant 1 : i32
        %add3A_1402 = arith.addi %add3A_1381, %add3A_1401 : i32
        %get3A_1403 = arith.index_cast %add3A_1402 : i32 to index
        %get3A_1404 = arith.constant 0 : index
        %get3A_1405 = tpu.vector_load %arg10[%get3A_1403, %get3A_1404] {strides = array<i32>} : memref<104x64xf32, #tpu.memory_space<vmem>>, vector<1x16xf32>,
        %get3A_1406 = vector.shape_cast %get3A_1405 : vector<1x16xf32> to vector<16xf32>
        %add3A_1407 = arith.addf %scan3A_1374, %get3A_1406 : vector<16xf32>
        %add3A_1408 = arith.constant 1 : i32
        %add3A_1409 = arith.addi %add3A_1381, %add3A_1408 : i32
        %get3A_1410 = arith.index_cast %add3A_1409 : i32 to index
        %get3A_1411 = arith.constant 16 : index
        %get3A_1412 = tpu.vector_load %arg10[%get3A_1410, %get3A_1411] {strides = array<i32>} : memref<104x64xf32, #tpu.memory_space<vmem>>, vector<1x16xf32>,
        %get3A_1413 = vector.shape_cast %get3A_1412 : vector<1x16xf32> to vector<16xf32>
        %add3A_1414 = arith.addf %scan3A_1375, %get3A_1413 : vector<16xf32>
        %add3A_1415 = arith.constant 1 : i32
        %add3A_1416 = arith.addi %add3A_1381, %add3A_1415 : i32
        %get3A_1417 = arith.index_cast %add3A_1416 : i32 to index
        %get3A_1418 = arith.constant 32 : index
        %get3A_1419 = tpu.vector_load %arg10[%get3A_1417, %get3A_1418] {strides = array<i32>} : memref<104x64xf32, #tpu.memory_space<vmem>>, vector<1x16xf32>,
        %get3A_1420 = vector.shape_cast %get3A_1419 : vector<1x16xf32> to vector<16xf32>
        %add3A_1421 = arith.addf %scan3A_1376, %get3A_1420 : vector<16xf32>
        %add3A_1422 = arith.constant 1 : i32
        %add3A_1423 = arith.addi %add3A_1381, %add3A_1422 : i32
        %get3A_1424 = arith.index_cast %add3A_1423 : i32 to index
        %get3A_1425 = arith.constant 48 : index
        %get3A_1426 = tpu.vector_load %arg10[%get3A_1424, %get3A_1425] {strides = array<i32>} : memref<104x64xf32, #tpu.memory_space<vmem>>, vector<1x16xf32>,
        %get3A_1427 = vector.shape_cast %get3A_1426 : vector<1x16xf32> to vector<16xf32>
        %add3A_1428 = arith.addf %scan3A_1377, %get3A_1427 : vector<16xf32>
        scf.yield %add3A_1385, %add3A_1390, %add3A_1395, %add3A_1400, %add3A_1407, %add3A_1414, %add3A_1421, %add3A_1428 : vector<16xf32>, vector<16xf32>, vector<16xf32>, vector<16xf32>, vector<16xf32>, vector<16xf32>, vector<16xf32>, vector<16xf32>
      }
      %scan3A_1068 = arith.constant 25 : i32
      %mul3A_1069 = arith.constant 2 : i32
      %mul3A_1070 = arith.muli %add3A_1018, %mul3A_1069 : i32
      %add3A_1071 = arith.constant 1 : i32
      %add3A_1072 = arith.addi %mul3A_1070, %add3A_1071 : i32
      %add3A_1073 = arith.addf %scan3A_1067#0, %scan3A_1067#4 : vector<16xf32>
      %swap3A_1074 = arith.index_cast %add3A_1072 : i32 to index
      %swap3A_1075 = arith.constant 0 : index
      %swap3A_1076 = tpu.vector_load %arg14[%swap3A_1074, %swap3A_1075] {strides = array<i32>} : memref<128x64xf32, #tpu.memory_space<vmem>>, vector<1x16xf32>,
      %swap3A_1077 = vector.shape_cast %swap3A_1076 : vector<1x16xf32> to vector<16xf32>
      %swap3A_1078 = vector.shape_cast %add3A_1073 : vector<16xf32> to vector<1x16xf32>
      tpu.vector_store %arg14[%swap3A_1074, %swap3A_1075], %swap3A_1078 {strides = array<i32>} : memref<128x64xf32, #tpu.memory_space<vmem>>, vector<1x16xf32>,
      %add3A_1079 = arith.addf %scan3A_1067#1, %scan3A_1067#5 : vector<16xf32>
      %swap3A_1080 = arith.index_cast %add3A_1072 : i32 to index
      %swap3A_1081 = arith.constant 16 : index
      %swap3A_1082 = tpu.vector_load %arg14[%swap3A_1080, %swap3A_1081] {strides = array<i32>} : memref<128x64xf32, #tpu.memory_space<vmem>>, vector<1x16xf32>,
      %swap3A_1083 = vector.shape_cast %swap3A_1082 : vector<1x16xf32> to vector<16xf32>
      %swap3A_1084 = vector.shape_cast %add3A_1079 : vector<16xf32> to vector<1x16xf32>
      tpu.vector_store %arg14[%swap3A_1080, %swap3A_1081], %swap3A_1084 {strides = array<i32>} : memref<128x64xf32, #tpu.memory_space<vmem>>, vector<1x16xf32>,
      %add3A_1085 = arith.addf %scan3A_1067#2, %scan3A_1067#6 : vector<16xf32>
      %swap3A_1086 = arith.index_cast %add3A_1072 : i32 to index
      %swap3A_1087 = arith.constant 32 : index
      %swap3A_1088 = tpu.vector_load %arg14[%swap3A_1086, %swap3A_1087] {strides = array<i32>} : memref<128x64xf32, #tpu.memory_space<vmem>>, vector<1x16xf32>,
      %swap3A_1089 = vector.shape_cast %swap3A_1088 : vector<1x16xf32> to vector<16xf32>
      %swap3A_1090 = vector.shape_cast %add3A_1085 : vector<16xf32> to vector<1x16xf32>
      tpu.vector_store %arg14[%swap3A_1086, %swap3A_1087], %swap3A_1090 {strides = array<i32>} : memref<128x64xf32, #tpu.memory_space<vmem>>, vector<1x16xf32>,
      %add3A_1091 = arith.addf %scan3A_1067#3, %scan3A_1067#7 : vector<16xf32>
      %swap3A_1092 = arith.index_cast %add3A_1072 : i32 to index
      %swap3A_1093 = arith.constant 48 : index
      %swap3A_1094 = tpu.vector_load %arg14[%swap3A_1092, %swap3A_1093] {strides = array<i32>} : memref<128x64xf32, #tpu.memory_space<vmem>>, vector<1x16xf32>,
      %swap3A_1095 = vector.shape_cast %swap3A_1094 : vector<1x16xf32> to vector<16xf32>
      %swap3A_1096 = vector.shape_cast %add3A_1091 : vector<16xf32> to vector<1x16xf32>
      tpu.vector_store %arg14[%swap3A_1092, %swap3A_1093], %swap3A_1096 {strides = array<i32>} : memref<128x64xf32, #tpu.memory_space<vmem>>, vector<1x16xf32>,
      %add3A_1097 = arith.constant 8 : i32
      %add3A_1098 = arith.addi %add3A_1018, %add3A_1097 : i32
      %mul3A_1099 = arith.constant 104 : i32
      %mul3A_1100 = arith.muli %add3A_1098, %mul3A_1099 : i32
      %dma_start3A_1101 = tpu.memref_slice %arg5[%mul3A_1100] : memref<6656xi32, #tpu.memory_space<vmem>> -> memref<104xi32, #tpu.memory_space<vmem>>
      %dma_start3A_1102 = arith.constant 0 : i32
      %dma_start3A_1103 = arith.constant 0 : i32
      %dma_start3A_1104 = tpu.memref_slice %arg3[%dma_start3A_1102, %dma_start3A_1103] : memref<1000000x64xf32, #tpu.memory_space<hbm>> -> memref<1000000x64xf32, #tpu.memory_space<hbm>>
      tpu.enqueue_indirect_dma source(%dma_start3A_1104 : memref<1000000x64xf32, #tpu.memory_space<hbm>>) target(%arg10 : memref<104x64xf32, #tpu.memory_space<vmem>>) offsets(%dma_start3A_1101 : memref<104xi32, #tpu.memory_space<vmem>>) semaphore(%arg19 : memref<!tpu.dma_semaphore, #tpu.memory_space<semaphore_mem>>)
      %add3A_1105 = arith.constant 5 : i32
      %add3A_1106 = arith.addi %mul3A_664, %add3A_1105 : i32
      %mul3A_1107 = arith.constant 104 : i32
      %mul3A_1108 = arith.muli %add3A_1106, %mul3A_1107 : i32
      %dma_wait3A_1109 = tpu.memref_slice %arg5[%mul3A_1108] : memref<6656xi32, #tpu.memory_space<vmem>> -> memref<104xi32, #tpu.memory_space<vmem>>
      %dma_wait3A_1110 = arith.constant 0 : i32
      %dma_wait3A_1111 = arith.constant 0 : i32
      %dma_wait3A_1112 = tpu.memref_slice %arg3[%dma_wait3A_1110, %dma_wait3A_1111] : memref<1000000x64xf32, #tpu.memory_space<hbm>> -> memref<1000000x64xf32, #tpu.memory_space<hbm>>
      tpu.wait_indirect_dma semaphore(%arg20 : memref<!tpu.dma_semaphore, #tpu.memory_space<semaphore_mem>>) src(%dma_wait3A_1112 : memref<1000000x64xf32, #tpu.memory_space<hbm>>) dst(%arg11 : memref<104x64xf32, #tpu.memory_space<vmem>>)
      %broadcast_in_dim3A_1113 = arith.constant 0.000000e+00 : f32
      %broadcast_in_dim3A_1114 = vector.broadcast %broadcast_in_dim3A_1113 : f32 to vector<16xf32>
      %scan3A_1115 = arith.constant 0 : i32
      %scan3A_1116 = arith.constant 25 : i32
      %scan3A_1117 = arith.addi %scan3A_1115, %scan3A_1116 : i32
      %scan3A_1118 = arith.constant 1 : i32
      %scan3A_1119:8 = scf.for %scan3A_1369 = %scan3A_1115 to %scan3A_1117 step %scan3A_1118 iter_args(%scan3A_1370 = %broadcast_in_dim3A_1114, %scan3A_1371 = %broadcast_in_dim3A_1114, %scan3A_1372 = %broadcast_in_dim3A_1114, %scan3A_1373 = %broadcast_in_dim3A_1114, %scan3A_1374 = %broadcast_in_dim3A_1114, %scan3A_1375 = %broadcast_in_dim3A_1114, %scan3A_1376 = %broadcast_in_dim3A_1114, %scan3A_1377 = %broadcast_in_dim3A_1114) -> (vector<16xf32>, vector<16xf32>, vector<16xf32>, vector<16xf32>, vector<16xf32>, vector<16xf32>, vector<16xf32>, vector<16xf32>)  : i32 {
        %mul3A_1378 = arith.constant 2 : i32
        %mul3A_1379 = arith.muli %mul3A_1378, %scan3A_1369 : i32
        %add3A_1380 = arith.constant 0 : i32
        %add3A_1381 = arith.addi %add3A_1380, %mul3A_1379 : i32
        %get3A = arith.index_cast %add3A_1381 : i32 to index
        %get3A_1382 = arith.constant 0 : index
        %get3A_1383 = tpu.vector_load %arg11[%get3A, %get3A_1382] {strides = array<i32>} : memref<104x64xf32, #tpu.memory_space<vmem>>, vector<1x16xf32>,
        %get3A_1384 = vector.shape_cast %get3A_1383 : vector<1x16xf32> to vector<16xf32>
        %add3A_1385 = arith.addf %scan3A_1370, %get3A_1384 : vector<16xf32>
        %get3A_1386 = arith.index_cast %add3A_1381 : i32 to index
        %get3A_1387 = arith.constant 16 : index
        %get3A_1388 = tpu.vector_load %arg11[%get3A_1386, %get3A_1387] {strides = array<i32>} : memref<104x64xf32, #tpu.memory_space<vmem>>, vector<1x16xf32>,
        %get3A_1389 = vector.shape_cast %get3A_1388 : vector<1x16xf32> to vector<16xf32>
        %add3A_1390 = arith.addf %scan3A_1371, %get3A_1389 : vector<16xf32>
        %get3A_1391 = arith.index_cast %add3A_1381 : i32 to index
        %get3A_1392 = arith.constant 32 : index
        %get3A_1393 = tpu.vector_load %arg11[%get3A_1391, %get3A_1392] {strides = array<i32>} : memref<104x64xf32, #tpu.memory_space<vmem>>, vector<1x16xf32>,
        %get3A_1394 = vector.shape_cast %get3A_1393 : vector<1x16xf32> to vector<16xf32>
        %add3A_1395 = arith.addf %scan3A_1372, %get3A_1394 : vector<16xf32>
        %get3A_1396 = arith.index_cast %add3A_1381 : i32 to index
        %get3A_1397 = arith.constant 48 : index
        %get3A_1398 = tpu.vector_load %arg11[%get3A_1396, %get3A_1397] {strides = array<i32>} : memref<104x64xf32, #tpu.memory_space<vmem>>, vector<1x16xf32>,
        %get3A_1399 = vector.shape_cast %get3A_1398 : vector<1x16xf32> to vector<16xf32>
        %add3A_1400 = arith.addf %scan3A_1373, %get3A_1399 : vector<16xf32>
        %add3A_1401 = arith.constant 1 : i32
        %add3A_1402 = arith.addi %add3A_1381, %add3A_1401 : i32
        %get3A_1403 = arith.index_cast %add3A_1402 : i32 to index
        %get3A_1404 = arith.constant 0 : index
        %get3A_1405 = tpu.vector_load %arg11[%get3A_1403, %get3A_1404] {strides = array<i32>} : memref<104x64xf32, #tpu.memory_space<vmem>>, vector<1x16xf32>,
        %get3A_1406 = vector.shape_cast %get3A_1405 : vector<1x16xf32> to vector<16xf32>
        %add3A_1407 = arith.addf %scan3A_1374, %get3A_1406 : vector<16xf32>
        %add3A_1408 = arith.constant 1 : i32
        %add3A_1409 = arith.addi %add3A_1381, %add3A_1408 : i32
        %get3A_1410 = arith.index_cast %add3A_1409 : i32 to index
        %get3A_1411 = arith.constant 16 : index
        %get3A_1412 = tpu.vector_load %arg11[%get3A_1410, %get3A_1411] {strides = array<i32>} : memref<104x64xf32, #tpu.memory_space<vmem>>, vector<1x16xf32>,
        %get3A_1413 = vector.shape_cast %get3A_1412 : vector<1x16xf32> to vector<16xf32>
        %add3A_1414 = arith.addf %scan3A_1375, %get3A_1413 : vector<16xf32>
        %add3A_1415 = arith.constant 1 : i32
        %add3A_1416 = arith.addi %add3A_1381, %add3A_1415 : i32
        %get3A_1417 = arith.index_cast %add3A_1416 : i32 to index
        %get3A_1418 = arith.constant 32 : index
        %get3A_1419 = tpu.vector_load %arg11[%get3A_1417, %get3A_1418] {strides = array<i32>} : memref<104x64xf32, #tpu.memory_space<vmem>>, vector<1x16xf32>,
        %get3A_1420 = vector.shape_cast %get3A_1419 : vector<1x16xf32> to vector<16xf32>
        %add3A_1421 = arith.addf %scan3A_1376, %get3A_1420 : vector<16xf32>
        %add3A_1422 = arith.constant 1 : i32
        %add3A_1423 = arith.addi %add3A_1381, %add3A_1422 : i32
        %get3A_1424 = arith.index_cast %add3A_1423 : i32 to index
        %get3A_1425 = arith.constant 48 : index
        %get3A_1426 = tpu.vector_load %arg11[%get3A_1424, %get3A_1425] {strides = array<i32>} : memref<104x64xf32, #tpu.memory_space<vmem>>, vector<1x16xf32>,
        %get3A_1427 = vector.shape_cast %get3A_1426 : vector<1x16xf32> to vector<16xf32>
        %add3A_1428 = arith.addf %scan3A_1377, %get3A_1427 : vector<16xf32>
        scf.yield %add3A_1385, %add3A_1390, %add3A_1395, %add3A_1400, %add3A_1407, %add3A_1414, %add3A_1421, %add3A_1428 : vector<16xf32>, vector<16xf32>, vector<16xf32>, vector<16xf32>, vector<16xf32>, vector<16xf32>, vector<16xf32>, vector<16xf32>
      }
      %scan3A_1120 = arith.constant 25 : i32
      %mul3A_1121 = arith.constant 2 : i32
      %mul3A_1122 = arith.muli %add3A_1106, %mul3A_1121 : i32
      %add3A_1123 = arith.constant 0 : i32
      %add3A_1124 = arith.addi %mul3A_1122, %add3A_1123 : i32
      %add3A_1125 = arith.addf %scan3A_1119#0, %scan3A_1119#4 : vector<16xf32>
      %swap3A_1126 = arith.index_cast %add3A_1124 : i32 to index
      %swap3A_1127 = arith.constant 0 : index
      %swap3A_1128 = tpu.vector_load %arg14[%swap3A_1126, %swap3A_1127] {strides = array<i32>} : memref<128x64xf32, #tpu.memory_space<vmem>>, vector<1x16xf32>,
      %swap3A_1129 = vector.shape_cast %swap3A_1128 : vector<1x16xf32> to vector<16xf32>
      %swap3A_1130 = vector.shape_cast %add3A_1125 : vector<16xf32> to vector<1x16xf32>
      tpu.vector_store %arg14[%swap3A_1126, %swap3A_1127], %swap3A_1130 {strides = array<i32>} : memref<128x64xf32, #tpu.memory_space<vmem>>, vector<1x16xf32>,
      %add3A_1131 = arith.addf %scan3A_1119#1, %scan3A_1119#5 : vector<16xf32>
      %swap3A_1132 = arith.index_cast %add3A_1124 : i32 to index
      %swap3A_1133 = arith.constant 16 : index
      %swap3A_1134 = tpu.vector_load %arg14[%swap3A_1132, %swap3A_1133] {strides = array<i32>} : memref<128x64xf32, #tpu.memory_space<vmem>>, vector<1x16xf32>,
      %swap3A_1135 = vector.shape_cast %swap3A_1134 : vector<1x16xf32> to vector<16xf32>
      %swap3A_1136 = vector.shape_cast %add3A_1131 : vector<16xf32> to vector<1x16xf32>
      tpu.vector_store %arg14[%swap3A_1132, %swap3A_1133], %swap3A_1136 {strides = array<i32>} : memref<128x64xf32, #tpu.memory_space<vmem>>, vector<1x16xf32>,
      %add3A_1137 = arith.addf %scan3A_1119#2, %scan3A_1119#6 : vector<16xf32>
      %swap3A_1138 = arith.index_cast %add3A_1124 : i32 to index
      %swap3A_1139 = arith.constant 32 : index
      %swap3A_1140 = tpu.vector_load %arg14[%swap3A_1138, %swap3A_1139] {strides = array<i32>} : memref<128x64xf32, #tpu.memory_space<vmem>>, vector<1x16xf32>,
      %swap3A_1141 = vector.shape_cast %swap3A_1140 : vector<1x16xf32> to vector<16xf32>
      %swap3A_1142 = vector.shape_cast %add3A_1137 : vector<16xf32> to vector<1x16xf32>
      tpu.vector_store %arg14[%swap3A_1138, %swap3A_1139], %swap3A_1142 {strides = array<i32>} : memref<128x64xf32, #tpu.memory_space<vmem>>, vector<1x16xf32>,
      %add3A_1143 = arith.addf %scan3A_1119#3, %scan3A_1119#7 : vector<16xf32>
      %swap3A_1144 = arith.index_cast %add3A_1124 : i32 to index
      %swap3A_1145 = arith.constant 48 : index
      %swap3A_1146 = tpu.vector_load %arg14[%swap3A_1144, %swap3A_1145] {strides = array<i32>} : memref<128x64xf32, #tpu.memory_space<vmem>>, vector<1x16xf32>,
      %swap3A_1147 = vector.shape_cast %swap3A_1146 : vector<1x16xf32> to vector<16xf32>
      %swap3A_1148 = vector.shape_cast %add3A_1143 : vector<16xf32> to vector<1x16xf32>
      tpu.vector_store %arg14[%swap3A_1144, %swap3A_1145], %swap3A_1148 {strides = array<i32>} : memref<128x64xf32, #tpu.memory_space<vmem>>, vector<1x16xf32>,
      %broadcast_in_dim3A_1149 = arith.constant 0.000000e+00 : f32
      %broadcast_in_dim3A_1150 = vector.broadcast %broadcast_in_dim3A_1149 : f32 to vector<16xf32>
      %scan3A_1151 = arith.constant 0 : i32
      %scan3A_1152 = arith.constant 25 : i32
      %scan3A_1153 = arith.addi %scan3A_1151, %scan3A_1152 : i32
      %scan3A_1154 = arith.constant 1 : i32
      %scan3A_1155:8 = scf.for %scan3A_1369 = %scan3A_1151 to %scan3A_1153 step %scan3A_1154 iter_args(%scan3A_1370 = %broadcast_in_dim3A_1150, %scan3A_1371 = %broadcast_in_dim3A_1150, %scan3A_1372 = %broadcast_in_dim3A_1150, %scan3A_1373 = %broadcast_in_dim3A_1150, %scan3A_1374 = %broadcast_in_dim3A_1150, %scan3A_1375 = %broadcast_in_dim3A_1150, %scan3A_1376 = %broadcast_in_dim3A_1150, %scan3A_1377 = %broadcast_in_dim3A_1150) -> (vector<16xf32>, vector<16xf32>, vector<16xf32>, vector<16xf32>, vector<16xf32>, vector<16xf32>, vector<16xf32>, vector<16xf32>)  : i32 {
        %mul3A_1378 = arith.constant 2 : i32
        %mul3A_1379 = arith.muli %mul3A_1378, %scan3A_1369 : i32
        %add3A_1380 = arith.constant 52 : i32
        %add3A_1381 = arith.addi %add3A_1380, %mul3A_1379 : i32
        %get3A = arith.index_cast %add3A_1381 : i32 to index
        %get3A_1382 = arith.constant 0 : index
        %get3A_1383 = tpu.vector_load %arg11[%get3A, %get3A_1382] {strides = array<i32>} : memref<104x64xf32, #tpu.memory_space<vmem>>, vector<1x16xf32>,
        %get3A_1384 = vector.shape_cast %get3A_1383 : vector<1x16xf32> to vector<16xf32>
        %add3A_1385 = arith.addf %scan3A_1370, %get3A_1384 : vector<16xf32>
        %get3A_1386 = arith.index_cast %add3A_1381 : i32 to index
        %get3A_1387 = arith.constant 16 : index
        %get3A_1388 = tpu.vector_load %arg11[%get3A_1386, %get3A_1387] {strides = array<i32>} : memref<104x64xf32, #tpu.memory_space<vmem>>, vector<1x16xf32>,
        %get3A_1389 = vector.shape_cast %get3A_1388 : vector<1x16xf32> to vector<16xf32>
        %add3A_1390 = arith.addf %scan3A_1371, %get3A_1389 : vector<16xf32>
        %get3A_1391 = arith.index_cast %add3A_1381 : i32 to index
        %get3A_1392 = arith.constant 32 : index
        %get3A_1393 = tpu.vector_load %arg11[%get3A_1391, %get3A_1392] {strides = array<i32>} : memref<104x64xf32, #tpu.memory_space<vmem>>, vector<1x16xf32>,
        %get3A_1394 = vector.shape_cast %get3A_1393 : vector<1x16xf32> to vector<16xf32>
        %add3A_1395 = arith.addf %scan3A_1372, %get3A_1394 : vector<16xf32>
        %get3A_1396 = arith.index_cast %add3A_1381 : i32 to index
        %get3A_1397 = arith.constant 48 : index
        %get3A_1398 = tpu.vector_load %arg11[%get3A_1396, %get3A_1397] {strides = array<i32>} : memref<104x64xf32, #tpu.memory_space<vmem>>, vector<1x16xf32>,
        %get3A_1399 = vector.shape_cast %get3A_1398 : vector<1x16xf32> to vector<16xf32>
        %add3A_1400 = arith.addf %scan3A_1373, %get3A_1399 : vector<16xf32>
        %add3A_1401 = arith.constant 1 : i32
        %add3A_1402 = arith.addi %add3A_1381, %add3A_1401 : i32
        %get3A_1403 = arith.index_cast %add3A_1402 : i32 to index
        %get3A_1404 = arith.constant 0 : index
        %get3A_1405 = tpu.vector_load %arg11[%get3A_1403, %get3A_1404] {strides = array<i32>} : memref<104x64xf32, #tpu.memory_space<vmem>>, vector<1x16xf32>,
        %get3A_1406 = vector.shape_cast %get3A_1405 : vector<1x16xf32> to vector<16xf32>
        %add3A_1407 = arith.addf %scan3A_1374, %get3A_1406 : vector<16xf32>
        %add3A_1408 = arith.constant 1 : i32
        %add3A_1409 = arith.addi %add3A_1381, %add3A_1408 : i32
        %get3A_1410 = arith.index_cast %add3A_1409 : i32 to index
        %get3A_1411 = arith.constant 16 : index
        %get3A_1412 = tpu.vector_load %arg11[%get3A_1410, %get3A_1411] {strides = array<i32>} : memref<104x64xf32, #tpu.memory_space<vmem>>, vector<1x16xf32>,
        %get3A_1413 = vector.shape_cast %get3A_1412 : vector<1x16xf32> to vector<16xf32>
        %add3A_1414 = arith.addf %scan3A_1375, %get3A_1413 : vector<16xf32>
        %add3A_1415 = arith.constant 1 : i32
        %add3A_1416 = arith.addi %add3A_1381, %add3A_1415 : i32
        %get3A_1417 = arith.index_cast %add3A_1416 : i32 to index
        %get3A_1418 = arith.constant 32 : index
        %get3A_1419 = tpu.vector_load %arg11[%get3A_1417, %get3A_1418] {strides = array<i32>} : memref<104x64xf32, #tpu.memory_space<vmem>>, vector<1x16xf32>,
        %get3A_1420 = vector.shape_cast %get3A_1419 : vector<1x16xf32> to vector<16xf32>
        %add3A_1421 = arith.addf %scan3A_1376, %get3A_1420 : vector<16xf32>
        %add3A_1422 = arith.constant 1 : i32
        %add3A_1423 = arith.addi %add3A_1381, %add3A_1422 : i32
        %get3A_1424 = arith.index_cast %add3A_1423 : i32 to index
        %get3A_1425 = arith.constant 48 : index
        %get3A_1426 = tpu.vector_load %arg11[%get3A_1424, %get3A_1425] {strides = array<i32>} : memref<104x64xf32, #tpu.memory_space<vmem>>, vector<1x16xf32>,
        %get3A_1427 = vector.shape_cast %get3A_1426 : vector<1x16xf32> to vector<16xf32>
        %add3A_1428 = arith.addf %scan3A_1377, %get3A_1427 : vector<16xf32>
        scf.yield %add3A_1385, %add3A_1390, %add3A_1395, %add3A_1400, %add3A_1407, %add3A_1414, %add3A_1421, %add3A_1428 : vector<16xf32>, vector<16xf32>, vector<16xf32>, vector<16xf32>, vector<16xf32>, vector<16xf32>, vector<16xf32>, vector<16xf32>
      }
      %scan3A_1156 = arith.constant 25 : i32
      %mul3A_1157 = arith.constant 2 : i32
      %mul3A_1158 = arith.muli %add3A_1106, %mul3A_1157 : i32
      %add3A_1159 = arith.constant 1 : i32
      %add3A_1160 = arith.addi %mul3A_1158, %add3A_1159 : i32
      %add3A_1161 = arith.addf %scan3A_1155#0, %scan3A_1155#4 : vector<16xf32>
      %swap3A_1162 = arith.index_cast %add3A_1160 : i32 to index
      %swap3A_1163 = arith.constant 0 : index
      %swap3A_1164 = tpu.vector_load %arg14[%swap3A_1162, %swap3A_1163] {strides = array<i32>} : memref<128x64xf32, #tpu.memory_space<vmem>>, vector<1x16xf32>,
      %swap3A_1165 = vector.shape_cast %swap3A_1164 : vector<1x16xf32> to vector<16xf32>
      %swap3A_1166 = vector.shape_cast %add3A_1161 : vector<16xf32> to vector<1x16xf32>
      tpu.vector_store %arg14[%swap3A_1162, %swap3A_1163], %swap3A_1166 {strides = array<i32>} : memref<128x64xf32, #tpu.memory_space<vmem>>, vector<1x16xf32>,
      %add3A_1167 = arith.addf %scan3A_1155#1, %scan3A_1155#5 : vector<16xf32>
      %swap3A_1168 = arith.index_cast %add3A_1160 : i32 to index
      %swap3A_1169 = arith.constant 16 : index
      %swap3A_1170 = tpu.vector_load %arg14[%swap3A_1168, %swap3A_1169] {strides = array<i32>} : memref<128x64xf32, #tpu.memory_space<vmem>>, vector<1x16xf32>,
      %swap3A_1171 = vector.shape_cast %swap3A_1170 : vector<1x16xf32> to vector<16xf32>
      %swap3A_1172 = vector.shape_cast %add3A_1167 : vector<16xf32> to vector<1x16xf32>
      tpu.vector_store %arg14[%swap3A_1168, %swap3A_1169], %swap3A_1172 {strides = array<i32>} : memref<128x64xf32, #tpu.memory_space<vmem>>, vector<1x16xf32>,
      %add3A_1173 = arith.addf %scan3A_1155#2, %scan3A_1155#6 : vector<16xf32>
      %swap3A_1174 = arith.index_cast %add3A_1160 : i32 to index
      %swap3A_1175 = arith.constant 32 : index
      %swap3A_1176 = tpu.vector_load %arg14[%swap3A_1174, %swap3A_1175] {strides = array<i32>} : memref<128x64xf32, #tpu.memory_space<vmem>>, vector<1x16xf32>,
      %swap3A_1177 = vector.shape_cast %swap3A_1176 : vector<1x16xf32> to vector<16xf32>
      %swap3A_1178 = vector.shape_cast %add3A_1173 : vector<16xf32> to vector<1x16xf32>
      tpu.vector_store %arg14[%swap3A_1174, %swap3A_1175], %swap3A_1178 {strides = array<i32>} : memref<128x64xf32, #tpu.memory_space<vmem>>, vector<1x16xf32>,
      %add3A_1179 = arith.addf %scan3A_1155#3, %scan3A_1155#7 : vector<16xf32>
      %swap3A_1180 = arith.index_cast %add3A_1160 : i32 to index
      %swap3A_1181 = arith.constant 48 : index
      %swap3A_1182 = tpu.vector_load %arg14[%swap3A_1180, %swap3A_1181] {strides = array<i32>} : memref<128x64xf32, #tpu.memory_space<vmem>>, vector<1x16xf32>,
      %swap3A_1183 = vector.shape_cast %swap3A_1182 : vector<1x16xf32> to vector<16xf32>
      %swap3A_1184 = vector.shape_cast %add3A_1179 : vector<16xf32> to vector<1x16xf32>
      tpu.vector_store %arg14[%swap3A_1180, %swap3A_1181], %swap3A_1184 {strides = array<i32>} : memref<128x64xf32, #tpu.memory_space<vmem>>, vector<1x16xf32>,
      %add3A_1185 = arith.constant 8 : i32
      %add3A_1186 = arith.addi %add3A_1106, %add3A_1185 : i32
      %mul3A_1187 = arith.constant 104 : i32
      %mul3A_1188 = arith.muli %add3A_1186, %mul3A_1187 : i32
      %dma_start3A_1189 = tpu.memref_slice %arg5[%mul3A_1188] : memref<6656xi32, #tpu.memory_space<vmem>> -> memref<104xi32, #tpu.memory_space<vmem>>
      %dma_start3A_1190 = arith.constant 0 : i32
      %dma_start3A_1191 = arith.constant 0 : i32
      %dma_start3A_1192 = tpu.memref_slice %arg3[%dma_start3A_1190, %dma_start3A_1191] : memref<1000000x64xf32, #tpu.memory_space<hbm>> -> memref<1000000x64xf32, #tpu.memory_space<hbm>>
      tpu.enqueue_indirect_dma source(%dma_start3A_1192 : memref<1000000x64xf32, #tpu.memory_space<hbm>>) target(%arg11 : memref<104x64xf32, #tpu.memory_space<vmem>>) offsets(%dma_start3A_1189 : memref<104xi32, #tpu.memory_space<vmem>>) semaphore(%arg20 : memref<!tpu.dma_semaphore, #tpu.memory_space<semaphore_mem>>)
      %add3A_1193 = arith.constant 6 : i32
      %add3A_1194 = arith.addi %mul3A_664, %add3A_1193 : i32
      %mul3A_1195 = arith.constant 104 : i32
      %mul3A_1196 = arith.muli %add3A_1194, %mul3A_1195 : i32
      %dma_wait3A_1197 = tpu.memref_slice %arg5[%mul3A_1196] : memref<6656xi32, #tpu.memory_space<vmem>> -> memref<104xi32, #tpu.memory_space<vmem>>
      %dma_wait3A_1198 = arith.constant 0 : i32
      %dma_wait3A_1199 = arith.constant 0 : i32
      %dma_wait3A_1200 = tpu.memref_slice %arg3[%dma_wait3A_1198, %dma_wait3A_1199] : memref<1000000x64xf32, #tpu.memory_space<hbm>> -> memref<1000000x64xf32, #tpu.memory_space<hbm>>
      tpu.wait_indirect_dma semaphore(%arg21 : memref<!tpu.dma_semaphore, #tpu.memory_space<semaphore_mem>>) src(%dma_wait3A_1200 : memref<1000000x64xf32, #tpu.memory_space<hbm>>) dst(%arg12 : memref<104x64xf32, #tpu.memory_space<vmem>>)
      %broadcast_in_dim3A_1201 = arith.constant 0.000000e+00 : f32
      %broadcast_in_dim3A_1202 = vector.broadcast %broadcast_in_dim3A_1201 : f32 to vector<16xf32>
      %scan3A_1203 = arith.constant 0 : i32
      %scan3A_1204 = arith.constant 25 : i32
      %scan3A_1205 = arith.addi %scan3A_1203, %scan3A_1204 : i32
      %scan3A_1206 = arith.constant 1 : i32
      %scan3A_1207:8 = scf.for %scan3A_1369 = %scan3A_1203 to %scan3A_1205 step %scan3A_1206 iter_args(%scan3A_1370 = %broadcast_in_dim3A_1202, %scan3A_1371 = %broadcast_in_dim3A_1202, %scan3A_1372 = %broadcast_in_dim3A_1202, %scan3A_1373 = %broadcast_in_dim3A_1202, %scan3A_1374 = %broadcast_in_dim3A_1202, %scan3A_1375 = %broadcast_in_dim3A_1202, %scan3A_1376 = %broadcast_in_dim3A_1202, %scan3A_1377 = %broadcast_in_dim3A_1202) -> (vector<16xf32>, vector<16xf32>, vector<16xf32>, vector<16xf32>, vector<16xf32>, vector<16xf32>, vector<16xf32>, vector<16xf32>)  : i32 {
        %mul3A_1378 = arith.constant 2 : i32
        %mul3A_1379 = arith.muli %mul3A_1378, %scan3A_1369 : i32
        %add3A_1380 = arith.constant 0 : i32
        %add3A_1381 = arith.addi %add3A_1380, %mul3A_1379 : i32
        %get3A = arith.index_cast %add3A_1381 : i32 to index
        %get3A_1382 = arith.constant 0 : index
        %get3A_1383 = tpu.vector_load %arg12[%get3A, %get3A_1382] {strides = array<i32>} : memref<104x64xf32, #tpu.memory_space<vmem>>, vector<1x16xf32>,
        %get3A_1384 = vector.shape_cast %get3A_1383 : vector<1x16xf32> to vector<16xf32>
        %add3A_1385 = arith.addf %scan3A_1370, %get3A_1384 : vector<16xf32>
        %get3A_1386 = arith.index_cast %add3A_1381 : i32 to index
        %get3A_1387 = arith.constant 16 : index
        %get3A_1388 = tpu.vector_load %arg12[%get3A_1386, %get3A_1387] {strides = array<i32>} : memref<104x64xf32, #tpu.memory_space<vmem>>, vector<1x16xf32>,
        %get3A_1389 = vector.shape_cast %get3A_1388 : vector<1x16xf32> to vector<16xf32>
        %add3A_1390 = arith.addf %scan3A_1371, %get3A_1389 : vector<16xf32>
        %get3A_1391 = arith.index_cast %add3A_1381 : i32 to index
        %get3A_1392 = arith.constant 32 : index
        %get3A_1393 = tpu.vector_load %arg12[%get3A_1391, %get3A_1392] {strides = array<i32>} : memref<104x64xf32, #tpu.memory_space<vmem>>, vector<1x16xf32>,
        %get3A_1394 = vector.shape_cast %get3A_1393 : vector<1x16xf32> to vector<16xf32>
        %add3A_1395 = arith.addf %scan3A_1372, %get3A_1394 : vector<16xf32>
        %get3A_1396 = arith.index_cast %add3A_1381 : i32 to index
        %get3A_1397 = arith.constant 48 : index
        %get3A_1398 = tpu.vector_load %arg12[%get3A_1396, %get3A_1397] {strides = array<i32>} : memref<104x64xf32, #tpu.memory_space<vmem>>, vector<1x16xf32>,
        %get3A_1399 = vector.shape_cast %get3A_1398 : vector<1x16xf32> to vector<16xf32>
        %add3A_1400 = arith.addf %scan3A_1373, %get3A_1399 : vector<16xf32>
        %add3A_1401 = arith.constant 1 : i32
        %add3A_1402 = arith.addi %add3A_1381, %add3A_1401 : i32
        %get3A_1403 = arith.index_cast %add3A_1402 : i32 to index
        %get3A_1404 = arith.constant 0 : index
        %get3A_1405 = tpu.vector_load %arg12[%get3A_1403, %get3A_1404] {strides = array<i32>} : memref<104x64xf32, #tpu.memory_space<vmem>>, vector<1x16xf32>,
        %get3A_1406 = vector.shape_cast %get3A_1405 : vector<1x16xf32> to vector<16xf32>
        %add3A_1407 = arith.addf %scan3A_1374, %get3A_1406 : vector<16xf32>
        %add3A_1408 = arith.constant 1 : i32
        %add3A_1409 = arith.addi %add3A_1381, %add3A_1408 : i32
        %get3A_1410 = arith.index_cast %add3A_1409 : i32 to index
        %get3A_1411 = arith.constant 16 : index
        %get3A_1412 = tpu.vector_load %arg12[%get3A_1410, %get3A_1411] {strides = array<i32>} : memref<104x64xf32, #tpu.memory_space<vmem>>, vector<1x16xf32>,
        %get3A_1413 = vector.shape_cast %get3A_1412 : vector<1x16xf32> to vector<16xf32>
        %add3A_1414 = arith.addf %scan3A_1375, %get3A_1413 : vector<16xf32>
        %add3A_1415 = arith.constant 1 : i32
        %add3A_1416 = arith.addi %add3A_1381, %add3A_1415 : i32
        %get3A_1417 = arith.index_cast %add3A_1416 : i32 to index
        %get3A_1418 = arith.constant 32 : index
        %get3A_1419 = tpu.vector_load %arg12[%get3A_1417, %get3A_1418] {strides = array<i32>} : memref<104x64xf32, #tpu.memory_space<vmem>>, vector<1x16xf32>,
        %get3A_1420 = vector.shape_cast %get3A_1419 : vector<1x16xf32> to vector<16xf32>
        %add3A_1421 = arith.addf %scan3A_1376, %get3A_1420 : vector<16xf32>
        %add3A_1422 = arith.constant 1 : i32
        %add3A_1423 = arith.addi %add3A_1381, %add3A_1422 : i32
        %get3A_1424 = arith.index_cast %add3A_1423 : i32 to index
        %get3A_1425 = arith.constant 48 : index
        %get3A_1426 = tpu.vector_load %arg12[%get3A_1424, %get3A_1425] {strides = array<i32>} : memref<104x64xf32, #tpu.memory_space<vmem>>, vector<1x16xf32>,
        %get3A_1427 = vector.shape_cast %get3A_1426 : vector<1x16xf32> to vector<16xf32>
        %add3A_1428 = arith.addf %scan3A_1377, %get3A_1427 : vector<16xf32>
        scf.yield %add3A_1385, %add3A_1390, %add3A_1395, %add3A_1400, %add3A_1407, %add3A_1414, %add3A_1421, %add3A_1428 : vector<16xf32>, vector<16xf32>, vector<16xf32>, vector<16xf32>, vector<16xf32>, vector<16xf32>, vector<16xf32>, vector<16xf32>
      }
      %scan3A_1208 = arith.constant 25 : i32
      %mul3A_1209 = arith.constant 2 : i32
      %mul3A_1210 = arith.muli %add3A_1194, %mul3A_1209 : i32
      %add3A_1211 = arith.constant 0 : i32
      %add3A_1212 = arith.addi %mul3A_1210, %add3A_1211 : i32
      %add3A_1213 = arith.addf %scan3A_1207#0, %scan3A_1207#4 : vector<16xf32>
      %swap3A_1214 = arith.index_cast %add3A_1212 : i32 to index
      %swap3A_1215 = arith.constant 0 : index
      %swap3A_1216 = tpu.vector_load %arg14[%swap3A_1214, %swap3A_1215] {strides = array<i32>} : memref<128x64xf32, #tpu.memory_space<vmem>>, vector<1x16xf32>,
      %swap3A_1217 = vector.shape_cast %swap3A_1216 : vector<1x16xf32> to vector<16xf32>
      %swap3A_1218 = vector.shape_cast %add3A_1213 : vector<16xf32> to vector<1x16xf32>
      tpu.vector_store %arg14[%swap3A_1214, %swap3A_1215], %swap3A_1218 {strides = array<i32>} : memref<128x64xf32, #tpu.memory_space<vmem>>, vector<1x16xf32>,
      %add3A_1219 = arith.addf %scan3A_1207#1, %scan3A_1207#5 : vector<16xf32>
      %swap3A_1220 = arith.index_cast %add3A_1212 : i32 to index
      %swap3A_1221 = arith.constant 16 : index
      %swap3A_1222 = tpu.vector_load %arg14[%swap3A_1220, %swap3A_1221] {strides = array<i32>} : memref<128x64xf32, #tpu.memory_space<vmem>>, vector<1x16xf32>,
      %swap3A_1223 = vector.shape_cast %swap3A_1222 : vector<1x16xf32> to vector<16xf32>
      %swap3A_1224 = vector.shape_cast %add3A_1219 : vector<16xf32> to vector<1x16xf32>
      tpu.vector_store %arg14[%swap3A_1220, %swap3A_1221], %swap3A_1224 {strides = array<i32>} : memref<128x64xf32, #tpu.memory_space<vmem>>, vector<1x16xf32>,
      %add3A_1225 = arith.addf %scan3A_1207#2, %scan3A_1207#6 : vector<16xf32>
      %swap3A_1226 = arith.index_cast %add3A_1212 : i32 to index
      %swap3A_1227 = arith.constant 32 : index
      %swap3A_1228 = tpu.vector_load %arg14[%swap3A_1226, %swap3A_1227] {strides = array<i32>} : memref<128x64xf32, #tpu.memory_space<vmem>>, vector<1x16xf32>,
      %swap3A_1229 = vector.shape_cast %swap3A_1228 : vector<1x16xf32> to vector<16xf32>
      %swap3A_1230 = vector.shape_cast %add3A_1225 : vector<16xf32> to vector<1x16xf32>
      tpu.vector_store %arg14[%swap3A_1226, %swap3A_1227], %swap3A_1230 {strides = array<i32>} : memref<128x64xf32, #tpu.memory_space<vmem>>, vector<1x16xf32>,
      %add3A_1231 = arith.addf %scan3A_1207#3, %scan3A_1207#7 : vector<16xf32>
      %swap3A_1232 = arith.index_cast %add3A_1212 : i32 to index
      %swap3A_1233 = arith.constant 48 : index
      %swap3A_1234 = tpu.vector_load %arg14[%swap3A_1232, %swap3A_1233] {strides = array<i32>} : memref<128x64xf32, #tpu.memory_space<vmem>>, vector<1x16xf32>,
      %swap3A_1235 = vector.shape_cast %swap3A_1234 : vector<1x16xf32> to vector<16xf32>
      %swap3A_1236 = vector.shape_cast %add3A_1231 : vector<16xf32> to vector<1x16xf32>
      tpu.vector_store %arg14[%swap3A_1232, %swap3A_1233], %swap3A_1236 {strides = array<i32>} : memref<128x64xf32, #tpu.memory_space<vmem>>, vector<1x16xf32>,
      %broadcast_in_dim3A_1237 = arith.constant 0.000000e+00 : f32
      %broadcast_in_dim3A_1238 = vector.broadcast %broadcast_in_dim3A_1237 : f32 to vector<16xf32>
      %scan3A_1239 = arith.constant 0 : i32
      %scan3A_1240 = arith.constant 25 : i32
      %scan3A_1241 = arith.addi %scan3A_1239, %scan3A_1240 : i32
      %scan3A_1242 = arith.constant 1 : i32
      %scan3A_1243:8 = scf.for %scan3A_1369 = %scan3A_1239 to %scan3A_1241 step %scan3A_1242 iter_args(%scan3A_1370 = %broadcast_in_dim3A_1238, %scan3A_1371 = %broadcast_in_dim3A_1238, %scan3A_1372 = %broadcast_in_dim3A_1238, %scan3A_1373 = %broadcast_in_dim3A_1238, %scan3A_1374 = %broadcast_in_dim3A_1238, %scan3A_1375 = %broadcast_in_dim3A_1238, %scan3A_1376 = %broadcast_in_dim3A_1238, %scan3A_1377 = %broadcast_in_dim3A_1238) -> (vector<16xf32>, vector<16xf32>, vector<16xf32>, vector<16xf32>, vector<16xf32>, vector<16xf32>, vector<16xf32>, vector<16xf32>)  : i32 {
        %mul3A_1378 = arith.constant 2 : i32
        %mul3A_1379 = arith.muli %mul3A_1378, %scan3A_1369 : i32
        %add3A_1380 = arith.constant 52 : i32
        %add3A_1381 = arith.addi %add3A_1380, %mul3A_1379 : i32
        %get3A = arith.index_cast %add3A_1381 : i32 to index
        %get3A_1382 = arith.constant 0 : index
        %get3A_1383 = tpu.vector_load %arg12[%get3A, %get3A_1382] {strides = array<i32>} : memref<104x64xf32, #tpu.memory_space<vmem>>, vector<1x16xf32>,
        %get3A_1384 = vector.shape_cast %get3A_1383 : vector<1x16xf32> to vector<16xf32>
        %add3A_1385 = arith.addf %scan3A_1370, %get3A_1384 : vector<16xf32>
        %get3A_1386 = arith.index_cast %add3A_1381 : i32 to index
        %get3A_1387 = arith.constant 16 : index
        %get3A_1388 = tpu.vector_load %arg12[%get3A_1386, %get3A_1387] {strides = array<i32>} : memref<104x64xf32, #tpu.memory_space<vmem>>, vector<1x16xf32>,
        %get3A_1389 = vector.shape_cast %get3A_1388 : vector<1x16xf32> to vector<16xf32>
        %add3A_1390 = arith.addf %scan3A_1371, %get3A_1389 : vector<16xf32>
        %get3A_1391 = arith.index_cast %add3A_1381 : i32 to index
        %get3A_1392 = arith.constant 32 : index
        %get3A_1393 = tpu.vector_load %arg12[%get3A_1391, %get3A_1392] {strides = array<i32>} : memref<104x64xf32, #tpu.memory_space<vmem>>, vector<1x16xf32>,
        %get3A_1394 = vector.shape_cast %get3A_1393 : vector<1x16xf32> to vector<16xf32>
        %add3A_1395 = arith.addf %scan3A_1372, %get3A_1394 : vector<16xf32>
        %get3A_1396 = arith.index_cast %add3A_1381 : i32 to index
        %get3A_1397 = arith.constant 48 : index
        %get3A_1398 = tpu.vector_load %arg12[%get3A_1396, %get3A_1397] {strides = array<i32>} : memref<104x64xf32, #tpu.memory_space<vmem>>, vector<1x16xf32>,
        %get3A_1399 = vector.shape_cast %get3A_1398 : vector<1x16xf32> to vector<16xf32>
        %add3A_1400 = arith.addf %scan3A_1373, %get3A_1399 : vector<16xf32>
        %add3A_1401 = arith.constant 1 : i32
        %add3A_1402 = arith.addi %add3A_1381, %add3A_1401 : i32
        %get3A_1403 = arith.index_cast %add3A_1402 : i32 to index
        %get3A_1404 = arith.constant 0 : index
        %get3A_1405 = tpu.vector_load %arg12[%get3A_1403, %get3A_1404] {strides = array<i32>} : memref<104x64xf32, #tpu.memory_space<vmem>>, vector<1x16xf32>,
        %get3A_1406 = vector.shape_cast %get3A_1405 : vector<1x16xf32> to vector<16xf32>
        %add3A_1407 = arith.addf %scan3A_1374, %get3A_1406 : vector<16xf32>
        %add3A_1408 = arith.constant 1 : i32
        %add3A_1409 = arith.addi %add3A_1381, %add3A_1408 : i32
        %get3A_1410 = arith.index_cast %add3A_1409 : i32 to index
        %get3A_1411 = arith.constant 16 : index
        %get3A_1412 = tpu.vector_load %arg12[%get3A_1410, %get3A_1411] {strides = array<i32>} : memref<104x64xf32, #tpu.memory_space<vmem>>, vector<1x16xf32>,
        %get3A_1413 = vector.shape_cast %get3A_1412 : vector<1x16xf32> to vector<16xf32>
        %add3A_1414 = arith.addf %scan3A_1375, %get3A_1413 : vector<16xf32>
        %add3A_1415 = arith.constant 1 : i32
        %add3A_1416 = arith.addi %add3A_1381, %add3A_1415 : i32
        %get3A_1417 = arith.index_cast %add3A_1416 : i32 to index
        %get3A_1418 = arith.constant 32 : index
        %get3A_1419 = tpu.vector_load %arg12[%get3A_1417, %get3A_1418] {strides = array<i32>} : memref<104x64xf32, #tpu.memory_space<vmem>>, vector<1x16xf32>,
        %get3A_1420 = vector.shape_cast %get3A_1419 : vector<1x16xf32> to vector<16xf32>
        %add3A_1421 = arith.addf %scan3A_1376, %get3A_1420 : vector<16xf32>
        %add3A_1422 = arith.constant 1 : i32
        %add3A_1423 = arith.addi %add3A_1381, %add3A_1422 : i32
        %get3A_1424 = arith.index_cast %add3A_1423 : i32 to index
        %get3A_1425 = arith.constant 48 : index
        %get3A_1426 = tpu.vector_load %arg12[%get3A_1424, %get3A_1425] {strides = array<i32>} : memref<104x64xf32, #tpu.memory_space<vmem>>, vector<1x16xf32>,
        %get3A_1427 = vector.shape_cast %get3A_1426 : vector<1x16xf32> to vector<16xf32>
        %add3A_1428 = arith.addf %scan3A_1377, %get3A_1427 : vector<16xf32>
        scf.yield %add3A_1385, %add3A_1390, %add3A_1395, %add3A_1400, %add3A_1407, %add3A_1414, %add3A_1421, %add3A_1428 : vector<16xf32>, vector<16xf32>, vector<16xf32>, vector<16xf32>, vector<16xf32>, vector<16xf32>, vector<16xf32>, vector<16xf32>
      }
      %scan3A_1244 = arith.constant 25 : i32
      %mul3A_1245 = arith.constant 2 : i32
      %mul3A_1246 = arith.muli %add3A_1194, %mul3A_1245 : i32
      %add3A_1247 = arith.constant 1 : i32
      %add3A_1248 = arith.addi %mul3A_1246, %add3A_1247 : i32
      %add3A_1249 = arith.addf %scan3A_1243#0, %scan3A_1243#4 : vector<16xf32>
      %swap3A_1250 = arith.index_cast %add3A_1248 : i32 to index
      %swap3A_1251 = arith.constant 0 : index
      %swap3A_1252 = tpu.vector_load %arg14[%swap3A_1250, %swap3A_1251] {strides = array<i32>} : memref<128x64xf32, #tpu.memory_space<vmem>>, vector<1x16xf32>,
      %swap3A_1253 = vector.shape_cast %swap3A_1252 : vector<1x16xf32> to vector<16xf32>
      %swap3A_1254 = vector.shape_cast %add3A_1249 : vector<16xf32> to vector<1x16xf32>
      tpu.vector_store %arg14[%swap3A_1250, %swap3A_1251], %swap3A_1254 {strides = array<i32>} : memref<128x64xf32, #tpu.memory_space<vmem>>, vector<1x16xf32>,
      %add3A_1255 = arith.addf %scan3A_1243#1, %scan3A_1243#5 : vector<16xf32>
      %swap3A_1256 = arith.index_cast %add3A_1248 : i32 to index
      %swap3A_1257 = arith.constant 16 : index
      %swap3A_1258 = tpu.vector_load %arg14[%swap3A_1256, %swap3A_1257] {strides = array<i32>} : memref<128x64xf32, #tpu.memory_space<vmem>>, vector<1x16xf32>,
      %swap3A_1259 = vector.shape_cast %swap3A_1258 : vector<1x16xf32> to vector<16xf32>
      %swap3A_1260 = vector.shape_cast %add3A_1255 : vector<16xf32> to vector<1x16xf32>
      tpu.vector_store %arg14[%swap3A_1256, %swap3A_1257], %swap3A_1260 {strides = array<i32>} : memref<128x64xf32, #tpu.memory_space<vmem>>, vector<1x16xf32>,
      %add3A_1261 = arith.addf %scan3A_1243#2, %scan3A_1243#6 : vector<16xf32>
      %swap3A_1262 = arith.index_cast %add3A_1248 : i32 to index
      %swap3A_1263 = arith.constant 32 : index
      %swap3A_1264 = tpu.vector_load %arg14[%swap3A_1262, %swap3A_1263] {strides = array<i32>} : memref<128x64xf32, #tpu.memory_space<vmem>>, vector<1x16xf32>,
      %swap3A_1265 = vector.shape_cast %swap3A_1264 : vector<1x16xf32> to vector<16xf32>
      %swap3A_1266 = vector.shape_cast %add3A_1261 : vector<16xf32> to vector<1x16xf32>
      tpu.vector_store %arg14[%swap3A_1262, %swap3A_1263], %swap3A_1266 {strides = array<i32>} : memref<128x64xf32, #tpu.memory_space<vmem>>, vector<1x16xf32>,
      %add3A_1267 = arith.addf %scan3A_1243#3, %scan3A_1243#7 : vector<16xf32>
      %swap3A_1268 = arith.index_cast %add3A_1248 : i32 to index
      %swap3A_1269 = arith.constant 48 : index
      %swap3A_1270 = tpu.vector_load %arg14[%swap3A_1268, %swap3A_1269] {strides = array<i32>} : memref<128x64xf32, #tpu.memory_space<vmem>>, vector<1x16xf32>,
      %swap3A_1271 = vector.shape_cast %swap3A_1270 : vector<1x16xf32> to vector<16xf32>
      %swap3A_1272 = vector.shape_cast %add3A_1267 : vector<16xf32> to vector<1x16xf32>
      tpu.vector_store %arg14[%swap3A_1268, %swap3A_1269], %swap3A_1272 {strides = array<i32>} : memref<128x64xf32, #tpu.memory_space<vmem>>, vector<1x16xf32>,
      %add3A_1273 = arith.constant 8 : i32
      %add3A_1274 = arith.addi %add3A_1194, %add3A_1273 : i32
      %mul3A_1275 = arith.constant 104 : i32
      %mul3A_1276 = arith.muli %add3A_1274, %mul3A_1275 : i32
      %dma_start3A_1277 = tpu.memref_slice %arg5[%mul3A_1276] : memref<6656xi32, #tpu.memory_space<vmem>> -> memref<104xi32, #tpu.memory_space<vmem>>
      %dma_start3A_1278 = arith.constant 0 : i32
      %dma_start3A_1279 = arith.constant 0 : i32
      %dma_start3A_1280 = tpu.memref_slice %arg3[%dma_start3A_1278, %dma_start3A_1279] : memref<1000000x64xf32, #tpu.memory_space<hbm>> -> memref<1000000x64xf32, #tpu.memory_space<hbm>>
      tpu.enqueue_indirect_dma source(%dma_start3A_1280 : memref<1000000x64xf32, #tpu.memory_space<hbm>>) target(%arg12 : memref<104x64xf32, #tpu.memory_space<vmem>>) offsets(%dma_start3A_1277 : memref<104xi32, #tpu.memory_space<vmem>>) semaphore(%arg21 : memref<!tpu.dma_semaphore, #tpu.memory_space<semaphore_mem>>)
      %add3A_1281 = arith.constant 7 : i32
      %add3A_1282 = arith.addi %mul3A_664, %add3A_1281 : i32
      %mul3A_1283 = arith.constant 104 : i32
      %mul3A_1284 = arith.muli %add3A_1282, %mul3A_1283 : i32
      %dma_wait3A_1285 = tpu.memref_slice %arg5[%mul3A_1284] : memref<6656xi32, #tpu.memory_space<vmem>> -> memref<104xi32, #tpu.memory_space<vmem>>
      %dma_wait3A_1286 = arith.constant 0 : i32
      %dma_wait3A_1287 = arith.constant 0 : i32
      %dma_wait3A_1288 = tpu.memref_slice %arg3[%dma_wait3A_1286, %dma_wait3A_1287] : memref<1000000x64xf32, #tpu.memory_space<hbm>> -> memref<1000000x64xf32, #tpu.memory_space<hbm>>
      tpu.wait_indirect_dma semaphore(%arg22 : memref<!tpu.dma_semaphore, #tpu.memory_space<semaphore_mem>>) src(%dma_wait3A_1288 : memref<1000000x64xf32, #tpu.memory_space<hbm>>) dst(%arg13 : memref<104x64xf32, #tpu.memory_space<vmem>>)
      %broadcast_in_dim3A_1289 = arith.constant 0.000000e+00 : f32
      %broadcast_in_dim3A_1290 = vector.broadcast %broadcast_in_dim3A_1289 : f32 to vector<16xf32>
      %scan3A_1291 = arith.constant 0 : i32
      %scan3A_1292 = arith.constant 25 : i32
      %scan3A_1293 = arith.addi %scan3A_1291, %scan3A_1292 : i32
      %scan3A_1294 = arith.constant 1 : i32
      %scan3A_1295:8 = scf.for %scan3A_1369 = %scan3A_1291 to %scan3A_1293 step %scan3A_1294 iter_args(%scan3A_1370 = %broadcast_in_dim3A_1290, %scan3A_1371 = %broadcast_in_dim3A_1290, %scan3A_1372 = %broadcast_in_dim3A_1290, %scan3A_1373 = %broadcast_in_dim3A_1290, %scan3A_1374 = %broadcast_in_dim3A_1290, %scan3A_1375 = %broadcast_in_dim3A_1290, %scan3A_1376 = %broadcast_in_dim3A_1290, %scan3A_1377 = %broadcast_in_dim3A_1290) -> (vector<16xf32>, vector<16xf32>, vector<16xf32>, vector<16xf32>, vector<16xf32>, vector<16xf32>, vector<16xf32>, vector<16xf32>)  : i32 {
        %mul3A_1378 = arith.constant 2 : i32
        %mul3A_1379 = arith.muli %mul3A_1378, %scan3A_1369 : i32
        %add3A_1380 = arith.constant 0 : i32
        %add3A_1381 = arith.addi %add3A_1380, %mul3A_1379 : i32
        %get3A = arith.index_cast %add3A_1381 : i32 to index
        %get3A_1382 = arith.constant 0 : index
        %get3A_1383 = tpu.vector_load %arg13[%get3A, %get3A_1382] {strides = array<i32>} : memref<104x64xf32, #tpu.memory_space<vmem>>, vector<1x16xf32>,
        %get3A_1384 = vector.shape_cast %get3A_1383 : vector<1x16xf32> to vector<16xf32>
        %add3A_1385 = arith.addf %scan3A_1370, %get3A_1384 : vector<16xf32>
        %get3A_1386 = arith.index_cast %add3A_1381 : i32 to index
        %get3A_1387 = arith.constant 16 : index
        %get3A_1388 = tpu.vector_load %arg13[%get3A_1386, %get3A_1387] {strides = array<i32>} : memref<104x64xf32, #tpu.memory_space<vmem>>, vector<1x16xf32>,
        %get3A_1389 = vector.shape_cast %get3A_1388 : vector<1x16xf32> to vector<16xf32>
        %add3A_1390 = arith.addf %scan3A_1371, %get3A_1389 : vector<16xf32>
        %get3A_1391 = arith.index_cast %add3A_1381 : i32 to index
        %get3A_1392 = arith.constant 32 : index
        %get3A_1393 = tpu.vector_load %arg13[%get3A_1391, %get3A_1392] {strides = array<i32>} : memref<104x64xf32, #tpu.memory_space<vmem>>, vector<1x16xf32>,
        %get3A_1394 = vector.shape_cast %get3A_1393 : vector<1x16xf32> to vector<16xf32>
        %add3A_1395 = arith.addf %scan3A_1372, %get3A_1394 : vector<16xf32>
        %get3A_1396 = arith.index_cast %add3A_1381 : i32 to index
        %get3A_1397 = arith.constant 48 : index
        %get3A_1398 = tpu.vector_load %arg13[%get3A_1396, %get3A_1397] {strides = array<i32>} : memref<104x64xf32, #tpu.memory_space<vmem>>, vector<1x16xf32>,
        %get3A_1399 = vector.shape_cast %get3A_1398 : vector<1x16xf32> to vector<16xf32>
        %add3A_1400 = arith.addf %scan3A_1373, %get3A_1399 : vector<16xf32>
        %add3A_1401 = arith.constant 1 : i32
        %add3A_1402 = arith.addi %add3A_1381, %add3A_1401 : i32
        %get3A_1403 = arith.index_cast %add3A_1402 : i32 to index
        %get3A_1404 = arith.constant 0 : index
        %get3A_1405 = tpu.vector_load %arg13[%get3A_1403, %get3A_1404] {strides = array<i32>} : memref<104x64xf32, #tpu.memory_space<vmem>>, vector<1x16xf32>,
        %get3A_1406 = vector.shape_cast %get3A_1405 : vector<1x16xf32> to vector<16xf32>
        %add3A_1407 = arith.addf %scan3A_1374, %get3A_1406 : vector<16xf32>
        %add3A_1408 = arith.constant 1 : i32
        %add3A_1409 = arith.addi %add3A_1381, %add3A_1408 : i32
        %get3A_1410 = arith.index_cast %add3A_1409 : i32 to index
        %get3A_1411 = arith.constant 16 : index
        %get3A_1412 = tpu.vector_load %arg13[%get3A_1410, %get3A_1411] {strides = array<i32>} : memref<104x64xf32, #tpu.memory_space<vmem>>, vector<1x16xf32>,
        %get3A_1413 = vector.shape_cast %get3A_1412 : vector<1x16xf32> to vector<16xf32>
        %add3A_1414 = arith.addf %scan3A_1375, %get3A_1413 : vector<16xf32>
        %add3A_1415 = arith.constant 1 : i32
        %add3A_1416 = arith.addi %add3A_1381, %add3A_1415 : i32
        %get3A_1417 = arith.index_cast %add3A_1416 : i32 to index
        %get3A_1418 = arith.constant 32 : index
        %get3A_1419 = tpu.vector_load %arg13[%get3A_1417, %get3A_1418] {strides = array<i32>} : memref<104x64xf32, #tpu.memory_space<vmem>>, vector<1x16xf32>,
        %get3A_1420 = vector.shape_cast %get3A_1419 : vector<1x16xf32> to vector<16xf32>
        %add3A_1421 = arith.addf %scan3A_1376, %get3A_1420 : vector<16xf32>
        %add3A_1422 = arith.constant 1 : i32
        %add3A_1423 = arith.addi %add3A_1381, %add3A_1422 : i32
        %get3A_1424 = arith.index_cast %add3A_1423 : i32 to index
        %get3A_1425 = arith.constant 48 : index
        %get3A_1426 = tpu.vector_load %arg13[%get3A_1424, %get3A_1425] {strides = array<i32>} : memref<104x64xf32, #tpu.memory_space<vmem>>, vector<1x16xf32>,
        %get3A_1427 = vector.shape_cast %get3A_1426 : vector<1x16xf32> to vector<16xf32>
        %add3A_1428 = arith.addf %scan3A_1377, %get3A_1427 : vector<16xf32>
        scf.yield %add3A_1385, %add3A_1390, %add3A_1395, %add3A_1400, %add3A_1407, %add3A_1414, %add3A_1421, %add3A_1428 : vector<16xf32>, vector<16xf32>, vector<16xf32>, vector<16xf32>, vector<16xf32>, vector<16xf32>, vector<16xf32>, vector<16xf32>
      }
      %scan3A_1296 = arith.constant 25 : i32
      %mul3A_1297 = arith.constant 2 : i32
      %mul3A_1298 = arith.muli %add3A_1282, %mul3A_1297 : i32
      %add3A_1299 = arith.constant 0 : i32
      %add3A_1300 = arith.addi %mul3A_1298, %add3A_1299 : i32
      %add3A_1301 = arith.addf %scan3A_1295#0, %scan3A_1295#4 : vector<16xf32>
      %swap3A_1302 = arith.index_cast %add3A_1300 : i32 to index
      %swap3A_1303 = arith.constant 0 : index
      %swap3A_1304 = tpu.vector_load %arg14[%swap3A_1302, %swap3A_1303] {strides = array<i32>} : memref<128x64xf32, #tpu.memory_space<vmem>>, vector<1x16xf32>,
      %swap3A_1305 = vector.shape_cast %swap3A_1304 : vector<1x16xf32> to vector<16xf32>
      %swap3A_1306 = vector.shape_cast %add3A_1301 : vector<16xf32> to vector<1x16xf32>
      tpu.vector_store %arg14[%swap3A_1302, %swap3A_1303], %swap3A_1306 {strides = array<i32>} : memref<128x64xf32, #tpu.memory_space<vmem>>, vector<1x16xf32>,
      %add3A_1307 = arith.addf %scan3A_1295#1, %scan3A_1295#5 : vector<16xf32>
      %swap3A_1308 = arith.index_cast %add3A_1300 : i32 to index
      %swap3A_1309 = arith.constant 16 : index
      %swap3A_1310 = tpu.vector_load %arg14[%swap3A_1308, %swap3A_1309] {strides = array<i32>} : memref<128x64xf32, #tpu.memory_space<vmem>>, vector<1x16xf32>,
      %swap3A_1311 = vector.shape_cast %swap3A_1310 : vector<1x16xf32> to vector<16xf32>
      %swap3A_1312 = vector.shape_cast %add3A_1307 : vector<16xf32> to vector<1x16xf32>
      tpu.vector_store %arg14[%swap3A_1308, %swap3A_1309], %swap3A_1312 {strides = array<i32>} : memref<128x64xf32, #tpu.memory_space<vmem>>, vector<1x16xf32>,
      %add3A_1313 = arith.addf %scan3A_1295#2, %scan3A_1295#6 : vector<16xf32>
      %swap3A_1314 = arith.index_cast %add3A_1300 : i32 to index
      %swap3A_1315 = arith.constant 32 : index
      %swap3A_1316 = tpu.vector_load %arg14[%swap3A_1314, %swap3A_1315] {strides = array<i32>} : memref<128x64xf32, #tpu.memory_space<vmem>>, vector<1x16xf32>,
      %swap3A_1317 = vector.shape_cast %swap3A_1316 : vector<1x16xf32> to vector<16xf32>
      %swap3A_1318 = vector.shape_cast %add3A_1313 : vector<16xf32> to vector<1x16xf32>
      tpu.vector_store %arg14[%swap3A_1314, %swap3A_1315], %swap3A_1318 {strides = array<i32>} : memref<128x64xf32, #tpu.memory_space<vmem>>, vector<1x16xf32>,
      %add3A_1319 = arith.addf %scan3A_1295#3, %scan3A_1295#7 : vector<16xf32>
      %swap3A_1320 = arith.index_cast %add3A_1300 : i32 to index
      %swap3A_1321 = arith.constant 48 : index
      %swap3A_1322 = tpu.vector_load %arg14[%swap3A_1320, %swap3A_1321] {strides = array<i32>} : memref<128x64xf32, #tpu.memory_space<vmem>>, vector<1x16xf32>,
      %swap3A_1323 = vector.shape_cast %swap3A_1322 : vector<1x16xf32> to vector<16xf32>
      %swap3A_1324 = vector.shape_cast %add3A_1319 : vector<16xf32> to vector<1x16xf32>
      tpu.vector_store %arg14[%swap3A_1320, %swap3A_1321], %swap3A_1324 {strides = array<i32>} : memref<128x64xf32, #tpu.memory_space<vmem>>, vector<1x16xf32>,
      %broadcast_in_dim3A_1325 = arith.constant 0.000000e+00 : f32
      %broadcast_in_dim3A_1326 = vector.broadcast %broadcast_in_dim3A_1325 : f32 to vector<16xf32>
      %scan3A_1327 = arith.constant 0 : i32
      %scan3A_1328 = arith.constant 25 : i32
      %scan3A_1329 = arith.addi %scan3A_1327, %scan3A_1328 : i32
      %scan3A_1330 = arith.constant 1 : i32
      %scan3A_1331:8 = scf.for %scan3A_1369 = %scan3A_1327 to %scan3A_1329 step %scan3A_1330 iter_args(%scan3A_1370 = %broadcast_in_dim3A_1326, %scan3A_1371 = %broadcast_in_dim3A_1326, %scan3A_1372 = %broadcast_in_dim3A_1326, %scan3A_1373 = %broadcast_in_dim3A_1326, %scan3A_1374 = %broadcast_in_dim3A_1326, %scan3A_1375 = %broadcast_in_dim3A_1326, %scan3A_1376 = %broadcast_in_dim3A_1326, %scan3A_1377 = %broadcast_in_dim3A_1326) -> (vector<16xf32>, vector<16xf32>, vector<16xf32>, vector<16xf32>, vector<16xf32>, vector<16xf32>, vector<16xf32>, vector<16xf32>)  : i32 {
        %mul3A_1378 = arith.constant 2 : i32
        %mul3A_1379 = arith.muli %mul3A_1378, %scan3A_1369 : i32
        %add3A_1380 = arith.constant 52 : i32
        %add3A_1381 = arith.addi %add3A_1380, %mul3A_1379 : i32
        %get3A = arith.index_cast %add3A_1381 : i32 to index
        %get3A_1382 = arith.constant 0 : index
        %get3A_1383 = tpu.vector_load %arg13[%get3A, %get3A_1382] {strides = array<i32>} : memref<104x64xf32, #tpu.memory_space<vmem>>, vector<1x16xf32>,
        %get3A_1384 = vector.shape_cast %get3A_1383 : vector<1x16xf32> to vector<16xf32>
        %add3A_1385 = arith.addf %scan3A_1370, %get3A_1384 : vector<16xf32>
        %get3A_1386 = arith.index_cast %add3A_1381 : i32 to index
        %get3A_1387 = arith.constant 16 : index
        %get3A_1388 = tpu.vector_load %arg13[%get3A_1386, %get3A_1387] {strides = array<i32>} : memref<104x64xf32, #tpu.memory_space<vmem>>, vector<1x16xf32>,
        %get3A_1389 = vector.shape_cast %get3A_1388 : vector<1x16xf32> to vector<16xf32>
        %add3A_1390 = arith.addf %scan3A_1371, %get3A_1389 : vector<16xf32>
        %get3A_1391 = arith.index_cast %add3A_1381 : i32 to index
        %get3A_1392 = arith.constant 32 : index
        %get3A_1393 = tpu.vector_load %arg13[%get3A_1391, %get3A_1392] {strides = array<i32>} : memref<104x64xf32, #tpu.memory_space<vmem>>, vector<1x16xf32>,
        %get3A_1394 = vector.shape_cast %get3A_1393 : vector<1x16xf32> to vector<16xf32>
        %add3A_1395 = arith.addf %scan3A_1372, %get3A_1394 : vector<16xf32>
        %get3A_1396 = arith.index_cast %add3A_1381 : i32 to index
        %get3A_1397 = arith.constant 48 : index
        %get3A_1398 = tpu.vector_load %arg13[%get3A_1396, %get3A_1397] {strides = array<i32>} : memref<104x64xf32, #tpu.memory_space<vmem>>, vector<1x16xf32>,
        %get3A_1399 = vector.shape_cast %get3A_1398 : vector<1x16xf32> to vector<16xf32>
        %add3A_1400 = arith.addf %scan3A_1373, %get3A_1399 : vector<16xf32>
        %add3A_1401 = arith.constant 1 : i32
        %add3A_1402 = arith.addi %add3A_1381, %add3A_1401 : i32
        %get3A_1403 = arith.index_cast %add3A_1402 : i32 to index
        %get3A_1404 = arith.constant 0 : index
        %get3A_1405 = tpu.vector_load %arg13[%get3A_1403, %get3A_1404] {strides = array<i32>} : memref<104x64xf32, #tpu.memory_space<vmem>>, vector<1x16xf32>,
        %get3A_1406 = vector.shape_cast %get3A_1405 : vector<1x16xf32> to vector<16xf32>
        %add3A_1407 = arith.addf %scan3A_1374, %get3A_1406 : vector<16xf32>
        %add3A_1408 = arith.constant 1 : i32
        %add3A_1409 = arith.addi %add3A_1381, %add3A_1408 : i32
        %get3A_1410 = arith.index_cast %add3A_1409 : i32 to index
        %get3A_1411 = arith.constant 16 : index
        %get3A_1412 = tpu.vector_load %arg13[%get3A_1410, %get3A_1411] {strides = array<i32>} : memref<104x64xf32, #tpu.memory_space<vmem>>, vector<1x16xf32>,
        %get3A_1413 = vector.shape_cast %get3A_1412 : vector<1x16xf32> to vector<16xf32>
        %add3A_1414 = arith.addf %scan3A_1375, %get3A_1413 : vector<16xf32>
        %add3A_1415 = arith.constant 1 : i32
        %add3A_1416 = arith.addi %add3A_1381, %add3A_1415 : i32
        %get3A_1417 = arith.index_cast %add3A_1416 : i32 to index
        %get3A_1418 = arith.constant 32 : index
        %get3A_1419 = tpu.vector_load %arg13[%get3A_1417, %get3A_1418] {strides = array<i32>} : memref<104x64xf32, #tpu.memory_space<vmem>>, vector<1x16xf32>,
        %get3A_1420 = vector.shape_cast %get3A_1419 : vector<1x16xf32> to vector<16xf32>
        %add3A_1421 = arith.addf %scan3A_1376, %get3A_1420 : vector<16xf32>
        %add3A_1422 = arith.constant 1 : i32
        %add3A_1423 = arith.addi %add3A_1381, %add3A_1422 : i32
        %get3A_1424 = arith.index_cast %add3A_1423 : i32 to index
        %get3A_1425 = arith.constant 48 : index
        %get3A_1426 = tpu.vector_load %arg13[%get3A_1424, %get3A_1425] {strides = array<i32>} : memref<104x64xf32, #tpu.memory_space<vmem>>, vector<1x16xf32>,
        %get3A_1427 = vector.shape_cast %get3A_1426 : vector<1x16xf32> to vector<16xf32>
        %add3A_1428 = arith.addf %scan3A_1377, %get3A_1427 : vector<16xf32>
        scf.yield %add3A_1385, %add3A_1390, %add3A_1395, %add3A_1400, %add3A_1407, %add3A_1414, %add3A_1421, %add3A_1428 : vector<16xf32>, vector<16xf32>, vector<16xf32>, vector<16xf32>, vector<16xf32>, vector<16xf32>, vector<16xf32>, vector<16xf32>
      }
      %scan3A_1332 = arith.constant 25 : i32
      %mul3A_1333 = arith.constant 2 : i32
      %mul3A_1334 = arith.muli %add3A_1282, %mul3A_1333 : i32
      %add3A_1335 = arith.constant 1 : i32
      %add3A_1336 = arith.addi %mul3A_1334, %add3A_1335 : i32
      %add3A_1337 = arith.addf %scan3A_1331#0, %scan3A_1331#4 : vector<16xf32>
      %swap3A_1338 = arith.index_cast %add3A_1336 : i32 to index
      %swap3A_1339 = arith.constant 0 : index
      %swap3A_1340 = tpu.vector_load %arg14[%swap3A_1338, %swap3A_1339] {strides = array<i32>} : memref<128x64xf32, #tpu.memory_space<vmem>>, vector<1x16xf32>,
      %swap3A_1341 = vector.shape_cast %swap3A_1340 : vector<1x16xf32> to vector<16xf32>
      %swap3A_1342 = vector.shape_cast %add3A_1337 : vector<16xf32> to vector<1x16xf32>
      tpu.vector_store %arg14[%swap3A_1338, %swap3A_1339], %swap3A_1342 {strides = array<i32>} : memref<128x64xf32, #tpu.memory_space<vmem>>, vector<1x16xf32>,
      %add3A_1343 = arith.addf %scan3A_1331#1, %scan3A_1331#5 : vector<16xf32>
      %swap3A_1344 = arith.index_cast %add3A_1336 : i32 to index
      %swap3A_1345 = arith.constant 16 : index
      %swap3A_1346 = tpu.vector_load %arg14[%swap3A_1344, %swap3A_1345] {strides = array<i32>} : memref<128x64xf32, #tpu.memory_space<vmem>>, vector<1x16xf32>,
      %swap3A_1347 = vector.shape_cast %swap3A_1346 : vector<1x16xf32> to vector<16xf32>
      %swap3A_1348 = vector.shape_cast %add3A_1343 : vector<16xf32> to vector<1x16xf32>
      tpu.vector_store %arg14[%swap3A_1344, %swap3A_1345], %swap3A_1348 {strides = array<i32>} : memref<128x64xf32, #tpu.memory_space<vmem>>, vector<1x16xf32>,
      %add3A_1349 = arith.addf %scan3A_1331#2, %scan3A_1331#6 : vector<16xf32>
      %swap3A_1350 = arith.index_cast %add3A_1336 : i32 to index
      %swap3A_1351 = arith.constant 32 : index
      %swap3A_1352 = tpu.vector_load %arg14[%swap3A_1350, %swap3A_1351] {strides = array<i32>} : memref<128x64xf32, #tpu.memory_space<vmem>>, vector<1x16xf32>,
      %swap3A_1353 = vector.shape_cast %swap3A_1352 : vector<1x16xf32> to vector<16xf32>
      %swap3A_1354 = vector.shape_cast %add3A_1349 : vector<16xf32> to vector<1x16xf32>
      tpu.vector_store %arg14[%swap3A_1350, %swap3A_1351], %swap3A_1354 {strides = array<i32>} : memref<128x64xf32, #tpu.memory_space<vmem>>, vector<1x16xf32>,
      %add3A_1355 = arith.addf %scan3A_1331#3, %scan3A_1331#7 : vector<16xf32>
      %swap3A_1356 = arith.index_cast %add3A_1336 : i32 to index
      %swap3A_1357 = arith.constant 48 : index
      %swap3A_1358 = tpu.vector_load %arg14[%swap3A_1356, %swap3A_1357] {strides = array<i32>} : memref<128x64xf32, #tpu.memory_space<vmem>>, vector<1x16xf32>,
      %swap3A_1359 = vector.shape_cast %swap3A_1358 : vector<1x16xf32> to vector<16xf32>
      %swap3A_1360 = vector.shape_cast %add3A_1355 : vector<16xf32> to vector<1x16xf32>
      tpu.vector_store %arg14[%swap3A_1356, %swap3A_1357], %swap3A_1360 {strides = array<i32>} : memref<128x64xf32, #tpu.memory_space<vmem>>, vector<1x16xf32>,
      %add3A_1361 = arith.constant 8 : i32
      %add3A_1362 = arith.addi %add3A_1282, %add3A_1361 : i32
      %mul3A_1363 = arith.constant 104 : i32
      %mul3A_1364 = arith.muli %add3A_1362, %mul3A_1363 : i32
      %dma_start3A_1365 = tpu.memref_slice %arg5[%mul3A_1364] : memref<6656xi32, #tpu.memory_space<vmem>> -> memref<104xi32, #tpu.memory_space<vmem>>
      %dma_start3A_1366 = arith.constant 0 : i32
      %dma_start3A_1367 = arith.constant 0 : i32
      %dma_start3A_1368 = tpu.memref_slice %arg3[%dma_start3A_1366, %dma_start3A_1367] : memref<1000000x64xf32, #tpu.memory_space<hbm>> -> memref<1000000x64xf32, #tpu.memory_space<hbm>>
      tpu.enqueue_indirect_dma source(%dma_start3A_1368 : memref<1000000x64xf32, #tpu.memory_space<hbm>>) target(%arg13 : memref<104x64xf32, #tpu.memory_space<vmem>>) offsets(%dma_start3A_1365 : memref<104xi32, #tpu.memory_space<vmem>>) semaphore(%arg22 : memref<!tpu.dma_semaphore, #tpu.memory_space<semaphore_mem>>)
    }
    %scan3A_48 = arith.constant 7 : i32
    %dma_wait3A = arith.constant 5824 : i32
    %dma_wait3A_49 = tpu.memref_slice %arg5[%dma_wait3A] : memref<6656xi32, #tpu.memory_space<vmem>> -> memref<104xi32, #tpu.memory_space<vmem>>
    %dma_wait3A_50 = arith.constant 0 : i32
    %dma_wait3A_51 = arith.constant 0 : i32
    %dma_wait3A_52 = tpu.memref_slice %arg3[%dma_wait3A_50, %dma_wait3A_51] : memref<1000000x64xf32, #tpu.memory_space<hbm>> -> memref<1000000x64xf32, #tpu.memory_space<hbm>>
    tpu.wait_indirect_dma semaphore(%arg15 : memref<!tpu.dma_semaphore, #tpu.memory_space<semaphore_mem>>) src(%dma_wait3A_52 : memref<1000000x64xf32, #tpu.memory_space<hbm>>) dst(%arg6 : memref<104x64xf32, #tpu.memory_space<vmem>>)
    %broadcast_in_dim3A = arith.constant 0.000000e+00 : f32
    %broadcast_in_dim3A_53 = vector.broadcast %broadcast_in_dim3A : f32 to vector<16xf32>
    %scan3A_54 = arith.constant 0 : i32
    %scan3A_55 = arith.constant 25 : i32
    %scan3A_56 = arith.addi %scan3A_54, %scan3A_55 : i32
    %scan3A_57 = arith.constant 1 : i32
    %scan3A_58:8 = scf.for %scan3A_662 = %scan3A_54 to %scan3A_56 step %scan3A_57 iter_args(%scan3A_663 = %broadcast_in_dim3A_53, %scan3A_664 = %broadcast_in_dim3A_53, %scan3A_665 = %broadcast_in_dim3A_53, %scan3A_666 = %broadcast_in_dim3A_53, %scan3A_667 = %broadcast_in_dim3A_53, %scan3A_668 = %broadcast_in_dim3A_53, %scan3A_669 = %broadcast_in_dim3A_53, %scan3A_670 = %broadcast_in_dim3A_53) -> (vector<16xf32>, vector<16xf32>, vector<16xf32>, vector<16xf32>, vector<16xf32>, vector<16xf32>, vector<16xf32>, vector<16xf32>)  : i32 {
      %mul3A_671 = arith.constant 2 : i32
      %mul3A_672 = arith.muli %mul3A_671, %scan3A_662 : i32
      %add3A_673 = arith.constant 0 : i32
      %add3A_674 = arith.addi %add3A_673, %mul3A_672 : i32
      %get3A = arith.index_cast %add3A_674 : i32 to index
      %get3A_675 = arith.constant 0 : index
      %get3A_676 = tpu.vector_load %arg6[%get3A, %get3A_675] {strides = array<i32>} : memref<104x64xf32, #tpu.memory_space<vmem>>, vector<1x16xf32>,
      %get3A_677 = vector.shape_cast %get3A_676 : vector<1x16xf32> to vector<16xf32>
      %add3A_678 = arith.addf %scan3A_663, %get3A_677 : vector<16xf32>
      %get3A_679 = arith.index_cast %add3A_674 : i32 to index
      %get3A_680 = arith.constant 16 : index
      %get3A_681 = tpu.vector_load %arg6[%get3A_679, %get3A_680] {strides = array<i32>} : memref<104x64xf32, #tpu.memory_space<vmem>>, vector<1x16xf32>,
      %get3A_682 = vector.shape_cast %get3A_681 : vector<1x16xf32> to vector<16xf32>
      %add3A_683 = arith.addf %scan3A_664, %get3A_682 : vector<16xf32>
      %get3A_684 = arith.index_cast %add3A_674 : i32 to index
      %get3A_685 = arith.constant 32 : index
      %get3A_686 = tpu.vector_load %arg6[%get3A_684, %get3A_685] {strides = array<i32>} : memref<104x64xf32, #tpu.memory_space<vmem>>, vector<1x16xf32>,
      %get3A_687 = vector.shape_cast %get3A_686 : vector<1x16xf32> to vector<16xf32>
      %add3A_688 = arith.addf %scan3A_665, %get3A_687 : vector<16xf32>
      %get3A_689 = arith.index_cast %add3A_674 : i32 to index
      %get3A_690 = arith.constant 48 : index
      %get3A_691 = tpu.vector_load %arg6[%get3A_689, %get3A_690] {strides = array<i32>} : memref<104x64xf32, #tpu.memory_space<vmem>>, vector<1x16xf32>,
      %get3A_692 = vector.shape_cast %get3A_691 : vector<1x16xf32> to vector<16xf32>
      %add3A_693 = arith.addf %scan3A_666, %get3A_692 : vector<16xf32>
      %add3A_694 = arith.constant 1 : i32
      %add3A_695 = arith.addi %add3A_674, %add3A_694 : i32
      %get3A_696 = arith.index_cast %add3A_695 : i32 to index
      %get3A_697 = arith.constant 0 : index
      %get3A_698 = tpu.vector_load %arg6[%get3A_696, %get3A_697] {strides = array<i32>} : memref<104x64xf32, #tpu.memory_space<vmem>>, vector<1x16xf32>,
      %get3A_699 = vector.shape_cast %get3A_698 : vector<1x16xf32> to vector<16xf32>
      %add3A_700 = arith.addf %scan3A_667, %get3A_699 : vector<16xf32>
      %add3A_701 = arith.constant 1 : i32
      %add3A_702 = arith.addi %add3A_674, %add3A_701 : i32
      %get3A_703 = arith.index_cast %add3A_702 : i32 to index
      %get3A_704 = arith.constant 16 : index
      %get3A_705 = tpu.vector_load %arg6[%get3A_703, %get3A_704] {strides = array<i32>} : memref<104x64xf32, #tpu.memory_space<vmem>>, vector<1x16xf32>,
      %get3A_706 = vector.shape_cast %get3A_705 : vector<1x16xf32> to vector<16xf32>
      %add3A_707 = arith.addf %scan3A_668, %get3A_706 : vector<16xf32>
      %add3A_708 = arith.constant 1 : i32
      %add3A_709 = arith.addi %add3A_674, %add3A_708 : i32
      %get3A_710 = arith.index_cast %add3A_709 : i32 to index
      %get3A_711 = arith.constant 32 : index
      %get3A_712 = tpu.vector_load %arg6[%get3A_710, %get3A_711] {strides = array<i32>} : memref<104x64xf32, #tpu.memory_space<vmem>>, vector<1x16xf32>,
      %get3A_713 = vector.shape_cast %get3A_712 : vector<1x16xf32> to vector<16xf32>
      %add3A_714 = arith.addf %scan3A_669, %get3A_713 : vector<16xf32>
      %add3A_715 = arith.constant 1 : i32
      %add3A_716 = arith.addi %add3A_674, %add3A_715 : i32
      %get3A_717 = arith.index_cast %add3A_716 : i32 to index
      %get3A_718 = arith.constant 48 : index
      %get3A_719 = tpu.vector_load %arg6[%get3A_717, %get3A_718] {strides = array<i32>} : memref<104x64xf32, #tpu.memory_space<vmem>>, vector<1x16xf32>,
      %get3A_720 = vector.shape_cast %get3A_719 : vector<1x16xf32> to vector<16xf32>
      %add3A_721 = arith.addf %scan3A_670, %get3A_720 : vector<16xf32>
      scf.yield %add3A_678, %add3A_683, %add3A_688, %add3A_693, %add3A_700, %add3A_707, %add3A_714, %add3A_721 : vector<16xf32>, vector<16xf32>, vector<16xf32>, vector<16xf32>, vector<16xf32>, vector<16xf32>, vector<16xf32>, vector<16xf32>
    }
    %scan3A_59 = arith.constant 25 : i32
    %add3A_60 = arith.addf %scan3A_58#0, %scan3A_58#4 : vector<16xf32>
    %swap3A = arith.constant 112 : i32
    %swap3A_61 = arith.index_cast %swap3A : i32 to index
    %swap3A_62 = arith.constant 0 : index
    %swap3A_63 = tpu.vector_load %arg14[%swap3A_61, %swap3A_62] {strides = array<i32>} : memref<128x64xf32, #tpu.memory_space<vmem>>, vector<1x16xf32>,
    %swap3A_64 = vector.shape_cast %swap3A_63 : vector<1x16xf32> to vector<16xf32>
    %swap3A_65 = vector.shape_cast %add3A_60 : vector<16xf32> to vector<1x16xf32>
    tpu.vector_store %arg14[%swap3A_61, %swap3A_62], %swap3A_65 {strides = array<i32>} : memref<128x64xf32, #tpu.memory_space<vmem>>, vector<1x16xf32>,
    %add3A_66 = arith.addf %scan3A_58#1, %scan3A_58#5 : vector<16xf32>
    %swap3A_67 = arith.constant 112 : i32
    %swap3A_68 = arith.index_cast %swap3A_67 : i32 to index
    %swap3A_69 = arith.constant 16 : index
    %swap3A_70 = tpu.vector_load %arg14[%swap3A_68, %swap3A_69] {strides = array<i32>} : memref<128x64xf32, #tpu.memory_space<vmem>>, vector<1x16xf32>,
    %swap3A_71 = vector.shape_cast %swap3A_70 : vector<1x16xf32> to vector<16xf32>
    %swap3A_72 = vector.shape_cast %add3A_66 : vector<16xf32> to vector<1x16xf32>
    tpu.vector_store %arg14[%swap3A_68, %swap3A_69], %swap3A_72 {strides = array<i32>} : memref<128x64xf32, #tpu.memory_space<vmem>>, vector<1x16xf32>,
    %add3A_73 = arith.addf %scan3A_58#2, %scan3A_58#6 : vector<16xf32>
    %swap3A_74 = arith.constant 112 : i32
    %swap3A_75 = arith.index_cast %swap3A_74 : i32 to index
    %swap3A_76 = arith.constant 32 : index
    %swap3A_77 = tpu.vector_load %arg14[%swap3A_75, %swap3A_76] {strides = array<i32>} : memref<128x64xf32, #tpu.memory_space<vmem>>, vector<1x16xf32>,
    %swap3A_78 = vector.shape_cast %swap3A_77 : vector<1x16xf32> to vector<16xf32>
    %swap3A_79 = vector.shape_cast %add3A_73 : vector<16xf32> to vector<1x16xf32>
    tpu.vector_store %arg14[%swap3A_75, %swap3A_76], %swap3A_79 {strides = array<i32>} : memref<128x64xf32, #tpu.memory_space<vmem>>, vector<1x16xf32>,
    %add3A_80 = arith.addf %scan3A_58#3, %scan3A_58#7 : vector<16xf32>
    %swap3A_81 = arith.constant 112 : i32
    %swap3A_82 = arith.index_cast %swap3A_81 : i32 to index
    %swap3A_83 = arith.constant 48 : index
    %swap3A_84 = tpu.vector_load %arg14[%swap3A_82, %swap3A_83] {strides = array<i32>} : memref<128x64xf32, #tpu.memory_space<vmem>>, vector<1x16xf32>,
    %swap3A_85 = vector.shape_cast %swap3A_84 : vector<1x16xf32> to vector<16xf32>
    %swap3A_86 = vector.shape_cast %add3A_80 : vector<16xf32> to vector<1x16xf32>
    tpu.vector_store %arg14[%swap3A_82, %swap3A_83], %swap3A_86 {strides = array<i32>} : memref<128x64xf32, #tpu.memory_space<vmem>>, vector<1x16xf32>,
    %broadcast_in_dim3A_87 = arith.constant 0.000000e+00 : f32
    %broadcast_in_dim3A_88 = vector.broadcast %broadcast_in_dim3A_87 : f32 to vector<16xf32>
    %scan3A_89 = arith.constant 0 : i32
    %scan3A_90 = arith.constant 25 : i32
    %scan3A_91 = arith.addi %scan3A_89, %scan3A_90 : i32
    %scan3A_92 = arith.constant 1 : i32
    %scan3A_93:8 = scf.for %scan3A_662 = %scan3A_89 to %scan3A_91 step %scan3A_92 iter_args(%scan3A_663 = %broadcast_in_dim3A_88, %scan3A_664 = %broadcast_in_dim3A_88, %scan3A_665 = %broadcast_in_dim3A_88, %scan3A_666 = %broadcast_in_dim3A_88, %scan3A_667 = %broadcast_in_dim3A_88, %scan3A_668 = %broadcast_in_dim3A_88, %scan3A_669 = %broadcast_in_dim3A_88, %scan3A_670 = %broadcast_in_dim3A_88) -> (vector<16xf32>, vector<16xf32>, vector<16xf32>, vector<16xf32>, vector<16xf32>, vector<16xf32>, vector<16xf32>, vector<16xf32>)  : i32 {
      %mul3A_671 = arith.constant 2 : i32
      %mul3A_672 = arith.muli %mul3A_671, %scan3A_662 : i32
      %add3A_673 = arith.constant 52 : i32
      %add3A_674 = arith.addi %add3A_673, %mul3A_672 : i32
      %get3A = arith.index_cast %add3A_674 : i32 to index
      %get3A_675 = arith.constant 0 : index
      %get3A_676 = tpu.vector_load %arg6[%get3A, %get3A_675] {strides = array<i32>} : memref<104x64xf32, #tpu.memory_space<vmem>>, vector<1x16xf32>,
      %get3A_677 = vector.shape_cast %get3A_676 : vector<1x16xf32> to vector<16xf32>
      %add3A_678 = arith.addf %scan3A_663, %get3A_677 : vector<16xf32>
      %get3A_679 = arith.index_cast %add3A_674 : i32 to index
      %get3A_680 = arith.constant 16 : index
      %get3A_681 = tpu.vector_load %arg6[%get3A_679, %get3A_680] {strides = array<i32>} : memref<104x64xf32, #tpu.memory_space<vmem>>, vector<1x16xf32>,
      %get3A_682 = vector.shape_cast %get3A_681 : vector<1x16xf32> to vector<16xf32>
      %add3A_683 = arith.addf %scan3A_664, %get3A_682 : vector<16xf32>
      %get3A_684 = arith.index_cast %add3A_674 : i32 to index
      %get3A_685 = arith.constant 32 : index
      %get3A_686 = tpu.vector_load %arg6[%get3A_684, %get3A_685] {strides = array<i32>} : memref<104x64xf32, #tpu.memory_space<vmem>>, vector<1x16xf32>,
      %get3A_687 = vector.shape_cast %get3A_686 : vector<1x16xf32> to vector<16xf32>
      %add3A_688 = arith.addf %scan3A_665, %get3A_687 : vector<16xf32>
      %get3A_689 = arith.index_cast %add3A_674 : i32 to index
      %get3A_690 = arith.constant 48 : index
      %get3A_691 = tpu.vector_load %arg6[%get3A_689, %get3A_690] {strides = array<i32>} : memref<104x64xf32, #tpu.memory_space<vmem>>, vector<1x16xf32>,
      %get3A_692 = vector.shape_cast %get3A_691 : vector<1x16xf32> to vector<16xf32>
      %add3A_693 = arith.addf %scan3A_666, %get3A_692 : vector<16xf32>
      %add3A_694 = arith.constant 1 : i32
      %add3A_695 = arith.addi %add3A_674, %add3A_694 : i32
      %get3A_696 = arith.index_cast %add3A_695 : i32 to index
      %get3A_697 = arith.constant 0 : index
      %get3A_698 = tpu.vector_load %arg6[%get3A_696, %get3A_697] {strides = array<i32>} : memref<104x64xf32, #tpu.memory_space<vmem>>, vector<1x16xf32>,
      %get3A_699 = vector.shape_cast %get3A_698 : vector<1x16xf32> to vector<16xf32>
      %add3A_700 = arith.addf %scan3A_667, %get3A_699 : vector<16xf32>
      %add3A_701 = arith.constant 1 : i32
      %add3A_702 = arith.addi %add3A_674, %add3A_701 : i32
      %get3A_703 = arith.index_cast %add3A_702 : i32 to index
      %get3A_704 = arith.constant 16 : index
      %get3A_705 = tpu.vector_load %arg6[%get3A_703, %get3A_704] {strides = array<i32>} : memref<104x64xf32, #tpu.memory_space<vmem>>, vector<1x16xf32>,
      %get3A_706 = vector.shape_cast %get3A_705 : vector<1x16xf32> to vector<16xf32>
      %add3A_707 = arith.addf %scan3A_668, %get3A_706 : vector<16xf32>
      %add3A_708 = arith.constant 1 : i32
      %add3A_709 = arith.addi %add3A_674, %add3A_708 : i32
      %get3A_710 = arith.index_cast %add3A_709 : i32 to index
      %get3A_711 = arith.constant 32 : index
      %get3A_712 = tpu.vector_load %arg6[%get3A_710, %get3A_711] {strides = array<i32>} : memref<104x64xf32, #tpu.memory_space<vmem>>, vector<1x16xf32>,
      %get3A_713 = vector.shape_cast %get3A_712 : vector<1x16xf32> to vector<16xf32>
      %add3A_714 = arith.addf %scan3A_669, %get3A_713 : vector<16xf32>
      %add3A_715 = arith.constant 1 : i32
      %add3A_716 = arith.addi %add3A_674, %add3A_715 : i32
      %get3A_717 = arith.index_cast %add3A_716 : i32 to index
      %get3A_718 = arith.constant 48 : index
      %get3A_719 = tpu.vector_load %arg6[%get3A_717, %get3A_718] {strides = array<i32>} : memref<104x64xf32, #tpu.memory_space<vmem>>, vector<1x16xf32>,
      %get3A_720 = vector.shape_cast %get3A_719 : vector<1x16xf32> to vector<16xf32>
      %add3A_721 = arith.addf %scan3A_670, %get3A_720 : vector<16xf32>
      scf.yield %add3A_678, %add3A_683, %add3A_688, %add3A_693, %add3A_700, %add3A_707, %add3A_714, %add3A_721 : vector<16xf32>, vector<16xf32>, vector<16xf32>, vector<16xf32>, vector<16xf32>, vector<16xf32>, vector<16xf32>, vector<16xf32>
    }
    %scan3A_94 = arith.constant 25 : i32
    %add3A_95 = arith.addf %scan3A_93#0, %scan3A_93#4 : vector<16xf32>
    %swap3A_96 = arith.constant 113 : i32
    %swap3A_97 = arith.index_cast %swap3A_96 : i32 to index
    %swap3A_98 = arith.constant 0 : index
    %swap3A_99 = tpu.vector_load %arg14[%swap3A_97, %swap3A_98] {strides = array<i32>} : memref<128x64xf32, #tpu.memory_space<vmem>>, vector<1x16xf32>,
    %swap3A_100 = vector.shape_cast %swap3A_99 : vector<1x16xf32> to vector<16xf32>
    %swap3A_101 = vector.shape_cast %add3A_95 : vector<16xf32> to vector<1x16xf32>
    tpu.vector_store %arg14[%swap3A_97, %swap3A_98], %swap3A_101 {strides = array<i32>} : memref<128x64xf32, #tpu.memory_space<vmem>>, vector<1x16xf32>,
    %add3A_102 = arith.addf %scan3A_93#1, %scan3A_93#5 : vector<16xf32>
    %swap3A_103 = arith.constant 113 : i32
    %swap3A_104 = arith.index_cast %swap3A_103 : i32 to index
    %swap3A_105 = arith.constant 16 : index
    %swap3A_106 = tpu.vector_load %arg14[%swap3A_104, %swap3A_105] {strides = array<i32>} : memref<128x64xf32, #tpu.memory_space<vmem>>, vector<1x16xf32>,
    %swap3A_107 = vector.shape_cast %swap3A_106 : vector<1x16xf32> to vector<16xf32>
    %swap3A_108 = vector.shape_cast %add3A_102 : vector<16xf32> to vector<1x16xf32>
    tpu.vector_store %arg14[%swap3A_104, %swap3A_105], %swap3A_108 {strides = array<i32>} : memref<128x64xf32, #tpu.memory_space<vmem>>, vector<1x16xf32>,
    %add3A_109 = arith.addf %scan3A_93#2, %scan3A_93#6 : vector<16xf32>
    %swap3A_110 = arith.constant 113 : i32
    %swap3A_111 = arith.index_cast %swap3A_110 : i32 to index
    %swap3A_112 = arith.constant 32 : index
    %swap3A_113 = tpu.vector_load %arg14[%swap3A_111, %swap3A_112] {strides = array<i32>} : memref<128x64xf32, #tpu.memory_space<vmem>>, vector<1x16xf32>,
    %swap3A_114 = vector.shape_cast %swap3A_113 : vector<1x16xf32> to vector<16xf32>
    %swap3A_115 = vector.shape_cast %add3A_109 : vector<16xf32> to vector<1x16xf32>
    tpu.vector_store %arg14[%swap3A_111, %swap3A_112], %swap3A_115 {strides = array<i32>} : memref<128x64xf32, #tpu.memory_space<vmem>>, vector<1x16xf32>,
    %add3A_116 = arith.addf %scan3A_93#3, %scan3A_93#7 : vector<16xf32>
    %swap3A_117 = arith.constant 113 : i32
    %swap3A_118 = arith.index_cast %swap3A_117 : i32 to index
    %swap3A_119 = arith.constant 48 : index
    %swap3A_120 = tpu.vector_load %arg14[%swap3A_118, %swap3A_119] {strides = array<i32>} : memref<128x64xf32, #tpu.memory_space<vmem>>, vector<1x16xf32>,
    %swap3A_121 = vector.shape_cast %swap3A_120 : vector<1x16xf32> to vector<16xf32>
    %swap3A_122 = vector.shape_cast %add3A_116 : vector<16xf32> to vector<1x16xf32>
    tpu.vector_store %arg14[%swap3A_118, %swap3A_119], %swap3A_122 {strides = array<i32>} : memref<128x64xf32, #tpu.memory_space<vmem>>, vector<1x16xf32>,
    %dma_wait3A_123 = arith.constant 5928 : i32
    %dma_wait3A_124 = tpu.memref_slice %arg5[%dma_wait3A_123] : memref<6656xi32, #tpu.memory_space<vmem>> -> memref<104xi32, #tpu.memory_space<vmem>>
    %dma_wait3A_125 = arith.constant 0 : i32
    %dma_wait3A_126 = arith.constant 0 : i32
    %dma_wait3A_127 = tpu.memref_slice %arg3[%dma_wait3A_125, %dma_wait3A_126] : memref<1000000x64xf32, #tpu.memory_space<hbm>> -> memref<1000000x64xf32, #tpu.memory_space<hbm>>
    tpu.wait_indirect_dma semaphore(%arg16 : memref<!tpu.dma_semaphore, #tpu.memory_space<semaphore_mem>>) src(%dma_wait3A_127 : memref<1000000x64xf32, #tpu.memory_space<hbm>>) dst(%arg7 : memref<104x64xf32, #tpu.memory_space<vmem>>)
    %broadcast_in_dim3A_128 = arith.constant 0.000000e+00 : f32
    %broadcast_in_dim3A_129 = vector.broadcast %broadcast_in_dim3A_128 : f32 to vector<16xf32>
    %scan3A_130 = arith.constant 0 : i32
    %scan3A_131 = arith.constant 25 : i32
    %scan3A_132 = arith.addi %scan3A_130, %scan3A_131 : i32
    %scan3A_133 = arith.constant 1 : i32
    %scan3A_134:8 = scf.for %scan3A_662 = %scan3A_130 to %scan3A_132 step %scan3A_133 iter_args(%scan3A_663 = %broadcast_in_dim3A_129, %scan3A_664 = %broadcast_in_dim3A_129, %scan3A_665 = %broadcast_in_dim3A_129, %scan3A_666 = %broadcast_in_dim3A_129, %scan3A_667 = %broadcast_in_dim3A_129, %scan3A_668 = %broadcast_in_dim3A_129, %scan3A_669 = %broadcast_in_dim3A_129, %scan3A_670 = %broadcast_in_dim3A_129) -> (vector<16xf32>, vector<16xf32>, vector<16xf32>, vector<16xf32>, vector<16xf32>, vector<16xf32>, vector<16xf32>, vector<16xf32>)  : i32 {
      %mul3A_671 = arith.constant 2 : i32
      %mul3A_672 = arith.muli %mul3A_671, %scan3A_662 : i32
      %add3A_673 = arith.constant 0 : i32
      %add3A_674 = arith.addi %add3A_673, %mul3A_672 : i32
      %get3A = arith.index_cast %add3A_674 : i32 to index
      %get3A_675 = arith.constant 0 : index
      %get3A_676 = tpu.vector_load %arg7[%get3A, %get3A_675] {strides = array<i32>} : memref<104x64xf32, #tpu.memory_space<vmem>>, vector<1x16xf32>,
      %get3A_677 = vector.shape_cast %get3A_676 : vector<1x16xf32> to vector<16xf32>
      %add3A_678 = arith.addf %scan3A_663, %get3A_677 : vector<16xf32>
      %get3A_679 = arith.index_cast %add3A_674 : i32 to index
      %get3A_680 = arith.constant 16 : index
      %get3A_681 = tpu.vector_load %arg7[%get3A_679, %get3A_680] {strides = array<i32>} : memref<104x64xf32, #tpu.memory_space<vmem>>, vector<1x16xf32>,
      %get3A_682 = vector.shape_cast %get3A_681 : vector<1x16xf32> to vector<16xf32>
      %add3A_683 = arith.addf %scan3A_664, %get3A_682 : vector<16xf32>
      %get3A_684 = arith.index_cast %add3A_674 : i32 to index
      %get3A_685 = arith.constant 32 : index
      %get3A_686 = tpu.vector_load %arg7[%get3A_684, %get3A_685] {strides = array<i32>} : memref<104x64xf32, #tpu.memory_space<vmem>>, vector<1x16xf32>,
      %get3A_687 = vector.shape_cast %get3A_686 : vector<1x16xf32> to vector<16xf32>
      %add3A_688 = arith.addf %scan3A_665, %get3A_687 : vector<16xf32>
      %get3A_689 = arith.index_cast %add3A_674 : i32 to index
      %get3A_690 = arith.constant 48 : index
      %get3A_691 = tpu.vector_load %arg7[%get3A_689, %get3A_690] {strides = array<i32>} : memref<104x64xf32, #tpu.memory_space<vmem>>, vector<1x16xf32>,
      %get3A_692 = vector.shape_cast %get3A_691 : vector<1x16xf32> to vector<16xf32>
      %add3A_693 = arith.addf %scan3A_666, %get3A_692 : vector<16xf32>
      %add3A_694 = arith.constant 1 : i32
      %add3A_695 = arith.addi %add3A_674, %add3A_694 : i32
      %get3A_696 = arith.index_cast %add3A_695 : i32 to index
      %get3A_697 = arith.constant 0 : index
      %get3A_698 = tpu.vector_load %arg7[%get3A_696, %get3A_697] {strides = array<i32>} : memref<104x64xf32, #tpu.memory_space<vmem>>, vector<1x16xf32>,
      %get3A_699 = vector.shape_cast %get3A_698 : vector<1x16xf32> to vector<16xf32>
      %add3A_700 = arith.addf %scan3A_667, %get3A_699 : vector<16xf32>
      %add3A_701 = arith.constant 1 : i32
      %add3A_702 = arith.addi %add3A_674, %add3A_701 : i32
      %get3A_703 = arith.index_cast %add3A_702 : i32 to index
      %get3A_704 = arith.constant 16 : index
      %get3A_705 = tpu.vector_load %arg7[%get3A_703, %get3A_704] {strides = array<i32>} : memref<104x64xf32, #tpu.memory_space<vmem>>, vector<1x16xf32>,
      %get3A_706 = vector.shape_cast %get3A_705 : vector<1x16xf32> to vector<16xf32>
      %add3A_707 = arith.addf %scan3A_668, %get3A_706 : vector<16xf32>
      %add3A_708 = arith.constant 1 : i32
      %add3A_709 = arith.addi %add3A_674, %add3A_708 : i32
      %get3A_710 = arith.index_cast %add3A_709 : i32 to index
      %get3A_711 = arith.constant 32 : index
      %get3A_712 = tpu.vector_load %arg7[%get3A_710, %get3A_711] {strides = array<i32>} : memref<104x64xf32, #tpu.memory_space<vmem>>, vector<1x16xf32>,
      %get3A_713 = vector.shape_cast %get3A_712 : vector<1x16xf32> to vector<16xf32>
      %add3A_714 = arith.addf %scan3A_669, %get3A_713 : vector<16xf32>
      %add3A_715 = arith.constant 1 : i32
      %add3A_716 = arith.addi %add3A_674, %add3A_715 : i32
      %get3A_717 = arith.index_cast %add3A_716 : i32 to index
      %get3A_718 = arith.constant 48 : index
      %get3A_719 = tpu.vector_load %arg7[%get3A_717, %get3A_718] {strides = array<i32>} : memref<104x64xf32, #tpu.memory_space<vmem>>, vector<1x16xf32>,
      %get3A_720 = vector.shape_cast %get3A_719 : vector<1x16xf32> to vector<16xf32>
      %add3A_721 = arith.addf %scan3A_670, %get3A_720 : vector<16xf32>
      scf.yield %add3A_678, %add3A_683, %add3A_688, %add3A_693, %add3A_700, %add3A_707, %add3A_714, %add3A_721 : vector<16xf32>, vector<16xf32>, vector<16xf32>, vector<16xf32>, vector<16xf32>, vector<16xf32>, vector<16xf32>, vector<16xf32>
    }
    %scan3A_135 = arith.constant 25 : i32
    %add3A_136 = arith.addf %scan3A_134#0, %scan3A_134#4 : vector<16xf32>
    %swap3A_137 = arith.constant 114 : i32
    %swap3A_138 = arith.index_cast %swap3A_137 : i32 to index
    %swap3A_139 = arith.constant 0 : index
    %swap3A_140 = tpu.vector_load %arg14[%swap3A_138, %swap3A_139] {strides = array<i32>} : memref<128x64xf32, #tpu.memory_space<vmem>>, vector<1x16xf32>,
    %swap3A_141 = vector.shape_cast %swap3A_140 : vector<1x16xf32> to vector<16xf32>
    %swap3A_142 = vector.shape_cast %add3A_136 : vector<16xf32> to vector<1x16xf32>
    tpu.vector_store %arg14[%swap3A_138, %swap3A_139], %swap3A_142 {strides = array<i32>} : memref<128x64xf32, #tpu.memory_space<vmem>>, vector<1x16xf32>,
    %add3A_143 = arith.addf %scan3A_134#1, %scan3A_134#5 : vector<16xf32>
    %swap3A_144 = arith.constant 114 : i32
    %swap3A_145 = arith.index_cast %swap3A_144 : i32 to index
    %swap3A_146 = arith.constant 16 : index
    %swap3A_147 = tpu.vector_load %arg14[%swap3A_145, %swap3A_146] {strides = array<i32>} : memref<128x64xf32, #tpu.memory_space<vmem>>, vector<1x16xf32>,
    %swap3A_148 = vector.shape_cast %swap3A_147 : vector<1x16xf32> to vector<16xf32>
    %swap3A_149 = vector.shape_cast %add3A_143 : vector<16xf32> to vector<1x16xf32>
    tpu.vector_store %arg14[%swap3A_145, %swap3A_146], %swap3A_149 {strides = array<i32>} : memref<128x64xf32, #tpu.memory_space<vmem>>, vector<1x16xf32>,
    %add3A_150 = arith.addf %scan3A_134#2, %scan3A_134#6 : vector<16xf32>
    %swap3A_151 = arith.constant 114 : i32
    %swap3A_152 = arith.index_cast %swap3A_151 : i32 to index
    %swap3A_153 = arith.constant 32 : index
    %swap3A_154 = tpu.vector_load %arg14[%swap3A_152, %swap3A_153] {strides = array<i32>} : memref<128x64xf32, #tpu.memory_space<vmem>>, vector<1x16xf32>,
    %swap3A_155 = vector.shape_cast %swap3A_154 : vector<1x16xf32> to vector<16xf32>
    %swap3A_156 = vector.shape_cast %add3A_150 : vector<16xf32> to vector<1x16xf32>
    tpu.vector_store %arg14[%swap3A_152, %swap3A_153], %swap3A_156 {strides = array<i32>} : memref<128x64xf32, #tpu.memory_space<vmem>>, vector<1x16xf32>,
    %add3A_157 = arith.addf %scan3A_134#3, %scan3A_134#7 : vector<16xf32>
    %swap3A_158 = arith.constant 114 : i32
    %swap3A_159 = arith.index_cast %swap3A_158 : i32 to index
    %swap3A_160 = arith.constant 48 : index
    %swap3A_161 = tpu.vector_load %arg14[%swap3A_159, %swap3A_160] {strides = array<i32>} : memref<128x64xf32, #tpu.memory_space<vmem>>, vector<1x16xf32>,
    %swap3A_162 = vector.shape_cast %swap3A_161 : vector<1x16xf32> to vector<16xf32>
    %swap3A_163 = vector.shape_cast %add3A_157 : vector<16xf32> to vector<1x16xf32>
    tpu.vector_store %arg14[%swap3A_159, %swap3A_160], %swap3A_163 {strides = array<i32>} : memref<128x64xf32, #tpu.memory_space<vmem>>, vector<1x16xf32>,
    %broadcast_in_dim3A_164 = arith.constant 0.000000e+00 : f32
    %broadcast_in_dim3A_165 = vector.broadcast %broadcast_in_dim3A_164 : f32 to vector<16xf32>
    %scan3A_166 = arith.constant 0 : i32
    %scan3A_167 = arith.constant 25 : i32
    %scan3A_168 = arith.addi %scan3A_166, %scan3A_167 : i32
    %scan3A_169 = arith.constant 1 : i32
    %scan3A_170:8 = scf.for %scan3A_662 = %scan3A_166 to %scan3A_168 step %scan3A_169 iter_args(%scan3A_663 = %broadcast_in_dim3A_165, %scan3A_664 = %broadcast_in_dim3A_165, %scan3A_665 = %broadcast_in_dim3A_165, %scan3A_666 = %broadcast_in_dim3A_165, %scan3A_667 = %broadcast_in_dim3A_165, %scan3A_668 = %broadcast_in_dim3A_165, %scan3A_669 = %broadcast_in_dim3A_165, %scan3A_670 = %broadcast_in_dim3A_165) -> (vector<16xf32>, vector<16xf32>, vector<16xf32>, vector<16xf32>, vector<16xf32>, vector<16xf32>, vector<16xf32>, vector<16xf32>)  : i32 {
      %mul3A_671 = arith.constant 2 : i32
      %mul3A_672 = arith.muli %mul3A_671, %scan3A_662 : i32
      %add3A_673 = arith.constant 52 : i32
      %add3A_674 = arith.addi %add3A_673, %mul3A_672 : i32
      %get3A = arith.index_cast %add3A_674 : i32 to index
      %get3A_675 = arith.constant 0 : index
      %get3A_676 = tpu.vector_load %arg7[%get3A, %get3A_675] {strides = array<i32>} : memref<104x64xf32, #tpu.memory_space<vmem>>, vector<1x16xf32>,
      %get3A_677 = vector.shape_cast %get3A_676 : vector<1x16xf32> to vector<16xf32>
      %add3A_678 = arith.addf %scan3A_663, %get3A_677 : vector<16xf32>
      %get3A_679 = arith.index_cast %add3A_674 : i32 to index
      %get3A_680 = arith.constant 16 : index
      %get3A_681 = tpu.vector_load %arg7[%get3A_679, %get3A_680] {strides = array<i32>} : memref<104x64xf32, #tpu.memory_space<vmem>>, vector<1x16xf32>,
      %get3A_682 = vector.shape_cast %get3A_681 : vector<1x16xf32> to vector<16xf32>
      %add3A_683 = arith.addf %scan3A_664, %get3A_682 : vector<16xf32>
      %get3A_684 = arith.index_cast %add3A_674 : i32 to index
      %get3A_685 = arith.constant 32 : index
      %get3A_686 = tpu.vector_load %arg7[%get3A_684, %get3A_685] {strides = array<i32>} : memref<104x64xf32, #tpu.memory_space<vmem>>, vector<1x16xf32>,
      %get3A_687 = vector.shape_cast %get3A_686 : vector<1x16xf32> to vector<16xf32>
      %add3A_688 = arith.addf %scan3A_665, %get3A_687 : vector<16xf32>
      %get3A_689 = arith.index_cast %add3A_674 : i32 to index
      %get3A_690 = arith.constant 48 : index
      %get3A_691 = tpu.vector_load %arg7[%get3A_689, %get3A_690] {strides = array<i32>} : memref<104x64xf32, #tpu.memory_space<vmem>>, vector<1x16xf32>,
      %get3A_692 = vector.shape_cast %get3A_691 : vector<1x16xf32> to vector<16xf32>
      %add3A_693 = arith.addf %scan3A_666, %get3A_692 : vector<16xf32>
      %add3A_694 = arith.constant 1 : i32
      %add3A_695 = arith.addi %add3A_674, %add3A_694 : i32
      %get3A_696 = arith.index_cast %add3A_695 : i32 to index
      %get3A_697 = arith.constant 0 : index
      %get3A_698 = tpu.vector_load %arg7[%get3A_696, %get3A_697] {strides = array<i32>} : memref<104x64xf32, #tpu.memory_space<vmem>>, vector<1x16xf32>,
      %get3A_699 = vector.shape_cast %get3A_698 : vector<1x16xf32> to vector<16xf32>
      %add3A_700 = arith.addf %scan3A_667, %get3A_699 : vector<16xf32>
      %add3A_701 = arith.constant 1 : i32
      %add3A_702 = arith.addi %add3A_674, %add3A_701 : i32
      %get3A_703 = arith.index_cast %add3A_702 : i32 to index
      %get3A_704 = arith.constant 16 : index
      %get3A_705 = tpu.vector_load %arg7[%get3A_703, %get3A_704] {strides = array<i32>} : memref<104x64xf32, #tpu.memory_space<vmem>>, vector<1x16xf32>,
      %get3A_706 = vector.shape_cast %get3A_705 : vector<1x16xf32> to vector<16xf32>
      %add3A_707 = arith.addf %scan3A_668, %get3A_706 : vector<16xf32>
      %add3A_708 = arith.constant 1 : i32
      %add3A_709 = arith.addi %add3A_674, %add3A_708 : i32
      %get3A_710 = arith.index_cast %add3A_709 : i32 to index
      %get3A_711 = arith.constant 32 : index
      %get3A_712 = tpu.vector_load %arg7[%get3A_710, %get3A_711] {strides = array<i32>} : memref<104x64xf32, #tpu.memory_space<vmem>>, vector<1x16xf32>,
      %get3A_713 = vector.shape_cast %get3A_712 : vector<1x16xf32> to vector<16xf32>
      %add3A_714 = arith.addf %scan3A_669, %get3A_713 : vector<16xf32>
      %add3A_715 = arith.constant 1 : i32
      %add3A_716 = arith.addi %add3A_674, %add3A_715 : i32
      %get3A_717 = arith.index_cast %add3A_716 : i32 to index
      %get3A_718 = arith.constant 48 : index
      %get3A_719 = tpu.vector_load %arg7[%get3A_717, %get3A_718] {strides = array<i32>} : memref<104x64xf32, #tpu.memory_space<vmem>>, vector<1x16xf32>,
      %get3A_720 = vector.shape_cast %get3A_719 : vector<1x16xf32> to vector<16xf32>
      %add3A_721 = arith.addf %scan3A_670, %get3A_720 : vector<16xf32>
      scf.yield %add3A_678, %add3A_683, %add3A_688, %add3A_693, %add3A_700, %add3A_707, %add3A_714, %add3A_721 : vector<16xf32>, vector<16xf32>, vector<16xf32>, vector<16xf32>, vector<16xf32>, vector<16xf32>, vector<16xf32>, vector<16xf32>
    }
    %scan3A_171 = arith.constant 25 : i32
    %add3A_172 = arith.addf %scan3A_170#0, %scan3A_170#4 : vector<16xf32>
    %swap3A_173 = arith.constant 115 : i32
    %swap3A_174 = arith.index_cast %swap3A_173 : i32 to index
    %swap3A_175 = arith.constant 0 : index
    %swap3A_176 = tpu.vector_load %arg14[%swap3A_174, %swap3A_175] {strides = array<i32>} : memref<128x64xf32, #tpu.memory_space<vmem>>, vector<1x16xf32>,
    %swap3A_177 = vector.shape_cast %swap3A_176 : vector<1x16xf32> to vector<16xf32>
    %swap3A_178 = vector.shape_cast %add3A_172 : vector<16xf32> to vector<1x16xf32>
    tpu.vector_store %arg14[%swap3A_174, %swap3A_175], %swap3A_178 {strides = array<i32>} : memref<128x64xf32, #tpu.memory_space<vmem>>, vector<1x16xf32>,
    %add3A_179 = arith.addf %scan3A_170#1, %scan3A_170#5 : vector<16xf32>
    %swap3A_180 = arith.constant 115 : i32
    %swap3A_181 = arith.index_cast %swap3A_180 : i32 to index
    %swap3A_182 = arith.constant 16 : index
    %swap3A_183 = tpu.vector_load %arg14[%swap3A_181, %swap3A_182] {strides = array<i32>} : memref<128x64xf32, #tpu.memory_space<vmem>>, vector<1x16xf32>,
    %swap3A_184 = vector.shape_cast %swap3A_183 : vector<1x16xf32> to vector<16xf32>
    %swap3A_185 = vector.shape_cast %add3A_179 : vector<16xf32> to vector<1x16xf32>
    tpu.vector_store %arg14[%swap3A_181, %swap3A_182], %swap3A_185 {strides = array<i32>} : memref<128x64xf32, #tpu.memory_space<vmem>>, vector<1x16xf32>,
    %add3A_186 = arith.addf %scan3A_170#2, %scan3A_170#6 : vector<16xf32>
    %swap3A_187 = arith.constant 115 : i32
    %swap3A_188 = arith.index_cast %swap3A_187 : i32 to index
    %swap3A_189 = arith.constant 32 : index
    %swap3A_190 = tpu.vector_load %arg14[%swap3A_188, %swap3A_189] {strides = array<i32>} : memref<128x64xf32, #tpu.memory_space<vmem>>, vector<1x16xf32>,
    %swap3A_191 = vector.shape_cast %swap3A_190 : vector<1x16xf32> to vector<16xf32>
    %swap3A_192 = vector.shape_cast %add3A_186 : vector<16xf32> to vector<1x16xf32>
    tpu.vector_store %arg14[%swap3A_188, %swap3A_189], %swap3A_192 {strides = array<i32>} : memref<128x64xf32, #tpu.memory_space<vmem>>, vector<1x16xf32>,
    %add3A_193 = arith.addf %scan3A_170#3, %scan3A_170#7 : vector<16xf32>
    %swap3A_194 = arith.constant 115 : i32
    %swap3A_195 = arith.index_cast %swap3A_194 : i32 to index
    %swap3A_196 = arith.constant 48 : index
    %swap3A_197 = tpu.vector_load %arg14[%swap3A_195, %swap3A_196] {strides = array<i32>} : memref<128x64xf32, #tpu.memory_space<vmem>>, vector<1x16xf32>,
    %swap3A_198 = vector.shape_cast %swap3A_197 : vector<1x16xf32> to vector<16xf32>
    %swap3A_199 = vector.shape_cast %add3A_193 : vector<16xf32> to vector<1x16xf32>
    tpu.vector_store %arg14[%swap3A_195, %swap3A_196], %swap3A_199 {strides = array<i32>} : memref<128x64xf32, #tpu.memory_space<vmem>>, vector<1x16xf32>,
    %dma_wait3A_200 = arith.constant 6032 : i32
    %dma_wait3A_201 = tpu.memref_slice %arg5[%dma_wait3A_200] : memref<6656xi32, #tpu.memory_space<vmem>> -> memref<104xi32, #tpu.memory_space<vmem>>
    %dma_wait3A_202 = arith.constant 0 : i32
    %dma_wait3A_203 = arith.constant 0 : i32
    %dma_wait3A_204 = tpu.memref_slice %arg3[%dma_wait3A_202, %dma_wait3A_203] : memref<1000000x64xf32, #tpu.memory_space<hbm>> -> memref<1000000x64xf32, #tpu.memory_space<hbm>>
    tpu.wait_indirect_dma semaphore(%arg17 : memref<!tpu.dma_semaphore, #tpu.memory_space<semaphore_mem>>) src(%dma_wait3A_204 : memref<1000000x64xf32, #tpu.memory_space<hbm>>) dst(%arg8 : memref<104x64xf32, #tpu.memory_space<vmem>>)
    %broadcast_in_dim3A_205 = arith.constant 0.000000e+00 : f32
    %broadcast_in_dim3A_206 = vector.broadcast %broadcast_in_dim3A_205 : f32 to vector<16xf32>
    %scan3A_207 = arith.constant 0 : i32
    %scan3A_208 = arith.constant 25 : i32
    %scan3A_209 = arith.addi %scan3A_207, %scan3A_208 : i32
    %scan3A_210 = arith.constant 1 : i32
    %scan3A_211:8 = scf.for %scan3A_662 = %scan3A_207 to %scan3A_209 step %scan3A_210 iter_args(%scan3A_663 = %broadcast_in_dim3A_206, %scan3A_664 = %broadcast_in_dim3A_206, %scan3A_665 = %broadcast_in_dim3A_206, %scan3A_666 = %broadcast_in_dim3A_206, %scan3A_667 = %broadcast_in_dim3A_206, %scan3A_668 = %broadcast_in_dim3A_206, %scan3A_669 = %broadcast_in_dim3A_206, %scan3A_670 = %broadcast_in_dim3A_206) -> (vector<16xf32>, vector<16xf32>, vector<16xf32>, vector<16xf32>, vector<16xf32>, vector<16xf32>, vector<16xf32>, vector<16xf32>)  : i32 {
      %mul3A_671 = arith.constant 2 : i32
      %mul3A_672 = arith.muli %mul3A_671, %scan3A_662 : i32
      %add3A_673 = arith.constant 0 : i32
      %add3A_674 = arith.addi %add3A_673, %mul3A_672 : i32
      %get3A = arith.index_cast %add3A_674 : i32 to index
      %get3A_675 = arith.constant 0 : index
      %get3A_676 = tpu.vector_load %arg8[%get3A, %get3A_675] {strides = array<i32>} : memref<104x64xf32, #tpu.memory_space<vmem>>, vector<1x16xf32>,
      %get3A_677 = vector.shape_cast %get3A_676 : vector<1x16xf32> to vector<16xf32>
      %add3A_678 = arith.addf %scan3A_663, %get3A_677 : vector<16xf32>
      %get3A_679 = arith.index_cast %add3A_674 : i32 to index
      %get3A_680 = arith.constant 16 : index
      %get3A_681 = tpu.vector_load %arg8[%get3A_679, %get3A_680] {strides = array<i32>} : memref<104x64xf32, #tpu.memory_space<vmem>>, vector<1x16xf32>,
      %get3A_682 = vector.shape_cast %get3A_681 : vector<1x16xf32> to vector<16xf32>
      %add3A_683 = arith.addf %scan3A_664, %get3A_682 : vector<16xf32>
      %get3A_684 = arith.index_cast %add3A_674 : i32 to index
      %get3A_685 = arith.constant 32 : index
      %get3A_686 = tpu.vector_load %arg8[%get3A_684, %get3A_685] {strides = array<i32>} : memref<104x64xf32, #tpu.memory_space<vmem>>, vector<1x16xf32>,
      %get3A_687 = vector.shape_cast %get3A_686 : vector<1x16xf32> to vector<16xf32>
      %add3A_688 = arith.addf %scan3A_665, %get3A_687 : vector<16xf32>
      %get3A_689 = arith.index_cast %add3A_674 : i32 to index
      %get3A_690 = arith.constant 48 : index
      %get3A_691 = tpu.vector_load %arg8[%get3A_689, %get3A_690] {strides = array<i32>} : memref<104x64xf32, #tpu.memory_space<vmem>>, vector<1x16xf32>,
      %get3A_692 = vector.shape_cast %get3A_691 : vector<1x16xf32> to vector<16xf32>
      %add3A_693 = arith.addf %scan3A_666, %get3A_692 : vector<16xf32>
      %add3A_694 = arith.constant 1 : i32
      %add3A_695 = arith.addi %add3A_674, %add3A_694 : i32
      %get3A_696 = arith.index_cast %add3A_695 : i32 to index
      %get3A_697 = arith.constant 0 : index
      %get3A_698 = tpu.vector_load %arg8[%get3A_696, %get3A_697] {strides = array<i32>} : memref<104x64xf32, #tpu.memory_space<vmem>>, vector<1x16xf32>,
      %get3A_699 = vector.shape_cast %get3A_698 : vector<1x16xf32> to vector<16xf32>
      %add3A_700 = arith.addf %scan3A_667, %get3A_699 : vector<16xf32>
      %add3A_701 = arith.constant 1 : i32
      %add3A_702 = arith.addi %add3A_674, %add3A_701 : i32
      %get3A_703 = arith.index_cast %add3A_702 : i32 to index
      %get3A_704 = arith.constant 16 : index
      %get3A_705 = tpu.vector_load %arg8[%get3A_703, %get3A_704] {strides = array<i32>} : memref<104x64xf32, #tpu.memory_space<vmem>>, vector<1x16xf32>,
      %get3A_706 = vector.shape_cast %get3A_705 : vector<1x16xf32> to vector<16xf32>
      %add3A_707 = arith.addf %scan3A_668, %get3A_706 : vector<16xf32>
      %add3A_708 = arith.constant 1 : i32
      %add3A_709 = arith.addi %add3A_674, %add3A_708 : i32
      %get3A_710 = arith.index_cast %add3A_709 : i32 to index
      %get3A_711 = arith.constant 32 : index
      %get3A_712 = tpu.vector_load %arg8[%get3A_710, %get3A_711] {strides = array<i32>} : memref<104x64xf32, #tpu.memory_space<vmem>>, vector<1x16xf32>,
      %get3A_713 = vector.shape_cast %get3A_712 : vector<1x16xf32> to vector<16xf32>
      %add3A_714 = arith.addf %scan3A_669, %get3A_713 : vector<16xf32>
      %add3A_715 = arith.constant 1 : i32
      %add3A_716 = arith.addi %add3A_674, %add3A_715 : i32
      %get3A_717 = arith.index_cast %add3A_716 : i32 to index
      %get3A_718 = arith.constant 48 : index
      %get3A_719 = tpu.vector_load %arg8[%get3A_717, %get3A_718] {strides = array<i32>} : memref<104x64xf32, #tpu.memory_space<vmem>>, vector<1x16xf32>,
      %get3A_720 = vector.shape_cast %get3A_719 : vector<1x16xf32> to vector<16xf32>
      %add3A_721 = arith.addf %scan3A_670, %get3A_720 : vector<16xf32>
      scf.yield %add3A_678, %add3A_683, %add3A_688, %add3A_693, %add3A_700, %add3A_707, %add3A_714, %add3A_721 : vector<16xf32>, vector<16xf32>, vector<16xf32>, vector<16xf32>, vector<16xf32>, vector<16xf32>, vector<16xf32>, vector<16xf32>
    }
    %scan3A_212 = arith.constant 25 : i32
    %add3A_213 = arith.addf %scan3A_211#0, %scan3A_211#4 : vector<16xf32>
    %swap3A_214 = arith.constant 116 : i32
    %swap3A_215 = arith.index_cast %swap3A_214 : i32 to index
    %swap3A_216 = arith.constant 0 : index
    %swap3A_217 = tpu.vector_load %arg14[%swap3A_215, %swap3A_216] {strides = array<i32>} : memref<128x64xf32, #tpu.memory_space<vmem>>, vector<1x16xf32>,
    %swap3A_218 = vector.shape_cast %swap3A_217 : vector<1x16xf32> to vector<16xf32>
    %swap3A_219 = vector.shape_cast %add3A_213 : vector<16xf32> to vector<1x16xf32>
    tpu.vector_store %arg14[%swap3A_215, %swap3A_216], %swap3A_219 {strides = array<i32>} : memref<128x64xf32, #tpu.memory_space<vmem>>, vector<1x16xf32>,
    %add3A_220 = arith.addf %scan3A_211#1, %scan3A_211#5 : vector<16xf32>
    %swap3A_221 = arith.constant 116 : i32
    %swap3A_222 = arith.index_cast %swap3A_221 : i32 to index
    %swap3A_223 = arith.constant 16 : index
    %swap3A_224 = tpu.vector_load %arg14[%swap3A_222, %swap3A_223] {strides = array<i32>} : memref<128x64xf32, #tpu.memory_space<vmem>>, vector<1x16xf32>,
    %swap3A_225 = vector.shape_cast %swap3A_224 : vector<1x16xf32> to vector<16xf32>
    %swap3A_226 = vector.shape_cast %add3A_220 : vector<16xf32> to vector<1x16xf32>
    tpu.vector_store %arg14[%swap3A_222, %swap3A_223], %swap3A_226 {strides = array<i32>} : memref<128x64xf32, #tpu.memory_space<vmem>>, vector<1x16xf32>,
    %add3A_227 = arith.addf %scan3A_211#2, %scan3A_211#6 : vector<16xf32>
    %swap3A_228 = arith.constant 116 : i32
    %swap3A_229 = arith.index_cast %swap3A_228 : i32 to index
    %swap3A_230 = arith.constant 32 : index
    %swap3A_231 = tpu.vector_load %arg14[%swap3A_229, %swap3A_230] {strides = array<i32>} : memref<128x64xf32, #tpu.memory_space<vmem>>, vector<1x16xf32>,
    %swap3A_232 = vector.shape_cast %swap3A_231 : vector<1x16xf32> to vector<16xf32>
    %swap3A_233 = vector.shape_cast %add3A_227 : vector<16xf32> to vector<1x16xf32>
    tpu.vector_store %arg14[%swap3A_229, %swap3A_230], %swap3A_233 {strides = array<i32>} : memref<128x64xf32, #tpu.memory_space<vmem>>, vector<1x16xf32>,
    %add3A_234 = arith.addf %scan3A_211#3, %scan3A_211#7 : vector<16xf32>
    %swap3A_235 = arith.constant 116 : i32
    %swap3A_236 = arith.index_cast %swap3A_235 : i32 to index
    %swap3A_237 = arith.constant 48 : index
    %swap3A_238 = tpu.vector_load %arg14[%swap3A_236, %swap3A_237] {strides = array<i32>} : memref<128x64xf32, #tpu.memory_space<vmem>>, vector<1x16xf32>,
    %swap3A_239 = vector.shape_cast %swap3A_238 : vector<1x16xf32> to vector<16xf32>
    %swap3A_240 = vector.shape_cast %add3A_234 : vector<16xf32> to vector<1x16xf32>
    tpu.vector_store %arg14[%swap3A_236, %swap3A_237], %swap3A_240 {strides = array<i32>} : memref<128x64xf32, #tpu.memory_space<vmem>>, vector<1x16xf32>,
    %broadcast_in_dim3A_241 = arith.constant 0.000000e+00 : f32
    %broadcast_in_dim3A_242 = vector.broadcast %broadcast_in_dim3A_241 : f32 to vector<16xf32>
    %scan3A_243 = arith.constant 0 : i32
    %scan3A_244 = arith.constant 25 : i32
    %scan3A_245 = arith.addi %scan3A_243, %scan3A_244 : i32
    %scan3A_246 = arith.constant 1 : i32
    %scan3A_247:8 = scf.for %scan3A_662 = %scan3A_243 to %scan3A_245 step %scan3A_246 iter_args(%scan3A_663 = %broadcast_in_dim3A_242, %scan3A_664 = %broadcast_in_dim3A_242, %scan3A_665 = %broadcast_in_dim3A_242, %scan3A_666 = %broadcast_in_dim3A_242, %scan3A_667 = %broadcast_in_dim3A_242, %scan3A_668 = %broadcast_in_dim3A_242, %scan3A_669 = %broadcast_in_dim3A_242, %scan3A_670 = %broadcast_in_dim3A_242) -> (vector<16xf32>, vector<16xf32>, vector<16xf32>, vector<16xf32>, vector<16xf32>, vector<16xf32>, vector<16xf32>, vector<16xf32>)  : i32 {
      %mul3A_671 = arith.constant 2 : i32
      %mul3A_672 = arith.muli %mul3A_671, %scan3A_662 : i32
      %add3A_673 = arith.constant 52 : i32
      %add3A_674 = arith.addi %add3A_673, %mul3A_672 : i32
      %get3A = arith.index_cast %add3A_674 : i32 to index
      %get3A_675 = arith.constant 0 : index
      %get3A_676 = tpu.vector_load %arg8[%get3A, %get3A_675] {strides = array<i32>} : memref<104x64xf32, #tpu.memory_space<vmem>>, vector<1x16xf32>,
      %get3A_677 = vector.shape_cast %get3A_676 : vector<1x16xf32> to vector<16xf32>
      %add3A_678 = arith.addf %scan3A_663, %get3A_677 : vector<16xf32>
      %get3A_679 = arith.index_cast %add3A_674 : i32 to index
      %get3A_680 = arith.constant 16 : index
      %get3A_681 = tpu.vector_load %arg8[%get3A_679, %get3A_680] {strides = array<i32>} : memref<104x64xf32, #tpu.memory_space<vmem>>, vector<1x16xf32>,
      %get3A_682 = vector.shape_cast %get3A_681 : vector<1x16xf32> to vector<16xf32>
      %add3A_683 = arith.addf %scan3A_664, %get3A_682 : vector<16xf32>
      %get3A_684 = arith.index_cast %add3A_674 : i32 to index
      %get3A_685 = arith.constant 32 : index
      %get3A_686 = tpu.vector_load %arg8[%get3A_684, %get3A_685] {strides = array<i32>} : memref<104x64xf32, #tpu.memory_space<vmem>>, vector<1x16xf32>,
      %get3A_687 = vector.shape_cast %get3A_686 : vector<1x16xf32> to vector<16xf32>
      %add3A_688 = arith.addf %scan3A_665, %get3A_687 : vector<16xf32>
      %get3A_689 = arith.index_cast %add3A_674 : i32 to index
      %get3A_690 = arith.constant 48 : index
      %get3A_691 = tpu.vector_load %arg8[%get3A_689, %get3A_690] {strides = array<i32>} : memref<104x64xf32, #tpu.memory_space<vmem>>, vector<1x16xf32>,
      %get3A_692 = vector.shape_cast %get3A_691 : vector<1x16xf32> to vector<16xf32>
      %add3A_693 = arith.addf %scan3A_666, %get3A_692 : vector<16xf32>
      %add3A_694 = arith.constant 1 : i32
      %add3A_695 = arith.addi %add3A_674, %add3A_694 : i32
      %get3A_696 = arith.index_cast %add3A_695 : i32 to index
      %get3A_697 = arith.constant 0 : index
      %get3A_698 = tpu.vector_load %arg8[%get3A_696, %get3A_697] {strides = array<i32>} : memref<104x64xf32, #tpu.memory_space<vmem>>, vector<1x16xf32>,
      %get3A_699 = vector.shape_cast %get3A_698 : vector<1x16xf32> to vector<16xf32>
      %add3A_700 = arith.addf %scan3A_667, %get3A_699 : vector<16xf32>
      %add3A_701 = arith.constant 1 : i32
      %add3A_702 = arith.addi %add3A_674, %add3A_701 : i32
      %get3A_703 = arith.index_cast %add3A_702 : i32 to index
      %get3A_704 = arith.constant 16 : index
      %get3A_705 = tpu.vector_load %arg8[%get3A_703, %get3A_704] {strides = array<i32>} : memref<104x64xf32, #tpu.memory_space<vmem>>, vector<1x16xf32>,
      %get3A_706 = vector.shape_cast %get3A_705 : vector<1x16xf32> to vector<16xf32>
      %add3A_707 = arith.addf %scan3A_668, %get3A_706 : vector<16xf32>
      %add3A_708 = arith.constant 1 : i32
      %add3A_709 = arith.addi %add3A_674, %add3A_708 : i32
      %get3A_710 = arith.index_cast %add3A_709 : i32 to index
      %get3A_711 = arith.constant 32 : index
      %get3A_712 = tpu.vector_load %arg8[%get3A_710, %get3A_711] {strides = array<i32>} : memref<104x64xf32, #tpu.memory_space<vmem>>, vector<1x16xf32>,
      %get3A_713 = vector.shape_cast %get3A_712 : vector<1x16xf32> to vector<16xf32>
      %add3A_714 = arith.addf %scan3A_669, %get3A_713 : vector<16xf32>
      %add3A_715 = arith.constant 1 : i32
      %add3A_716 = arith.addi %add3A_674, %add3A_715 : i32
      %get3A_717 = arith.index_cast %add3A_716 : i32 to index
      %get3A_718 = arith.constant 48 : index
      %get3A_719 = tpu.vector_load %arg8[%get3A_717, %get3A_718] {strides = array<i32>} : memref<104x64xf32, #tpu.memory_space<vmem>>, vector<1x16xf32>,
      %get3A_720 = vector.shape_cast %get3A_719 : vector<1x16xf32> to vector<16xf32>
      %add3A_721 = arith.addf %scan3A_670, %get3A_720 : vector<16xf32>
      scf.yield %add3A_678, %add3A_683, %add3A_688, %add3A_693, %add3A_700, %add3A_707, %add3A_714, %add3A_721 : vector<16xf32>, vector<16xf32>, vector<16xf32>, vector<16xf32>, vector<16xf32>, vector<16xf32>, vector<16xf32>, vector<16xf32>
    }
    %scan3A_248 = arith.constant 25 : i32
    %add3A_249 = arith.addf %scan3A_247#0, %scan3A_247#4 : vector<16xf32>
    %swap3A_250 = arith.constant 117 : i32
    %swap3A_251 = arith.index_cast %swap3A_250 : i32 to index
    %swap3A_252 = arith.constant 0 : index
    %swap3A_253 = tpu.vector_load %arg14[%swap3A_251, %swap3A_252] {strides = array<i32>} : memref<128x64xf32, #tpu.memory_space<vmem>>, vector<1x16xf32>,
    %swap3A_254 = vector.shape_cast %swap3A_253 : vector<1x16xf32> to vector<16xf32>
    %swap3A_255 = vector.shape_cast %add3A_249 : vector<16xf32> to vector<1x16xf32>
    tpu.vector_store %arg14[%swap3A_251, %swap3A_252], %swap3A_255 {strides = array<i32>} : memref<128x64xf32, #tpu.memory_space<vmem>>, vector<1x16xf32>,
    %add3A_256 = arith.addf %scan3A_247#1, %scan3A_247#5 : vector<16xf32>
    %swap3A_257 = arith.constant 117 : i32
    %swap3A_258 = arith.index_cast %swap3A_257 : i32 to index
    %swap3A_259 = arith.constant 16 : index
    %swap3A_260 = tpu.vector_load %arg14[%swap3A_258, %swap3A_259] {strides = array<i32>} : memref<128x64xf32, #tpu.memory_space<vmem>>, vector<1x16xf32>,
    %swap3A_261 = vector.shape_cast %swap3A_260 : vector<1x16xf32> to vector<16xf32>
    %swap3A_262 = vector.shape_cast %add3A_256 : vector<16xf32> to vector<1x16xf32>
    tpu.vector_store %arg14[%swap3A_258, %swap3A_259], %swap3A_262 {strides = array<i32>} : memref<128x64xf32, #tpu.memory_space<vmem>>, vector<1x16xf32>,
    %add3A_263 = arith.addf %scan3A_247#2, %scan3A_247#6 : vector<16xf32>
    %swap3A_264 = arith.constant 117 : i32
    %swap3A_265 = arith.index_cast %swap3A_264 : i32 to index
    %swap3A_266 = arith.constant 32 : index
    %swap3A_267 = tpu.vector_load %arg14[%swap3A_265, %swap3A_266] {strides = array<i32>} : memref<128x64xf32, #tpu.memory_space<vmem>>, vector<1x16xf32>,
    %swap3A_268 = vector.shape_cast %swap3A_267 : vector<1x16xf32> to vector<16xf32>
    %swap3A_269 = vector.shape_cast %add3A_263 : vector<16xf32> to vector<1x16xf32>
    tpu.vector_store %arg14[%swap3A_265, %swap3A_266], %swap3A_269 {strides = array<i32>} : memref<128x64xf32, #tpu.memory_space<vmem>>, vector<1x16xf32>,
    %add3A_270 = arith.addf %scan3A_247#3, %scan3A_247#7 : vector<16xf32>
    %swap3A_271 = arith.constant 117 : i32
    %swap3A_272 = arith.index_cast %swap3A_271 : i32 to index
    %swap3A_273 = arith.constant 48 : index
    %swap3A_274 = tpu.vector_load %arg14[%swap3A_272, %swap3A_273] {strides = array<i32>} : memref<128x64xf32, #tpu.memory_space<vmem>>, vector<1x16xf32>,
    %swap3A_275 = vector.shape_cast %swap3A_274 : vector<1x16xf32> to vector<16xf32>
    %swap3A_276 = vector.shape_cast %add3A_270 : vector<16xf32> to vector<1x16xf32>
    tpu.vector_store %arg14[%swap3A_272, %swap3A_273], %swap3A_276 {strides = array<i32>} : memref<128x64xf32, #tpu.memory_space<vmem>>, vector<1x16xf32>,
    %dma_wait3A_277 = arith.constant 6136 : i32
    %dma_wait3A_278 = tpu.memref_slice %arg5[%dma_wait3A_277] : memref<6656xi32, #tpu.memory_space<vmem>> -> memref<104xi32, #tpu.memory_space<vmem>>
    %dma_wait3A_279 = arith.constant 0 : i32
    %dma_wait3A_280 = arith.constant 0 : i32
    %dma_wait3A_281 = tpu.memref_slice %arg3[%dma_wait3A_279, %dma_wait3A_280] : memref<1000000x64xf32, #tpu.memory_space<hbm>> -> memref<1000000x64xf32, #tpu.memory_space<hbm>>
    tpu.wait_indirect_dma semaphore(%arg18 : memref<!tpu.dma_semaphore, #tpu.memory_space<semaphore_mem>>) src(%dma_wait3A_281 : memref<1000000x64xf32, #tpu.memory_space<hbm>>) dst(%arg9 : memref<104x64xf32, #tpu.memory_space<vmem>>)
    %broadcast_in_dim3A_282 = arith.constant 0.000000e+00 : f32
    %broadcast_in_dim3A_283 = vector.broadcast %broadcast_in_dim3A_282 : f32 to vector<16xf32>
    %scan3A_284 = arith.constant 0 : i32
    %scan3A_285 = arith.constant 25 : i32
    %scan3A_286 = arith.addi %scan3A_284, %scan3A_285 : i32
    %scan3A_287 = arith.constant 1 : i32
    %scan3A_288:8 = scf.for %scan3A_662 = %scan3A_284 to %scan3A_286 step %scan3A_287 iter_args(%scan3A_663 = %broadcast_in_dim3A_283, %scan3A_664 = %broadcast_in_dim3A_283, %scan3A_665 = %broadcast_in_dim3A_283, %scan3A_666 = %broadcast_in_dim3A_283, %scan3A_667 = %broadcast_in_dim3A_283, %scan3A_668 = %broadcast_in_dim3A_283, %scan3A_669 = %broadcast_in_dim3A_283, %scan3A_670 = %broadcast_in_dim3A_283) -> (vector<16xf32>, vector<16xf32>, vector<16xf32>, vector<16xf32>, vector<16xf32>, vector<16xf32>, vector<16xf32>, vector<16xf32>)  : i32 {
      %mul3A_671 = arith.constant 2 : i32
      %mul3A_672 = arith.muli %mul3A_671, %scan3A_662 : i32
      %add3A_673 = arith.constant 0 : i32
      %add3A_674 = arith.addi %add3A_673, %mul3A_672 : i32
      %get3A = arith.index_cast %add3A_674 : i32 to index
      %get3A_675 = arith.constant 0 : index
      %get3A_676 = tpu.vector_load %arg9[%get3A, %get3A_675] {strides = array<i32>} : memref<104x64xf32, #tpu.memory_space<vmem>>, vector<1x16xf32>,
      %get3A_677 = vector.shape_cast %get3A_676 : vector<1x16xf32> to vector<16xf32>
      %add3A_678 = arith.addf %scan3A_663, %get3A_677 : vector<16xf32>
      %get3A_679 = arith.index_cast %add3A_674 : i32 to index
      %get3A_680 = arith.constant 16 : index
      %get3A_681 = tpu.vector_load %arg9[%get3A_679, %get3A_680] {strides = array<i32>} : memref<104x64xf32, #tpu.memory_space<vmem>>, vector<1x16xf32>,
      %get3A_682 = vector.shape_cast %get3A_681 : vector<1x16xf32> to vector<16xf32>
      %add3A_683 = arith.addf %scan3A_664, %get3A_682 : vector<16xf32>
      %get3A_684 = arith.index_cast %add3A_674 : i32 to index
      %get3A_685 = arith.constant 32 : index
      %get3A_686 = tpu.vector_load %arg9[%get3A_684, %get3A_685] {strides = array<i32>} : memref<104x64xf32, #tpu.memory_space<vmem>>, vector<1x16xf32>,
      %get3A_687 = vector.shape_cast %get3A_686 : vector<1x16xf32> to vector<16xf32>
      %add3A_688 = arith.addf %scan3A_665, %get3A_687 : vector<16xf32>
      %get3A_689 = arith.index_cast %add3A_674 : i32 to index
      %get3A_690 = arith.constant 48 : index
      %get3A_691 = tpu.vector_load %arg9[%get3A_689, %get3A_690] {strides = array<i32>} : memref<104x64xf32, #tpu.memory_space<vmem>>, vector<1x16xf32>,
      %get3A_692 = vector.shape_cast %get3A_691 : vector<1x16xf32> to vector<16xf32>
      %add3A_693 = arith.addf %scan3A_666, %get3A_692 : vector<16xf32>
      %add3A_694 = arith.constant 1 : i32
      %add3A_695 = arith.addi %add3A_674, %add3A_694 : i32
      %get3A_696 = arith.index_cast %add3A_695 : i32 to index
      %get3A_697 = arith.constant 0 : index
      %get3A_698 = tpu.vector_load %arg9[%get3A_696, %get3A_697] {strides = array<i32>} : memref<104x64xf32, #tpu.memory_space<vmem>>, vector<1x16xf32>,
      %get3A_699 = vector.shape_cast %get3A_698 : vector<1x16xf32> to vector<16xf32>
      %add3A_700 = arith.addf %scan3A_667, %get3A_699 : vector<16xf32>
      %add3A_701 = arith.constant 1 : i32
      %add3A_702 = arith.addi %add3A_674, %add3A_701 : i32
      %get3A_703 = arith.index_cast %add3A_702 : i32 to index
      %get3A_704 = arith.constant 16 : index
      %get3A_705 = tpu.vector_load %arg9[%get3A_703, %get3A_704] {strides = array<i32>} : memref<104x64xf32, #tpu.memory_space<vmem>>, vector<1x16xf32>,
      %get3A_706 = vector.shape_cast %get3A_705 : vector<1x16xf32> to vector<16xf32>
      %add3A_707 = arith.addf %scan3A_668, %get3A_706 : vector<16xf32>
      %add3A_708 = arith.constant 1 : i32
      %add3A_709 = arith.addi %add3A_674, %add3A_708 : i32
      %get3A_710 = arith.index_cast %add3A_709 : i32 to index
      %get3A_711 = arith.constant 32 : index
      %get3A_712 = tpu.vector_load %arg9[%get3A_710, %get3A_711] {strides = array<i32>} : memref<104x64xf32, #tpu.memory_space<vmem>>, vector<1x16xf32>,
      %get3A_713 = vector.shape_cast %get3A_712 : vector<1x16xf32> to vector<16xf32>
      %add3A_714 = arith.addf %scan3A_669, %get3A_713 : vector<16xf32>
      %add3A_715 = arith.constant 1 : i32
      %add3A_716 = arith.addi %add3A_674, %add3A_715 : i32
      %get3A_717 = arith.index_cast %add3A_716 : i32 to index
      %get3A_718 = arith.constant 48 : index
      %get3A_719 = tpu.vector_load %arg9[%get3A_717, %get3A_718] {strides = array<i32>} : memref<104x64xf32, #tpu.memory_space<vmem>>, vector<1x16xf32>,
      %get3A_720 = vector.shape_cast %get3A_719 : vector<1x16xf32> to vector<16xf32>
      %add3A_721 = arith.addf %scan3A_670, %get3A_720 : vector<16xf32>
      scf.yield %add3A_678, %add3A_683, %add3A_688, %add3A_693, %add3A_700, %add3A_707, %add3A_714, %add3A_721 : vector<16xf32>, vector<16xf32>, vector<16xf32>, vector<16xf32>, vector<16xf32>, vector<16xf32>, vector<16xf32>, vector<16xf32>
    }
    %scan3A_289 = arith.constant 25 : i32
    %add3A_290 = arith.addf %scan3A_288#0, %scan3A_288#4 : vector<16xf32>
    %swap3A_291 = arith.constant 118 : i32
    %swap3A_292 = arith.index_cast %swap3A_291 : i32 to index
    %swap3A_293 = arith.constant 0 : index
    %swap3A_294 = tpu.vector_load %arg14[%swap3A_292, %swap3A_293] {strides = array<i32>} : memref<128x64xf32, #tpu.memory_space<vmem>>, vector<1x16xf32>,
    %swap3A_295 = vector.shape_cast %swap3A_294 : vector<1x16xf32> to vector<16xf32>
    %swap3A_296 = vector.shape_cast %add3A_290 : vector<16xf32> to vector<1x16xf32>
    tpu.vector_store %arg14[%swap3A_292, %swap3A_293], %swap3A_296 {strides = array<i32>} : memref<128x64xf32, #tpu.memory_space<vmem>>, vector<1x16xf32>,
    %add3A_297 = arith.addf %scan3A_288#1, %scan3A_288#5 : vector<16xf32>
    %swap3A_298 = arith.constant 118 : i32
    %swap3A_299 = arith.index_cast %swap3A_298 : i32 to index
    %swap3A_300 = arith.constant 16 : index
    %swap3A_301 = tpu.vector_load %arg14[%swap3A_299, %swap3A_300] {strides = array<i32>} : memref<128x64xf32, #tpu.memory_space<vmem>>, vector<1x16xf32>,
    %swap3A_302 = vector.shape_cast %swap3A_301 : vector<1x16xf32> to vector<16xf32>
    %swap3A_303 = vector.shape_cast %add3A_297 : vector<16xf32> to vector<1x16xf32>
    tpu.vector_store %arg14[%swap3A_299, %swap3A_300], %swap3A_303 {strides = array<i32>} : memref<128x64xf32, #tpu.memory_space<vmem>>, vector<1x16xf32>,
    %add3A_304 = arith.addf %scan3A_288#2, %scan3A_288#6 : vector<16xf32>
    %swap3A_305 = arith.constant 118 : i32
    %swap3A_306 = arith.index_cast %swap3A_305 : i32 to index
    %swap3A_307 = arith.constant 32 : index
    %swap3A_308 = tpu.vector_load %arg14[%swap3A_306, %swap3A_307] {strides = array<i32>} : memref<128x64xf32, #tpu.memory_space<vmem>>, vector<1x16xf32>,
    %swap3A_309 = vector.shape_cast %swap3A_308 : vector<1x16xf32> to vector<16xf32>
    %swap3A_310 = vector.shape_cast %add3A_304 : vector<16xf32> to vector<1x16xf32>
    tpu.vector_store %arg14[%swap3A_306, %swap3A_307], %swap3A_310 {strides = array<i32>} : memref<128x64xf32, #tpu.memory_space<vmem>>, vector<1x16xf32>,
    %add3A_311 = arith.addf %scan3A_288#3, %scan3A_288#7 : vector<16xf32>
    %swap3A_312 = arith.constant 118 : i32
    %swap3A_313 = arith.index_cast %swap3A_312 : i32 to index
    %swap3A_314 = arith.constant 48 : index
    %swap3A_315 = tpu.vector_load %arg14[%swap3A_313, %swap3A_314] {strides = array<i32>} : memref<128x64xf32, #tpu.memory_space<vmem>>, vector<1x16xf32>,
    %swap3A_316 = vector.shape_cast %swap3A_315 : vector<1x16xf32> to vector<16xf32>
    %swap3A_317 = vector.shape_cast %add3A_311 : vector<16xf32> to vector<1x16xf32>
    tpu.vector_store %arg14[%swap3A_313, %swap3A_314], %swap3A_317 {strides = array<i32>} : memref<128x64xf32, #tpu.memory_space<vmem>>, vector<1x16xf32>,
    %broadcast_in_dim3A_318 = arith.constant 0.000000e+00 : f32
    %broadcast_in_dim3A_319 = vector.broadcast %broadcast_in_dim3A_318 : f32 to vector<16xf32>
    %scan3A_320 = arith.constant 0 : i32
    %scan3A_321 = arith.constant 25 : i32
    %scan3A_322 = arith.addi %scan3A_320, %scan3A_321 : i32
    %scan3A_323 = arith.constant 1 : i32
    %scan3A_324:8 = scf.for %scan3A_662 = %scan3A_320 to %scan3A_322 step %scan3A_323 iter_args(%scan3A_663 = %broadcast_in_dim3A_319, %scan3A_664 = %broadcast_in_dim3A_319, %scan3A_665 = %broadcast_in_dim3A_319, %scan3A_666 = %broadcast_in_dim3A_319, %scan3A_667 = %broadcast_in_dim3A_319, %scan3A_668 = %broadcast_in_dim3A_319, %scan3A_669 = %broadcast_in_dim3A_319, %scan3A_670 = %broadcast_in_dim3A_319) -> (vector<16xf32>, vector<16xf32>, vector<16xf32>, vector<16xf32>, vector<16xf32>, vector<16xf32>, vector<16xf32>, vector<16xf32>)  : i32 {
      %mul3A_671 = arith.constant 2 : i32
      %mul3A_672 = arith.muli %mul3A_671, %scan3A_662 : i32
      %add3A_673 = arith.constant 52 : i32
      %add3A_674 = arith.addi %add3A_673, %mul3A_672 : i32
      %get3A = arith.index_cast %add3A_674 : i32 to index
      %get3A_675 = arith.constant 0 : index
      %get3A_676 = tpu.vector_load %arg9[%get3A, %get3A_675] {strides = array<i32>} : memref<104x64xf32, #tpu.memory_space<vmem>>, vector<1x16xf32>,
      %get3A_677 = vector.shape_cast %get3A_676 : vector<1x16xf32> to vector<16xf32>
      %add3A_678 = arith.addf %scan3A_663, %get3A_677 : vector<16xf32>
      %get3A_679 = arith.index_cast %add3A_674 : i32 to index
      %get3A_680 = arith.constant 16 : index
      %get3A_681 = tpu.vector_load %arg9[%get3A_679, %get3A_680] {strides = array<i32>} : memref<104x64xf32, #tpu.memory_space<vmem>>, vector<1x16xf32>,
      %get3A_682 = vector.shape_cast %get3A_681 : vector<1x16xf32> to vector<16xf32>
      %add3A_683 = arith.addf %scan3A_664, %get3A_682 : vector<16xf32>
      %get3A_684 = arith.index_cast %add3A_674 : i32 to index
      %get3A_685 = arith.constant 32 : index
      %get3A_686 = tpu.vector_load %arg9[%get3A_684, %get3A_685] {strides = array<i32>} : memref<104x64xf32, #tpu.memory_space<vmem>>, vector<1x16xf32>,
      %get3A_687 = vector.shape_cast %get3A_686 : vector<1x16xf32> to vector<16xf32>
      %add3A_688 = arith.addf %scan3A_665, %get3A_687 : vector<16xf32>
      %get3A_689 = arith.index_cast %add3A_674 : i32 to index
      %get3A_690 = arith.constant 48 : index
      %get3A_691 = tpu.vector_load %arg9[%get3A_689, %get3A_690] {strides = array<i32>} : memref<104x64xf32, #tpu.memory_space<vmem>>, vector<1x16xf32>,
      %get3A_692 = vector.shape_cast %get3A_691 : vector<1x16xf32> to vector<16xf32>
      %add3A_693 = arith.addf %scan3A_666, %get3A_692 : vector<16xf32>
      %add3A_694 = arith.constant 1 : i32
      %add3A_695 = arith.addi %add3A_674, %add3A_694 : i32
      %get3A_696 = arith.index_cast %add3A_695 : i32 to index
      %get3A_697 = arith.constant 0 : index
      %get3A_698 = tpu.vector_load %arg9[%get3A_696, %get3A_697] {strides = array<i32>} : memref<104x64xf32, #tpu.memory_space<vmem>>, vector<1x16xf32>,
      %get3A_699 = vector.shape_cast %get3A_698 : vector<1x16xf32> to vector<16xf32>
      %add3A_700 = arith.addf %scan3A_667, %get3A_699 : vector<16xf32>
      %add3A_701 = arith.constant 1 : i32
      %add3A_702 = arith.addi %add3A_674, %add3A_701 : i32
      %get3A_703 = arith.index_cast %add3A_702 : i32 to index
      %get3A_704 = arith.constant 16 : index
      %get3A_705 = tpu.vector_load %arg9[%get3A_703, %get3A_704] {strides = array<i32>} : memref<104x64xf32, #tpu.memory_space<vmem>>, vector<1x16xf32>,
      %get3A_706 = vector.shape_cast %get3A_705 : vector<1x16xf32> to vector<16xf32>
      %add3A_707 = arith.addf %scan3A_668, %get3A_706 : vector<16xf32>
      %add3A_708 = arith.constant 1 : i32
      %add3A_709 = arith.addi %add3A_674, %add3A_708 : i32
      %get3A_710 = arith.index_cast %add3A_709 : i32 to index
      %get3A_711 = arith.constant 32 : index
      %get3A_712 = tpu.vector_load %arg9[%get3A_710, %get3A_711] {strides = array<i32>} : memref<104x64xf32, #tpu.memory_space<vmem>>, vector<1x16xf32>,
      %get3A_713 = vector.shape_cast %get3A_712 : vector<1x16xf32> to vector<16xf32>
      %add3A_714 = arith.addf %scan3A_669, %get3A_713 : vector<16xf32>
      %add3A_715 = arith.constant 1 : i32
      %add3A_716 = arith.addi %add3A_674, %add3A_715 : i32
      %get3A_717 = arith.index_cast %add3A_716 : i32 to index
      %get3A_718 = arith.constant 48 : index
      %get3A_719 = tpu.vector_load %arg9[%get3A_717, %get3A_718] {strides = array<i32>} : memref<104x64xf32, #tpu.memory_space<vmem>>, vector<1x16xf32>,
      %get3A_720 = vector.shape_cast %get3A_719 : vector<1x16xf32> to vector<16xf32>
      %add3A_721 = arith.addf %scan3A_670, %get3A_720 : vector<16xf32>
      scf.yield %add3A_678, %add3A_683, %add3A_688, %add3A_693, %add3A_700, %add3A_707, %add3A_714, %add3A_721 : vector<16xf32>, vector<16xf32>, vector<16xf32>, vector<16xf32>, vector<16xf32>, vector<16xf32>, vector<16xf32>, vector<16xf32>
    }
    %scan3A_325 = arith.constant 25 : i32
    %add3A_326 = arith.addf %scan3A_324#0, %scan3A_324#4 : vector<16xf32>
    %swap3A_327 = arith.constant 119 : i32
    %swap3A_328 = arith.index_cast %swap3A_327 : i32 to index
    %swap3A_329 = arith.constant 0 : index
    %swap3A_330 = tpu.vector_load %arg14[%swap3A_328, %swap3A_329] {strides = array<i32>} : memref<128x64xf32, #tpu.memory_space<vmem>>, vector<1x16xf32>,
    %swap3A_331 = vector.shape_cast %swap3A_330 : vector<1x16xf32> to vector<16xf32>
    %swap3A_332 = vector.shape_cast %add3A_326 : vector<16xf32> to vector<1x16xf32>
    tpu.vector_store %arg14[%swap3A_328, %swap3A_329], %swap3A_332 {strides = array<i32>} : memref<128x64xf32, #tpu.memory_space<vmem>>, vector<1x16xf32>,
    %add3A_333 = arith.addf %scan3A_324#1, %scan3A_324#5 : vector<16xf32>
    %swap3A_334 = arith.constant 119 : i32
    %swap3A_335 = arith.index_cast %swap3A_334 : i32 to index
    %swap3A_336 = arith.constant 16 : index
    %swap3A_337 = tpu.vector_load %arg14[%swap3A_335, %swap3A_336] {strides = array<i32>} : memref<128x64xf32, #tpu.memory_space<vmem>>, vector<1x16xf32>,
    %swap3A_338 = vector.shape_cast %swap3A_337 : vector<1x16xf32> to vector<16xf32>
    %swap3A_339 = vector.shape_cast %add3A_333 : vector<16xf32> to vector<1x16xf32>
    tpu.vector_store %arg14[%swap3A_335, %swap3A_336], %swap3A_339 {strides = array<i32>} : memref<128x64xf32, #tpu.memory_space<vmem>>, vector<1x16xf32>,
    %add3A_340 = arith.addf %scan3A_324#2, %scan3A_324#6 : vector<16xf32>
    %swap3A_341 = arith.constant 119 : i32
    %swap3A_342 = arith.index_cast %swap3A_341 : i32 to index
    %swap3A_343 = arith.constant 32 : index
    %swap3A_344 = tpu.vector_load %arg14[%swap3A_342, %swap3A_343] {strides = array<i32>} : memref<128x64xf32, #tpu.memory_space<vmem>>, vector<1x16xf32>,
    %swap3A_345 = vector.shape_cast %swap3A_344 : vector<1x16xf32> to vector<16xf32>
    %swap3A_346 = vector.shape_cast %add3A_340 : vector<16xf32> to vector<1x16xf32>
    tpu.vector_store %arg14[%swap3A_342, %swap3A_343], %swap3A_346 {strides = array<i32>} : memref<128x64xf32, #tpu.memory_space<vmem>>, vector<1x16xf32>,
    %add3A_347 = arith.addf %scan3A_324#3, %scan3A_324#7 : vector<16xf32>
    %swap3A_348 = arith.constant 119 : i32
    %swap3A_349 = arith.index_cast %swap3A_348 : i32 to index
    %swap3A_350 = arith.constant 48 : index
    %swap3A_351 = tpu.vector_load %arg14[%swap3A_349, %swap3A_350] {strides = array<i32>} : memref<128x64xf32, #tpu.memory_space<vmem>>, vector<1x16xf32>,
    %swap3A_352 = vector.shape_cast %swap3A_351 : vector<1x16xf32> to vector<16xf32>
    %swap3A_353 = vector.shape_cast %add3A_347 : vector<16xf32> to vector<1x16xf32>
    tpu.vector_store %arg14[%swap3A_349, %swap3A_350], %swap3A_353 {strides = array<i32>} : memref<128x64xf32, #tpu.memory_space<vmem>>, vector<1x16xf32>,
    %dma_wait3A_354 = arith.constant 6240 : i32
    %dma_wait3A_355 = tpu.memref_slice %arg5[%dma_wait3A_354] : memref<6656xi32, #tpu.memory_space<vmem>> -> memref<104xi32, #tpu.memory_space<vmem>>
    %dma_wait3A_356 = arith.constant 0 : i32
    %dma_wait3A_357 = arith.constant 0 : i32
    %dma_wait3A_358 = tpu.memref_slice %arg3[%dma_wait3A_356, %dma_wait3A_357] : memref<1000000x64xf32, #tpu.memory_space<hbm>> -> memref<1000000x64xf32, #tpu.memory_space<hbm>>
    tpu.wait_indirect_dma semaphore(%arg19 : memref<!tpu.dma_semaphore, #tpu.memory_space<semaphore_mem>>) src(%dma_wait3A_358 : memref<1000000x64xf32, #tpu.memory_space<hbm>>) dst(%arg10 : memref<104x64xf32, #tpu.memory_space<vmem>>)
    %broadcast_in_dim3A_359 = arith.constant 0.000000e+00 : f32
    %broadcast_in_dim3A_360 = vector.broadcast %broadcast_in_dim3A_359 : f32 to vector<16xf32>
    %scan3A_361 = arith.constant 0 : i32
    %scan3A_362 = arith.constant 25 : i32
    %scan3A_363 = arith.addi %scan3A_361, %scan3A_362 : i32
    %scan3A_364 = arith.constant 1 : i32
    %scan3A_365:8 = scf.for %scan3A_662 = %scan3A_361 to %scan3A_363 step %scan3A_364 iter_args(%scan3A_663 = %broadcast_in_dim3A_360, %scan3A_664 = %broadcast_in_dim3A_360, %scan3A_665 = %broadcast_in_dim3A_360, %scan3A_666 = %broadcast_in_dim3A_360, %scan3A_667 = %broadcast_in_dim3A_360, %scan3A_668 = %broadcast_in_dim3A_360, %scan3A_669 = %broadcast_in_dim3A_360, %scan3A_670 = %broadcast_in_dim3A_360) -> (vector<16xf32>, vector<16xf32>, vector<16xf32>, vector<16xf32>, vector<16xf32>, vector<16xf32>, vector<16xf32>, vector<16xf32>)  : i32 {
      %mul3A_671 = arith.constant 2 : i32
      %mul3A_672 = arith.muli %mul3A_671, %scan3A_662 : i32
      %add3A_673 = arith.constant 0 : i32
      %add3A_674 = arith.addi %add3A_673, %mul3A_672 : i32
      %get3A = arith.index_cast %add3A_674 : i32 to index
      %get3A_675 = arith.constant 0 : index
      %get3A_676 = tpu.vector_load %arg10[%get3A, %get3A_675] {strides = array<i32>} : memref<104x64xf32, #tpu.memory_space<vmem>>, vector<1x16xf32>,
      %get3A_677 = vector.shape_cast %get3A_676 : vector<1x16xf32> to vector<16xf32>
      %add3A_678 = arith.addf %scan3A_663, %get3A_677 : vector<16xf32>
      %get3A_679 = arith.index_cast %add3A_674 : i32 to index
      %get3A_680 = arith.constant 16 : index
      %get3A_681 = tpu.vector_load %arg10[%get3A_679, %get3A_680] {strides = array<i32>} : memref<104x64xf32, #tpu.memory_space<vmem>>, vector<1x16xf32>,
      %get3A_682 = vector.shape_cast %get3A_681 : vector<1x16xf32> to vector<16xf32>
      %add3A_683 = arith.addf %scan3A_664, %get3A_682 : vector<16xf32>
      %get3A_684 = arith.index_cast %add3A_674 : i32 to index
      %get3A_685 = arith.constant 32 : index
      %get3A_686 = tpu.vector_load %arg10[%get3A_684, %get3A_685] {strides = array<i32>} : memref<104x64xf32, #tpu.memory_space<vmem>>, vector<1x16xf32>,
      %get3A_687 = vector.shape_cast %get3A_686 : vector<1x16xf32> to vector<16xf32>
      %add3A_688 = arith.addf %scan3A_665, %get3A_687 : vector<16xf32>
      %get3A_689 = arith.index_cast %add3A_674 : i32 to index
      %get3A_690 = arith.constant 48 : index
      %get3A_691 = tpu.vector_load %arg10[%get3A_689, %get3A_690] {strides = array<i32>} : memref<104x64xf32, #tpu.memory_space<vmem>>, vector<1x16xf32>,
      %get3A_692 = vector.shape_cast %get3A_691 : vector<1x16xf32> to vector<16xf32>
      %add3A_693 = arith.addf %scan3A_666, %get3A_692 : vector<16xf32>
      %add3A_694 = arith.constant 1 : i32
      %add3A_695 = arith.addi %add3A_674, %add3A_694 : i32
      %get3A_696 = arith.index_cast %add3A_695 : i32 to index
      %get3A_697 = arith.constant 0 : index
      %get3A_698 = tpu.vector_load %arg10[%get3A_696, %get3A_697] {strides = array<i32>} : memref<104x64xf32, #tpu.memory_space<vmem>>, vector<1x16xf32>,
      %get3A_699 = vector.shape_cast %get3A_698 : vector<1x16xf32> to vector<16xf32>
      %add3A_700 = arith.addf %scan3A_667, %get3A_699 : vector<16xf32>
      %add3A_701 = arith.constant 1 : i32
      %add3A_702 = arith.addi %add3A_674, %add3A_701 : i32
      %get3A_703 = arith.index_cast %add3A_702 : i32 to index
      %get3A_704 = arith.constant 16 : index
      %get3A_705 = tpu.vector_load %arg10[%get3A_703, %get3A_704] {strides = array<i32>} : memref<104x64xf32, #tpu.memory_space<vmem>>, vector<1x16xf32>,
      %get3A_706 = vector.shape_cast %get3A_705 : vector<1x16xf32> to vector<16xf32>
      %add3A_707 = arith.addf %scan3A_668, %get3A_706 : vector<16xf32>
      %add3A_708 = arith.constant 1 : i32
      %add3A_709 = arith.addi %add3A_674, %add3A_708 : i32
      %get3A_710 = arith.index_cast %add3A_709 : i32 to index
      %get3A_711 = arith.constant 32 : index
      %get3A_712 = tpu.vector_load %arg10[%get3A_710, %get3A_711] {strides = array<i32>} : memref<104x64xf32, #tpu.memory_space<vmem>>, vector<1x16xf32>,
      %get3A_713 = vector.shape_cast %get3A_712 : vector<1x16xf32> to vector<16xf32>
      %add3A_714 = arith.addf %scan3A_669, %get3A_713 : vector<16xf32>
      %add3A_715 = arith.constant 1 : i32
      %add3A_716 = arith.addi %add3A_674, %add3A_715 : i32
      %get3A_717 = arith.index_cast %add3A_716 : i32 to index
      %get3A_718 = arith.constant 48 : index
      %get3A_719 = tpu.vector_load %arg10[%get3A_717, %get3A_718] {strides = array<i32>} : memref<104x64xf32, #tpu.memory_space<vmem>>, vector<1x16xf32>,
      %get3A_720 = vector.shape_cast %get3A_719 : vector<1x16xf32> to vector<16xf32>
      %add3A_721 = arith.addf %scan3A_670, %get3A_720 : vector<16xf32>
      scf.yield %add3A_678, %add3A_683, %add3A_688, %add3A_693, %add3A_700, %add3A_707, %add3A_714, %add3A_721 : vector<16xf32>, vector<16xf32>, vector<16xf32>, vector<16xf32>, vector<16xf32>, vector<16xf32>, vector<16xf32>, vector<16xf32>
    }
    %scan3A_366 = arith.constant 25 : i32
    %add3A_367 = arith.addf %scan3A_365#0, %scan3A_365#4 : vector<16xf32>
    %swap3A_368 = arith.constant 120 : i32
    %swap3A_369 = arith.index_cast %swap3A_368 : i32 to index
    %swap3A_370 = arith.constant 0 : index
    %swap3A_371 = tpu.vector_load %arg14[%swap3A_369, %swap3A_370] {strides = array<i32>} : memref<128x64xf32, #tpu.memory_space<vmem>>, vector<1x16xf32>,
    %swap3A_372 = vector.shape_cast %swap3A_371 : vector<1x16xf32> to vector<16xf32>
    %swap3A_373 = vector.shape_cast %add3A_367 : vector<16xf32> to vector<1x16xf32>
    tpu.vector_store %arg14[%swap3A_369, %swap3A_370], %swap3A_373 {strides = array<i32>} : memref<128x64xf32, #tpu.memory_space<vmem>>, vector<1x16xf32>,
    %add3A_374 = arith.addf %scan3A_365#1, %scan3A_365#5 : vector<16xf32>
    %swap3A_375 = arith.constant 120 : i32
    %swap3A_376 = arith.index_cast %swap3A_375 : i32 to index
    %swap3A_377 = arith.constant 16 : index
    %swap3A_378 = tpu.vector_load %arg14[%swap3A_376, %swap3A_377] {strides = array<i32>} : memref<128x64xf32, #tpu.memory_space<vmem>>, vector<1x16xf32>,
    %swap3A_379 = vector.shape_cast %swap3A_378 : vector<1x16xf32> to vector<16xf32>
    %swap3A_380 = vector.shape_cast %add3A_374 : vector<16xf32> to vector<1x16xf32>
    tpu.vector_store %arg14[%swap3A_376, %swap3A_377], %swap3A_380 {strides = array<i32>} : memref<128x64xf32, #tpu.memory_space<vmem>>, vector<1x16xf32>,
    %add3A_381 = arith.addf %scan3A_365#2, %scan3A_365#6 : vector<16xf32>
    %swap3A_382 = arith.constant 120 : i32
    %swap3A_383 = arith.index_cast %swap3A_382 : i32 to index
    %swap3A_384 = arith.constant 32 : index
    %swap3A_385 = tpu.vector_load %arg14[%swap3A_383, %swap3A_384] {strides = array<i32>} : memref<128x64xf32, #tpu.memory_space<vmem>>, vector<1x16xf32>,
    %swap3A_386 = vector.shape_cast %swap3A_385 : vector<1x16xf32> to vector<16xf32>
    %swap3A_387 = vector.shape_cast %add3A_381 : vector<16xf32> to vector<1x16xf32>
    tpu.vector_store %arg14[%swap3A_383, %swap3A_384], %swap3A_387 {strides = array<i32>} : memref<128x64xf32, #tpu.memory_space<vmem>>, vector<1x16xf32>,
    %add3A_388 = arith.addf %scan3A_365#3, %scan3A_365#7 : vector<16xf32>
    %swap3A_389 = arith.constant 120 : i32
    %swap3A_390 = arith.index_cast %swap3A_389 : i32 to index
    %swap3A_391 = arith.constant 48 : index
    %swap3A_392 = tpu.vector_load %arg14[%swap3A_390, %swap3A_391] {strides = array<i32>} : memref<128x64xf32, #tpu.memory_space<vmem>>, vector<1x16xf32>,
    %swap3A_393 = vector.shape_cast %swap3A_392 : vector<1x16xf32> to vector<16xf32>
    %swap3A_394 = vector.shape_cast %add3A_388 : vector<16xf32> to vector<1x16xf32>
    tpu.vector_store %arg14[%swap3A_390, %swap3A_391], %swap3A_394 {strides = array<i32>} : memref<128x64xf32, #tpu.memory_space<vmem>>, vector<1x16xf32>,
    %broadcast_in_dim3A_395 = arith.constant 0.000000e+00 : f32
    %broadcast_in_dim3A_396 = vector.broadcast %broadcast_in_dim3A_395 : f32 to vector<16xf32>
    %scan3A_397 = arith.constant 0 : i32
    %scan3A_398 = arith.constant 25 : i32
    %scan3A_399 = arith.addi %scan3A_397, %scan3A_398 : i32
    %scan3A_400 = arith.constant 1 : i32
    %scan3A_401:8 = scf.for %scan3A_662 = %scan3A_397 to %scan3A_399 step %scan3A_400 iter_args(%scan3A_663 = %broadcast_in_dim3A_396, %scan3A_664 = %broadcast_in_dim3A_396, %scan3A_665 = %broadcast_in_dim3A_396, %scan3A_666 = %broadcast_in_dim3A_396, %scan3A_667 = %broadcast_in_dim3A_396, %scan3A_668 = %broadcast_in_dim3A_396, %scan3A_669 = %broadcast_in_dim3A_396, %scan3A_670 = %broadcast_in_dim3A_396) -> (vector<16xf32>, vector<16xf32>, vector<16xf32>, vector<16xf32>, vector<16xf32>, vector<16xf32>, vector<16xf32>, vector<16xf32>)  : i32 {
      %mul3A_671 = arith.constant 2 : i32
      %mul3A_672 = arith.muli %mul3A_671, %scan3A_662 : i32
      %add3A_673 = arith.constant 52 : i32
      %add3A_674 = arith.addi %add3A_673, %mul3A_672 : i32
      %get3A = arith.index_cast %add3A_674 : i32 to index
      %get3A_675 = arith.constant 0 : index
      %get3A_676 = tpu.vector_load %arg10[%get3A, %get3A_675] {strides = array<i32>} : memref<104x64xf32, #tpu.memory_space<vmem>>, vector<1x16xf32>,
      %get3A_677 = vector.shape_cast %get3A_676 : vector<1x16xf32> to vector<16xf32>
      %add3A_678 = arith.addf %scan3A_663, %get3A_677 : vector<16xf32>
      %get3A_679 = arith.index_cast %add3A_674 : i32 to index
      %get3A_680 = arith.constant 16 : index
      %get3A_681 = tpu.vector_load %arg10[%get3A_679, %get3A_680] {strides = array<i32>} : memref<104x64xf32, #tpu.memory_space<vmem>>, vector<1x16xf32>,
      %get3A_682 = vector.shape_cast %get3A_681 : vector<1x16xf32> to vector<16xf32>
      %add3A_683 = arith.addf %scan3A_664, %get3A_682 : vector<16xf32>
      %get3A_684 = arith.index_cast %add3A_674 : i32 to index
      %get3A_685 = arith.constant 32 : index
      %get3A_686 = tpu.vector_load %arg10[%get3A_684, %get3A_685] {strides = array<i32>} : memref<104x64xf32, #tpu.memory_space<vmem>>, vector<1x16xf32>,
      %get3A_687 = vector.shape_cast %get3A_686 : vector<1x16xf32> to vector<16xf32>
      %add3A_688 = arith.addf %scan3A_665, %get3A_687 : vector<16xf32>
      %get3A_689 = arith.index_cast %add3A_674 : i32 to index
      %get3A_690 = arith.constant 48 : index
      %get3A_691 = tpu.vector_load %arg10[%get3A_689, %get3A_690] {strides = array<i32>} : memref<104x64xf32, #tpu.memory_space<vmem>>, vector<1x16xf32>,
      %get3A_692 = vector.shape_cast %get3A_691 : vector<1x16xf32> to vector<16xf32>
      %add3A_693 = arith.addf %scan3A_666, %get3A_692 : vector<16xf32>
      %add3A_694 = arith.constant 1 : i32
      %add3A_695 = arith.addi %add3A_674, %add3A_694 : i32
      %get3A_696 = arith.index_cast %add3A_695 : i32 to index
      %get3A_697 = arith.constant 0 : index
      %get3A_698 = tpu.vector_load %arg10[%get3A_696, %get3A_697] {strides = array<i32>} : memref<104x64xf32, #tpu.memory_space<vmem>>, vector<1x16xf32>,
      %get3A_699 = vector.shape_cast %get3A_698 : vector<1x16xf32> to vector<16xf32>
      %add3A_700 = arith.addf %scan3A_667, %get3A_699 : vector<16xf32>
      %add3A_701 = arith.constant 1 : i32
      %add3A_702 = arith.addi %add3A_674, %add3A_701 : i32
      %get3A_703 = arith.index_cast %add3A_702 : i32 to index
      %get3A_704 = arith.constant 16 : index
      %get3A_705 = tpu.vector_load %arg10[%get3A_703, %get3A_704] {strides = array<i32>} : memref<104x64xf32, #tpu.memory_space<vmem>>, vector<1x16xf32>,
      %get3A_706 = vector.shape_cast %get3A_705 : vector<1x16xf32> to vector<16xf32>
      %add3A_707 = arith.addf %scan3A_668, %get3A_706 : vector<16xf32>
      %add3A_708 = arith.constant 1 : i32
      %add3A_709 = arith.addi %add3A_674, %add3A_708 : i32
      %get3A_710 = arith.index_cast %add3A_709 : i32 to index
      %get3A_711 = arith.constant 32 : index
      %get3A_712 = tpu.vector_load %arg10[%get3A_710, %get3A_711] {strides = array<i32>} : memref<104x64xf32, #tpu.memory_space<vmem>>, vector<1x16xf32>,
      %get3A_713 = vector.shape_cast %get3A_712 : vector<1x16xf32> to vector<16xf32>
      %add3A_714 = arith.addf %scan3A_669, %get3A_713 : vector<16xf32>
      %add3A_715 = arith.constant 1 : i32
      %add3A_716 = arith.addi %add3A_674, %add3A_715 : i32
      %get3A_717 = arith.index_cast %add3A_716 : i32 to index
      %get3A_718 = arith.constant 48 : index
      %get3A_719 = tpu.vector_load %arg10[%get3A_717, %get3A_718] {strides = array<i32>} : memref<104x64xf32, #tpu.memory_space<vmem>>, vector<1x16xf32>,
      %get3A_720 = vector.shape_cast %get3A_719 : vector<1x16xf32> to vector<16xf32>
      %add3A_721 = arith.addf %scan3A_670, %get3A_720 : vector<16xf32>
      scf.yield %add3A_678, %add3A_683, %add3A_688, %add3A_693, %add3A_700, %add3A_707, %add3A_714, %add3A_721 : vector<16xf32>, vector<16xf32>, vector<16xf32>, vector<16xf32>, vector<16xf32>, vector<16xf32>, vector<16xf32>, vector<16xf32>
    }
    %scan3A_402 = arith.constant 25 : i32
    %add3A_403 = arith.addf %scan3A_401#0, %scan3A_401#4 : vector<16xf32>
    %swap3A_404 = arith.constant 121 : i32
    %swap3A_405 = arith.index_cast %swap3A_404 : i32 to index
    %swap3A_406 = arith.constant 0 : index
    %swap3A_407 = tpu.vector_load %arg14[%swap3A_405, %swap3A_406] {strides = array<i32>} : memref<128x64xf32, #tpu.memory_space<vmem>>, vector<1x16xf32>,
    %swap3A_408 = vector.shape_cast %swap3A_407 : vector<1x16xf32> to vector<16xf32>
    %swap3A_409 = vector.shape_cast %add3A_403 : vector<16xf32> to vector<1x16xf32>
    tpu.vector_store %arg14[%swap3A_405, %swap3A_406], %swap3A_409 {strides = array<i32>} : memref<128x64xf32, #tpu.memory_space<vmem>>, vector<1x16xf32>,
    %add3A_410 = arith.addf %scan3A_401#1, %scan3A_401#5 : vector<16xf32>
    %swap3A_411 = arith.constant 121 : i32
    %swap3A_412 = arith.index_cast %swap3A_411 : i32 to index
    %swap3A_413 = arith.constant 16 : index
    %swap3A_414 = tpu.vector_load %arg14[%swap3A_412, %swap3A_413] {strides = array<i32>} : memref<128x64xf32, #tpu.memory_space<vmem>>, vector<1x16xf32>,
    %swap3A_415 = vector.shape_cast %swap3A_414 : vector<1x16xf32> to vector<16xf32>
    %swap3A_416 = vector.shape_cast %add3A_410 : vector<16xf32> to vector<1x16xf32>
    tpu.vector_store %arg14[%swap3A_412, %swap3A_413], %swap3A_416 {strides = array<i32>} : memref<128x64xf32, #tpu.memory_space<vmem>>, vector<1x16xf32>,
    %add3A_417 = arith.addf %scan3A_401#2, %scan3A_401#6 : vector<16xf32>
    %swap3A_418 = arith.constant 121 : i32
    %swap3A_419 = arith.index_cast %swap3A_418 : i32 to index
    %swap3A_420 = arith.constant 32 : index
    %swap3A_421 = tpu.vector_load %arg14[%swap3A_419, %swap3A_420] {strides = array<i32>} : memref<128x64xf32, #tpu.memory_space<vmem>>, vector<1x16xf32>,
    %swap3A_422 = vector.shape_cast %swap3A_421 : vector<1x16xf32> to vector<16xf32>
    %swap3A_423 = vector.shape_cast %add3A_417 : vector<16xf32> to vector<1x16xf32>
    tpu.vector_store %arg14[%swap3A_419, %swap3A_420], %swap3A_423 {strides = array<i32>} : memref<128x64xf32, #tpu.memory_space<vmem>>, vector<1x16xf32>,
    %add3A_424 = arith.addf %scan3A_401#3, %scan3A_401#7 : vector<16xf32>
    %swap3A_425 = arith.constant 121 : i32
    %swap3A_426 = arith.index_cast %swap3A_425 : i32 to index
    %swap3A_427 = arith.constant 48 : index
    %swap3A_428 = tpu.vector_load %arg14[%swap3A_426, %swap3A_427] {strides = array<i32>} : memref<128x64xf32, #tpu.memory_space<vmem>>, vector<1x16xf32>,
    %swap3A_429 = vector.shape_cast %swap3A_428 : vector<1x16xf32> to vector<16xf32>
    %swap3A_430 = vector.shape_cast %add3A_424 : vector<16xf32> to vector<1x16xf32>
    tpu.vector_store %arg14[%swap3A_426, %swap3A_427], %swap3A_430 {strides = array<i32>} : memref<128x64xf32, #tpu.memory_space<vmem>>, vector<1x16xf32>,
    %dma_wait3A_431 = arith.constant 6344 : i32
    %dma_wait3A_432 = tpu.memref_slice %arg5[%dma_wait3A_431] : memref<6656xi32, #tpu.memory_space<vmem>> -> memref<104xi32, #tpu.memory_space<vmem>>
    %dma_wait3A_433 = arith.constant 0 : i32
    %dma_wait3A_434 = arith.constant 0 : i32
    %dma_wait3A_435 = tpu.memref_slice %arg3[%dma_wait3A_433, %dma_wait3A_434] : memref<1000000x64xf32, #tpu.memory_space<hbm>> -> memref<1000000x64xf32, #tpu.memory_space<hbm>>
    tpu.wait_indirect_dma semaphore(%arg20 : memref<!tpu.dma_semaphore, #tpu.memory_space<semaphore_mem>>) src(%dma_wait3A_435 : memref<1000000x64xf32, #tpu.memory_space<hbm>>) dst(%arg11 : memref<104x64xf32, #tpu.memory_space<vmem>>)
    %broadcast_in_dim3A_436 = arith.constant 0.000000e+00 : f32
    %broadcast_in_dim3A_437 = vector.broadcast %broadcast_in_dim3A_436 : f32 to vector<16xf32>
    %scan3A_438 = arith.constant 0 : i32
    %scan3A_439 = arith.constant 25 : i32
    %scan3A_440 = arith.addi %scan3A_438, %scan3A_439 : i32
    %scan3A_441 = arith.constant 1 : i32
    %scan3A_442:8 = scf.for %scan3A_662 = %scan3A_438 to %scan3A_440 step %scan3A_441 iter_args(%scan3A_663 = %broadcast_in_dim3A_437, %scan3A_664 = %broadcast_in_dim3A_437, %scan3A_665 = %broadcast_in_dim3A_437, %scan3A_666 = %broadcast_in_dim3A_437, %scan3A_667 = %broadcast_in_dim3A_437, %scan3A_668 = %broadcast_in_dim3A_437, %scan3A_669 = %broadcast_in_dim3A_437, %scan3A_670 = %broadcast_in_dim3A_437) -> (vector<16xf32>, vector<16xf32>, vector<16xf32>, vector<16xf32>, vector<16xf32>, vector<16xf32>, vector<16xf32>, vector<16xf32>)  : i32 {
      %mul3A_671 = arith.constant 2 : i32
      %mul3A_672 = arith.muli %mul3A_671, %scan3A_662 : i32
      %add3A_673 = arith.constant 0 : i32
      %add3A_674 = arith.addi %add3A_673, %mul3A_672 : i32
      %get3A = arith.index_cast %add3A_674 : i32 to index
      %get3A_675 = arith.constant 0 : index
      %get3A_676 = tpu.vector_load %arg11[%get3A, %get3A_675] {strides = array<i32>} : memref<104x64xf32, #tpu.memory_space<vmem>>, vector<1x16xf32>,
      %get3A_677 = vector.shape_cast %get3A_676 : vector<1x16xf32> to vector<16xf32>
      %add3A_678 = arith.addf %scan3A_663, %get3A_677 : vector<16xf32>
      %get3A_679 = arith.index_cast %add3A_674 : i32 to index
      %get3A_680 = arith.constant 16 : index
      %get3A_681 = tpu.vector_load %arg11[%get3A_679, %get3A_680] {strides = array<i32>} : memref<104x64xf32, #tpu.memory_space<vmem>>, vector<1x16xf32>,
      %get3A_682 = vector.shape_cast %get3A_681 : vector<1x16xf32> to vector<16xf32>
      %add3A_683 = arith.addf %scan3A_664, %get3A_682 : vector<16xf32>
      %get3A_684 = arith.index_cast %add3A_674 : i32 to index
      %get3A_685 = arith.constant 32 : index
      %get3A_686 = tpu.vector_load %arg11[%get3A_684, %get3A_685] {strides = array<i32>} : memref<104x64xf32, #tpu.memory_space<vmem>>, vector<1x16xf32>,
      %get3A_687 = vector.shape_cast %get3A_686 : vector<1x16xf32> to vector<16xf32>
      %add3A_688 = arith.addf %scan3A_665, %get3A_687 : vector<16xf32>
      %get3A_689 = arith.index_cast %add3A_674 : i32 to index
      %get3A_690 = arith.constant 48 : index
      %get3A_691 = tpu.vector_load %arg11[%get3A_689, %get3A_690] {strides = array<i32>} : memref<104x64xf32, #tpu.memory_space<vmem>>, vector<1x16xf32>,
      %get3A_692 = vector.shape_cast %get3A_691 : vector<1x16xf32> to vector<16xf32>
      %add3A_693 = arith.addf %scan3A_666, %get3A_692 : vector<16xf32>
      %add3A_694 = arith.constant 1 : i32
      %add3A_695 = arith.addi %add3A_674, %add3A_694 : i32
      %get3A_696 = arith.index_cast %add3A_695 : i32 to index
      %get3A_697 = arith.constant 0 : index
      %get3A_698 = tpu.vector_load %arg11[%get3A_696, %get3A_697] {strides = array<i32>} : memref<104x64xf32, #tpu.memory_space<vmem>>, vector<1x16xf32>,
      %get3A_699 = vector.shape_cast %get3A_698 : vector<1x16xf32> to vector<16xf32>
      %add3A_700 = arith.addf %scan3A_667, %get3A_699 : vector<16xf32>
      %add3A_701 = arith.constant 1 : i32
      %add3A_702 = arith.addi %add3A_674, %add3A_701 : i32
      %get3A_703 = arith.index_cast %add3A_702 : i32 to index
      %get3A_704 = arith.constant 16 : index
      %get3A_705 = tpu.vector_load %arg11[%get3A_703, %get3A_704] {strides = array<i32>} : memref<104x64xf32, #tpu.memory_space<vmem>>, vector<1x16xf32>,
      %get3A_706 = vector.shape_cast %get3A_705 : vector<1x16xf32> to vector<16xf32>
      %add3A_707 = arith.addf %scan3A_668, %get3A_706 : vector<16xf32>
      %add3A_708 = arith.constant 1 : i32
      %add3A_709 = arith.addi %add3A_674, %add3A_708 : i32
      %get3A_710 = arith.index_cast %add3A_709 : i32 to index
      %get3A_711 = arith.constant 32 : index
      %get3A_712 = tpu.vector_load %arg11[%get3A_710, %get3A_711] {strides = array<i32>} : memref<104x64xf32, #tpu.memory_space<vmem>>, vector<1x16xf32>,
      %get3A_713 = vector.shape_cast %get3A_712 : vector<1x16xf32> to vector<16xf32>
      %add3A_714 = arith.addf %scan3A_669, %get3A_713 : vector<16xf32>
      %add3A_715 = arith.constant 1 : i32
      %add3A_716 = arith.addi %add3A_674, %add3A_715 : i32
      %get3A_717 = arith.index_cast %add3A_716 : i32 to index
      %get3A_718 = arith.constant 48 : index
      %get3A_719 = tpu.vector_load %arg11[%get3A_717, %get3A_718] {strides = array<i32>} : memref<104x64xf32, #tpu.memory_space<vmem>>, vector<1x16xf32>,
      %get3A_720 = vector.shape_cast %get3A_719 : vector<1x16xf32> to vector<16xf32>
      %add3A_721 = arith.addf %scan3A_670, %get3A_720 : vector<16xf32>
      scf.yield %add3A_678, %add3A_683, %add3A_688, %add3A_693, %add3A_700, %add3A_707, %add3A_714, %add3A_721 : vector<16xf32>, vector<16xf32>, vector<16xf32>, vector<16xf32>, vector<16xf32>, vector<16xf32>, vector<16xf32>, vector<16xf32>
    }
    %scan3A_443 = arith.constant 25 : i32
    %add3A_444 = arith.addf %scan3A_442#0, %scan3A_442#4 : vector<16xf32>
    %swap3A_445 = arith.constant 122 : i32
    %swap3A_446 = arith.index_cast %swap3A_445 : i32 to index
    %swap3A_447 = arith.constant 0 : index
    %swap3A_448 = tpu.vector_load %arg14[%swap3A_446, %swap3A_447] {strides = array<i32>} : memref<128x64xf32, #tpu.memory_space<vmem>>, vector<1x16xf32>,
    %swap3A_449 = vector.shape_cast %swap3A_448 : vector<1x16xf32> to vector<16xf32>
    %swap3A_450 = vector.shape_cast %add3A_444 : vector<16xf32> to vector<1x16xf32>
    tpu.vector_store %arg14[%swap3A_446, %swap3A_447], %swap3A_450 {strides = array<i32>} : memref<128x64xf32, #tpu.memory_space<vmem>>, vector<1x16xf32>,
    %add3A_451 = arith.addf %scan3A_442#1, %scan3A_442#5 : vector<16xf32>
    %swap3A_452 = arith.constant 122 : i32
    %swap3A_453 = arith.index_cast %swap3A_452 : i32 to index
    %swap3A_454 = arith.constant 16 : index
    %swap3A_455 = tpu.vector_load %arg14[%swap3A_453, %swap3A_454] {strides = array<i32>} : memref<128x64xf32, #tpu.memory_space<vmem>>, vector<1x16xf32>,
    %swap3A_456 = vector.shape_cast %swap3A_455 : vector<1x16xf32> to vector<16xf32>
    %swap3A_457 = vector.shape_cast %add3A_451 : vector<16xf32> to vector<1x16xf32>
    tpu.vector_store %arg14[%swap3A_453, %swap3A_454], %swap3A_457 {strides = array<i32>} : memref<128x64xf32, #tpu.memory_space<vmem>>, vector<1x16xf32>,
    %add3A_458 = arith.addf %scan3A_442#2, %scan3A_442#6 : vector<16xf32>
    %swap3A_459 = arith.constant 122 : i32
    %swap3A_460 = arith.index_cast %swap3A_459 : i32 to index
    %swap3A_461 = arith.constant 32 : index
    %swap3A_462 = tpu.vector_load %arg14[%swap3A_460, %swap3A_461] {strides = array<i32>} : memref<128x64xf32, #tpu.memory_space<vmem>>, vector<1x16xf32>,
    %swap3A_463 = vector.shape_cast %swap3A_462 : vector<1x16xf32> to vector<16xf32>
    %swap3A_464 = vector.shape_cast %add3A_458 : vector<16xf32> to vector<1x16xf32>
    tpu.vector_store %arg14[%swap3A_460, %swap3A_461], %swap3A_464 {strides = array<i32>} : memref<128x64xf32, #tpu.memory_space<vmem>>, vector<1x16xf32>,
    %add3A_465 = arith.addf %scan3A_442#3, %scan3A_442#7 : vector<16xf32>
    %swap3A_466 = arith.constant 122 : i32
    %swap3A_467 = arith.index_cast %swap3A_466 : i32 to index
    %swap3A_468 = arith.constant 48 : index
    %swap3A_469 = tpu.vector_load %arg14[%swap3A_467, %swap3A_468] {strides = array<i32>} : memref<128x64xf32, #tpu.memory_space<vmem>>, vector<1x16xf32>,
    %swap3A_470 = vector.shape_cast %swap3A_469 : vector<1x16xf32> to vector<16xf32>
    %swap3A_471 = vector.shape_cast %add3A_465 : vector<16xf32> to vector<1x16xf32>
    tpu.vector_store %arg14[%swap3A_467, %swap3A_468], %swap3A_471 {strides = array<i32>} : memref<128x64xf32, #tpu.memory_space<vmem>>, vector<1x16xf32>,
    %broadcast_in_dim3A_472 = arith.constant 0.000000e+00 : f32
    %broadcast_in_dim3A_473 = vector.broadcast %broadcast_in_dim3A_472 : f32 to vector<16xf32>
    %scan3A_474 = arith.constant 0 : i32
    %scan3A_475 = arith.constant 25 : i32
    %scan3A_476 = arith.addi %scan3A_474, %scan3A_475 : i32
    %scan3A_477 = arith.constant 1 : i32
    %scan3A_478:8 = scf.for %scan3A_662 = %scan3A_474 to %scan3A_476 step %scan3A_477 iter_args(%scan3A_663 = %broadcast_in_dim3A_473, %scan3A_664 = %broadcast_in_dim3A_473, %scan3A_665 = %broadcast_in_dim3A_473, %scan3A_666 = %broadcast_in_dim3A_473, %scan3A_667 = %broadcast_in_dim3A_473, %scan3A_668 = %broadcast_in_dim3A_473, %scan3A_669 = %broadcast_in_dim3A_473, %scan3A_670 = %broadcast_in_dim3A_473) -> (vector<16xf32>, vector<16xf32>, vector<16xf32>, vector<16xf32>, vector<16xf32>, vector<16xf32>, vector<16xf32>, vector<16xf32>)  : i32 {
      %mul3A_671 = arith.constant 2 : i32
      %mul3A_672 = arith.muli %mul3A_671, %scan3A_662 : i32
      %add3A_673 = arith.constant 52 : i32
      %add3A_674 = arith.addi %add3A_673, %mul3A_672 : i32
      %get3A = arith.index_cast %add3A_674 : i32 to index
      %get3A_675 = arith.constant 0 : index
      %get3A_676 = tpu.vector_load %arg11[%get3A, %get3A_675] {strides = array<i32>} : memref<104x64xf32, #tpu.memory_space<vmem>>, vector<1x16xf32>,
      %get3A_677 = vector.shape_cast %get3A_676 : vector<1x16xf32> to vector<16xf32>
      %add3A_678 = arith.addf %scan3A_663, %get3A_677 : vector<16xf32>
      %get3A_679 = arith.index_cast %add3A_674 : i32 to index
      %get3A_680 = arith.constant 16 : index
      %get3A_681 = tpu.vector_load %arg11[%get3A_679, %get3A_680] {strides = array<i32>} : memref<104x64xf32, #tpu.memory_space<vmem>>, vector<1x16xf32>,
      %get3A_682 = vector.shape_cast %get3A_681 : vector<1x16xf32> to vector<16xf32>
      %add3A_683 = arith.addf %scan3A_664, %get3A_682 : vector<16xf32>
      %get3A_684 = arith.index_cast %add3A_674 : i32 to index
      %get3A_685 = arith.constant 32 : index
      %get3A_686 = tpu.vector_load %arg11[%get3A_684, %get3A_685] {strides = array<i32>} : memref<104x64xf32, #tpu.memory_space<vmem>>, vector<1x16xf32>,
      %get3A_687 = vector.shape_cast %get3A_686 : vector<1x16xf32> to vector<16xf32>
      %add3A_688 = arith.addf %scan3A_665, %get3A_687 : vector<16xf32>
      %get3A_689 = arith.index_cast %add3A_674 : i32 to index
      %get3A_690 = arith.constant 48 : index
      %get3A_691 = tpu.vector_load %arg11[%get3A_689, %get3A_690] {strides = array<i32>} : memref<104x64xf32, #tpu.memory_space<vmem>>, vector<1x16xf32>,
      %get3A_692 = vector.shape_cast %get3A_691 : vector<1x16xf32> to vector<16xf32>
      %add3A_693 = arith.addf %scan3A_666, %get3A_692 : vector<16xf32>
      %add3A_694 = arith.constant 1 : i32
      %add3A_695 = arith.addi %add3A_674, %add3A_694 : i32
      %get3A_696 = arith.index_cast %add3A_695 : i32 to index
      %get3A_697 = arith.constant 0 : index
      %get3A_698 = tpu.vector_load %arg11[%get3A_696, %get3A_697] {strides = array<i32>} : memref<104x64xf32, #tpu.memory_space<vmem>>, vector<1x16xf32>,
      %get3A_699 = vector.shape_cast %get3A_698 : vector<1x16xf32> to vector<16xf32>
      %add3A_700 = arith.addf %scan3A_667, %get3A_699 : vector<16xf32>
      %add3A_701 = arith.constant 1 : i32
      %add3A_702 = arith.addi %add3A_674, %add3A_701 : i32
      %get3A_703 = arith.index_cast %add3A_702 : i32 to index
      %get3A_704 = arith.constant 16 : index
      %get3A_705 = tpu.vector_load %arg11[%get3A_703, %get3A_704] {strides = array<i32>} : memref<104x64xf32, #tpu.memory_space<vmem>>, vector<1x16xf32>,
      %get3A_706 = vector.shape_cast %get3A_705 : vector<1x16xf32> to vector<16xf32>
      %add3A_707 = arith.addf %scan3A_668, %get3A_706 : vector<16xf32>
      %add3A_708 = arith.constant 1 : i32
      %add3A_709 = arith.addi %add3A_674, %add3A_708 : i32
      %get3A_710 = arith.index_cast %add3A_709 : i32 to index
      %get3A_711 = arith.constant 32 : index
      %get3A_712 = tpu.vector_load %arg11[%get3A_710, %get3A_711] {strides = array<i32>} : memref<104x64xf32, #tpu.memory_space<vmem>>, vector<1x16xf32>,
      %get3A_713 = vector.shape_cast %get3A_712 : vector<1x16xf32> to vector<16xf32>
      %add3A_714 = arith.addf %scan3A_669, %get3A_713 : vector<16xf32>
      %add3A_715 = arith.constant 1 : i32
      %add3A_716 = arith.addi %add3A_674, %add3A_715 : i32
      %get3A_717 = arith.index_cast %add3A_716 : i32 to index
      %get3A_718 = arith.constant 48 : index
      %get3A_719 = tpu.vector_load %arg11[%get3A_717, %get3A_718] {strides = array<i32>} : memref<104x64xf32, #tpu.memory_space<vmem>>, vector<1x16xf32>,
      %get3A_720 = vector.shape_cast %get3A_719 : vector<1x16xf32> to vector<16xf32>
      %add3A_721 = arith.addf %scan3A_670, %get3A_720 : vector<16xf32>
      scf.yield %add3A_678, %add3A_683, %add3A_688, %add3A_693, %add3A_700, %add3A_707, %add3A_714, %add3A_721 : vector<16xf32>, vector<16xf32>, vector<16xf32>, vector<16xf32>, vector<16xf32>, vector<16xf32>, vector<16xf32>, vector<16xf32>
    }
    %scan3A_479 = arith.constant 25 : i32
    %add3A_480 = arith.addf %scan3A_478#0, %scan3A_478#4 : vector<16xf32>
    %swap3A_481 = arith.constant 123 : i32
    %swap3A_482 = arith.index_cast %swap3A_481 : i32 to index
    %swap3A_483 = arith.constant 0 : index
    %swap3A_484 = tpu.vector_load %arg14[%swap3A_482, %swap3A_483] {strides = array<i32>} : memref<128x64xf32, #tpu.memory_space<vmem>>, vector<1x16xf32>,
    %swap3A_485 = vector.shape_cast %swap3A_484 : vector<1x16xf32> to vector<16xf32>
    %swap3A_486 = vector.shape_cast %add3A_480 : vector<16xf32> to vector<1x16xf32>
    tpu.vector_store %arg14[%swap3A_482, %swap3A_483], %swap3A_486 {strides = array<i32>} : memref<128x64xf32, #tpu.memory_space<vmem>>, vector<1x16xf32>,
    %add3A_487 = arith.addf %scan3A_478#1, %scan3A_478#5 : vector<16xf32>
    %swap3A_488 = arith.constant 123 : i32
    %swap3A_489 = arith.index_cast %swap3A_488 : i32 to index
    %swap3A_490 = arith.constant 16 : index
    %swap3A_491 = tpu.vector_load %arg14[%swap3A_489, %swap3A_490] {strides = array<i32>} : memref<128x64xf32, #tpu.memory_space<vmem>>, vector<1x16xf32>,
    %swap3A_492 = vector.shape_cast %swap3A_491 : vector<1x16xf32> to vector<16xf32>
    %swap3A_493 = vector.shape_cast %add3A_487 : vector<16xf32> to vector<1x16xf32>
    tpu.vector_store %arg14[%swap3A_489, %swap3A_490], %swap3A_493 {strides = array<i32>} : memref<128x64xf32, #tpu.memory_space<vmem>>, vector<1x16xf32>,
    %add3A_494 = arith.addf %scan3A_478#2, %scan3A_478#6 : vector<16xf32>
    %swap3A_495 = arith.constant 123 : i32
    %swap3A_496 = arith.index_cast %swap3A_495 : i32 to index
    %swap3A_497 = arith.constant 32 : index
    %swap3A_498 = tpu.vector_load %arg14[%swap3A_496, %swap3A_497] {strides = array<i32>} : memref<128x64xf32, #tpu.memory_space<vmem>>, vector<1x16xf32>,
    %swap3A_499 = vector.shape_cast %swap3A_498 : vector<1x16xf32> to vector<16xf32>
    %swap3A_500 = vector.shape_cast %add3A_494 : vector<16xf32> to vector<1x16xf32>
    tpu.vector_store %arg14[%swap3A_496, %swap3A_497], %swap3A_500 {strides = array<i32>} : memref<128x64xf32, #tpu.memory_space<vmem>>, vector<1x16xf32>,
    %add3A_501 = arith.addf %scan3A_478#3, %scan3A_478#7 : vector<16xf32>
    %swap3A_502 = arith.constant 123 : i32
    %swap3A_503 = arith.index_cast %swap3A_502 : i32 to index
    %swap3A_504 = arith.constant 48 : index
    %swap3A_505 = tpu.vector_load %arg14[%swap3A_503, %swap3A_504] {strides = array<i32>} : memref<128x64xf32, #tpu.memory_space<vmem>>, vector<1x16xf32>,
    %swap3A_506 = vector.shape_cast %swap3A_505 : vector<1x16xf32> to vector<16xf32>
    %swap3A_507 = vector.shape_cast %add3A_501 : vector<16xf32> to vector<1x16xf32>
    tpu.vector_store %arg14[%swap3A_503, %swap3A_504], %swap3A_507 {strides = array<i32>} : memref<128x64xf32, #tpu.memory_space<vmem>>, vector<1x16xf32>,
    %dma_wait3A_508 = arith.constant 6448 : i32
    %dma_wait3A_509 = tpu.memref_slice %arg5[%dma_wait3A_508] : memref<6656xi32, #tpu.memory_space<vmem>> -> memref<104xi32, #tpu.memory_space<vmem>>
    %dma_wait3A_510 = arith.constant 0 : i32
    %dma_wait3A_511 = arith.constant 0 : i32
    %dma_wait3A_512 = tpu.memref_slice %arg3[%dma_wait3A_510, %dma_wait3A_511] : memref<1000000x64xf32, #tpu.memory_space<hbm>> -> memref<1000000x64xf32, #tpu.memory_space<hbm>>
    tpu.wait_indirect_dma semaphore(%arg21 : memref<!tpu.dma_semaphore, #tpu.memory_space<semaphore_mem>>) src(%dma_wait3A_512 : memref<1000000x64xf32, #tpu.memory_space<hbm>>) dst(%arg12 : memref<104x64xf32, #tpu.memory_space<vmem>>)
    %broadcast_in_dim3A_513 = arith.constant 0.000000e+00 : f32
    %broadcast_in_dim3A_514 = vector.broadcast %broadcast_in_dim3A_513 : f32 to vector<16xf32>
    %scan3A_515 = arith.constant 0 : i32
    %scan3A_516 = arith.constant 25 : i32
    %scan3A_517 = arith.addi %scan3A_515, %scan3A_516 : i32
    %scan3A_518 = arith.constant 1 : i32
    %scan3A_519:8 = scf.for %scan3A_662 = %scan3A_515 to %scan3A_517 step %scan3A_518 iter_args(%scan3A_663 = %broadcast_in_dim3A_514, %scan3A_664 = %broadcast_in_dim3A_514, %scan3A_665 = %broadcast_in_dim3A_514, %scan3A_666 = %broadcast_in_dim3A_514, %scan3A_667 = %broadcast_in_dim3A_514, %scan3A_668 = %broadcast_in_dim3A_514, %scan3A_669 = %broadcast_in_dim3A_514, %scan3A_670 = %broadcast_in_dim3A_514) -> (vector<16xf32>, vector<16xf32>, vector<16xf32>, vector<16xf32>, vector<16xf32>, vector<16xf32>, vector<16xf32>, vector<16xf32>)  : i32 {
      %mul3A_671 = arith.constant 2 : i32
      %mul3A_672 = arith.muli %mul3A_671, %scan3A_662 : i32
      %add3A_673 = arith.constant 0 : i32
      %add3A_674 = arith.addi %add3A_673, %mul3A_672 : i32
      %get3A = arith.index_cast %add3A_674 : i32 to index
      %get3A_675 = arith.constant 0 : index
      %get3A_676 = tpu.vector_load %arg12[%get3A, %get3A_675] {strides = array<i32>} : memref<104x64xf32, #tpu.memory_space<vmem>>, vector<1x16xf32>,
      %get3A_677 = vector.shape_cast %get3A_676 : vector<1x16xf32> to vector<16xf32>
      %add3A_678 = arith.addf %scan3A_663, %get3A_677 : vector<16xf32>
      %get3A_679 = arith.index_cast %add3A_674 : i32 to index
      %get3A_680 = arith.constant 16 : index
      %get3A_681 = tpu.vector_load %arg12[%get3A_679, %get3A_680] {strides = array<i32>} : memref<104x64xf32, #tpu.memory_space<vmem>>, vector<1x16xf32>,
      %get3A_682 = vector.shape_cast %get3A_681 : vector<1x16xf32> to vector<16xf32>
      %add3A_683 = arith.addf %scan3A_664, %get3A_682 : vector<16xf32>
      %get3A_684 = arith.index_cast %add3A_674 : i32 to index
      %get3A_685 = arith.constant 32 : index
      %get3A_686 = tpu.vector_load %arg12[%get3A_684, %get3A_685] {strides = array<i32>} : memref<104x64xf32, #tpu.memory_space<vmem>>, vector<1x16xf32>,
      %get3A_687 = vector.shape_cast %get3A_686 : vector<1x16xf32> to vector<16xf32>
      %add3A_688 = arith.addf %scan3A_665, %get3A_687 : vector<16xf32>
      %get3A_689 = arith.index_cast %add3A_674 : i32 to index
      %get3A_690 = arith.constant 48 : index
      %get3A_691 = tpu.vector_load %arg12[%get3A_689, %get3A_690] {strides = array<i32>} : memref<104x64xf32, #tpu.memory_space<vmem>>, vector<1x16xf32>,
      %get3A_692 = vector.shape_cast %get3A_691 : vector<1x16xf32> to vector<16xf32>
      %add3A_693 = arith.addf %scan3A_666, %get3A_692 : vector<16xf32>
      %add3A_694 = arith.constant 1 : i32
      %add3A_695 = arith.addi %add3A_674, %add3A_694 : i32
      %get3A_696 = arith.index_cast %add3A_695 : i32 to index
      %get3A_697 = arith.constant 0 : index
      %get3A_698 = tpu.vector_load %arg12[%get3A_696, %get3A_697] {strides = array<i32>} : memref<104x64xf32, #tpu.memory_space<vmem>>, vector<1x16xf32>,
      %get3A_699 = vector.shape_cast %get3A_698 : vector<1x16xf32> to vector<16xf32>
      %add3A_700 = arith.addf %scan3A_667, %get3A_699 : vector<16xf32>
      %add3A_701 = arith.constant 1 : i32
      %add3A_702 = arith.addi %add3A_674, %add3A_701 : i32
      %get3A_703 = arith.index_cast %add3A_702 : i32 to index
      %get3A_704 = arith.constant 16 : index
      %get3A_705 = tpu.vector_load %arg12[%get3A_703, %get3A_704] {strides = array<i32>} : memref<104x64xf32, #tpu.memory_space<vmem>>, vector<1x16xf32>,
      %get3A_706 = vector.shape_cast %get3A_705 : vector<1x16xf32> to vector<16xf32>
      %add3A_707 = arith.addf %scan3A_668, %get3A_706 : vector<16xf32>
      %add3A_708 = arith.constant 1 : i32
      %add3A_709 = arith.addi %add3A_674, %add3A_708 : i32
      %get3A_710 = arith.index_cast %add3A_709 : i32 to index
      %get3A_711 = arith.constant 32 : index
      %get3A_712 = tpu.vector_load %arg12[%get3A_710, %get3A_711] {strides = array<i32>} : memref<104x64xf32, #tpu.memory_space<vmem>>, vector<1x16xf32>,
      %get3A_713 = vector.shape_cast %get3A_712 : vector<1x16xf32> to vector<16xf32>
      %add3A_714 = arith.addf %scan3A_669, %get3A_713 : vector<16xf32>
      %add3A_715 = arith.constant 1 : i32
      %add3A_716 = arith.addi %add3A_674, %add3A_715 : i32
      %get3A_717 = arith.index_cast %add3A_716 : i32 to index
      %get3A_718 = arith.constant 48 : index
      %get3A_719 = tpu.vector_load %arg12[%get3A_717, %get3A_718] {strides = array<i32>} : memref<104x64xf32, #tpu.memory_space<vmem>>, vector<1x16xf32>,
      %get3A_720 = vector.shape_cast %get3A_719 : vector<1x16xf32> to vector<16xf32>
      %add3A_721 = arith.addf %scan3A_670, %get3A_720 : vector<16xf32>
      scf.yield %add3A_678, %add3A_683, %add3A_688, %add3A_693, %add3A_700, %add3A_707, %add3A_714, %add3A_721 : vector<16xf32>, vector<16xf32>, vector<16xf32>, vector<16xf32>, vector<16xf32>, vector<16xf32>, vector<16xf32>, vector<16xf32>
    }
    %scan3A_520 = arith.constant 25 : i32
    %add3A_521 = arith.addf %scan3A_519#0, %scan3A_519#4 : vector<16xf32>
    %swap3A_522 = arith.constant 124 : i32
    %swap3A_523 = arith.index_cast %swap3A_522 : i32 to index
    %swap3A_524 = arith.constant 0 : index
    %swap3A_525 = tpu.vector_load %arg14[%swap3A_523, %swap3A_524] {strides = array<i32>} : memref<128x64xf32, #tpu.memory_space<vmem>>, vector<1x16xf32>,
    %swap3A_526 = vector.shape_cast %swap3A_525 : vector<1x16xf32> to vector<16xf32>
    %swap3A_527 = vector.shape_cast %add3A_521 : vector<16xf32> to vector<1x16xf32>
    tpu.vector_store %arg14[%swap3A_523, %swap3A_524], %swap3A_527 {strides = array<i32>} : memref<128x64xf32, #tpu.memory_space<vmem>>, vector<1x16xf32>,
    %add3A_528 = arith.addf %scan3A_519#1, %scan3A_519#5 : vector<16xf32>
    %swap3A_529 = arith.constant 124 : i32
    %swap3A_530 = arith.index_cast %swap3A_529 : i32 to index
    %swap3A_531 = arith.constant 16 : index
    %swap3A_532 = tpu.vector_load %arg14[%swap3A_530, %swap3A_531] {strides = array<i32>} : memref<128x64xf32, #tpu.memory_space<vmem>>, vector<1x16xf32>,
    %swap3A_533 = vector.shape_cast %swap3A_532 : vector<1x16xf32> to vector<16xf32>
    %swap3A_534 = vector.shape_cast %add3A_528 : vector<16xf32> to vector<1x16xf32>
    tpu.vector_store %arg14[%swap3A_530, %swap3A_531], %swap3A_534 {strides = array<i32>} : memref<128x64xf32, #tpu.memory_space<vmem>>, vector<1x16xf32>,
    %add3A_535 = arith.addf %scan3A_519#2, %scan3A_519#6 : vector<16xf32>
    %swap3A_536 = arith.constant 124 : i32
    %swap3A_537 = arith.index_cast %swap3A_536 : i32 to index
    %swap3A_538 = arith.constant 32 : index
    %swap3A_539 = tpu.vector_load %arg14[%swap3A_537, %swap3A_538] {strides = array<i32>} : memref<128x64xf32, #tpu.memory_space<vmem>>, vector<1x16xf32>,
    %swap3A_540 = vector.shape_cast %swap3A_539 : vector<1x16xf32> to vector<16xf32>
    %swap3A_541 = vector.shape_cast %add3A_535 : vector<16xf32> to vector<1x16xf32>
    tpu.vector_store %arg14[%swap3A_537, %swap3A_538], %swap3A_541 {strides = array<i32>} : memref<128x64xf32, #tpu.memory_space<vmem>>, vector<1x16xf32>,
    %add3A_542 = arith.addf %scan3A_519#3, %scan3A_519#7 : vector<16xf32>
    %swap3A_543 = arith.constant 124 : i32
    %swap3A_544 = arith.index_cast %swap3A_543 : i32 to index
    %swap3A_545 = arith.constant 48 : index
    %swap3A_546 = tpu.vector_load %arg14[%swap3A_544, %swap3A_545] {strides = array<i32>} : memref<128x64xf32, #tpu.memory_space<vmem>>, vector<1x16xf32>,
    %swap3A_547 = vector.shape_cast %swap3A_546 : vector<1x16xf32> to vector<16xf32>
    %swap3A_548 = vector.shape_cast %add3A_542 : vector<16xf32> to vector<1x16xf32>
    tpu.vector_store %arg14[%swap3A_544, %swap3A_545], %swap3A_548 {strides = array<i32>} : memref<128x64xf32, #tpu.memory_space<vmem>>, vector<1x16xf32>,
    %broadcast_in_dim3A_549 = arith.constant 0.000000e+00 : f32
    %broadcast_in_dim3A_550 = vector.broadcast %broadcast_in_dim3A_549 : f32 to vector<16xf32>
    %scan3A_551 = arith.constant 0 : i32
    %scan3A_552 = arith.constant 25 : i32
    %scan3A_553 = arith.addi %scan3A_551, %scan3A_552 : i32
    %scan3A_554 = arith.constant 1 : i32
    %scan3A_555:8 = scf.for %scan3A_662 = %scan3A_551 to %scan3A_553 step %scan3A_554 iter_args(%scan3A_663 = %broadcast_in_dim3A_550, %scan3A_664 = %broadcast_in_dim3A_550, %scan3A_665 = %broadcast_in_dim3A_550, %scan3A_666 = %broadcast_in_dim3A_550, %scan3A_667 = %broadcast_in_dim3A_550, %scan3A_668 = %broadcast_in_dim3A_550, %scan3A_669 = %broadcast_in_dim3A_550, %scan3A_670 = %broadcast_in_dim3A_550) -> (vector<16xf32>, vector<16xf32>, vector<16xf32>, vector<16xf32>, vector<16xf32>, vector<16xf32>, vector<16xf32>, vector<16xf32>)  : i32 {
      %mul3A_671 = arith.constant 2 : i32
      %mul3A_672 = arith.muli %mul3A_671, %scan3A_662 : i32
      %add3A_673 = arith.constant 52 : i32
      %add3A_674 = arith.addi %add3A_673, %mul3A_672 : i32
      %get3A = arith.index_cast %add3A_674 : i32 to index
      %get3A_675 = arith.constant 0 : index
      %get3A_676 = tpu.vector_load %arg12[%get3A, %get3A_675] {strides = array<i32>} : memref<104x64xf32, #tpu.memory_space<vmem>>, vector<1x16xf32>,
      %get3A_677 = vector.shape_cast %get3A_676 : vector<1x16xf32> to vector<16xf32>
      %add3A_678 = arith.addf %scan3A_663, %get3A_677 : vector<16xf32>
      %get3A_679 = arith.index_cast %add3A_674 : i32 to index
      %get3A_680 = arith.constant 16 : index
      %get3A_681 = tpu.vector_load %arg12[%get3A_679, %get3A_680] {strides = array<i32>} : memref<104x64xf32, #tpu.memory_space<vmem>>, vector<1x16xf32>,
      %get3A_682 = vector.shape_cast %get3A_681 : vector<1x16xf32> to vector<16xf32>
      %add3A_683 = arith.addf %scan3A_664, %get3A_682 : vector<16xf32>
      %get3A_684 = arith.index_cast %add3A_674 : i32 to index
      %get3A_685 = arith.constant 32 : index
      %get3A_686 = tpu.vector_load %arg12[%get3A_684, %get3A_685] {strides = array<i32>} : memref<104x64xf32, #tpu.memory_space<vmem>>, vector<1x16xf32>,
      %get3A_687 = vector.shape_cast %get3A_686 : vector<1x16xf32> to vector<16xf32>
      %add3A_688 = arith.addf %scan3A_665, %get3A_687 : vector<16xf32>
      %get3A_689 = arith.index_cast %add3A_674 : i32 to index
      %get3A_690 = arith.constant 48 : index
      %get3A_691 = tpu.vector_load %arg12[%get3A_689, %get3A_690] {strides = array<i32>} : memref<104x64xf32, #tpu.memory_space<vmem>>, vector<1x16xf32>,
      %get3A_692 = vector.shape_cast %get3A_691 : vector<1x16xf32> to vector<16xf32>
      %add3A_693 = arith.addf %scan3A_666, %get3A_692 : vector<16xf32>
      %add3A_694 = arith.constant 1 : i32
      %add3A_695 = arith.addi %add3A_674, %add3A_694 : i32
      %get3A_696 = arith.index_cast %add3A_695 : i32 to index
      %get3A_697 = arith.constant 0 : index
      %get3A_698 = tpu.vector_load %arg12[%get3A_696, %get3A_697] {strides = array<i32>} : memref<104x64xf32, #tpu.memory_space<vmem>>, vector<1x16xf32>,
      %get3A_699 = vector.shape_cast %get3A_698 : vector<1x16xf32> to vector<16xf32>
      %add3A_700 = arith.addf %scan3A_667, %get3A_699 : vector<16xf32>
      %add3A_701 = arith.constant 1 : i32
      %add3A_702 = arith.addi %add3A_674, %add3A_701 : i32
      %get3A_703 = arith.index_cast %add3A_702 : i32 to index
      %get3A_704 = arith.constant 16 : index
      %get3A_705 = tpu.vector_load %arg12[%get3A_703, %get3A_704] {strides = array<i32>} : memref<104x64xf32, #tpu.memory_space<vmem>>, vector<1x16xf32>,
      %get3A_706 = vector.shape_cast %get3A_705 : vector<1x16xf32> to vector<16xf32>
      %add3A_707 = arith.addf %scan3A_668, %get3A_706 : vector<16xf32>
      %add3A_708 = arith.constant 1 : i32
      %add3A_709 = arith.addi %add3A_674, %add3A_708 : i32
      %get3A_710 = arith.index_cast %add3A_709 : i32 to index
      %get3A_711 = arith.constant 32 : index
      %get3A_712 = tpu.vector_load %arg12[%get3A_710, %get3A_711] {strides = array<i32>} : memref<104x64xf32, #tpu.memory_space<vmem>>, vector<1x16xf32>,
      %get3A_713 = vector.shape_cast %get3A_712 : vector<1x16xf32> to vector<16xf32>
      %add3A_714 = arith.addf %scan3A_669, %get3A_713 : vector<16xf32>
      %add3A_715 = arith.constant 1 : i32
      %add3A_716 = arith.addi %add3A_674, %add3A_715 : i32
      %get3A_717 = arith.index_cast %add3A_716 : i32 to index
      %get3A_718 = arith.constant 48 : index
      %get3A_719 = tpu.vector_load %arg12[%get3A_717, %get3A_718] {strides = array<i32>} : memref<104x64xf32, #tpu.memory_space<vmem>>, vector<1x16xf32>,
      %get3A_720 = vector.shape_cast %get3A_719 : vector<1x16xf32> to vector<16xf32>
      %add3A_721 = arith.addf %scan3A_670, %get3A_720 : vector<16xf32>
      scf.yield %add3A_678, %add3A_683, %add3A_688, %add3A_693, %add3A_700, %add3A_707, %add3A_714, %add3A_721 : vector<16xf32>, vector<16xf32>, vector<16xf32>, vector<16xf32>, vector<16xf32>, vector<16xf32>, vector<16xf32>, vector<16xf32>
    }
    %scan3A_556 = arith.constant 25 : i32
    %add3A_557 = arith.addf %scan3A_555#0, %scan3A_555#4 : vector<16xf32>
    %swap3A_558 = arith.constant 125 : i32
    %swap3A_559 = arith.index_cast %swap3A_558 : i32 to index
    %swap3A_560 = arith.constant 0 : index
    %swap3A_561 = tpu.vector_load %arg14[%swap3A_559, %swap3A_560] {strides = array<i32>} : memref<128x64xf32, #tpu.memory_space<vmem>>, vector<1x16xf32>,
    %swap3A_562 = vector.shape_cast %swap3A_561 : vector<1x16xf32> to vector<16xf32>
    %swap3A_563 = vector.shape_cast %add3A_557 : vector<16xf32> to vector<1x16xf32>
    tpu.vector_store %arg14[%swap3A_559, %swap3A_560], %swap3A_563 {strides = array<i32>} : memref<128x64xf32, #tpu.memory_space<vmem>>, vector<1x16xf32>,
    %add3A_564 = arith.addf %scan3A_555#1, %scan3A_555#5 : vector<16xf32>
    %swap3A_565 = arith.constant 125 : i32
    %swap3A_566 = arith.index_cast %swap3A_565 : i32 to index
    %swap3A_567 = arith.constant 16 : index
    %swap3A_568 = tpu.vector_load %arg14[%swap3A_566, %swap3A_567] {strides = array<i32>} : memref<128x64xf32, #tpu.memory_space<vmem>>, vector<1x16xf32>,
    %swap3A_569 = vector.shape_cast %swap3A_568 : vector<1x16xf32> to vector<16xf32>
    %swap3A_570 = vector.shape_cast %add3A_564 : vector<16xf32> to vector<1x16xf32>
    tpu.vector_store %arg14[%swap3A_566, %swap3A_567], %swap3A_570 {strides = array<i32>} : memref<128x64xf32, #tpu.memory_space<vmem>>, vector<1x16xf32>,
    %add3A_571 = arith.addf %scan3A_555#2, %scan3A_555#6 : vector<16xf32>
    %swap3A_572 = arith.constant 125 : i32
    %swap3A_573 = arith.index_cast %swap3A_572 : i32 to index
    %swap3A_574 = arith.constant 32 : index
    %swap3A_575 = tpu.vector_load %arg14[%swap3A_573, %swap3A_574] {strides = array<i32>} : memref<128x64xf32, #tpu.memory_space<vmem>>, vector<1x16xf32>,
    %swap3A_576 = vector.shape_cast %swap3A_575 : vector<1x16xf32> to vector<16xf32>
    %swap3A_577 = vector.shape_cast %add3A_571 : vector<16xf32> to vector<1x16xf32>
    tpu.vector_store %arg14[%swap3A_573, %swap3A_574], %swap3A_577 {strides = array<i32>} : memref<128x64xf32, #tpu.memory_space<vmem>>, vector<1x16xf32>,
    %add3A_578 = arith.addf %scan3A_555#3, %scan3A_555#7 : vector<16xf32>
    %swap3A_579 = arith.constant 125 : i32
    %swap3A_580 = arith.index_cast %swap3A_579 : i32 to index
    %swap3A_581 = arith.constant 48 : index
    %swap3A_582 = tpu.vector_load %arg14[%swap3A_580, %swap3A_581] {strides = array<i32>} : memref<128x64xf32, #tpu.memory_space<vmem>>, vector<1x16xf32>,
    %swap3A_583 = vector.shape_cast %swap3A_582 : vector<1x16xf32> to vector<16xf32>
    %swap3A_584 = vector.shape_cast %add3A_578 : vector<16xf32> to vector<1x16xf32>
    tpu.vector_store %arg14[%swap3A_580, %swap3A_581], %swap3A_584 {strides = array<i32>} : memref<128x64xf32, #tpu.memory_space<vmem>>, vector<1x16xf32>,
    %dma_wait3A_585 = arith.constant 6552 : i32
    %dma_wait3A_586 = tpu.memref_slice %arg5[%dma_wait3A_585] : memref<6656xi32, #tpu.memory_space<vmem>> -> memref<104xi32, #tpu.memory_space<vmem>>
    %dma_wait3A_587 = arith.constant 0 : i32
    %dma_wait3A_588 = arith.constant 0 : i32
    %dma_wait3A_589 = tpu.memref_slice %arg3[%dma_wait3A_587, %dma_wait3A_588] : memref<1000000x64xf32, #tpu.memory_space<hbm>> -> memref<1000000x64xf32, #tpu.memory_space<hbm>>
    tpu.wait_indirect_dma semaphore(%arg22 : memref<!tpu.dma_semaphore, #tpu.memory_space<semaphore_mem>>) src(%dma_wait3A_589 : memref<1000000x64xf32, #tpu.memory_space<hbm>>) dst(%arg13 : memref<104x64xf32, #tpu.memory_space<vmem>>)
    %broadcast_in_dim3A_590 = arith.constant 0.000000e+00 : f32
    %broadcast_in_dim3A_591 = vector.broadcast %broadcast_in_dim3A_590 : f32 to vector<16xf32>
    %scan3A_592 = arith.constant 0 : i32
    %scan3A_593 = arith.constant 25 : i32
    %scan3A_594 = arith.addi %scan3A_592, %scan3A_593 : i32
    %scan3A_595 = arith.constant 1 : i32
    %scan3A_596:8 = scf.for %scan3A_662 = %scan3A_592 to %scan3A_594 step %scan3A_595 iter_args(%scan3A_663 = %broadcast_in_dim3A_591, %scan3A_664 = %broadcast_in_dim3A_591, %scan3A_665 = %broadcast_in_dim3A_591, %scan3A_666 = %broadcast_in_dim3A_591, %scan3A_667 = %broadcast_in_dim3A_591, %scan3A_668 = %broadcast_in_dim3A_591, %scan3A_669 = %broadcast_in_dim3A_591, %scan3A_670 = %broadcast_in_dim3A_591) -> (vector<16xf32>, vector<16xf32>, vector<16xf32>, vector<16xf32>, vector<16xf32>, vector<16xf32>, vector<16xf32>, vector<16xf32>)  : i32 {
      %mul3A_671 = arith.constant 2 : i32
      %mul3A_672 = arith.muli %mul3A_671, %scan3A_662 : i32
      %add3A_673 = arith.constant 0 : i32
      %add3A_674 = arith.addi %add3A_673, %mul3A_672 : i32
      %get3A = arith.index_cast %add3A_674 : i32 to index
      %get3A_675 = arith.constant 0 : index
      %get3A_676 = tpu.vector_load %arg13[%get3A, %get3A_675] {strides = array<i32>} : memref<104x64xf32, #tpu.memory_space<vmem>>, vector<1x16xf32>,
      %get3A_677 = vector.shape_cast %get3A_676 : vector<1x16xf32> to vector<16xf32>
      %add3A_678 = arith.addf %scan3A_663, %get3A_677 : vector<16xf32>
      %get3A_679 = arith.index_cast %add3A_674 : i32 to index
      %get3A_680 = arith.constant 16 : index
      %get3A_681 = tpu.vector_load %arg13[%get3A_679, %get3A_680] {strides = array<i32>} : memref<104x64xf32, #tpu.memory_space<vmem>>, vector<1x16xf32>,
      %get3A_682 = vector.shape_cast %get3A_681 : vector<1x16xf32> to vector<16xf32>
      %add3A_683 = arith.addf %scan3A_664, %get3A_682 : vector<16xf32>
      %get3A_684 = arith.index_cast %add3A_674 : i32 to index
      %get3A_685 = arith.constant 32 : index
      %get3A_686 = tpu.vector_load %arg13[%get3A_684, %get3A_685] {strides = array<i32>} : memref<104x64xf32, #tpu.memory_space<vmem>>, vector<1x16xf32>,
      %get3A_687 = vector.shape_cast %get3A_686 : vector<1x16xf32> to vector<16xf32>
      %add3A_688 = arith.addf %scan3A_665, %get3A_687 : vector<16xf32>
      %get3A_689 = arith.index_cast %add3A_674 : i32 to index
      %get3A_690 = arith.constant 48 : index
      %get3A_691 = tpu.vector_load %arg13[%get3A_689, %get3A_690] {strides = array<i32>} : memref<104x64xf32, #tpu.memory_space<vmem>>, vector<1x16xf32>,
      %get3A_692 = vector.shape_cast %get3A_691 : vector<1x16xf32> to vector<16xf32>
      %add3A_693 = arith.addf %scan3A_666, %get3A_692 : vector<16xf32>
      %add3A_694 = arith.constant 1 : i32
      %add3A_695 = arith.addi %add3A_674, %add3A_694 : i32
      %get3A_696 = arith.index_cast %add3A_695 : i32 to index
      %get3A_697 = arith.constant 0 : index
      %get3A_698 = tpu.vector_load %arg13[%get3A_696, %get3A_697] {strides = array<i32>} : memref<104x64xf32, #tpu.memory_space<vmem>>, vector<1x16xf32>,
      %get3A_699 = vector.shape_cast %get3A_698 : vector<1x16xf32> to vector<16xf32>
      %add3A_700 = arith.addf %scan3A_667, %get3A_699 : vector<16xf32>
      %add3A_701 = arith.constant 1 : i32
      %add3A_702 = arith.addi %add3A_674, %add3A_701 : i32
      %get3A_703 = arith.index_cast %add3A_702 : i32 to index
      %get3A_704 = arith.constant 16 : index
      %get3A_705 = tpu.vector_load %arg13[%get3A_703, %get3A_704] {strides = array<i32>} : memref<104x64xf32, #tpu.memory_space<vmem>>, vector<1x16xf32>,
      %get3A_706 = vector.shape_cast %get3A_705 : vector<1x16xf32> to vector<16xf32>
      %add3A_707 = arith.addf %scan3A_668, %get3A_706 : vector<16xf32>
      %add3A_708 = arith.constant 1 : i32
      %add3A_709 = arith.addi %add3A_674, %add3A_708 : i32
      %get3A_710 = arith.index_cast %add3A_709 : i32 to index
      %get3A_711 = arith.constant 32 : index
      %get3A_712 = tpu.vector_load %arg13[%get3A_710, %get3A_711] {strides = array<i32>} : memref<104x64xf32, #tpu.memory_space<vmem>>, vector<1x16xf32>,
      %get3A_713 = vector.shape_cast %get3A_712 : vector<1x16xf32> to vector<16xf32>
      %add3A_714 = arith.addf %scan3A_669, %get3A_713 : vector<16xf32>
      %add3A_715 = arith.constant 1 : i32
      %add3A_716 = arith.addi %add3A_674, %add3A_715 : i32
      %get3A_717 = arith.index_cast %add3A_716 : i32 to index
      %get3A_718 = arith.constant 48 : index
      %get3A_719 = tpu.vector_load %arg13[%get3A_717, %get3A_718] {strides = array<i32>} : memref<104x64xf32, #tpu.memory_space<vmem>>, vector<1x16xf32>,
      %get3A_720 = vector.shape_cast %get3A_719 : vector<1x16xf32> to vector<16xf32>
      %add3A_721 = arith.addf %scan3A_670, %get3A_720 : vector<16xf32>
      scf.yield %add3A_678, %add3A_683, %add3A_688, %add3A_693, %add3A_700, %add3A_707, %add3A_714, %add3A_721 : vector<16xf32>, vector<16xf32>, vector<16xf32>, vector<16xf32>, vector<16xf32>, vector<16xf32>, vector<16xf32>, vector<16xf32>
    }
    %scan3A_597 = arith.constant 25 : i32
    %add3A_598 = arith.addf %scan3A_596#0, %scan3A_596#4 : vector<16xf32>
    %swap3A_599 = arith.constant 126 : i32
    %swap3A_600 = arith.index_cast %swap3A_599 : i32 to index
    %swap3A_601 = arith.constant 0 : index
    %swap3A_602 = tpu.vector_load %arg14[%swap3A_600, %swap3A_601] {strides = array<i32>} : memref<128x64xf32, #tpu.memory_space<vmem>>, vector<1x16xf32>,
    %swap3A_603 = vector.shape_cast %swap3A_602 : vector<1x16xf32> to vector<16xf32>
    %swap3A_604 = vector.shape_cast %add3A_598 : vector<16xf32> to vector<1x16xf32>
    tpu.vector_store %arg14[%swap3A_600, %swap3A_601], %swap3A_604 {strides = array<i32>} : memref<128x64xf32, #tpu.memory_space<vmem>>, vector<1x16xf32>,
    %add3A_605 = arith.addf %scan3A_596#1, %scan3A_596#5 : vector<16xf32>
    %swap3A_606 = arith.constant 126 : i32
    %swap3A_607 = arith.index_cast %swap3A_606 : i32 to index
    %swap3A_608 = arith.constant 16 : index
    %swap3A_609 = tpu.vector_load %arg14[%swap3A_607, %swap3A_608] {strides = array<i32>} : memref<128x64xf32, #tpu.memory_space<vmem>>, vector<1x16xf32>,
    %swap3A_610 = vector.shape_cast %swap3A_609 : vector<1x16xf32> to vector<16xf32>
    %swap3A_611 = vector.shape_cast %add3A_605 : vector<16xf32> to vector<1x16xf32>
    tpu.vector_store %arg14[%swap3A_607, %swap3A_608], %swap3A_611 {strides = array<i32>} : memref<128x64xf32, #tpu.memory_space<vmem>>, vector<1x16xf32>,
    %add3A_612 = arith.addf %scan3A_596#2, %scan3A_596#6 : vector<16xf32>
    %swap3A_613 = arith.constant 126 : i32
    %swap3A_614 = arith.index_cast %swap3A_613 : i32 to index
    %swap3A_615 = arith.constant 32 : index
    %swap3A_616 = tpu.vector_load %arg14[%swap3A_614, %swap3A_615] {strides = array<i32>} : memref<128x64xf32, #tpu.memory_space<vmem>>, vector<1x16xf32>,
    %swap3A_617 = vector.shape_cast %swap3A_616 : vector<1x16xf32> to vector<16xf32>
    %swap3A_618 = vector.shape_cast %add3A_612 : vector<16xf32> to vector<1x16xf32>
    tpu.vector_store %arg14[%swap3A_614, %swap3A_615], %swap3A_618 {strides = array<i32>} : memref<128x64xf32, #tpu.memory_space<vmem>>, vector<1x16xf32>,
    %add3A_619 = arith.addf %scan3A_596#3, %scan3A_596#7 : vector<16xf32>
    %swap3A_620 = arith.constant 126 : i32
    %swap3A_621 = arith.index_cast %swap3A_620 : i32 to index
    %swap3A_622 = arith.constant 48 : index
    %swap3A_623 = tpu.vector_load %arg14[%swap3A_621, %swap3A_622] {strides = array<i32>} : memref<128x64xf32, #tpu.memory_space<vmem>>, vector<1x16xf32>,
    %swap3A_624 = vector.shape_cast %swap3A_623 : vector<1x16xf32> to vector<16xf32>
    %swap3A_625 = vector.shape_cast %add3A_619 : vector<16xf32> to vector<1x16xf32>
    tpu.vector_store %arg14[%swap3A_621, %swap3A_622], %swap3A_625 {strides = array<i32>} : memref<128x64xf32, #tpu.memory_space<vmem>>, vector<1x16xf32>,
    %broadcast_in_dim3A_626 = arith.constant 0.000000e+00 : f32
    %broadcast_in_dim3A_627 = vector.broadcast %broadcast_in_dim3A_626 : f32 to vector<16xf32>
    %scan3A_628 = arith.constant 0 : i32
    %scan3A_629 = arith.constant 25 : i32
    %scan3A_630 = arith.addi %scan3A_628, %scan3A_629 : i32
    %scan3A_631 = arith.constant 1 : i32
    %scan3A_632:8 = scf.for %scan3A_662 = %scan3A_628 to %scan3A_630 step %scan3A_631 iter_args(%scan3A_663 = %broadcast_in_dim3A_627, %scan3A_664 = %broadcast_in_dim3A_627, %scan3A_665 = %broadcast_in_dim3A_627, %scan3A_666 = %broadcast_in_dim3A_627, %scan3A_667 = %broadcast_in_dim3A_627, %scan3A_668 = %broadcast_in_dim3A_627, %scan3A_669 = %broadcast_in_dim3A_627, %scan3A_670 = %broadcast_in_dim3A_627) -> (vector<16xf32>, vector<16xf32>, vector<16xf32>, vector<16xf32>, vector<16xf32>, vector<16xf32>, vector<16xf32>, vector<16xf32>)  : i32 {
      %mul3A_671 = arith.constant 2 : i32
      %mul3A_672 = arith.muli %mul3A_671, %scan3A_662 : i32
      %add3A_673 = arith.constant 52 : i32
      %add3A_674 = arith.addi %add3A_673, %mul3A_672 : i32
      %get3A = arith.index_cast %add3A_674 : i32 to index
      %get3A_675 = arith.constant 0 : index
      %get3A_676 = tpu.vector_load %arg13[%get3A, %get3A_675] {strides = array<i32>} : memref<104x64xf32, #tpu.memory_space<vmem>>, vector<1x16xf32>,
      %get3A_677 = vector.shape_cast %get3A_676 : vector<1x16xf32> to vector<16xf32>
      %add3A_678 = arith.addf %scan3A_663, %get3A_677 : vector<16xf32>
      %get3A_679 = arith.index_cast %add3A_674 : i32 to index
      %get3A_680 = arith.constant 16 : index
      %get3A_681 = tpu.vector_load %arg13[%get3A_679, %get3A_680] {strides = array<i32>} : memref<104x64xf32, #tpu.memory_space<vmem>>, vector<1x16xf32>,
      %get3A_682 = vector.shape_cast %get3A_681 : vector<1x16xf32> to vector<16xf32>
      %add3A_683 = arith.addf %scan3A_664, %get3A_682 : vector<16xf32>
      %get3A_684 = arith.index_cast %add3A_674 : i32 to index
      %get3A_685 = arith.constant 32 : index
      %get3A_686 = tpu.vector_load %arg13[%get3A_684, %get3A_685] {strides = array<i32>} : memref<104x64xf32, #tpu.memory_space<vmem>>, vector<1x16xf32>,
      %get3A_687 = vector.shape_cast %get3A_686 : vector<1x16xf32> to vector<16xf32>
      %add3A_688 = arith.addf %scan3A_665, %get3A_687 : vector<16xf32>
      %get3A_689 = arith.index_cast %add3A_674 : i32 to index
      %get3A_690 = arith.constant 48 : index
      %get3A_691 = tpu.vector_load %arg13[%get3A_689, %get3A_690] {strides = array<i32>} : memref<104x64xf32, #tpu.memory_space<vmem>>, vector<1x16xf32>,
      %get3A_692 = vector.shape_cast %get3A_691 : vector<1x16xf32> to vector<16xf32>
      %add3A_693 = arith.addf %scan3A_666, %get3A_692 : vector<16xf32>
      %add3A_694 = arith.constant 1 : i32
      %add3A_695 = arith.addi %add3A_674, %add3A_694 : i32
      %get3A_696 = arith.index_cast %add3A_695 : i32 to index
      %get3A_697 = arith.constant 0 : index
      %get3A_698 = tpu.vector_load %arg13[%get3A_696, %get3A_697] {strides = array<i32>} : memref<104x64xf32, #tpu.memory_space<vmem>>, vector<1x16xf32>,
      %get3A_699 = vector.shape_cast %get3A_698 : vector<1x16xf32> to vector<16xf32>
      %add3A_700 = arith.addf %scan3A_667, %get3A_699 : vector<16xf32>
      %add3A_701 = arith.constant 1 : i32
      %add3A_702 = arith.addi %add3A_674, %add3A_701 : i32
      %get3A_703 = arith.index_cast %add3A_702 : i32 to index
      %get3A_704 = arith.constant 16 : index
      %get3A_705 = tpu.vector_load %arg13[%get3A_703, %get3A_704] {strides = array<i32>} : memref<104x64xf32, #tpu.memory_space<vmem>>, vector<1x16xf32>,
      %get3A_706 = vector.shape_cast %get3A_705 : vector<1x16xf32> to vector<16xf32>
      %add3A_707 = arith.addf %scan3A_668, %get3A_706 : vector<16xf32>
      %add3A_708 = arith.constant 1 : i32
      %add3A_709 = arith.addi %add3A_674, %add3A_708 : i32
      %get3A_710 = arith.index_cast %add3A_709 : i32 to index
      %get3A_711 = arith.constant 32 : index
      %get3A_712 = tpu.vector_load %arg13[%get3A_710, %get3A_711] {strides = array<i32>} : memref<104x64xf32, #tpu.memory_space<vmem>>, vector<1x16xf32>,
      %get3A_713 = vector.shape_cast %get3A_712 : vector<1x16xf32> to vector<16xf32>
      %add3A_714 = arith.addf %scan3A_669, %get3A_713 : vector<16xf32>
      %add3A_715 = arith.constant 1 : i32
      %add3A_716 = arith.addi %add3A_674, %add3A_715 : i32
      %get3A_717 = arith.index_cast %add3A_716 : i32 to index
      %get3A_718 = arith.constant 48 : index
      %get3A_719 = tpu.vector_load %arg13[%get3A_717, %get3A_718] {strides = array<i32>} : memref<104x64xf32, #tpu.memory_space<vmem>>, vector<1x16xf32>,
      %get3A_720 = vector.shape_cast %get3A_719 : vector<1x16xf32> to vector<16xf32>
      %add3A_721 = arith.addf %scan3A_670, %get3A_720 : vector<16xf32>
      scf.yield %add3A_678, %add3A_683, %add3A_688, %add3A_693, %add3A_700, %add3A_707, %add3A_714, %add3A_721 : vector<16xf32>, vector<16xf32>, vector<16xf32>, vector<16xf32>, vector<16xf32>, vector<16xf32>, vector<16xf32>, vector<16xf32>
    }
    %scan3A_633 = arith.constant 25 : i32
    %add3A_634 = arith.addf %scan3A_632#0, %scan3A_632#4 : vector<16xf32>
    %swap3A_635 = arith.constant 127 : i32
    %swap3A_636 = arith.index_cast %swap3A_635 : i32 to index
    %swap3A_637 = arith.constant 0 : index
    %swap3A_638 = tpu.vector_load %arg14[%swap3A_636, %swap3A_637] {strides = array<i32>} : memref<128x64xf32, #tpu.memory_space<vmem>>, vector<1x16xf32>,
    %swap3A_639 = vector.shape_cast %swap3A_638 : vector<1x16xf32> to vector<16xf32>
    %swap3A_640 = vector.shape_cast %add3A_634 : vector<16xf32> to vector<1x16xf32>
    tpu.vector_store %arg14[%swap3A_636, %swap3A_637], %swap3A_640 {strides = array<i32>} : memref<128x64xf32, #tpu.memory_space<vmem>>, vector<1x16xf32>,
    %add3A_641 = arith.addf %scan3A_632#1, %scan3A_632#5 : vector<16xf32>
    %swap3A_642 = arith.constant 127 : i32
    %swap3A_643 = arith.index_cast %swap3A_642 : i32 to index
    %swap3A_644 = arith.constant 16 : index
    %swap3A_645 = tpu.vector_load %arg14[%swap3A_643, %swap3A_644] {strides = array<i32>} : memref<128x64xf32, #tpu.memory_space<vmem>>, vector<1x16xf32>,
    %swap3A_646 = vector.shape_cast %swap3A_645 : vector<1x16xf32> to vector<16xf32>
    %swap3A_647 = vector.shape_cast %add3A_641 : vector<16xf32> to vector<1x16xf32>
    tpu.vector_store %arg14[%swap3A_643, %swap3A_644], %swap3A_647 {strides = array<i32>} : memref<128x64xf32, #tpu.memory_space<vmem>>, vector<1x16xf32>,
    %add3A_648 = arith.addf %scan3A_632#2, %scan3A_632#6 : vector<16xf32>
    %swap3A_649 = arith.constant 127 : i32
    %swap3A_650 = arith.index_cast %swap3A_649 : i32 to index
    %swap3A_651 = arith.constant 32 : index
    %swap3A_652 = tpu.vector_load %arg14[%swap3A_650, %swap3A_651] {strides = array<i32>} : memref<128x64xf32, #tpu.memory_space<vmem>>, vector<1x16xf32>,
    %swap3A_653 = vector.shape_cast %swap3A_652 : vector<1x16xf32> to vector<16xf32>
    %swap3A_654 = vector.shape_cast %add3A_648 : vector<16xf32> to vector<1x16xf32>
    tpu.vector_store %arg14[%swap3A_650, %swap3A_651], %swap3A_654 {strides = array<i32>} : memref<128x64xf32, #tpu.memory_space<vmem>>, vector<1x16xf32>,
    %add3A_655 = arith.addf %scan3A_632#3, %scan3A_632#7 : vector<16xf32>
    %swap3A_656 = arith.constant 127 : i32
    %swap3A_657 = arith.index_cast %swap3A_656 : i32 to index
    %swap3A_658 = arith.constant 48 : index
    %swap3A_659 = tpu.vector_load %arg14[%swap3A_657, %swap3A_658] {strides = array<i32>} : memref<128x64xf32, #tpu.memory_space<vmem>>, vector<1x16xf32>,
    %swap3A_660 = vector.shape_cast %swap3A_659 : vector<1x16xf32> to vector<16xf32>
    %swap3A_661 = vector.shape_cast %add3A_655 : vector<16xf32> to vector<1x16xf32>
    tpu.vector_store %arg14[%swap3A_657, %swap3A_658], %swap3A_661 {strides = array<i32>} : memref<128x64xf32, #tpu.memory_space<vmem>>, vector<1x16xf32>,
    "tpu.region"() ({
      %run_scoped3A = tpu.sem_alloc : memref<!tpu.dma_semaphore, #tpu.memory_space<semaphore_mem>>
      %dma_start3A_662 = arith.constant 0 : i32
      %dma_start3A_663 = tpu.memref_slice %arg4[%mul3A_2, %dma_start3A_662] : memref<4096x64xf32, #tpu.memory_space<hbm>> -> memref<128x64xf32, #tpu.memory_space<hbm>>
      %dma_start3A_664 = arith.constant 0 : i32
      %dma_start3A_665 = tpu.memref_slice %arg4[%mul3A_2, %dma_start3A_664] : memref<4096x64xf32, #tpu.memory_space<hbm>> -> memref<128x64xf32, #tpu.memory_space<hbm>>
      tpu.enqueue_dma source(%arg14 : memref<128x64xf32, #tpu.memory_space<vmem>>) target(%dma_start3A_665 : memref<128x64xf32, #tpu.memory_space<hbm>>) target_semaphore(%run_scoped3A : memref<!tpu.dma_semaphore, #tpu.memory_space<semaphore_mem>>)
      %dma_wait3A_666 = arith.constant 0 : i32
      %dma_wait3A_667 = tpu.memref_slice %arg4[%mul3A_2, %dma_wait3A_666] : memref<4096x64xf32, #tpu.memory_space<hbm>> -> memref<128x64xf32, #tpu.memory_space<hbm>>
      %dma_wait3A_668 = arith.constant 0 : i32
      %dma_wait3A_669 = tpu.memref_slice %arg4[%mul3A_2, %dma_wait3A_668] : memref<4096x64xf32, #tpu.memory_space<hbm>> -> memref<128x64xf32, #tpu.memory_space<hbm>>
      tpu.wait_dma2 semaphore(%run_scoped3A : memref<!tpu.dma_semaphore, #tpu.memory_space<semaphore_mem>>) src(%arg14 : memref<128x64xf32, #tpu.memory_space<vmem>>) dst(%dma_wait3A_669 : memref<128x64xf32, #tpu.memory_space<hbm>>)
      tpu.yield
    }) : () -> ()
    return
  }
}

</mosaic_0001>

<sc_bundles>
// kernel: _pool.3.cloned.1.call-start
scs
__scs_entry_jumppad:
0x0: {  	(pc) =	sbr.rel $0x88, $3  }
0x1: {  	(tag) =	ssettag $0x0;
	lr =	simm.s32 $0x1  }
0x2: {  	[smem:$0x3F9F] =	sst lr;
	_ =	strace $0xD0000000  }
0x3: {  	_ = 	snop  }
0x4: {  	_ = 	snop  }
0x5: {  	_ = 	snop  }
0x6: {  	_ = 	snop  }
0x7: {  	_ = 	snop  }
__scs_overlays_trampoline_lowered:
0x8: {  	[smem:$0x3FAE] =	sst s0  }
0x9: {  	[smem:$0x3FAF] =	sst s1  }
0xa: {  	[smem:$0x3FB0] =	sst s2  }
0xb: {  	[smem:$0x3FB1] =	sst s3  }
0xc: {  	[smem:$0x3FB2] =	sst s4  }
0xd: {  	[smem:$0x3FB3] =	sst s5  }
0xe: {  	[smem:$0x3FB4] =	sst s6  }
0xf: {  	[smem:$0x3FB5] =	sst s7  }
0x10: {  	[smem:$0x3FB6] =	sst s8  }
0x11: {  	[smem:$0x3FB7] =	sst s9;
	s0 =	simm.s32 @!p0 $0x0  }
0x12: {  	s1 =	sld [smem:$0x3F9D];
	s0 =	simm.s32 @p0 $0x1  }
0x13: {  	[smem:$0x3FB8] =	sst s0;
	s0 =	simm.s32 @!p1 $0x0  }
0x14: {  	s2 =	sld [smem:$0x3F9C];
	s0 =	simm.s32 @p1 $0x1  }
0x15: {  	[smem:$0x3FB9] =	sst s0;
	s0 =	simm.s32 @!p2 $0x0  }
0x16: {  	s3 =	sld [smem:$0x3FDB];
	s0 =	simm.s32 @p2 $0x1  }
0x17: {  	s4 =	simm.s32 $0x1BF5;
	[smem:$0x3FBB] =	sst s0  }
0x18: {  	s0 =	sld [smem:$0x3F9E];
	_ =	swait.ge [sflag:s4], $0x0  }
0x19: {  	s7 =	sld [smem:$0x3F9F]  }
0x1a: {  	s8 =	sadd.s32 $0xFFFFE003, lr  }
0x1b: {  	s9 =	sadd.s32 $0xFFFFFEF7, lr;
	s5 =	simm.s32 $0xFFFFFFFF;
	p2 =	slt.u32 s8, $0xFFFFF086  }
0x1c: {  	p1 =	slt.u32 s9, $0xF7A;
	s5 =	simm.s32 @!p2 $0x0  }
0x1d: {  	s5 =	simm.s32 @p1 $0x1;
	p0 =	seq.s32 s7, s2  }
0x1e: {  	s7 =	smul.u32 @!p0 $0xF7A, s2;
	p2 =	seq.s32 @!p0 s5, $0x0  }
0x1f: {  	s9 =	smul.u32 $0xF7A, s1;
	s8 =	simm.s32 @!p0 $0x1BF5;
	p2 =	por !p2, p0  }
0x20: {  	[sflag:s8] =	ssyncset.s32 @!p0 $0xFFFFF086;
	s6 =	sadd.s32 @!p0 s3, s7;
	s7 =	simm.s32 @!p0 $0x108  }
0x21: {  	s3 =	sadd.s32 s3, s9;
	s6 =	sadd.s32 @!p0 $0x88, s6;
	s7 =	simm.s32 @p2 $0x1082  }
0x22: {  	[simem:s7], [sflag:s8] =	dma.local @!p0 [hbm:s6], $0xF7A  }
0x23: {  	s9 =	sor.u32 $0xD0000000, s2;
	s6 =	simm.s32 $0x108;
	_ =	swait.ge @!p0 [sflag:s8], $0x0  }
0x24: {  	s3 =	sadd.s32 $0x88, s3;
	s6 =	simm.s32 @!p1 $0x1082;
	[sflag:s4] =	ssyncset.s32 $0xFFFFF086  }
0x25: {  	[simem:s6], [sflag:s4] =	dma.local [hbm:s3], $0xF7A  }
0x26: {  	[smem:$0x3F9F] =	sst s1;
	(tag) =	ssettag s2;
	_ =	strace s9  }
0x27: {  	s1 =	sld [smem:$0x3FAF]  }
0x28: {  	s2 =	sld [smem:$0x3FB0]  }
0x29: {  	s4 =	sld [smem:$0x3FB2]  }
0x2a: {  	p0 =	seq.s32 s5, $0x0;
	s5 =	sld [smem:$0x3FB3]  }
0x2b: {  	s6 =	sld [smem:$0x3FB4]  }
0x2c: {  	s7 =	sld [smem:$0x3FB5]  }
0x2d: {  	s3 =	simm.s32 $0x108;
	s8 =	sld [smem:$0x3FB6]  }
0x2e: {  	s3 =	simm.s32 @!p0 $0x1082;
	s9 =	sld [smem:$0x3FB7]  }
0x2f: {  	lr =	sadd.s32 s0, s3;
	s0 =	sld [smem:$0x3FAE]  }
0x30: {  	s3 =	sld [smem:$0x3FB1]  }
0x31: {  	[smem:$0x3FBA] =	sst s10  }
0x32: {  	s10 =	sld [smem:$0x3FB8];
	_ =	sdelay $0x3  }
0x33: {  	p0 =	seq.s32 s10, $0x1;
	s10 =	sld [smem:$0x3FBA];
	_ =	sdelay $0x3  }
0x34: {  	[smem:$0x3FBA] =	sst s10  }
0x35: {  	s10 =	sld [smem:$0x3FB9];
	_ =	sdelay $0x3  }
0x36: {  	p1 =	seq.s32 s10, $0x1;
	s10 =	sld [smem:$0x3FBA];
	_ =	sdelay $0x3  }
0x37: {  	[smem:$0x3FBA] =	sst s10  }
0x38: {  	s10 =	sld [smem:$0x3FBB]  }
0x39: {  	_ = 	snop;
	(pc) =	sbr.ind lr, $3  }
0x3a: {  	_ = 	snop  }
0x3b: {  	_ = 	snop  }
0x3c: {  	p2 =	seq.s32 s10, $0x1;
	s10 =	sld [smem:$0x3FBA]  }
0x3d: {  	_ =	shalt  }
0x3e: {  	_ =	shalt  }
0x3f: {  	_ =	shalt  }
0x40: {  	_ =	shalt  }
0x41: {  	_ =	shalt  }
0x42: {  	_ =	shalt  }
0x43: {  	_ =	shalt  }
0x44: {  	_ =	shalt  }
0x45: {  	_ =	shalt  }
0x46: {  	_ =	shalt  }
0x47: {  	_ =	shalt  }
0x48: {  	_ =	shalt  }
0x49: {  	_ =	shalt  }
0x4a: {  	_ =	shalt  }
0x4b: {  	_ =	shalt  }
0x4c: {  	_ =	shalt  }
0x4d: {  	_ =	shalt  }
0x4e: {  	_ =	shalt  }
0x4f: {  	_ =	shalt  }
0x50: {  	_ =	shalt  }
0x51: {  	_ =	shalt  }
0x52: {  	_ =	shalt  }
0x53: {  	_ =	shalt  }
0x54: {  	_ =	shalt  }
0x55: {  	_ =	shalt  }
0x56: {  	_ =	shalt  }
0x57: {  	_ =	shalt  }
0x58: {  	_ =	shalt  }
0x59: {  	_ =	shalt  }
0x5a: {  	_ =	shalt  }
0x5b: {  	_ =	shalt  }
0x5c: {  	_ =	shalt  }
0x5d: {  	_ =	shalt  }
0x5e: {  	_ =	shalt  }
0x5f: {  	_ =	shalt  }
0x60: {  	_ =	shalt  }
0x61: {  	_ =	shalt  }
0x62: {  	_ =	shalt  }
0x63: {  	_ =	shalt  }
0x64: {  	_ =	shalt  }
0x65: {  	_ =	shalt  }
0x66: {  	_ =	shalt  }
0x67: {  	_ =	shalt  }
0x68: {  	_ =	shalt  }
0x69: {  	_ =	shalt  }
0x6a: {  	_ =	shalt  }
0x6b: {  	_ =	shalt  }
0x6c: {  	_ =	shalt  }
0x6d: {  	_ =	shalt  }
0x6e: {  	_ =	shalt  }
0x6f: {  	_ =	shalt  }
0x70: {  	_ =	shalt  }
0x71: {  	_ =	shalt  }
0x72: {  	_ =	shalt  }
0x73: {  	_ =	shalt  }
0x74: {  	_ =	shalt  }
0x75: {  	_ =	shalt  }
0x76: {  	_ =	shalt  }
0x77: {  	_ =	shalt  }
0x78: {  	_ =	shalt  }
0x79: {  	_ =	shalt  }
0x7a: {  	_ =	shalt  }
0x7b: {  	_ =	shalt  }
0x7c: {  	_ =	shalt  }
0x7d: {  	_ =	shalt  }
0x7e: {  	_ =	shalt  }
0x7f: {  	_ =	shalt  }
0x80: {  	_ =	shalt  }
0x81: {  	_ =	shalt  }
0x82: {  	_ =	shalt  }
0x83: {  	_ =	shalt  }
0x84: {  	_ =	shalt  }
0x85: {  	_ =	shalt  }
0x86: {  	_ =	shalt  }
0x87: {  	_ =	shalt  }
.Lfunc_end0:
.L_simem_size_0:
called_computation_lowered:
.L_overlay_start_0:
0x88: {  	s2 =	sld [smem:$0x3FD9]  }
0x89: {  	s3 =	sld [smem:$0x3FFE];
	_ =	sdelay $0x1  }
0x8a: {  	s1 =	srdreg.scid  }
0x8b: {  	s0 =	sand.u32 $0x1, s1  }
0x8c: {  	s17 =	sshll.u32 s0, $0xA;
	s2 =	sadd.s32 s3, s2  }
0x8d: {  	s2 =	sadd.s32 s2, s17  }
0x8e: {  	[smem:$0x3FC6] =	sst s2  }
0x8f: {  	_ = 	snop  }
0x90: {  	s2 =	sld [smem:$0x3FC9]  }
0x91: {  	s18 =	sld [smem:$0x3FD0];
	(tm) =	ssettm $0x1  }
0x92: {  	s4 =	sld [smem:$0x3FFB];
	_ =	sdelay $0x3  }
0x93: {  	_ =	strace s4  }
0x94: {  	s4 =	sld [smem:$0x3FFC];
	_ =	sdelay $0x3  }
0x95: {  	_ =	strace s4  }
0x96: {  	s4 =	sld [smem:$0x3FFD];
	_ =	sdelay $0x3  }
0x97: {  	_ =	strace s4  }
0x98: {  	_ =	strace $0x8FFFFFFF  }
0x99: {  	s19 =	sld [smem:$0x3FDB];
	_ =	sdelay $0x1  }
0x9a: {  	s5 =	simm.s32 $_scs_section_size  }
0x9b: {  	s6 =	simm.s32 $_size__tile_overlayer_lowered;
	s7 =	simm.s32 $_tile_overlayer_lowered  }
0x9c: {  	s22 =	simm.s32 $0x1BFF;
	s21 =	sshll.u32 s7, $0x1;
	s4 =	sadd.s32 s5, s19  }
0x9d: {  	s8 =	simm.s32 $0x0;
	s20 =	sshll.u32 s6, $0x1;
	s6 =	sadd.s32 s21, s4  }
0x9e: {  	[timem:s8], [sflag:s22] =	dma.local [hbm:s6], s20  }
0x9f: {  	_ =	swait.ge [sflag:s22], s20  }
0xa0: {  	s5 =	ssub.s32 $0x0, s20;
	[sflag:s22] =	ssyncset.done $0x0  }
0xa1: {  	[sflag:s22] =	ssyncadd.s32 s5;
	_ =	sdelay $0x1  }
0xa2: {  	s23 =	simm.s32 $0x1B8B  }
0xa3: {  	_ =	swait.ge [sflag:s23], $0x1  }
0xa4: {  	[sflag:s23] =	ssyncset.done $0x0  }
0xa5: {  	s25 =	simm.s32 $0x1B8E;
	s24 =	sld [smem:$0x3FFE];
	[sflag:s23] =	ssyncadd.s32 $0xFFFFFFFF  }
0xa6: {  	s26 =	simm.s32 $execute0_lowered;
	[smem:$0x3FD2] =	sst s25  }
0xa7: {  	s6 =	sshll.u32 s26, $0x1;
	_ =	strace $0x80000046;
	[dreg:$0x1] =	wrdreg $0xFFFFFFFF  }
0xa8: {  	s28 =	simm.s32 $_size_execute0_lowered;
	s4 =	sadd.s32 s4, s6;
	[dreg:$0x0] =	wrdreg $0x0  }
0xa9: {  	s6 =	sshll.u32 s28, $0x1;
	[dreg:$0x2] =	wrdreg s4  }
0xaa: {  	[dreg:$0x3] =	wrdreg s6  }
0xab: {  	[dreg:$0x4] =	wrdreg $0xC0  }
0xac: {  	_ =	task [dreg:s8], $0x5FFFF  }
0xad: {  	[dreg:$0x1] =	wrdreg $0xFFFFFFFF  }
0xae: {  	[dreg:$0x0] =	wrdreg $0x60  }
0xaf: {  	[dreg:$0x2] =	wrdreg s2  }
0xb0: {  	[dreg:$0x3] =	wrdreg s24  }
0xb1: {  	[dreg:$0x4] =	wrdreg s18  }
0xb2: {  	[dreg:$0x5] =	wrdreg $0x9  }
0xb3: {  	_ =	task.clear_ibuf [dreg:s8], $0x6FFFF;
	_ =	strace $0x90000046  }
0xb4: {  	s29 =	simm.s32 $0x9;
	_ =	strace $0x80000048  }
0xb5: {  	_ =	swait.ge [sflag:s29], $0x1  }
0xb6: {  	[sflag:s29] =	ssyncadd.s32 $0xFFFFFFFF  }
0xb7: {  	_ =	strace $0x90000048  }
0xb8: {  	_ =	sfence  }
0xb9: {  	s30 =	sld [smem:$0x0];
	_ =	sdelay $0x2  }
0xba: {  	s31 =	sshll.u32 s1, $0xD;
	s1 =	sshrl.u32 s1, $0x2  }
0xbb: {  	s3 =	sand.u32 $0x4000, s31;
	s1 =	sadd.s32 s1, s30  }
0xbc: {  	s0 =	sor.u32 s3, s0;
	s1 =	sshll.u32 s1, $0x11  }
0xbd: {  	s0 =	sor.u32 s1, s0  }
0xbe: {  	s0 =	sadd.s32 $0x8F2B, s0  }
0xbf: {  	[sflag:s0] =	ssyncadd.remote.s32 $0x1  }
0xc0: {  	_ =	sfence.sel $0xFFFF  }
0xc1: {  	[dreg:$0x0] =	wrdreg $0xFFFFFFFF;
	(pc) =	sbr.abs _section_cstart, $3  }
0xc2: {  	[dreg:$0x1] =	wrdreg $0xFFFFFFFF  }
0xc3: {  	_ =	task.clear_ibuf [dreg:s8], $0x2FFFF;
	_ =	strace $0x9FFFFFFF  }
0xc4: {  	(tm) =	ssettm $0x7FFFFFFF  }
0xc5: {  	_ =	shalt  }
tec
execute0_lowered:
.L_overlay_start_1:
0x0: {  	(tag) =	ssettag $0x1  }
0x1: {  	s0 =	rddreg [dreg:$0x0]  }
0x2: {  	s1 =	rddreg [dreg:$0x1]  }
0x3: {  	s5 =	rddreg [dreg:$0x2];
	s3 =	srdreg.scid  }
0x4: {  	s4 =	stileid.u32;
	s2 =	simm.s32 $0x0;
	s9 =	simm.s32 $0x1A00  }
0x5: {  	s10 =	simm.s32 $0x3400;
	s12 =	simm.s32 $0x4E00;
	s14 =	simm.s32 $0x6800  }
0x6: {  	s16 =	simm.s32 $0x8200;
	s18 =	simm.s32 $0x9C00;
	s20 =	simm.s32 $0xB600  }
0x7: {  	s22 =	simm.s32 $0xD000;
	s23 =	simm.s32 $0x1;
	s24 =	simm.s32 $0x2  }
0x8: {  	s25 =	simm.s32 $0x3;
	s28 =	simm.s32 $0x5;
	s29 =	simm.s32 $0x6  }
0x9: {  	s30 =	simm.s32 $0x7;
	s3 =	sand.u32 $0x1, s3;
	s4 =	sshll.u32 s4, $0x1  }
0xa: {  	s31 =	simm.s32 $0x8;
	[smem:$0x7FF] =	sst s2;
	s4 =	sor.u32 s3, s4  }
0xb: {  	_ =	strace $0x80000047;
	s6 =	ssub.s32 $0x2, s3;
	s3 =	sadd.s32 $0xF42800, s1  }
0xc: {  	s7 =	smul.u32 $0x340, s4;
	s26 =	sshrl.u32 s6, $0x1;
	s8 =	sshll.u32 s4, $0xA  }
0xd: {  	s1 =	ssub.s32 s6, s26;
	s5 =	sadd.s32 s5, s8;
	s8 =	simm.s32 $0x68  }
0xe: {  	s26 =	simm.s32 $0x4;
	s4 =	sadd.s32 s0, s7;
	s6 =	smax.u32 s1, $0x1  }
0xf: {  	s7 =	simm.s32 $0x9;
	s0 =	simm.s32 $0xEA00;
	s1 =	simm.s32 $0x0  }
.LBB2_1:
0x10: {  	[tilespmem:s2], [sflag:$0x9] =	stream.linear.gather [hbm4b:s4+s2], $0x1A00, $0x38;
	[tilespmem:$0x10A00] =	vst v63  }
0x11: {  	_ =	swait.ge [sflag:s7], $0x1A00  }
0x12: {  	[sflag:s7] =	ssyncset.done $0x0  }
0x13: {  	[sflag:s7] =	ssyncadd.s32 $0xFFFFE600  }
0x14: {  	[tilespmem:s9], [sflag:$0x1] =	stream.indirect.gather [hbm4b:s3+s8], $0x40, s2, s8, $0xb8;
	[tilespmem:$0x10A00] =	vst v63  }
0x15: {  	_ = 	snop  }
0x16: {  	[tilespmem:s10], [sflag:$0x2] =	stream.indirect.gather [hbm4b:s3+s8], $0x40, s8, s8, $0xb8;
	[tilespmem:$0x10A00] =	vst v63  }
0x17: {  	s11 =	simm.s32 $0xD0  }
0x18: {  	[tilespmem:s12], [sflag:$0x3] =	stream.indirect.gather [hbm4b:s3+s8], $0x40, s11, s8, $0xb8;
	[tilespmem:$0x10A00] =	vst v63  }
0x19: {  	s13 =	simm.s32 $0x138  }
0x1a: {  	[tilespmem:s14], [sflag:$0x4] =	stream.indirect.gather [hbm4b:s3+s8], $0x40, s13, s8, $0xb8;
	[tilespmem:$0x10A00] =	vst v63  }
0x1b: {  	s15 =	simm.s32 $0x1A0  }
0x1c: {  	[tilespmem:s16], [sflag:$0x5] =	stream.indirect.gather [hbm4b:s3+s8], $0x40, s15, s8, $0xb8;
	[tilespmem:$0x10A00] =	vst v63  }
0x1d: {  	s17 =	simm.s32 $0x208  }
0x1e: {  	[tilespmem:s18], [sflag:$0x6] =	stream.indirect.gather [hbm4b:s3+s8], $0x40, s17, s8, $0xb8;
	[tilespmem:$0x10A00] =	vst v63  }
0x1f: {  	s19 =	simm.s32 $0x270  }
0x20: {  	[tilespmem:s20], [sflag:$0x7] =	stream.indirect.gather [hbm4b:s3+s8], $0x40, s19, s8, $0xb8;
	[tilespmem:$0x10A00] =	vst v63  }
0x21: {  	s21 =	simm.s32 $0x2D8;
	s11 =	simm.s32 $0x0  }
0x22: {  	[tilespmem:s22], [sflag:$0x8] =	stream.indirect.gather [hbm4b:s3+s8], $0x40, s21, s8, $0xb8;
	[tilespmem:$0x10A00] =	vst v63  }
.LBB2_2:
0x23: {  	_ =	swait.ge [sflag:s23], $0x1A00  }
0x24: {  	[sflag:s23] =	ssyncset.done $0x0  }
0x25: {  	s17 =	simm.s32 $0x0;
	[sflag:s23] =	ssyncadd.s32 $0xFFFFE600  }
0x26: {  	v0 =	vld [tilespmem:s17+$0x1A70]  }
0x27: {  	v1 =	vld [tilespmem:s17+$0x1A00]  }
0x28: {  	v2 =	vld [tilespmem:s17+$0x1A10]  }
0x29: {  	v5 =	vld [tilespmem:s17+$0x1A20]  }
0x2a: {  	v6 =	vld [tilespmem:s17+$0x1A30]  }
0x2b: {  	v3 =	vimm.f32 $0.0e+00;
	v4 =	vimm.f32 $0.0e+00;
	v7 =	vld [tilespmem:s17+$0x1A40]  }
0x2c: {  	v10 =	vimm.f32 $0.0e+00;
	v8 =	vimm.f32 $0.0e+00;
	v11 =	vld [tilespmem:s17+$0x1A50];
	v0 =	vadd.f32 v0, v3  }
0x2d: {  	s13 =	simm.s32 $0x80;
	s15 =	simm.s32 $0x400;
	v9 =	vimm.f32 $0.0e+00;
	v12 =	vld [tilespmem:s17+$0x1A60];
	v1 =	vadd.f32 v1, v3;
	v2 =	vadd.f32 v2, v3  }
.LBB2_3:
0x2e: {  	p0 =	sne.s32 s15, $0x3000;
	v13 =	vld [tilespmem:s13+$0x1A70];
	v3 =	vadd.f32 v5, v3  }
0x2f: {  	v14 =	vld [tilespmem:s13+$0x1A00];
	v4 =	vadd.f32 v6, v4  }
0x30: {  	v15 =	vld [tilespmem:s13+$0x1A10];
	v10 =	vadd.f32 v7, v10  }
.Ltmp0:
0x31: {  	v5 =	vld [tilespmem:s13+$0x1A20];
	v8 =	vadd.f32 v11, v8;
	(pc) =	sbr.rel @p0 .LBB2_3-.Ltmp0, $4  }
0x32: {  	v6 =	vld [tilespmem:s13+$0x1A30];
	v9 =	vadd.f32 v12, v9  }
0x33: {  	v7 =	vld [tilespmem:s13+$0x1A40];
	v0 =	vadd.f32 v13, v0  }
0x34: {  	v1 =	vadd.f32 v14, v1;
	v11 =	vld [tilespmem:s13+$0x1A50]  }
0x35: {  	v2 =	vadd.f32 v15, v2;
	v12 =	vld [tilespmem:s13+$0x1A60];
	s13 =	sshra.s32 s15, $0x2;
	s15 =	sadd.s32 $0x200, s15  }
0x36: {  	v13 =	vld [tilespmem:s13+$0x1A70]  }
0x37: {  	v14 =	vld [tilespmem:s13+$0x1A00]  }
0x38: {  	v15 =	vld [tilespmem:s13+$0x1A10]  }
0x39: {  	v16 =	vld [tilespmem:s13+$0x1A20]  }
0x3a: {  	v17 =	vld [tilespmem:s13+$0x1A40]  }
0x3b: {  	v3 =	vadd.f32 v5, v3;
	v5 =	vld [tilespmem:s13+$0x1A50]  }
0x3c: {  	v4 =	vadd.f32 v6, v4;
	v6 =	vadd.f32 v7, v10;
	v7 =	vld [tilespmem:s13+$0x1A60]  }
0x3d: {  	v10 =	vld [tilespmem:s13+$0x1A30];
	v8 =	vadd.f32 v11, v8;
	v9 =	vadd.f32 v12, v9  }
0x3e: {  	v0 =	vadd.f32 v13, v0;
	v1 =	vadd.f32 v14, v1  }
0x3f: {  	v2 =	vadd.f32 v15, v2;
	v6 =	vadd.f32 v17, v6  }
0x40: {  	v3 =	vadd.f32 v16, v3;
	v5 =	vadd.f32 v5, v8  }
0x41: {  	s21 =	sshll.u32 s11, $0xC;
	v7 =	vadd.f32 v7, v9;
	v1 =	vadd.f32 v6, v1  }
0x42: {  	s13 =	sshra.s32 s21, $0x2;
	v4 =	vadd.f32 v10, v4;
	v2 =	vadd.f32 v5, v2  }
0x43: {  	[tilespmem:s13+$0xEA00] =	vst v1;
	v1 =	vadd.f32 v7, v3  }
0x44: {  	[tilespmem:s13+$0xEA10] =	vst v2;
	v0 =	vadd.f32 v0, v4  }
0x45: {  	[tilespmem:s13+$0xEA20] =	vst v1  }
0x46: {  	s19 =	simm.s32 $0x0;
	[tilespmem:s13+$0xEA30] =	vst v0  }
0x47: {  	v0 =	vld [tilespmem:s19+$0x2770]  }
0x48: {  	v1 =	vld [tilespmem:s19+$0x2700]  }
0x49: {  	v2 =	vld [tilespmem:s19+$0x2710]  }
0x4a: {  	v5 =	vld [tilespmem:s19+$0x2720]  }
0x4b: {  	v6 =	vld [tilespmem:s19+$0x2730]  }
0x4c: {  	v8 =	vimm.f32 $0.0e+00;
	v3 =	vimm.f32 $0.0e+00;
	v7 =	vld [tilespmem:s19+$0x2740]  }
0x4d: {  	v10 =	vimm.f32 $0.0e+00;
	v9 =	vimm.f32 $0.0e+00;
	v11 =	vld [tilespmem:s19+$0x2750];
	v0 =	vadd.f32 v0, v3  }
0x4e: {  	s15 =	simm.s32 $0x80;
	s17 =	simm.s32 $0x400;
	v4 =	vimm.f32 $0.0e+00;
	v12 =	vld [tilespmem:s19+$0x2760];
	v1 =	vadd.f32 v1, v3;
	v2 =	vadd.f32 v2, v3  }
.LBB2_5:
0x4f: {  	p0 =	sne.s32 s17, $0x3000;
	v13 =	vld [tilespmem:s15+$0x2770];
	v3 =	vadd.f32 v5, v3  }
0x50: {  	v14 =	vld [tilespmem:s15+$0x2700];
	v4 =	vadd.f32 v6, v4  }
0x51: {  	v15 =	vld [tilespmem:s15+$0x2710];
	v10 =	vadd.f32 v7, v10  }
.Ltmp1:
0x52: {  	v5 =	vld [tilespmem:s15+$0x2720];
	v8 =	vadd.f32 v11, v8;
	(pc) =	sbr.rel @p0 .LBB2_5-.Ltmp1, $4  }
0x53: {  	v6 =	vld [tilespmem:s15+$0x2730];
	v9 =	vadd.f32 v12, v9  }
0x54: {  	v7 =	vld [tilespmem:s15+$0x2740];
	v0 =	vadd.f32 v13, v0  }
0x55: {  	v1 =	vadd.f32 v14, v1;
	v11 =	vld [tilespmem:s15+$0x2750]  }
0x56: {  	v2 =	vadd.f32 v15, v2;
	v12 =	vld [tilespmem:s15+$0x2760];
	s15 =	sshra.s32 s17, $0x2;
	s17 =	sadd.s32 $0x200, s17  }
0x57: {  	v13 =	vld [tilespmem:s15+$0x2770]  }
0x58: {  	v14 =	vld [tilespmem:s15+$0x2700]  }
0x59: {  	v15 =	vld [tilespmem:s15+$0x2710]  }
0x5a: {  	v16 =	vld [tilespmem:s15+$0x2720]  }
0x5b: {  	v17 =	vld [tilespmem:s15+$0x2740]  }
0x5c: {  	v3 =	vadd.f32 v5, v3;
	v5 =	vld [tilespmem:s15+$0x2750]  }
0x5d: {  	v4 =	vadd.f32 v6, v4;
	v6 =	vadd.f32 v7, v10;
	v7 =	vld [tilespmem:s15+$0x2760]  }
0x5e: {  	v10 =	vld [tilespmem:s15+$0x2730];
	v8 =	vadd.f32 v11, v8;
	v9 =	vadd.f32 v12, v9  }
0x5f: {  	v0 =	vadd.f32 v13, v0;
	v1 =	vadd.f32 v14, v1  }
0x60: {  	v2 =	vadd.f32 v15, v2;
	v6 =	vadd.f32 v17, v6  }
0x61: {  	v3 =	vadd.f32 v16, v3;
	v5 =	vadd.f32 v5, v8  }
0x62: {  	v7 =	vadd.f32 v7, v9;
	v1 =	vadd.f32 v6, v1  }
0x63: {  	v4 =	vadd.f32 v10, v4;
	v2 =	vadd.f32 v5, v2  }
0x64: {  	s21 =	smul.u32 $0xD00, s11;
	[tilespmem:s13+$0xEA40] =	vst v1;
	v1 =	vadd.f32 v7, v3  }
0x65: {  	[tilespmem:s13+$0xEA50] =	vst v2;
	v0 =	vadd.f32 v0, v4  }
0x66: {  	s15 =	sshra.s32 s21, $0x2;
	[tilespmem:s13+$0xEA60] =	vst v1  }
0x67: {  	s17 =	sadd.s32 $0x340, s15;
	[tilespmem:s13+$0xEA70] =	vst v0  }
0x68: {  	[tilespmem:s9], [sflag:$0x1] =	stream.indirect.gather [hbm4b:s3+s8], $0x40, s17, s8, $0xb8;
	[tilespmem:$0x10A00] =	vst v63  }
0x69: {  	_ =	swait.ge [sflag:s24], $0x1A00  }
0x6a: {  	[sflag:s24] =	ssyncset.done $0x0  }
0x6b: {  	s21 =	simm.s32 $0x0;
	[sflag:s24] =	ssyncadd.s32 $0xFFFFE600  }
0x6c: {  	v0 =	vld [tilespmem:s21+$0x3470]  }
0x6d: {  	v1 =	vld [tilespmem:s21+$0x3400]  }
0x6e: {  	v2 =	vld [tilespmem:s21+$0x3410]  }
0x6f: {  	v5 =	vld [tilespmem:s21+$0x3420]  }
0x70: {  	v6 =	vld [tilespmem:s21+$0x3430]  }
0x71: {  	v8 =	vimm.f32 $0.0e+00;
	v3 =	vimm.f32 $0.0e+00;
	v7 =	vld [tilespmem:s21+$0x3440]  }
0x72: {  	v10 =	vimm.f32 $0.0e+00;
	v9 =	vimm.f32 $0.0e+00;
	v11 =	vld [tilespmem:s21+$0x3450];
	v0 =	vadd.f32 v0, v3  }
0x73: {  	s19 =	simm.s32 $0x400;
	v4 =	vimm.f32 $0.0e+00;
	s17 =	simm.s32 $0x80;
	v12 =	vld [tilespmem:s21+$0x3460];
	v1 =	vadd.f32 v1, v3;
	v2 =	vadd.f32 v2, v3  }
.LBB2_7:
0x74: {  	p0 =	sne.s32 s19, $0x3000;
	v13 =	vld [tilespmem:s17+$0x3470];
	v3 =	vadd.f32 v5, v3  }
0x75: {  	v14 =	vld [tilespmem:s17+$0x3400];
	v4 =	vadd.f32 v6, v4  }
0x76: {  	v15 =	vld [tilespmem:s17+$0x3410];
	v10 =	vadd.f32 v7, v10  }
.Ltmp2:
0x77: {  	v5 =	vld [tilespmem:s17+$0x3420];
	v8 =	vadd.f32 v11, v8;
	(pc) =	sbr.rel @p0 .LBB2_7-.Ltmp2, $4  }
0x78: {  	v6 =	vld [tilespmem:s17+$0x3430];
	v9 =	vadd.f32 v12, v9  }
0x79: {  	v7 =	vld [tilespmem:s17+$0x3440];
	v0 =	vadd.f32 v13, v0  }
0x7a: {  	v1 =	vadd.f32 v14, v1;
	v11 =	vld [tilespmem:s17+$0x3450]  }
0x7b: {  	v2 =	vadd.f32 v15, v2;
	v12 =	vld [tilespmem:s17+$0x3460];
	s17 =	sshra.s32 s19, $0x2;
	s19 =	sadd.s32 $0x200, s19  }
0x7c: {  	v13 =	vld [tilespmem:s17+$0x3470]  }
0x7d: {  	v14 =	vld [tilespmem:s17+$0x3400]  }
0x7e: {  	v15 =	vld [tilespmem:s17+$0x3410]  }
0x7f: {  	v16 =	vld [tilespmem:s17+$0x3420]  }
0x80: {  	v17 =	vld [tilespmem:s17+$0x3440]  }
0x81: {  	v3 =	vadd.f32 v5, v3;
	v5 =	vld [tilespmem:s17+$0x3450]  }
0x82: {  	v4 =	vadd.f32 v6, v4;
	v6 =	vadd.f32 v7, v10;
	v7 =	vld [tilespmem:s17+$0x3460]  }
0x83: {  	v10 =	vld [tilespmem:s17+$0x3430];
	v8 =	vadd.f32 v11, v8;
	v9 =	vadd.f32 v12, v9  }
0x84: {  	v0 =	vadd.f32 v13, v0;
	v1 =	vadd.f32 v14, v1  }
0x85: {  	v2 =	vadd.f32 v15, v2;
	v6 =	vadd.f32 v17, v6  }
0x86: {  	v3 =	vadd.f32 v16, v3;
	v5 =	vadd.f32 v5, v8  }
0x87: {  	v7 =	vadd.f32 v7, v9;
	v1 =	vadd.f32 v6, v1  }
0x88: {  	v4 =	vadd.f32 v10, v4;
	v2 =	vadd.f32 v5, v2  }
0x89: {  	[tilespmem:s13+$0xEA80] =	vst v1;
	v1 =	vadd.f32 v7, v3  }
0x8a: {  	[tilespmem:s13+$0xEA90] =	vst v2;
	v0 =	vadd.f32 v0, v4  }
0x8b: {  	[tilespmem:s13+$0xEAA0] =	vst v1  }
0x8c: {  	s21 =	simm.s32 $0x0;
	[tilespmem:s13+$0xEAB0] =	vst v0  }
0x8d: {  	v0 =	vld [tilespmem:s21+$0x4170]  }
0x8e: {  	v1 =	vld [tilespmem:s21+$0x4100]  }
0x8f: {  	v2 =	vld [tilespmem:s21+$0x4110]  }
0x90: {  	v5 =	vld [tilespmem:s21+$0x4120]  }
0x91: {  	v6 =	vld [tilespmem:s21+$0x4130]  }
0x92: {  	v8 =	vimm.f32 $0.0e+00;
	v3 =	vimm.f32 $0.0e+00;
	v7 =	vld [tilespmem:s21+$0x4140]  }
0x93: {  	v10 =	vimm.f32 $0.0e+00;
	v9 =	vimm.f32 $0.0e+00;
	v11 =	vld [tilespmem:s21+$0x4150];
	v0 =	vadd.f32 v0, v3  }
0x94: {  	s19 =	simm.s32 $0x400;
	s17 =	simm.s32 $0x80;
	v4 =	vimm.f32 $0.0e+00;
	v12 =	vld [tilespmem:s21+$0x4160];
	v1 =	vadd.f32 v1, v3;
	v2 =	vadd.f32 v2, v3  }
.LBB2_9:
0x95: {  	p0 =	sne.s32 s19, $0x3000;
	v13 =	vld [tilespmem:s17+$0x4170];
	v3 =	vadd.f32 v5, v3  }
0x96: {  	v14 =	vld [tilespmem:s17+$0x4100];
	v4 =	vadd.f32 v6, v4  }
0x97: {  	v15 =	vld [tilespmem:s17+$0x4110];
	v10 =	vadd.f32 v7, v10  }
.Ltmp3:
0x98: {  	v5 =	vld [tilespmem:s17+$0x4120];
	v8 =	vadd.f32 v11, v8;
	(pc) =	sbr.rel @p0 .LBB2_9-.Ltmp3, $4  }
0x99: {  	v6 =	vld [tilespmem:s17+$0x4130];
	v9 =	vadd.f32 v12, v9  }
0x9a: {  	v7 =	vld [tilespmem:s17+$0x4140];
	v0 =	vadd.f32 v13, v0  }
0x9b: {  	v1 =	vadd.f32 v14, v1;
	v11 =	vld [tilespmem:s17+$0x4150]  }
0x9c: {  	v2 =	vadd.f32 v15, v2;
	v12 =	vld [tilespmem:s17+$0x4160];
	s17 =	sshra.s32 s19, $0x2;
	s19 =	sadd.s32 $0x200, s19  }
0x9d: {  	v13 =	vld [tilespmem:s17+$0x4170]  }
0x9e: {  	v14 =	vld [tilespmem:s17+$0x4100]  }
0x9f: {  	v15 =	vld [tilespmem:s17+$0x4110]  }
0xa0: {  	v16 =	vld [tilespmem:s17+$0x4120]  }
0xa1: {  	v17 =	vld [tilespmem:s17+$0x4140]  }
0xa2: {  	v3 =	vadd.f32 v5, v3;
	v5 =	vld [tilespmem:s17+$0x4150]  }
0xa3: {  	v4 =	vadd.f32 v6, v4;
	v6 =	vadd.f32 v7, v10;
	v7 =	vld [tilespmem:s17+$0x4160]  }
0xa4: {  	v10 =	vld [tilespmem:s17+$0x4130];
	v8 =	vadd.f32 v11, v8;
	v9 =	vadd.f32 v12, v9  }
0xa5: {  	v0 =	vadd.f32 v13, v0;
	v1 =	vadd.f32 v14, v1  }
0xa6: {  	v2 =	vadd.f32 v15, v2;
	v6 =	vadd.f32 v17, v6  }
0xa7: {  	v3 =	vadd.f32 v16, v3;
	v5 =	vadd.f32 v5, v8  }
0xa8: {  	v7 =	vadd.f32 v7, v9;
	v1 =	vadd.f32 v6, v1  }
0xa9: {  	v4 =	vadd.f32 v10, v4;
	v2 =	vadd.f32 v5, v2  }
0xaa: {  	[tilespmem:s13+$0xEAC0] =	vst v1;
	v1 =	vadd.f32 v7, v3  }
0xab: {  	[tilespmem:s13+$0xEAD0] =	vst v2;
	v0 =	vadd.f32 v0, v4  }
0xac: {  	[tilespmem:s13+$0xEAE0] =	vst v1  }
0xad: {  	s21 =	sadd.s32 $0x3A8, s15;
	[tilespmem:s13+$0xEAF0] =	vst v0  }
0xae: {  	[tilespmem:s10], [sflag:$0x2] =	stream.indirect.gather [hbm4b:s3+s8], $0x40, s21, s8, $0xb8;
	[tilespmem:$0x10A00] =	vst v63  }
0xaf: {  	_ =	swait.ge [sflag:s25], $0x1A00  }
0xb0: {  	[sflag:s25] =	ssyncset.done $0x0  }
0xb1: {  	s21 =	simm.s32 $0x0;
	[sflag:s25] =	ssyncadd.s32 $0xFFFFE600  }
0xb2: {  	v0 =	vld [tilespmem:s21+$0x4E70]  }
0xb3: {  	v1 =	vld [tilespmem:s21+$0x4E00]  }
0xb4: {  	v2 =	vld [tilespmem:s21+$0x4E10]  }
0xb5: {  	v5 =	vld [tilespmem:s21+$0x4E20]  }
0xb6: {  	v6 =	vld [tilespmem:s21+$0x4E30]  }
0xb7: {  	v8 =	vimm.f32 $0.0e+00;
	v3 =	vimm.f32 $0.0e+00;
	v7 =	vld [tilespmem:s21+$0x4E40]  }
0xb8: {  	v10 =	vimm.f32 $0.0e+00;
	v9 =	vimm.f32 $0.0e+00;
	v11 =	vld [tilespmem:s21+$0x4E50];
	v0 =	vadd.f32 v0, v3  }
0xb9: {  	s19 =	simm.s32 $0x400;
	s17 =	simm.s32 $0x80;
	v4 =	vimm.f32 $0.0e+00;
	v12 =	vld [tilespmem:s21+$0x4E60];
	v1 =	vadd.f32 v1, v3;
	v2 =	vadd.f32 v2, v3  }
.LBB2_11:
0xba: {  	p0 =	sne.s32 s19, $0x3000;
	v13 =	vld [tilespmem:s17+$0x4E70];
	v3 =	vadd.f32 v5, v3  }
0xbb: {  	v14 =	vld [tilespmem:s17+$0x4E00];
	v4 =	vadd.f32 v6, v4  }
0xbc: {  	v15 =	vld [tilespmem:s17+$0x4E10];
	v10 =	vadd.f32 v7, v10  }
.Ltmp4:
0xbd: {  	v5 =	vld [tilespmem:s17+$0x4E20];
	v8 =	vadd.f32 v11, v8;
	(pc) =	sbr.rel @p0 .LBB2_11-.Ltmp4, $4  }
0xbe: {  	v6 =	vld [tilespmem:s17+$0x4E30];
	v9 =	vadd.f32 v12, v9  }
0xbf: {  	v7 =	vld [tilespmem:s17+$0x4E40];
	v0 =	vadd.f32 v13, v0  }
0xc0: {  	v1 =	vadd.f32 v14, v1;
	v11 =	vld [tilespmem:s17+$0x4E50]  }
0xc1: {  	v2 =	vadd.f32 v15, v2;
	v12 =	vld [tilespmem:s17+$0x4E60];
	s17 =	sshra.s32 s19, $0x2;
	s19 =	sadd.s32 $0x200, s19  }
0xc2: {  	v13 =	vld [tilespmem:s17+$0x4E70]  }
0xc3: {  	v14 =	vld [tilespmem:s17+$0x4E00]  }
0xc4: {  	v15 =	vld [tilespmem:s17+$0x4E10]  }
0xc5: {  	v16 =	vld [tilespmem:s17+$0x4E20]  }
0xc6: {  	v17 =	vld [tilespmem:s17+$0x4E40]  }
0xc7: {  	v3 =	vadd.f32 v5, v3;
	v5 =	vld [tilespmem:s17+$0x4E50]  }
0xc8: {  	v4 =	vadd.f32 v6, v4;
	v6 =	vadd.f32 v7, v10;
	v7 =	vld [tilespmem:s17+$0x4E60]  }
0xc9: {  	v10 =	vld [tilespmem:s17+$0x4E30];
	v8 =	vadd.f32 v11, v8;
	v9 =	vadd.f32 v12, v9  }
0xca: {  	v0 =	vadd.f32 v13, v0;
	v1 =	vadd.f32 v14, v1  }
0xcb: {  	v2 =	vadd.f32 v15, v2;
	v6 =	vadd.f32 v17, v6  }
0xcc: {  	v3 =	vadd.f32 v16, v3;
	v5 =	vadd.f32 v5, v8  }
0xcd: {  	v7 =	vadd.f32 v7, v9;
	v1 =	vadd.f32 v6, v1  }
0xce: {  	v4 =	vadd.f32 v10, v4;
	v2 =	vadd.f32 v5, v2  }
0xcf: {  	[tilespmem:s13+$0xEB00] =	vst v1;
	v1 =	vadd.f32 v7, v3  }
0xd0: {  	[tilespmem:s13+$0xEB10] =	vst v2;
	v0 =	vadd.f32 v0, v4  }
0xd1: {  	[tilespmem:s13+$0xEB20] =	vst v1  }
0xd2: {  	s21 =	simm.s32 $0x0;
	[tilespmem:s13+$0xEB30] =	vst v0  }
0xd3: {  	v0 =	vld [tilespmem:s21+$0x5B70]  }
0xd4: {  	v1 =	vld [tilespmem:s21+$0x5B00]  }
0xd5: {  	v2 =	vld [tilespmem:s21+$0x5B10]  }
0xd6: {  	v5 =	vld [tilespmem:s21+$0x5B20]  }
0xd7: {  	v6 =	vld [tilespmem:s21+$0x5B30]  }
0xd8: {  	v8 =	vimm.f32 $0.0e+00;
	v3 =	vimm.f32 $0.0e+00;
	v7 =	vld [tilespmem:s21+$0x5B40]  }
0xd9: {  	v10 =	vimm.f32 $0.0e+00;
	v9 =	vimm.f32 $0.0e+00;
	v11 =	vld [tilespmem:s21+$0x5B50];
	v0 =	vadd.f32 v0, v3  }
0xda: {  	s19 =	simm.s32 $0x400;
	s17 =	simm.s32 $0x80;
	v4 =	vimm.f32 $0.0e+00;
	v12 =	vld [tilespmem:s21+$0x5B60];
	v1 =	vadd.f32 v1, v3;
	v2 =	vadd.f32 v2, v3  }
.LBB2_13:
0xdb: {  	p0 =	sne.s32 s19, $0x3000;
	v13 =	vld [tilespmem:s17+$0x5B70];
	v3 =	vadd.f32 v5, v3  }
0xdc: {  	v14 =	vld [tilespmem:s17+$0x5B00];
	v4 =	vadd.f32 v6, v4  }
0xdd: {  	v15 =	vld [tilespmem:s17+$0x5B10];
	v10 =	vadd.f32 v7, v10  }
.Ltmp5:
0xde: {  	v5 =	vld [tilespmem:s17+$0x5B20];
	v8 =	vadd.f32 v11, v8;
	(pc) =	sbr.rel @p0 .LBB2_13-.Ltmp5, $4  }
0xdf: {  	v6 =	vld [tilespmem:s17+$0x5B30];
	v9 =	vadd.f32 v12, v9  }
0xe0: {  	v7 =	vld [tilespmem:s17+$0x5B40];
	v0 =	vadd.f32 v13, v0  }
0xe1: {  	v1 =	vadd.f32 v14, v1;
	v11 =	vld [tilespmem:s17+$0x5B50]  }
0xe2: {  	v2 =	vadd.f32 v15, v2;
	v12 =	vld [tilespmem:s17+$0x5B60];
	s17 =	sshra.s32 s19, $0x2;
	s19 =	sadd.s32 $0x200, s19  }
0xe3: {  	v13 =	vld [tilespmem:s17+$0x5B70]  }
0xe4: {  	v14 =	vld [tilespmem:s17+$0x5B00]  }
0xe5: {  	v15 =	vld [tilespmem:s17+$0x5B10]  }
0xe6: {  	v16 =	vld [tilespmem:s17+$0x5B20]  }
0xe7: {  	v17 =	vld [tilespmem:s17+$0x5B40]  }
0xe8: {  	v3 =	vadd.f32 v5, v3;
	v5 =	vld [tilespmem:s17+$0x5B50]  }
0xe9: {  	v4 =	vadd.f32 v6, v4;
	v6 =	vadd.f32 v7, v10;
	v7 =	vld [tilespmem:s17+$0x5B60]  }
0xea: {  	v10 =	vld [tilespmem:s17+$0x5B30];
	v8 =	vadd.f32 v11, v8;
	v9 =	vadd.f32 v12, v9  }
0xeb: {  	v0 =	vadd.f32 v13, v0;
	v1 =	vadd.f32 v14, v1  }
0xec: {  	v2 =	vadd.f32 v15, v2;
	v6 =	vadd.f32 v17, v6  }
0xed: {  	v3 =	vadd.f32 v16, v3;
	v5 =	vadd.f32 v5, v8  }
0xee: {  	v7 =	vadd.f32 v7, v9;
	v1 =	vadd.f32 v6, v1  }
0xef: {  	v4 =	vadd.f32 v10, v4;
	v2 =	vadd.f32 v5, v2  }
0xf0: {  	[tilespmem:s13+$0xEB40] =	vst v1;
	v1 =	vadd.f32 v7, v3  }
0xf1: {  	[tilespmem:s13+$0xEB50] =	vst v2;
	v0 =	vadd.f32 v0, v4  }
0xf2: {  	[tilespmem:s13+$0xEB60] =	vst v1  }
0xf3: {  	s21 =	sadd.s32 $0x410, s15;
	[tilespmem:s13+$0xEB70] =	vst v0  }
0xf4: {  	[tilespmem:s12], [sflag:$0x3] =	stream.indirect.gather [hbm4b:s3+s8], $0x40, s21, s8, $0xb8;
	[tilespmem:$0x10A00] =	vst v63  }
0xf5: {  	_ =	swait.ge [sflag:s26], $0x1A00  }
0xf6: {  	[sflag:s26] =	ssyncset.done $0x0  }
0xf7: {  	s21 =	simm.s32 $0x0;
	[sflag:s26] =	ssyncadd.s32 $0xFFFFE600  }
0xf8: {  	v0 =	vld [tilespmem:s21+$0x6870]  }
0xf9: {  	v1 =	vld [tilespmem:s21+$0x6800]  }
0xfa: {  	v2 =	vld [tilespmem:s21+$0x6810]  }
0xfb: {  	v5 =	vld [tilespmem:s21+$0x6820]  }
0xfc: {  	v6 =	vld [tilespmem:s21+$0x6830]  }
0xfd: {  	v8 =	vimm.f32 $0.0e+00;
	v3 =	vimm.f32 $0.0e+00;
	v7 =	vld [tilespmem:s21+$0x6840]  }
0xfe: {  	v10 =	vimm.f32 $0.0e+00;
	v9 =	vimm.f32 $0.0e+00;
	v11 =	vld [tilespmem:s21+$0x6850];
	v0 =	vadd.f32 v0, v3  }
0xff: {  	s19 =	simm.s32 $0x400;
	s17 =	simm.s32 $0x80;
	v4 =	vimm.f32 $0.0e+00;
	v12 =	vld [tilespmem:s21+$0x6860];
	v1 =	vadd.f32 v1, v3;
	v2 =	vadd.f32 v2, v3  }
.LBB2_15:
0x100: {  	p0 =	sne.s32 s19, $0x3000;
	v13 =	vld [tilespmem:s17+$0x6870];
	v3 =	vadd.f32 v5, v3  }
0x101: {  	v14 =	vld [tilespmem:s17+$0x6800];
	v4 =	vadd.f32 v6, v4  }
0x102: {  	v15 =	vld [tilespmem:s17+$0x6810];
	v10 =	vadd.f32 v7, v10  }
.Ltmp6:
0x103: {  	v5 =	vld [tilespmem:s17+$0x6820];
	v8 =	vadd.f32 v11, v8;
	(pc) =	sbr.rel @p0 .LBB2_15-.Ltmp6, $4  }
0x104: {  	v6 =	vld [tilespmem:s17+$0x6830];
	v9 =	vadd.f32 v12, v9  }
0x105: {  	v7 =	vld [tilespmem:s17+$0x6840];
	v0 =	vadd.f32 v13, v0  }
0x106: {  	v1 =	vadd.f32 v14, v1;
	v11 =	vld [tilespmem:s17+$0x6850]  }
0x107: {  	v2 =	vadd.f32 v15, v2;
	v12 =	vld [tilespmem:s17+$0x6860];
	s17 =	sshra.s32 s19, $0x2;
	s19 =	sadd.s32 $0x200, s19  }
0x108: {  	v13 =	vld [tilespmem:s17+$0x6870]  }
0x109: {  	v14 =	vld [tilespmem:s17+$0x6800]  }
0x10a: {  	v15 =	vld [tilespmem:s17+$0x6810]  }
0x10b: {  	v16 =	vld [tilespmem:s17+$0x6820]  }
0x10c: {  	v17 =	vld [tilespmem:s17+$0x6840]  }
0x10d: {  	v3 =	vadd.f32 v5, v3;
	v5 =	vld [tilespmem:s17+$0x6850]  }
0x10e: {  	v4 =	vadd.f32 v6, v4;
	v6 =	vadd.f32 v7, v10;
	v7 =	vld [tilespmem:s17+$0x6860]  }
0x10f: {  	v10 =	vld [tilespmem:s17+$0x6830];
	v8 =	vadd.f32 v11, v8;
	v9 =	vadd.f32 v12, v9  }
0x110: {  	v0 =	vadd.f32 v13, v0;
	v1 =	vadd.f32 v14, v1  }
0x111: {  	v2 =	vadd.f32 v15, v2;
	v6 =	vadd.f32 v17, v6  }
0x112: {  	v3 =	vadd.f32 v16, v3;
	v5 =	vadd.f32 v5, v8  }
0x113: {  	v7 =	vadd.f32 v7, v9;
	v1 =	vadd.f32 v6, v1  }
0x114: {  	v4 =	vadd.f32 v10, v4;
	v2 =	vadd.f32 v5, v2  }
0x115: {  	[tilespmem:s13+$0xEB80] =	vst v1;
	v1 =	vadd.f32 v7, v3  }
0x116: {  	[tilespmem:s13+$0xEB90] =	vst v2;
	v0 =	vadd.f32 v0, v4  }
0x117: {  	[tilespmem:s13+$0xEBA0] =	vst v1  }
0x118: {  	s21 =	simm.s32 $0x0;
	[tilespmem:s13+$0xEBB0] =	vst v0  }
0x119: {  	v0 =	vld [tilespmem:s21+$0x7570]  }
0x11a: {  	v1 =	vld [tilespmem:s21+$0x7500]  }
0x11b: {  	v2 =	vld [tilespmem:s21+$0x7510]  }
0x11c: {  	v5 =	vld [tilespmem:s21+$0x7520]  }
0x11d: {  	v6 =	vld [tilespmem:s21+$0x7530]  }
0x11e: {  	v8 =	vimm.f32 $0.0e+00;
	v3 =	vimm.f32 $0.0e+00;
	v7 =	vld [tilespmem:s21+$0x7540]  }
0x11f: {  	v10 =	vimm.f32 $0.0e+00;
	v9 =	vimm.f32 $0.0e+00;
	v11 =	vld [tilespmem:s21+$0x7550];
	v0 =	vadd.f32 v0, v3  }
0x120: {  	s19 =	simm.s32 $0x400;
	s17 =	simm.s32 $0x80;
	v4 =	vimm.f32 $0.0e+00;
	v12 =	vld [tilespmem:s21+$0x7560];
	v1 =	vadd.f32 v1, v3;
	v2 =	vadd.f32 v2, v3  }
.LBB2_17:
0x121: {  	p0 =	sne.s32 s19, $0x3000;
	v13 =	vld [tilespmem:s17+$0x7570];
	v3 =	vadd.f32 v5, v3  }
0x122: {  	v14 =	vld [tilespmem:s17+$0x7500];
	v4 =	vadd.f32 v6, v4  }
0x123: {  	v15 =	vld [tilespmem:s17+$0x7510];
	v10 =	vadd.f32 v7, v10  }
.Ltmp7:
0x124: {  	v5 =	vld [tilespmem:s17+$0x7520];
	v8 =	vadd.f32 v11, v8;
	(pc) =	sbr.rel @p0 .LBB2_17-.Ltmp7, $4  }
0x125: {  	v6 =	vld [tilespmem:s17+$0x7530];
	v9 =	vadd.f32 v12, v9  }
0x126: {  	v7 =	vld [tilespmem:s17+$0x7540];
	v0 =	vadd.f32 v13, v0  }
0x127: {  	v1 =	vadd.f32 v14, v1;
	v11 =	vld [tilespmem:s17+$0x7550]  }
0x128: {  	v2 =	vadd.f32 v15, v2;
	v12 =	vld [tilespmem:s17+$0x7560];
	s17 =	sshra.s32 s19, $0x2;
	s19 =	sadd.s32 $0x200, s19  }
0x129: {  	v13 =	vld [tilespmem:s17+$0x7570]  }
0x12a: {  	v14 =	vld [tilespmem:s17+$0x7500]  }
0x12b: {  	v15 =	vld [tilespmem:s17+$0x7510]  }
0x12c: {  	v16 =	vld [tilespmem:s17+$0x7520]  }
0x12d: {  	v17 =	vld [tilespmem:s17+$0x7540]  }
0x12e: {  	v3 =	vadd.f32 v5, v3;
	v5 =	vld [tilespmem:s17+$0x7550]  }
0x12f: {  	v4 =	vadd.f32 v6, v4;
	v6 =	vadd.f32 v7, v10;
	v7 =	vld [tilespmem:s17+$0x7560]  }
0x130: {  	v10 =	vld [tilespmem:s17+$0x7530];
	v8 =	vadd.f32 v11, v8;
	v9 =	vadd.f32 v12, v9  }
0x131: {  	v0 =	vadd.f32 v13, v0;
	v1 =	vadd.f32 v14, v1  }
0x132: {  	v2 =	vadd.f32 v15, v2;
	v6 =	vadd.f32 v17, v6  }
0x133: {  	v3 =	vadd.f32 v16, v3;
	v5 =	vadd.f32 v5, v8  }
0x134: {  	v7 =	vadd.f32 v7, v9;
	v1 =	vadd.f32 v6, v1  }
0x135: {  	v4 =	vadd.f32 v10, v4;
	v2 =	vadd.f32 v5, v2  }
0x136: {  	[tilespmem:s13+$0xEBC0] =	vst v1;
	v1 =	vadd.f32 v7, v3  }
0x137: {  	[tilespmem:s13+$0xEBD0] =	vst v2;
	v0 =	vadd.f32 v0, v4  }
0x138: {  	[tilespmem:s13+$0xEBE0] =	vst v1  }
0x139: {  	s21 =	sadd.s32 $0x478, s15;
	[tilespmem:s13+$0xEBF0] =	vst v0  }
0x13a: {  	[tilespmem:s14], [sflag:$0x4] =	stream.indirect.gather [hbm4b:s3+s8], $0x40, s21, s8, $0xb8;
	[tilespmem:$0x10A00] =	vst v63  }
0x13b: {  	_ =	swait.ge [sflag:s28], $0x1A00  }
0x13c: {  	[sflag:s28] =	ssyncset.done $0x0  }
0x13d: {  	s21 =	simm.s32 $0x0;
	[sflag:s28] =	ssyncadd.s32 $0xFFFFE600  }
0x13e: {  	v0 =	vld [tilespmem:s21+$0x8270]  }
0x13f: {  	v1 =	vld [tilespmem:s21+$0x8200]  }
0x140: {  	v2 =	vld [tilespmem:s21+$0x8210]  }
0x141: {  	v5 =	vld [tilespmem:s21+$0x8220]  }
0x142: {  	v6 =	vld [tilespmem:s21+$0x8230]  }
0x143: {  	v8 =	vimm.f32 $0.0e+00;
	v3 =	vimm.f32 $0.0e+00;
	v7 =	vld [tilespmem:s21+$0x8240]  }
0x144: {  	v10 =	vimm.f32 $0.0e+00;
	v9 =	vimm.f32 $0.0e+00;
	v11 =	vld [tilespmem:s21+$0x8250];
	v0 =	vadd.f32 v0, v3  }
0x145: {  	s19 =	simm.s32 $0x400;
	s17 =	simm.s32 $0x80;
	v4 =	vimm.f32 $0.0e+00;
	v12 =	vld [tilespmem:s21+$0x8260];
	v1 =	vadd.f32 v1, v3;
	v2 =	vadd.f32 v2, v3  }
.LBB2_19:
0x146: {  	p0 =	sne.s32 s19, $0x3000;
	v13 =	vld [tilespmem:s17+$0x8270];
	v3 =	vadd.f32 v5, v3  }
0x147: {  	v14 =	vld [tilespmem:s17+$0x8200];
	v4 =	vadd.f32 v6, v4  }
0x148: {  	v15 =	vld [tilespmem:s17+$0x8210];
	v10 =	vadd.f32 v7, v10  }
.Ltmp8:
0x149: {  	v5 =	vld [tilespmem:s17+$0x8220];
	v8 =	vadd.f32 v11, v8;
	(pc) =	sbr.rel @p0 .LBB2_19-.Ltmp8, $4  }
0x14a: {  	v6 =	vld [tilespmem:s17+$0x8230];
	v9 =	vadd.f32 v12, v9  }
0x14b: {  	v7 =	vld [tilespmem:s17+$0x8240];
	v0 =	vadd.f32 v13, v0  }
0x14c: {  	v1 =	vadd.f32 v14, v1;
	v11 =	vld [tilespmem:s17+$0x8250]  }
0x14d: {  	v2 =	vadd.f32 v15, v2;
	v12 =	vld [tilespmem:s17+$0x8260];
	s17 =	sshra.s32 s19, $0x2;
	s19 =	sadd.s32 $0x200, s19  }
0x14e: {  	v13 =	vld [tilespmem:s17+$0x8270]  }
0x14f: {  	v14 =	vld [tilespmem:s17+$0x8200]  }
0x150: {  	v15 =	vld [tilespmem:s17+$0x8210]  }
0x151: {  	v16 =	vld [tilespmem:s17+$0x8220]  }
0x152: {  	v17 =	vld [tilespmem:s17+$0x8240]  }
0x153: {  	v3 =	vadd.f32 v5, v3;
	v5 =	vld [tilespmem:s17+$0x8250]  }
0x154: {  	v4 =	vadd.f32 v6, v4;
	v6 =	vadd.f32 v7, v10;
	v7 =	vld [tilespmem:s17+$0x8260]  }
0x155: {  	v10 =	vld [tilespmem:s17+$0x8230];
	v8 =	vadd.f32 v11, v8;
	v9 =	vadd.f32 v12, v9  }
0x156: {  	v0 =	vadd.f32 v13, v0;
	v1 =	vadd.f32 v14, v1  }
0x157: {  	v2 =	vadd.f32 v15, v2;
	v6 =	vadd.f32 v17, v6  }
0x158: {  	v3 =	vadd.f32 v16, v3;
	v5 =	vadd.f32 v5, v8  }
0x159: {  	v7 =	vadd.f32 v7, v9;
	v1 =	vadd.f32 v6, v1  }
0x15a: {  	v4 =	vadd.f32 v10, v4;
	v2 =	vadd.f32 v5, v2  }
0x15b: {  	[tilespmem:s13+$0xEC00] =	vst v1;
	v1 =	vadd.f32 v7, v3  }
0x15c: {  	[tilespmem:s13+$0xEC10] =	vst v2;
	v0 =	vadd.f32 v0, v4  }
0x15d: {  	[tilespmem:s13+$0xEC20] =	vst v1  }
0x15e: {  	s21 =	simm.s32 $0x0;
	[tilespmem:s13+$0xEC30] =	vst v0  }
0x15f: {  	v0 =	vld [tilespmem:s21+$0x8F70]  }
0x160: {  	v1 =	vld [tilespmem:s21+$0x8F00]  }
0x161: {  	v2 =	vld [tilespmem:s21+$0x8F10]  }
0x162: {  	v5 =	vld [tilespmem:s21+$0x8F20]  }
0x163: {  	v6 =	vld [tilespmem:s21+$0x8F30]  }
0x164: {  	v8 =	vimm.f32 $0.0e+00;
	v3 =	vimm.f32 $0.0e+00;
	v7 =	vld [tilespmem:s21+$0x8F40]  }
0x165: {  	v10 =	vimm.f32 $0.0e+00;
	v9 =	vimm.f32 $0.0e+00;
	v11 =	vld [tilespmem:s21+$0x8F50];
	v0 =	vadd.f32 v0, v3  }
0x166: {  	s19 =	simm.s32 $0x400;
	s17 =	simm.s32 $0x80;
	v4 =	vimm.f32 $0.0e+00;
	v12 =	vld [tilespmem:s21+$0x8F60];
	v1 =	vadd.f32 v1, v3;
	v2 =	vadd.f32 v2, v3  }
.LBB2_21:
0x167: {  	p0 =	sne.s32 s19, $0x3000;
	v13 =	vld [tilespmem:s17+$0x8F70];
	v3 =	vadd.f32 v5, v3  }
0x168: {  	v14 =	vld [tilespmem:s17+$0x8F00];
	v4 =	vadd.f32 v6, v4  }
0x169: {  	v15 =	vld [tilespmem:s17+$0x8F10];
	v10 =	vadd.f32 v7, v10  }
.Ltmp9:
0x16a: {  	v5 =	vld [tilespmem:s17+$0x8F20];
	v8 =	vadd.f32 v11, v8;
	(pc) =	sbr.rel @p0 .LBB2_21-.Ltmp9, $4  }
0x16b: {  	v6 =	vld [tilespmem:s17+$0x8F30];
	v9 =	vadd.f32 v12, v9  }
0x16c: {  	v7 =	vld [tilespmem:s17+$0x8F40];
	v0 =	vadd.f32 v13, v0  }
0x16d: {  	v1 =	vadd.f32 v14, v1;
	v11 =	vld [tilespmem:s17+$0x8F50]  }
0x16e: {  	v2 =	vadd.f32 v15, v2;
	v12 =	vld [tilespmem:s17+$0x8F60];
	s17 =	sshra.s32 s19, $0x2;
	s19 =	sadd.s32 $0x200, s19  }
0x16f: {  	v13 =	vld [tilespmem:s17+$0x8F70]  }
0x170: {  	v14 =	vld [tilespmem:s17+$0x8F00]  }
0x171: {  	v15 =	vld [tilespmem:s17+$0x8F10]  }
0x172: {  	v16 =	vld [tilespmem:s17+$0x8F20]  }
0x173: {  	v17 =	vld [tilespmem:s17+$0x8F40]  }
0x174: {  	v3 =	vadd.f32 v5, v3;
	v5 =	vld [tilespmem:s17+$0x8F50]  }
0x175: {  	v4 =	vadd.f32 v6, v4;
	v6 =	vadd.f32 v7, v10;
	v7 =	vld [tilespmem:s17+$0x8F60]  }
0x176: {  	v10 =	vld [tilespmem:s17+$0x8F30];
	v8 =	vadd.f32 v11, v8;
	v9 =	vadd.f32 v12, v9  }
0x177: {  	v0 =	vadd.f32 v13, v0;
	v1 =	vadd.f32 v14, v1  }
0x178: {  	v2 =	vadd.f32 v15, v2;
	v6 =	vadd.f32 v17, v6  }
0x179: {  	v3 =	vadd.f32 v16, v3;
	v5 =	vadd.f32 v5, v8  }
0x17a: {  	v7 =	vadd.f32 v7, v9;
	v1 =	vadd.f32 v6, v1  }
0x17b: {  	v4 =	vadd.f32 v10, v4;
	v2 =	vadd.f32 v5, v2  }
0x17c: {  	[tilespmem:s13+$0xEC40] =	vst v1;
	v1 =	vadd.f32 v7, v3  }
0x17d: {  	[tilespmem:s13+$0xEC50] =	vst v2;
	v0 =	vadd.f32 v0, v4  }
0x17e: {  	[tilespmem:s13+$0xEC60] =	vst v1  }
0x17f: {  	s21 =	sadd.s32 $0x4E0, s15;
	[tilespmem:s13+$0xEC70] =	vst v0  }
0x180: {  	[tilespmem:s16], [sflag:$0x5] =	stream.indirect.gather [hbm4b:s3+s8], $0x40, s21, s8, $0xb8;
	[tilespmem:$0x10A00] =	vst v63  }
0x181: {  	_ =	swait.ge [sflag:s29], $0x1A00  }
0x182: {  	[sflag:s29] =	ssyncset.done $0x0  }
0x183: {  	s21 =	simm.s32 $0x0;
	[sflag:s29] =	ssyncadd.s32 $0xFFFFE600  }
0x184: {  	v0 =	vld [tilespmem:s21+$0x9C70]  }
0x185: {  	v1 =	vld [tilespmem:s21+$0x9C00]  }
0x186: {  	v2 =	vld [tilespmem:s21+$0x9C10]  }
0x187: {  	v5 =	vld [tilespmem:s21+$0x9C20]  }
0x188: {  	v6 =	vld [tilespmem:s21+$0x9C30]  }
0x189: {  	v8 =	vimm.f32 $0.0e+00;
	v3 =	vimm.f32 $0.0e+00;
	v7 =	vld [tilespmem:s21+$0x9C40]  }
0x18a: {  	v10 =	vimm.f32 $0.0e+00;
	v9 =	vimm.f32 $0.0e+00;
	v11 =	vld [tilespmem:s21+$0x9C50];
	v0 =	vadd.f32 v0, v3  }
0x18b: {  	s19 =	simm.s32 $0x400;
	s17 =	simm.s32 $0x80;
	v4 =	vimm.f32 $0.0e+00;
	v12 =	vld [tilespmem:s21+$0x9C60];
	v1 =	vadd.f32 v1, v3;
	v2 =	vadd.f32 v2, v3  }
.LBB2_23:
0x18c: {  	p0 =	sne.s32 s19, $0x3000;
	v13 =	vld [tilespmem:s17+$0x9C70];
	v3 =	vadd.f32 v5, v3  }
0x18d: {  	v14 =	vld [tilespmem:s17+$0x9C00];
	v4 =	vadd.f32 v6, v4  }
0x18e: {  	v15 =	vld [tilespmem:s17+$0x9C10];
	v10 =	vadd.f32 v7, v10  }
.Ltmp10:
0x18f: {  	v5 =	vld [tilespmem:s17+$0x9C20];
	v8 =	vadd.f32 v11, v8;
	(pc) =	sbr.rel @p0 .LBB2_23-.Ltmp10, $4  }
0x190: {  	v6 =	vld [tilespmem:s17+$0x9C30];
	v9 =	vadd.f32 v12, v9  }
0x191: {  	v7 =	vld [tilespmem:s17+$0x9C40];
	v0 =	vadd.f32 v13, v0  }
0x192: {  	v1 =	vadd.f32 v14, v1;
	v11 =	vld [tilespmem:s17+$0x9C50]  }
0x193: {  	v2 =	vadd.f32 v15, v2;
	v12 =	vld [tilespmem:s17+$0x9C60];
	s17 =	sshra.s32 s19, $0x2;
	s19 =	sadd.s32 $0x200, s19  }
0x194: {  	v13 =	vld [tilespmem:s17+$0x9C70]  }
0x195: {  	v14 =	vld [tilespmem:s17+$0x9C00]  }
0x196: {  	v15 =	vld [tilespmem:s17+$0x9C10]  }
0x197: {  	v16 =	vld [tilespmem:s17+$0x9C20]  }
0x198: {  	v17 =	vld [tilespmem:s17+$0x9C40]  }
0x199: {  	v3 =	vadd.f32 v5, v3;
	v5 =	vld [tilespmem:s17+$0x9C50]  }
0x19a: {  	v4 =	vadd.f32 v6, v4;
	v6 =	vadd.f32 v7, v10;
	v7 =	vld [tilespmem:s17+$0x9C60]  }
0x19b: {  	v10 =	vld [tilespmem:s17+$0x9C30];
	v8 =	vadd.f32 v11, v8;
	v9 =	vadd.f32 v12, v9  }
0x19c: {  	v0 =	vadd.f32 v13, v0;
	v1 =	vadd.f32 v14, v1  }
0x19d: {  	v2 =	vadd.f32 v15, v2;
	v6 =	vadd.f32 v17, v6  }
0x19e: {  	v3 =	vadd.f32 v16, v3;
	v5 =	vadd.f32 v5, v8  }
0x19f: {  	v7 =	vadd.f32 v7, v9;
	v1 =	vadd.f32 v6, v1  }
0x1a0: {  	v4 =	vadd.f32 v10, v4;
	v2 =	vadd.f32 v5, v2  }
0x1a1: {  	[tilespmem:s13+$0xEC80] =	vst v1;
	v1 =	vadd.f32 v7, v3  }
0x1a2: {  	[tilespmem:s13+$0xEC90] =	vst v2;
	v0 =	vadd.f32 v0, v4  }
0x1a3: {  	[tilespmem:s13+$0xECA0] =	vst v1  }
0x1a4: {  	s21 =	simm.s32 $0x0;
	[tilespmem:s13+$0xECB0] =	vst v0  }
0x1a5: {  	v0 =	vld [tilespmem:s21+$0xA970]  }
0x1a6: {  	v1 =	vld [tilespmem:s21+$0xA900]  }
0x1a7: {  	v2 =	vld [tilespmem:s21+$0xA910]  }
0x1a8: {  	v5 =	vld [tilespmem:s21+$0xA920]  }
0x1a9: {  	v6 =	vld [tilespmem:s21+$0xA930]  }
0x1aa: {  	v8 =	vimm.f32 $0.0e+00;
	v3 =	vimm.f32 $0.0e+00;
	v7 =	vld [tilespmem:s21+$0xA940]  }
0x1ab: {  	v10 =	vimm.f32 $0.0e+00;
	v9 =	vimm.f32 $0.0e+00;
	v11 =	vld [tilespmem:s21+$0xA950];
	v0 =	vadd.f32 v0, v3  }
0x1ac: {  	s19 =	simm.s32 $0x400;
	s17 =	simm.s32 $0x80;
	v4 =	vimm.f32 $0.0e+00;
	v12 =	vld [tilespmem:s21+$0xA960];
	v1 =	vadd.f32 v1, v3;
	v2 =	vadd.f32 v2, v3  }
.LBB2_25:
0x1ad: {  	p0 =	sne.s32 s19, $0x3000;
	v13 =	vld [tilespmem:s17+$0xA970];
	v3 =	vadd.f32 v5, v3  }
0x1ae: {  	v14 =	vld [tilespmem:s17+$0xA900];
	v4 =	vadd.f32 v6, v4  }
0x1af: {  	v15 =	vld [tilespmem:s17+$0xA910];
	v10 =	vadd.f32 v7, v10  }
.Ltmp11:
0x1b0: {  	v5 =	vld [tilespmem:s17+$0xA920];
	v8 =	vadd.f32 v11, v8;
	(pc) =	sbr.rel @p0 .LBB2_25-.Ltmp11, $4  }
0x1b1: {  	v6 =	vld [tilespmem:s17+$0xA930];
	v9 =	vadd.f32 v12, v9  }
0x1b2: {  	v7 =	vld [tilespmem:s17+$0xA940];
	v0 =	vadd.f32 v13, v0  }
0x1b3: {  	v1 =	vadd.f32 v14, v1;
	v11 =	vld [tilespmem:s17+$0xA950]  }
0x1b4: {  	v2 =	vadd.f32 v15, v2;
	v12 =	vld [tilespmem:s17+$0xA960];
	s17 =	sshra.s32 s19, $0x2;
	s19 =	sadd.s32 $0x200, s19  }
0x1b5: {  	v13 =	vld [tilespmem:s17+$0xA970]  }
0x1b6: {  	v14 =	vld [tilespmem:s17+$0xA900]  }
0x1b7: {  	v15 =	vld [tilespmem:s17+$0xA910]  }
0x1b8: {  	v16 =	vld [tilespmem:s17+$0xA920]  }
0x1b9: {  	v17 =	vld [tilespmem:s17+$0xA940]  }
0x1ba: {  	v3 =	vadd.f32 v5, v3;
	v5 =	vld [tilespmem:s17+$0xA950]  }
0x1bb: {  	v4 =	vadd.f32 v6, v4;
	v6 =	vadd.f32 v7, v10;
	v7 =	vld [tilespmem:s17+$0xA960]  }
0x1bc: {  	v10 =	vld [tilespmem:s17+$0xA930];
	v8 =	vadd.f32 v11, v8;
	v9 =	vadd.f32 v12, v9  }
0x1bd: {  	v0 =	vadd.f32 v13, v0;
	v1 =	vadd.f32 v14, v1  }
0x1be: {  	v2 =	vadd.f32 v15, v2;
	v6 =	vadd.f32 v17, v6  }
0x1bf: {  	v3 =	vadd.f32 v16, v3;
	v5 =	vadd.f32 v5, v8  }
0x1c0: {  	v7 =	vadd.f32 v7, v9;
	v1 =	vadd.f32 v6, v1  }
0x1c1: {  	v4 =	vadd.f32 v10, v4;
	v2 =	vadd.f32 v5, v2  }
0x1c2: {  	[tilespmem:s13+$0xECC0] =	vst v1;
	v1 =	vadd.f32 v7, v3  }
0x1c3: {  	[tilespmem:s13+$0xECD0] =	vst v2;
	v0 =	vadd.f32 v0, v4  }
0x1c4: {  	[tilespmem:s13+$0xECE0] =	vst v1  }
0x1c5: {  	s21 =	sadd.s32 $0x548, s15;
	[tilespmem:s13+$0xECF0] =	vst v0  }
0x1c6: {  	[tilespmem:s18], [sflag:$0x6] =	stream.indirect.gather [hbm4b:s3+s8], $0x40, s21, s8, $0xb8;
	[tilespmem:$0x10A00] =	vst v63  }
0x1c7: {  	_ =	swait.ge [sflag:s30], $0x1A00  }
0x1c8: {  	[sflag:s30] =	ssyncset.done $0x0  }
0x1c9: {  	s21 =	simm.s32 $0x0;
	[sflag:s30] =	ssyncadd.s32 $0xFFFFE600  }
0x1ca: {  	v0 =	vld [tilespmem:s21+$0xB670]  }
0x1cb: {  	v1 =	vld [tilespmem:s21+$0xB600]  }
0x1cc: {  	v2 =	vld [tilespmem:s21+$0xB610]  }
0x1cd: {  	v5 =	vld [tilespmem:s21+$0xB620]  }
0x1ce: {  	v6 =	vld [tilespmem:s21+$0xB630]  }
0x1cf: {  	v8 =	vimm.f32 $0.0e+00;
	v3 =	vimm.f32 $0.0e+00;
	v7 =	vld [tilespmem:s21+$0xB640]  }
0x1d0: {  	v10 =	vimm.f32 $0.0e+00;
	v9 =	vimm.f32 $0.0e+00;
	v11 =	vld [tilespmem:s21+$0xB650];
	v0 =	vadd.f32 v0, v3  }
0x1d1: {  	s19 =	simm.s32 $0x400;
	s17 =	simm.s32 $0x80;
	v4 =	vimm.f32 $0.0e+00;
	v12 =	vld [tilespmem:s21+$0xB660];
	v1 =	vadd.f32 v1, v3;
	v2 =	vadd.f32 v2, v3  }
.LBB2_27:
0x1d2: {  	p0 =	sne.s32 s19, $0x3000;
	v13 =	vld [tilespmem:s17+$0xB670];
	v3 =	vadd.f32 v5, v3  }
0x1d3: {  	v14 =	vld [tilespmem:s17+$0xB600];
	v4 =	vadd.f32 v6, v4  }
0x1d4: {  	v15 =	vld [tilespmem:s17+$0xB610];
	v10 =	vadd.f32 v7, v10  }
.Ltmp12:
0x1d5: {  	v5 =	vld [tilespmem:s17+$0xB620];
	v8 =	vadd.f32 v11, v8;
	(pc) =	sbr.rel @p0 .LBB2_27-.Ltmp12, $4  }
0x1d6: {  	v6 =	vld [tilespmem:s17+$0xB630];
	v9 =	vadd.f32 v12, v9  }
0x1d7: {  	v7 =	vld [tilespmem:s17+$0xB640];
	v0 =	vadd.f32 v13, v0  }
0x1d8: {  	v1 =	vadd.f32 v14, v1;
	v11 =	vld [tilespmem:s17+$0xB650]  }
0x1d9: {  	v2 =	vadd.f32 v15, v2;
	v12 =	vld [tilespmem:s17+$0xB660];
	s17 =	sshra.s32 s19, $0x2;
	s19 =	sadd.s32 $0x200, s19  }
0x1da: {  	v13 =	vld [tilespmem:s17+$0xB670]  }
0x1db: {  	v14 =	vld [tilespmem:s17+$0xB600]  }
0x1dc: {  	v15 =	vld [tilespmem:s17+$0xB610]  }
0x1dd: {  	v16 =	vld [tilespmem:s17+$0xB620]  }
0x1de: {  	v17 =	vld [tilespmem:s17+$0xB640]  }
0x1df: {  	v3 =	vadd.f32 v5, v3;
	v5 =	vld [tilespmem:s17+$0xB650]  }
0x1e0: {  	v4 =	vadd.f32 v6, v4;
	v6 =	vadd.f32 v7, v10;
	v7 =	vld [tilespmem:s17+$0xB660]  }
0x1e1: {  	v10 =	vld [tilespmem:s17+$0xB630];
	v8 =	vadd.f32 v11, v8;
	v9 =	vadd.f32 v12, v9  }
0x1e2: {  	v0 =	vadd.f32 v13, v0;
	v1 =	vadd.f32 v14, v1  }
0x1e3: {  	v2 =	vadd.f32 v15, v2;
	v6 =	vadd.f32 v17, v6  }
0x1e4: {  	v3 =	vadd.f32 v16, v3;
	v5 =	vadd.f32 v5, v8  }
0x1e5: {  	v7 =	vadd.f32 v7, v9;
	v1 =	vadd.f32 v6, v1  }
0x1e6: {  	v4 =	vadd.f32 v10, v4;
	v2 =	vadd.f32 v5, v2  }
0x1e7: {  	[tilespmem:s13+$0xED00] =	vst v1;
	v1 =	vadd.f32 v7, v3  }
0x1e8: {  	[tilespmem:s13+$0xED10] =	vst v2;
	v0 =	vadd.f32 v0, v4  }
0x1e9: {  	[tilespmem:s13+$0xED20] =	vst v1  }
0x1ea: {  	s21 =	simm.s32 $0x0;
	[tilespmem:s13+$0xED30] =	vst v0  }
0x1eb: {  	v0 =	vld [tilespmem:s21+$0xC370]  }
0x1ec: {  	v1 =	vld [tilespmem:s21+$0xC300]  }
0x1ed: {  	v2 =	vld [tilespmem:s21+$0xC310]  }
0x1ee: {  	v5 =	vld [tilespmem:s21+$0xC320]  }
0x1ef: {  	v6 =	vld [tilespmem:s21+$0xC330]  }
0x1f0: {  	v8 =	vimm.f32 $0.0e+00;
	v3 =	vimm.f32 $0.0e+00;
	v7 =	vld [tilespmem:s21+$0xC340]  }
0x1f1: {  	v10 =	vimm.f32 $0.0e+00;
	v9 =	vimm.f32 $0.0e+00;
	v11 =	vld [tilespmem:s21+$0xC350];
	v0 =	vadd.f32 v0, v3  }
0x1f2: {  	s19 =	simm.s32 $0x400;
	s17 =	simm.s32 $0x80;
	v4 =	vimm.f32 $0.0e+00;
	v12 =	vld [tilespmem:s21+$0xC360];
	v1 =	vadd.f32 v1, v3;
	v2 =	vadd.f32 v2, v3  }
.LBB2_29:
0x1f3: {  	p0 =	sne.s32 s19, $0x3000;
	v13 =	vld [tilespmem:s17+$0xC370];
	v3 =	vadd.f32 v5, v3  }
0x1f4: {  	v14 =	vld [tilespmem:s17+$0xC300];
	v4 =	vadd.f32 v6, v4  }
0x1f5: {  	v15 =	vld [tilespmem:s17+$0xC310];
	v10 =	vadd.f32 v7, v10  }
.Ltmp13:
0x1f6: {  	v5 =	vld [tilespmem:s17+$0xC320];
	v8 =	vadd.f32 v11, v8;
	(pc) =	sbr.rel @p0 .LBB2_29-.Ltmp13, $4  }
0x1f7: {  	v6 =	vld [tilespmem:s17+$0xC330];
	v9 =	vadd.f32 v12, v9  }
0x1f8: {  	v7 =	vld [tilespmem:s17+$0xC340];
	v0 =	vadd.f32 v13, v0  }
0x1f9: {  	v1 =	vadd.f32 v14, v1;
	v11 =	vld [tilespmem:s17+$0xC350]  }
0x1fa: {  	v2 =	vadd.f32 v15, v2;
	v12 =	vld [tilespmem:s17+$0xC360];
	s17 =	sshra.s32 s19, $0x2;
	s19 =	sadd.s32 $0x200, s19  }
0x1fb: {  	v13 =	vld [tilespmem:s17+$0xC370]  }
0x1fc: {  	v14 =	vld [tilespmem:s17+$0xC300]  }
0x1fd: {  	v15 =	vld [tilespmem:s17+$0xC310]  }
0x1fe: {  	v16 =	vld [tilespmem:s17+$0xC320]  }
0x1ff: {  	v17 =	vld [tilespmem:s17+$0xC340]  }
0x200: {  	v3 =	vadd.f32 v5, v3;
	v5 =	vld [tilespmem:s17+$0xC350]  }
0x201: {  	v4 =	vadd.f32 v6, v4;
	v6 =	vadd.f32 v7, v10;
	v7 =	vld [tilespmem:s17+$0xC360]  }
0x202: {  	v10 =	vld [tilespmem:s17+$0xC330];
	v8 =	vadd.f32 v11, v8;
	v9 =	vadd.f32 v12, v9  }
0x203: {  	v0 =	vadd.f32 v13, v0;
	v1 =	vadd.f32 v14, v1  }
0x204: {  	v2 =	vadd.f32 v15, v2;
	v6 =	vadd.f32 v17, v6  }
0x205: {  	v3 =	vadd.f32 v16, v3;
	v5 =	vadd.f32 v5, v8  }
0x206: {  	v7 =	vadd.f32 v7, v9;
	v1 =	vadd.f32 v6, v1  }
0x207: {  	v4 =	vadd.f32 v10, v4;
	v2 =	vadd.f32 v5, v2  }
0x208: {  	[tilespmem:s13+$0xED40] =	vst v1;
	v1 =	vadd.f32 v7, v3  }
0x209: {  	[tilespmem:s13+$0xED50] =	vst v2;
	v0 =	vadd.f32 v0, v4  }
0x20a: {  	[tilespmem:s13+$0xED60] =	vst v1  }
0x20b: {  	s21 =	sadd.s32 $0x5B0, s15;
	[tilespmem:s13+$0xED70] =	vst v0  }
0x20c: {  	[tilespmem:s20], [sflag:$0x7] =	stream.indirect.gather [hbm4b:s3+s8], $0x40, s21, s8, $0xb8;
	[tilespmem:$0x10A00] =	vst v63  }
0x20d: {  	_ =	swait.ge [sflag:s31], $0x1A00  }
0x20e: {  	[sflag:s31] =	ssyncset.done $0x0  }
0x20f: {  	s21 =	simm.s32 $0x0;
	[sflag:s31] =	ssyncadd.s32 $0xFFFFE600  }
0x210: {  	v0 =	vld [tilespmem:s21+$0xD070]  }
0x211: {  	v1 =	vld [tilespmem:s21+$0xD000]  }
0x212: {  	v2 =	vld [tilespmem:s21+$0xD010]  }
0x213: {  	v5 =	vld [tilespmem:s21+$0xD020]  }
0x214: {  	v6 =	vld [tilespmem:s21+$0xD030]  }
0x215: {  	v8 =	vimm.f32 $0.0e+00;
	v3 =	vimm.f32 $0.0e+00;
	v7 =	vld [tilespmem:s21+$0xD040]  }
0x216: {  	v10 =	vimm.f32 $0.0e+00;
	v9 =	vimm.f32 $0.0e+00;
	v11 =	vld [tilespmem:s21+$0xD050];
	v0 =	vadd.f32 v0, v3  }
0x217: {  	s19 =	simm.s32 $0x400;
	s17 =	simm.s32 $0x80;
	v4 =	vimm.f32 $0.0e+00;
	v12 =	vld [tilespmem:s21+$0xD060];
	v1 =	vadd.f32 v1, v3;
	v2 =	vadd.f32 v2, v3  }
.LBB2_31:
0x218: {  	p0 =	sne.s32 s19, $0x3000;
	v13 =	vld [tilespmem:s17+$0xD070];
	v3 =	vadd.f32 v5, v3  }
0x219: {  	v14 =	vld [tilespmem:s17+$0xD000];
	v4 =	vadd.f32 v6, v4  }
0x21a: {  	v15 =	vld [tilespmem:s17+$0xD010];
	v10 =	vadd.f32 v7, v10  }
.Ltmp14:
0x21b: {  	v5 =	vld [tilespmem:s17+$0xD020];
	v8 =	vadd.f32 v11, v8;
	(pc) =	sbr.rel @p0 .LBB2_31-.Ltmp14, $4  }
0x21c: {  	v6 =	vld [tilespmem:s17+$0xD030];
	v9 =	vadd.f32 v12, v9  }
0x21d: {  	v7 =	vld [tilespmem:s17+$0xD040];
	v0 =	vadd.f32 v13, v0  }
0x21e: {  	v1 =	vadd.f32 v14, v1;
	v11 =	vld [tilespmem:s17+$0xD050]  }
0x21f: {  	v2 =	vadd.f32 v15, v2;
	v12 =	vld [tilespmem:s17+$0xD060];
	s17 =	sshra.s32 s19, $0x2;
	s19 =	sadd.s32 $0x200, s19  }
0x220: {  	v13 =	vld [tilespmem:s17+$0xD070]  }
0x221: {  	v14 =	vld [tilespmem:s17+$0xD000]  }
0x222: {  	v15 =	vld [tilespmem:s17+$0xD010]  }
0x223: {  	v16 =	vld [tilespmem:s17+$0xD020]  }
0x224: {  	v17 =	vld [tilespmem:s17+$0xD040]  }
0x225: {  	v3 =	vadd.f32 v5, v3;
	v5 =	vld [tilespmem:s17+$0xD050]  }
0x226: {  	v4 =	vadd.f32 v6, v4;
	v6 =	vadd.f32 v7, v10;
	v7 =	vld [tilespmem:s17+$0xD060]  }
0x227: {  	v10 =	vld [tilespmem:s17+$0xD030];
	v8 =	vadd.f32 v11, v8;
	v9 =	vadd.f32 v12, v9  }
0x228: {  	v0 =	vadd.f32 v13, v0;
	v1 =	vadd.f32 v14, v1  }
0x229: {  	v2 =	vadd.f32 v15, v2;
	v6 =	vadd.f32 v17, v6  }
0x22a: {  	v3 =	vadd.f32 v16, v3;
	v5 =	vadd.f32 v5, v8  }
0x22b: {  	v7 =	vadd.f32 v7, v9;
	v1 =	vadd.f32 v6, v1  }
0x22c: {  	v4 =	vadd.f32 v10, v4;
	v2 =	vadd.f32 v5, v2  }
0x22d: {  	[tilespmem:s13+$0xED80] =	vst v1;
	v1 =	vadd.f32 v7, v3  }
0x22e: {  	[tilespmem:s13+$0xED90] =	vst v2;
	v0 =	vadd.f32 v0, v4  }
0x22f: {  	[tilespmem:s13+$0xEDA0] =	vst v1  }
0x230: {  	s21 =	simm.s32 $0x0;
	[tilespmem:s13+$0xEDB0] =	vst v0  }
0x231: {  	v0 =	vld [tilespmem:s21+$0xDD70]  }
0x232: {  	v1 =	vld [tilespmem:s21+$0xDD00]  }
0x233: {  	v2 =	vld [tilespmem:s21+$0xDD10]  }
0x234: {  	v5 =	vld [tilespmem:s21+$0xDD20]  }
0x235: {  	v6 =	vld [tilespmem:s21+$0xDD30]  }
0x236: {  	v8 =	vimm.f32 $0.0e+00;
	v3 =	vimm.f32 $0.0e+00;
	v7 =	vld [tilespmem:s21+$0xDD40]  }
0x237: {  	v10 =	vimm.f32 $0.0e+00;
	v9 =	vimm.f32 $0.0e+00;
	v11 =	vld [tilespmem:s21+$0xDD50];
	v0 =	vadd.f32 v0, v3  }
0x238: {  	s19 =	simm.s32 $0x400;
	s17 =	simm.s32 $0x80;
	v4 =	vimm.f32 $0.0e+00;
	v12 =	vld [tilespmem:s21+$0xDD60];
	v1 =	vadd.f32 v1, v3;
	v2 =	vadd.f32 v2, v3  }
.LBB2_33:
0x239: {  	p0 =	sne.s32 s19, $0x3000;
	v13 =	vld [tilespmem:s17+$0xDD70];
	v3 =	vadd.f32 v5, v3  }
0x23a: {  	v14 =	vld [tilespmem:s17+$0xDD00];
	v4 =	vadd.f32 v6, v4  }
0x23b: {  	v15 =	vld [tilespmem:s17+$0xDD10];
	v10 =	vadd.f32 v7, v10  }
.Ltmp15:
0x23c: {  	v5 =	vld [tilespmem:s17+$0xDD20];
	v8 =	vadd.f32 v11, v8;
	(pc) =	sbr.rel @p0 .LBB2_33-.Ltmp15, $4  }
0x23d: {  	v6 =	vld [tilespmem:s17+$0xDD30];
	v9 =	vadd.f32 v12, v9  }
0x23e: {  	v7 =	vld [tilespmem:s17+$0xDD40];
	v0 =	vadd.f32 v13, v0  }
0x23f: {  	v1 =	vadd.f32 v14, v1;
	v11 =	vld [tilespmem:s17+$0xDD50]  }
0x240: {  	v2 =	vadd.f32 v15, v2;
	v12 =	vld [tilespmem:s17+$0xDD60];
	s17 =	sshra.s32 s19, $0x2;
	s19 =	sadd.s32 $0x200, s19  }
0x241: {  	v13 =	vld [tilespmem:s17+$0xDD70]  }
0x242: {  	v14 =	vld [tilespmem:s17+$0xDD00]  }
0x243: {  	v15 =	vld [tilespmem:s17+$0xDD10]  }
0x244: {  	v16 =	vld [tilespmem:s17+$0xDD20]  }
0x245: {  	v17 =	vld [tilespmem:s17+$0xDD40]  }
0x246: {  	v3 =	vadd.f32 v5, v3;
	v59 =	vld [tilespmem:s17+$0xDD50]  }
0x247: {  	v62 =	vld [tilespmem:s17+$0xDD30];
	v4 =	vadd.f32 v6, v4;
	v60 =	vadd.f32 v7, v10  }
0x248: {  	v61 =	vld [tilespmem:s17+$0xDD60];
	v8 =	vadd.f32 v11, v8;
	v9 =	vadd.f32 v12, v9  }
0x249: {  	v0 =	vadd.f32 v13, v0;
	v1 =	vadd.f32 v14, v1  }
0x24a: {  	v2 =	vadd.f32 v15, v2;
	v6 =	vadd.f32 v17, v60  }
0x24b: {  	v3 =	vadd.f32 v16, v3;
	v5 =	vadd.f32 v59, v8  }
0x24c: {  	s11 =	sadd.s32 $0x1, s11;
	v4 =	vadd.f32 v62, v4;
	v1 =	vadd.f32 v6, v1  }
0x24d: {  	p0 =	sne.s32 s11, $0x7;
	v7 =	vadd.f32 v61, v9;
	v2 =	vadd.f32 v5, v2  }
.Ltmp16:
0x24e: {  	v0 =	vadd.f32 v0, v4;
	[tilespmem:s13+$0xEDC0] =	vst v1;
	(pc) =	sbr.rel @p0 .LBB2_2-.Ltmp16, $4  }
0x24f: {  	v63 =	vadd.f32 v7, v3;
	[tilespmem:s13+$0xEDD0] =	vst v2  }
0x250: {  	[tilespmem:s13+$0xEDF0] =	vst v0  }
0x251: {  	s21 =	sadd.s32 $0x618, s15;
	[tilespmem:s13+$0xEDE0] =	vst v63  }
0x252: {  	[tilespmem:s22], [sflag:$0x8] =	stream.indirect.gather [hbm4b:s3+s8], $0x40, s21, s8, $0xb8;
	[tilespmem:$0x10A00] =	vst v63  }
0x253: {  	_ =	swait.ge [sflag:s23], $0x1A00  }
0x254: {  	[sflag:s23] =	ssyncset.done $0x0  }
0x255: {  	s15 =	simm.s32 $0x0;
	[sflag:s23] =	ssyncadd.s32 $0xFFFFE600  }
0x256: {  	v0 =	vld [tilespmem:s15+$0x1A70]  }
0x257: {  	v1 =	vld [tilespmem:s15+$0x1A00]  }
0x258: {  	v2 =	vld [tilespmem:s15+$0x1A10]  }
0x259: {  	v5 =	vld [tilespmem:s15+$0x1A20]  }
0x25a: {  	v6 =	vld [tilespmem:s15+$0x1A30]  }
0x25b: {  	v3 =	vimm.f32 $0.0e+00;
	v4 =	vimm.f32 $0.0e+00;
	v7 =	vld [tilespmem:s15+$0x1A40]  }
0x25c: {  	v10 =	vimm.f32 $0.0e+00;
	v8 =	vimm.f32 $0.0e+00;
	v11 =	vld [tilespmem:s15+$0x1A50];
	v0 =	vadd.f32 v0, v3  }
0x25d: {  	s11 =	simm.s32 $0x80;
	s13 =	simm.s32 $0x400;
	v9 =	vimm.f32 $0.0e+00;
	v12 =	vld [tilespmem:s15+$0x1A60];
	v1 =	vadd.f32 v1, v3;
	v2 =	vadd.f32 v2, v3  }
.LBB2_36:
0x25e: {  	p0 =	sne.s32 s13, $0x3000;
	v13 =	vld [tilespmem:s11+$0x1A70];
	v3 =	vadd.f32 v5, v3  }
0x25f: {  	v14 =	vld [tilespmem:s11+$0x1A00];
	v4 =	vadd.f32 v6, v4  }
0x260: {  	v15 =	vld [tilespmem:s11+$0x1A10];
	v10 =	vadd.f32 v7, v10  }
.Ltmp17:
0x261: {  	v5 =	vld [tilespmem:s11+$0x1A20];
	v8 =	vadd.f32 v11, v8;
	(pc) =	sbr.rel @p0 .LBB2_36-.Ltmp17, $4  }
0x262: {  	v6 =	vld [tilespmem:s11+$0x1A30];
	v9 =	vadd.f32 v12, v9  }
0x263: {  	v7 =	vld [tilespmem:s11+$0x1A40];
	v0 =	vadd.f32 v13, v0  }
0x264: {  	v1 =	vadd.f32 v14, v1;
	v11 =	vld [tilespmem:s11+$0x1A50]  }
0x265: {  	v2 =	vadd.f32 v15, v2;
	v12 =	vld [tilespmem:s11+$0x1A60];
	s11 =	sshra.s32 s13, $0x2;
	s13 =	sadd.s32 $0x200, s13  }
0x266: {  	v13 =	vld [tilespmem:s11+$0x1A70]  }
0x267: {  	v14 =	vld [tilespmem:s11+$0x1A00]  }
0x268: {  	v15 =	vld [tilespmem:s11+$0x1A10]  }
0x269: {  	v16 =	vld [tilespmem:s11+$0x1A20]  }
0x26a: {  	v17 =	vld [tilespmem:s11+$0x1A40]  }
0x26b: {  	v3 =	vadd.f32 v5, v3;
	v5 =	vld [tilespmem:s11+$0x1A50]  }
0x26c: {  	v4 =	vadd.f32 v6, v4;
	v6 =	vadd.f32 v7, v10;
	v7 =	vld [tilespmem:s11+$0x1A60]  }
0x26d: {  	v10 =	vld [tilespmem:s11+$0x1A30];
	v8 =	vadd.f32 v11, v8;
	v9 =	vadd.f32 v12, v9  }
0x26e: {  	v0 =	vadd.f32 v13, v0;
	v1 =	vadd.f32 v14, v1  }
0x26f: {  	v2 =	vadd.f32 v15, v2;
	v6 =	vadd.f32 v17, v6  }
0x270: {  	v3 =	vadd.f32 v16, v3;
	v5 =	vadd.f32 v5, v8  }
0x271: {  	v7 =	vadd.f32 v7, v9;
	v1 =	vadd.f32 v6, v1  }
0x272: {  	v4 =	vadd.f32 v10, v4;
	v2 =	vadd.f32 v5, v2  }
0x273: {  	[tilespmem:$0x10600] =	vst v1;
	v1 =	vadd.f32 v7, v3  }
0x274: {  	[tilespmem:$0x10610] =	vst v2;
	v0 =	vadd.f32 v0, v4  }
0x275: {  	[tilespmem:$0x10620] =	vst v1  }
0x276: {  	s15 =	simm.s32 $0x0;
	[tilespmem:$0x10630] =	vst v0  }
0x277: {  	v0 =	vld [tilespmem:s15+$0x2770]  }
0x278: {  	v1 =	vld [tilespmem:s15+$0x2700]  }
0x279: {  	v2 =	vld [tilespmem:s15+$0x2710]  }
0x27a: {  	v5 =	vld [tilespmem:s15+$0x2720]  }
0x27b: {  	v6 =	vld [tilespmem:s15+$0x2730]  }
0x27c: {  	v8 =	vimm.f32 $0.0e+00;
	v3 =	vimm.f32 $0.0e+00;
	v7 =	vld [tilespmem:s15+$0x2740]  }
0x27d: {  	v10 =	vimm.f32 $0.0e+00;
	v9 =	vimm.f32 $0.0e+00;
	v11 =	vld [tilespmem:s15+$0x2750];
	v0 =	vadd.f32 v0, v3  }
0x27e: {  	s13 =	simm.s32 $0x400;
	s11 =	simm.s32 $0x80;
	v4 =	vimm.f32 $0.0e+00;
	v12 =	vld [tilespmem:s15+$0x2760];
	v1 =	vadd.f32 v1, v3;
	v2 =	vadd.f32 v2, v3  }
.LBB2_38:
0x27f: {  	p0 =	sne.s32 s13, $0x3000;
	v13 =	vld [tilespmem:s11+$0x2770];
	v3 =	vadd.f32 v5, v3  }
0x280: {  	v14 =	vld [tilespmem:s11+$0x2700];
	v4 =	vadd.f32 v6, v4  }
0x281: {  	v15 =	vld [tilespmem:s11+$0x2710];
	v10 =	vadd.f32 v7, v10  }
.Ltmp18:
0x282: {  	v5 =	vld [tilespmem:s11+$0x2720];
	v8 =	vadd.f32 v11, v8;
	(pc) =	sbr.rel @p0 .LBB2_38-.Ltmp18, $4  }
0x283: {  	v6 =	vld [tilespmem:s11+$0x2730];
	v9 =	vadd.f32 v12, v9  }
0x284: {  	v7 =	vld [tilespmem:s11+$0x2740];
	v0 =	vadd.f32 v13, v0  }
0x285: {  	v1 =	vadd.f32 v14, v1;
	v11 =	vld [tilespmem:s11+$0x2750]  }
0x286: {  	v2 =	vadd.f32 v15, v2;
	v12 =	vld [tilespmem:s11+$0x2760];
	s11 =	sshra.s32 s13, $0x2;
	s13 =	sadd.s32 $0x200, s13  }
0x287: {  	v13 =	vld [tilespmem:s11+$0x2770]  }
0x288: {  	v14 =	vld [tilespmem:s11+$0x2700]  }
0x289: {  	v15 =	vld [tilespmem:s11+$0x2710]  }
0x28a: {  	v16 =	vld [tilespmem:s11+$0x2720]  }
0x28b: {  	v17 =	vld [tilespmem:s11+$0x2740]  }
0x28c: {  	v3 =	vadd.f32 v5, v3;
	v5 =	vld [tilespmem:s11+$0x2750]  }
0x28d: {  	v4 =	vadd.f32 v6, v4;
	v6 =	vadd.f32 v7, v10;
	v7 =	vld [tilespmem:s11+$0x2760]  }
0x28e: {  	v10 =	vld [tilespmem:s11+$0x2730];
	v8 =	vadd.f32 v11, v8;
	v9 =	vadd.f32 v12, v9  }
0x28f: {  	v0 =	vadd.f32 v13, v0;
	v1 =	vadd.f32 v14, v1  }
0x290: {  	v2 =	vadd.f32 v15, v2;
	v6 =	vadd.f32 v17, v6  }
0x291: {  	v3 =	vadd.f32 v16, v3;
	v5 =	vadd.f32 v5, v8  }
0x292: {  	v7 =	vadd.f32 v7, v9;
	v1 =	vadd.f32 v6, v1  }
0x293: {  	v4 =	vadd.f32 v10, v4;
	v2 =	vadd.f32 v5, v2  }
0x294: {  	[tilespmem:$0x10640] =	vst v1;
	v1 =	vadd.f32 v7, v3  }
0x295: {  	[tilespmem:$0x10650] =	vst v2;
	v0 =	vadd.f32 v0, v4  }
0x296: {  	[tilespmem:$0x10660] =	vst v1  }
0x297: {  	[tilespmem:$0x10670] =	vst v0  }
0x298: {  	_ =	swait.ge [sflag:s24], $0x1A00  }
0x299: {  	[sflag:s24] =	ssyncset.done $0x0  }
0x29a: {  	s15 =	simm.s32 $0x0;
	[sflag:s24] =	ssyncadd.s32 $0xFFFFE600  }
0x29b: {  	v0 =	vld [tilespmem:s15+$0x3470]  }
0x29c: {  	v1 =	vld [tilespmem:s15+$0x3400]  }
0x29d: {  	v2 =	vld [tilespmem:s15+$0x3410]  }
0x29e: {  	v5 =	vld [tilespmem:s15+$0x3420]  }
0x29f: {  	v6 =	vld [tilespmem:s15+$0x3430]  }
0x2a0: {  	v8 =	vimm.f32 $0.0e+00;
	v3 =	vimm.f32 $0.0e+00;
	v7 =	vld [tilespmem:s15+$0x3440]  }
0x2a1: {  	v10 =	vimm.f32 $0.0e+00;
	v9 =	vimm.f32 $0.0e+00;
	v11 =	vld [tilespmem:s15+$0x3450];
	v0 =	vadd.f32 v0, v3  }
0x2a2: {  	s13 =	simm.s32 $0x400;
	s11 =	simm.s32 $0x80;
	v4 =	vimm.f32 $0.0e+00;
	v12 =	vld [tilespmem:s15+$0x3460];
	v1 =	vadd.f32 v1, v3;
	v2 =	vadd.f32 v2, v3  }
.LBB2_40:
0x2a3: {  	p0 =	sne.s32 s13, $0x3000;
	v13 =	vld [tilespmem:s11+$0x3470];
	v3 =	vadd.f32 v5, v3  }
0x2a4: {  	v14 =	vld [tilespmem:s11+$0x3400];
	v4 =	vadd.f32 v6, v4  }
0x2a5: {  	v15 =	vld [tilespmem:s11+$0x3410];
	v10 =	vadd.f32 v7, v10  }
.Ltmp19:
0x2a6: {  	v5 =	vld [tilespmem:s11+$0x3420];
	v8 =	vadd.f32 v11, v8;
	(pc) =	sbr.rel @p0 .LBB2_40-.Ltmp19, $4  }
0x2a7: {  	v6 =	vld [tilespmem:s11+$0x3430];
	v9 =	vadd.f32 v12, v9  }
0x2a8: {  	v7 =	vld [tilespmem:s11+$0x3440];
	v0 =	vadd.f32 v13, v0  }
0x2a9: {  	v1 =	vadd.f32 v14, v1;
	v11 =	vld [tilespmem:s11+$0x3450]  }
0x2aa: {  	v2 =	vadd.f32 v15, v2;
	v12 =	vld [tilespmem:s11+$0x3460];
	s11 =	sshra.s32 s13, $0x2;
	s13 =	sadd.s32 $0x200, s13  }
0x2ab: {  	v13 =	vld [tilespmem:s11+$0x3470]  }
0x2ac: {  	v14 =	vld [tilespmem:s11+$0x3400]  }
0x2ad: {  	v15 =	vld [tilespmem:s11+$0x3410]  }
0x2ae: {  	v16 =	vld [tilespmem:s11+$0x3420]  }
0x2af: {  	v17 =	vld [tilespmem:s11+$0x3440]  }
0x2b0: {  	v3 =	vadd.f32 v5, v3;
	v5 =	vld [tilespmem:s11+$0x3450]  }
0x2b1: {  	v4 =	vadd.f32 v6, v4;
	v6 =	vadd.f32 v7, v10;
	v7 =	vld [tilespmem:s11+$0x3460]  }
0x2b2: {  	v10 =	vld [tilespmem:s11+$0x3430];
	v8 =	vadd.f32 v11, v8;
	v9 =	vadd.f32 v12, v9  }
0x2b3: {  	v0 =	vadd.f32 v13, v0;
	v1 =	vadd.f32 v14, v1  }
0x2b4: {  	v2 =	vadd.f32 v15, v2;
	v6 =	vadd.f32 v17, v6  }
0x2b5: {  	v3 =	vadd.f32 v16, v3;
	v5 =	vadd.f32 v5, v8  }
0x2b6: {  	v7 =	vadd.f32 v7, v9;
	v1 =	vadd.f32 v6, v1  }
0x2b7: {  	v4 =	vadd.f32 v10, v4;
	v2 =	vadd.f32 v5, v2  }
0x2b8: {  	[tilespmem:$0x10680] =	vst v1;
	v1 =	vadd.f32 v7, v3  }
0x2b9: {  	[tilespmem:$0x10690] =	vst v2;
	v0 =	vadd.f32 v0, v4  }
0x2ba: {  	[tilespmem:$0x106A0] =	vst v1  }
0x2bb: {  	s15 =	simm.s32 $0x0;
	[tilespmem:$0x106B0] =	vst v0  }
0x2bc: {  	v0 =	vld [tilespmem:s15+$0x4170]  }
0x2bd: {  	v1 =	vld [tilespmem:s15+$0x4100]  }
0x2be: {  	v2 =	vld [tilespmem:s15+$0x4110]  }
0x2bf: {  	v5 =	vld [tilespmem:s15+$0x4120]  }
0x2c0: {  	v6 =	vld [tilespmem:s15+$0x4130]  }
0x2c1: {  	v8 =	vimm.f32 $0.0e+00;
	v3 =	vimm.f32 $0.0e+00;
	v7 =	vld [tilespmem:s15+$0x4140]  }
0x2c2: {  	v10 =	vimm.f32 $0.0e+00;
	v9 =	vimm.f32 $0.0e+00;
	v11 =	vld [tilespmem:s15+$0x4150];
	v0 =	vadd.f32 v0, v3  }
0x2c3: {  	s13 =	simm.s32 $0x400;
	s11 =	simm.s32 $0x80;
	v4 =	vimm.f32 $0.0e+00;
	v12 =	vld [tilespmem:s15+$0x4160];
	v1 =	vadd.f32 v1, v3;
	v2 =	vadd.f32 v2, v3  }
.LBB2_42:
0x2c4: {  	p0 =	sne.s32 s13, $0x3000;
	v13 =	vld [tilespmem:s11+$0x4170];
	v3 =	vadd.f32 v5, v3  }
0x2c5: {  	v14 =	vld [tilespmem:s11+$0x4100];
	v4 =	vadd.f32 v6, v4  }
0x2c6: {  	v15 =	vld [tilespmem:s11+$0x4110];
	v10 =	vadd.f32 v7, v10  }
.Ltmp20:
0x2c7: {  	v5 =	vld [tilespmem:s11+$0x4120];
	v8 =	vadd.f32 v11, v8;
	(pc) =	sbr.rel @p0 .LBB2_42-.Ltmp20, $4  }
0x2c8: {  	v6 =	vld [tilespmem:s11+$0x4130];
	v9 =	vadd.f32 v12, v9  }
0x2c9: {  	v7 =	vld [tilespmem:s11+$0x4140];
	v0 =	vadd.f32 v13, v0  }
0x2ca: {  	v1 =	vadd.f32 v14, v1;
	v11 =	vld [tilespmem:s11+$0x4150]  }
0x2cb: {  	v2 =	vadd.f32 v15, v2;
	v12 =	vld [tilespmem:s11+$0x4160];
	s11 =	sshra.s32 s13, $0x2;
	s13 =	sadd.s32 $0x200, s13  }
0x2cc: {  	v13 =	vld [tilespmem:s11+$0x4170]  }
0x2cd: {  	v14 =	vld [tilespmem:s11+$0x4100]  }
0x2ce: {  	v15 =	vld [tilespmem:s11+$0x4110]  }
0x2cf: {  	v16 =	vld [tilespmem:s11+$0x4120]  }
0x2d0: {  	v17 =	vld [tilespmem:s11+$0x4140]  }
0x2d1: {  	v3 =	vadd.f32 v5, v3;
	v5 =	vld [tilespmem:s11+$0x4150]  }
0x2d2: {  	v4 =	vadd.f32 v6, v4;
	v6 =	vadd.f32 v7, v10;
	v7 =	vld [tilespmem:s11+$0x4160]  }
0x2d3: {  	v10 =	vld [tilespmem:s11+$0x4130];
	v8 =	vadd.f32 v11, v8;
	v9 =	vadd.f32 v12, v9  }
0x2d4: {  	v0 =	vadd.f32 v13, v0;
	v1 =	vadd.f32 v14, v1  }
0x2d5: {  	v2 =	vadd.f32 v15, v2;
	v6 =	vadd.f32 v17, v6  }
0x2d6: {  	v3 =	vadd.f32 v16, v3;
	v5 =	vadd.f32 v5, v8  }
0x2d7: {  	v7 =	vadd.f32 v7, v9;
	v1 =	vadd.f32 v6, v1  }
0x2d8: {  	v4 =	vadd.f32 v10, v4;
	v2 =	vadd.f32 v5, v2  }
0x2d9: {  	[tilespmem:$0x106C0] =	vst v1;
	v1 =	vadd.f32 v7, v3  }
0x2da: {  	[tilespmem:$0x106D0] =	vst v2;
	v0 =	vadd.f32 v0, v4  }
0x2db: {  	[tilespmem:$0x106E0] =	vst v1  }
0x2dc: {  	[tilespmem:$0x106F0] =	vst v0  }
0x2dd: {  	_ =	swait.ge [sflag:s25], $0x1A00  }
0x2de: {  	[sflag:s25] =	ssyncset.done $0x0  }
0x2df: {  	s15 =	simm.s32 $0x0;
	[sflag:s25] =	ssyncadd.s32 $0xFFFFE600  }
0x2e0: {  	v0 =	vld [tilespmem:s15+$0x4E70]  }
0x2e1: {  	v1 =	vld [tilespmem:s15+$0x4E00]  }
0x2e2: {  	v2 =	vld [tilespmem:s15+$0x4E10]  }
0x2e3: {  	v5 =	vld [tilespmem:s15+$0x4E20]  }
0x2e4: {  	v6 =	vld [tilespmem:s15+$0x4E30]  }
0x2e5: {  	v8 =	vimm.f32 $0.0e+00;
	v3 =	vimm.f32 $0.0e+00;
	v7 =	vld [tilespmem:s15+$0x4E40]  }
0x2e6: {  	v10 =	vimm.f32 $0.0e+00;
	v9 =	vimm.f32 $0.0e+00;
	v11 =	vld [tilespmem:s15+$0x4E50];
	v0 =	vadd.f32 v0, v3  }
0x2e7: {  	s13 =	simm.s32 $0x400;
	s11 =	simm.s32 $0x80;
	v4 =	vimm.f32 $0.0e+00;
	v12 =	vld [tilespmem:s15+$0x4E60];
	v1 =	vadd.f32 v1, v3;
	v2 =	vadd.f32 v2, v3  }
.LBB2_44:
0x2e8: {  	p0 =	sne.s32 s13, $0x3000;
	v13 =	vld [tilespmem:s11+$0x4E70];
	v3 =	vadd.f32 v5, v3  }
0x2e9: {  	v14 =	vld [tilespmem:s11+$0x4E00];
	v4 =	vadd.f32 v6, v4  }
0x2ea: {  	v15 =	vld [tilespmem:s11+$0x4E10];
	v10 =	vadd.f32 v7, v10  }
.Ltmp21:
0x2eb: {  	v5 =	vld [tilespmem:s11+$0x4E20];
	v8 =	vadd.f32 v11, v8;
	(pc) =	sbr.rel @p0 .LBB2_44-.Ltmp21, $4  }
0x2ec: {  	v6 =	vld [tilespmem:s11+$0x4E30];
	v9 =	vadd.f32 v12, v9  }
0x2ed: {  	v7 =	vld [tilespmem:s11+$0x4E40];
	v0 =	vadd.f32 v13, v0  }
0x2ee: {  	v1 =	vadd.f32 v14, v1;
	v11 =	vld [tilespmem:s11+$0x4E50]  }
0x2ef: {  	v2 =	vadd.f32 v15, v2;
	v12 =	vld [tilespmem:s11+$0x4E60];
	s11 =	sshra.s32 s13, $0x2;
	s13 =	sadd.s32 $0x200, s13  }
0x2f0: {  	v13 =	vld [tilespmem:s11+$0x4E70]  }
0x2f1: {  	v14 =	vld [tilespmem:s11+$0x4E00]  }
0x2f2: {  	v15 =	vld [tilespmem:s11+$0x4E10]  }
0x2f3: {  	v16 =	vld [tilespmem:s11+$0x4E20]  }
0x2f4: {  	v17 =	vld [tilespmem:s11+$0x4E40]  }
0x2f5: {  	v3 =	vadd.f32 v5, v3;
	v5 =	vld [tilespmem:s11+$0x4E50]  }
0x2f6: {  	v4 =	vadd.f32 v6, v4;
	v6 =	vadd.f32 v7, v10;
	v7 =	vld [tilespmem:s11+$0x4E60]  }
0x2f7: {  	v10 =	vld [tilespmem:s11+$0x4E30];
	v8 =	vadd.f32 v11, v8;
	v9 =	vadd.f32 v12, v9  }
0x2f8: {  	v0 =	vadd.f32 v13, v0;
	v1 =	vadd.f32 v14, v1  }
0x2f9: {  	v2 =	vadd.f32 v15, v2;
	v6 =	vadd.f32 v17, v6  }
0x2fa: {  	v3 =	vadd.f32 v16, v3;
	v5 =	vadd.f32 v5, v8  }
0x2fb: {  	v7 =	vadd.f32 v7, v9;
	v1 =	vadd.f32 v6, v1  }
0x2fc: {  	v4 =	vadd.f32 v10, v4;
	v2 =	vadd.f32 v5, v2  }
0x2fd: {  	[tilespmem:$0x10700] =	vst v1;
	v1 =	vadd.f32 v7, v3  }
0x2fe: {  	[tilespmem:$0x10710] =	vst v2;
	v0 =	vadd.f32 v0, v4  }
0x2ff: {  	[tilespmem:$0x10720] =	vst v1  }
0x300: {  	s15 =	simm.s32 $0x0;
	[tilespmem:$0x10730] =	vst v0  }
0x301: {  	v0 =	vld [tilespmem:s15+$0x5B70]  }
0x302: {  	v1 =	vld [tilespmem:s15+$0x5B00]  }
0x303: {  	v2 =	vld [tilespmem:s15+$0x5B10]  }
0x304: {  	v5 =	vld [tilespmem:s15+$0x5B20]  }
0x305: {  	v6 =	vld [tilespmem:s15+$0x5B30]  }
0x306: {  	v8 =	vimm.f32 $0.0e+00;
	v3 =	vimm.f32 $0.0e+00;
	v7 =	vld [tilespmem:s15+$0x5B40]  }
0x307: {  	v10 =	vimm.f32 $0.0e+00;
	v9 =	vimm.f32 $0.0e+00;
	v11 =	vld [tilespmem:s15+$0x5B50];
	v0 =	vadd.f32 v0, v3  }
0x308: {  	s13 =	simm.s32 $0x400;
	s11 =	simm.s32 $0x80;
	v4 =	vimm.f32 $0.0e+00;
	v12 =	vld [tilespmem:s15+$0x5B60];
	v1 =	vadd.f32 v1, v3;
	v2 =	vadd.f32 v2, v3  }
.LBB2_46:
0x309: {  	p0 =	sne.s32 s13, $0x3000;
	v13 =	vld [tilespmem:s11+$0x5B70];
	v3 =	vadd.f32 v5, v3  }
0x30a: {  	v14 =	vld [tilespmem:s11+$0x5B00];
	v4 =	vadd.f32 v6, v4  }
0x30b: {  	v15 =	vld [tilespmem:s11+$0x5B10];
	v10 =	vadd.f32 v7, v10  }
.Ltmp22:
0x30c: {  	v5 =	vld [tilespmem:s11+$0x5B20];
	v8 =	vadd.f32 v11, v8;
	(pc) =	sbr.rel @p0 .LBB2_46-.Ltmp22, $4  }
0x30d: {  	v6 =	vld [tilespmem:s11+$0x5B30];
	v9 =	vadd.f32 v12, v9  }
0x30e: {  	v7 =	vld [tilespmem:s11+$0x5B40];
	v0 =	vadd.f32 v13, v0  }
0x30f: {  	v1 =	vadd.f32 v14, v1;
	v11 =	vld [tilespmem:s11+$0x5B50]  }
0x310: {  	v2 =	vadd.f32 v15, v2;
	v12 =	vld [tilespmem:s11+$0x5B60];
	s11 =	sshra.s32 s13, $0x2;
	s13 =	sadd.s32 $0x200, s13  }
0x311: {  	v13 =	vld [tilespmem:s11+$0x5B70]  }
0x312: {  	v14 =	vld [tilespmem:s11+$0x5B00]  }
0x313: {  	v15 =	vld [tilespmem:s11+$0x5B10]  }
0x314: {  	v16 =	vld [tilespmem:s11+$0x5B20]  }
0x315: {  	v17 =	vld [tilespmem:s11+$0x5B40]  }
0x316: {  	v3 =	vadd.f32 v5, v3;
	v5 =	vld [tilespmem:s11+$0x5B50]  }
0x317: {  	v4 =	vadd.f32 v6, v4;
	v6 =	vadd.f32 v7, v10;
	v7 =	vld [tilespmem:s11+$0x5B60]  }
0x318: {  	v10 =	vld [tilespmem:s11+$0x5B30];
	v8 =	vadd.f32 v11, v8;
	v9 =	vadd.f32 v12, v9  }
0x319: {  	v0 =	vadd.f32 v13, v0;
	v1 =	vadd.f32 v14, v1  }
0x31a: {  	v2 =	vadd.f32 v15, v2;
	v6 =	vadd.f32 v17, v6  }
0x31b: {  	v3 =	vadd.f32 v16, v3;
	v5 =	vadd.f32 v5, v8  }
0x31c: {  	v7 =	vadd.f32 v7, v9;
	v1 =	vadd.f32 v6, v1  }
0x31d: {  	v4 =	vadd.f32 v10, v4;
	v2 =	vadd.f32 v5, v2  }
0x31e: {  	[tilespmem:$0x10740] =	vst v1;
	v1 =	vadd.f32 v7, v3  }
0x31f: {  	[tilespmem:$0x10750] =	vst v2;
	v0 =	vadd.f32 v0, v4  }
0x320: {  	[tilespmem:$0x10760] =	vst v1  }
0x321: {  	[tilespmem:$0x10770] =	vst v0  }
0x322: {  	_ =	swait.ge [sflag:s26], $0x1A00  }
0x323: {  	[sflag:s26] =	ssyncset.done $0x0  }
0x324: {  	s15 =	simm.s32 $0x0;
	[sflag:s26] =	ssyncadd.s32 $0xFFFFE600  }
0x325: {  	v0 =	vld [tilespmem:s15+$0x6870]  }
0x326: {  	v1 =	vld [tilespmem:s15+$0x6800]  }
0x327: {  	v2 =	vld [tilespmem:s15+$0x6810]  }
0x328: {  	v5 =	vld [tilespmem:s15+$0x6820]  }
0x329: {  	v6 =	vld [tilespmem:s15+$0x6830]  }
0x32a: {  	v8 =	vimm.f32 $0.0e+00;
	v3 =	vimm.f32 $0.0e+00;
	v7 =	vld [tilespmem:s15+$0x6840]  }
0x32b: {  	v10 =	vimm.f32 $0.0e+00;
	v9 =	vimm.f32 $0.0e+00;
	v11 =	vld [tilespmem:s15+$0x6850];
	v0 =	vadd.f32 v0, v3  }
0x32c: {  	s13 =	simm.s32 $0x400;
	s11 =	simm.s32 $0x80;
	v4 =	vimm.f32 $0.0e+00;
	v12 =	vld [tilespmem:s15+$0x6860];
	v1 =	vadd.f32 v1, v3;
	v2 =	vadd.f32 v2, v3  }
.LBB2_48:
0x32d: {  	p0 =	sne.s32 s13, $0x3000;
	v13 =	vld [tilespmem:s11+$0x6870];
	v3 =	vadd.f32 v5, v3  }
0x32e: {  	v14 =	vld [tilespmem:s11+$0x6800];
	v4 =	vadd.f32 v6, v4  }
0x32f: {  	v15 =	vld [tilespmem:s11+$0x6810];
	v10 =	vadd.f32 v7, v10  }
.Ltmp23:
0x330: {  	v5 =	vld [tilespmem:s11+$0x6820];
	v8 =	vadd.f32 v11, v8;
	(pc) =	sbr.rel @p0 .LBB2_48-.Ltmp23, $4  }
0x331: {  	v6 =	vld [tilespmem:s11+$0x6830];
	v9 =	vadd.f32 v12, v9  }
0x332: {  	v7 =	vld [tilespmem:s11+$0x6840];
	v0 =	vadd.f32 v13, v0  }
0x333: {  	v1 =	vadd.f32 v14, v1;
	v11 =	vld [tilespmem:s11+$0x6850]  }
0x334: {  	v2 =	vadd.f32 v15, v2;
	v12 =	vld [tilespmem:s11+$0x6860];
	s11 =	sshra.s32 s13, $0x2;
	s13 =	sadd.s32 $0x200, s13  }
0x335: {  	v13 =	vld [tilespmem:s11+$0x6870]  }
0x336: {  	v14 =	vld [tilespmem:s11+$0x6800]  }
0x337: {  	v15 =	vld [tilespmem:s11+$0x6810]  }
0x338: {  	v16 =	vld [tilespmem:s11+$0x6820]  }
0x339: {  	v17 =	vld [tilespmem:s11+$0x6840]  }
0x33a: {  	v3 =	vadd.f32 v5, v3;
	v5 =	vld [tilespmem:s11+$0x6850]  }
0x33b: {  	v4 =	vadd.f32 v6, v4;
	v6 =	vadd.f32 v7, v10;
	v7 =	vld [tilespmem:s11+$0x6860]  }
0x33c: {  	v10 =	vld [tilespmem:s11+$0x6830];
	v8 =	vadd.f32 v11, v8;
	v9 =	vadd.f32 v12, v9  }
0x33d: {  	v0 =	vadd.f32 v13, v0;
	v1 =	vadd.f32 v14, v1  }
0x33e: {  	v2 =	vadd.f32 v15, v2;
	v6 =	vadd.f32 v17, v6  }
0x33f: {  	v3 =	vadd.f32 v16, v3;
	v5 =	vadd.f32 v5, v8  }
0x340: {  	v7 =	vadd.f32 v7, v9;
	v1 =	vadd.f32 v6, v1  }
0x341: {  	v4 =	vadd.f32 v10, v4;
	v2 =	vadd.f32 v5, v2  }
0x342: {  	[tilespmem:$0x10780] =	vst v1;
	v1 =	vadd.f32 v7, v3  }
0x343: {  	[tilespmem:$0x10790] =	vst v2;
	v0 =	vadd.f32 v0, v4  }
0x344: {  	[tilespmem:$0x107A0] =	vst v1  }
0x345: {  	s15 =	simm.s32 $0x0;
	[tilespmem:$0x107B0] =	vst v0  }
0x346: {  	v0 =	vld [tilespmem:s15+$0x7570]  }
0x347: {  	v1 =	vld [tilespmem:s15+$0x7500]  }
0x348: {  	v2 =	vld [tilespmem:s15+$0x7510]  }
0x349: {  	v5 =	vld [tilespmem:s15+$0x7520]  }
0x34a: {  	v6 =	vld [tilespmem:s15+$0x7530]  }
0x34b: {  	v8 =	vimm.f32 $0.0e+00;
	v3 =	vimm.f32 $0.0e+00;
	v7 =	vld [tilespmem:s15+$0x7540]  }
0x34c: {  	v10 =	vimm.f32 $0.0e+00;
	v9 =	vimm.f32 $0.0e+00;
	v11 =	vld [tilespmem:s15+$0x7550];
	v0 =	vadd.f32 v0, v3  }
0x34d: {  	s13 =	simm.s32 $0x400;
	s11 =	simm.s32 $0x80;
	v4 =	vimm.f32 $0.0e+00;
	v12 =	vld [tilespmem:s15+$0x7560];
	v1 =	vadd.f32 v1, v3;
	v2 =	vadd.f32 v2, v3  }
.LBB2_50:
0x34e: {  	p0 =	sne.s32 s13, $0x3000;
	v13 =	vld [tilespmem:s11+$0x7570];
	v3 =	vadd.f32 v5, v3  }
0x34f: {  	v14 =	vld [tilespmem:s11+$0x7500];
	v4 =	vadd.f32 v6, v4  }
0x350: {  	v15 =	vld [tilespmem:s11+$0x7510];
	v10 =	vadd.f32 v7, v10  }
.Ltmp24:
0x351: {  	v5 =	vld [tilespmem:s11+$0x7520];
	v8 =	vadd.f32 v11, v8;
	(pc) =	sbr.rel @p0 .LBB2_50-.Ltmp24, $4  }
0x352: {  	v6 =	vld [tilespmem:s11+$0x7530];
	v9 =	vadd.f32 v12, v9  }
0x353: {  	v7 =	vld [tilespmem:s11+$0x7540];
	v0 =	vadd.f32 v13, v0  }
0x354: {  	v1 =	vadd.f32 v14, v1;
	v11 =	vld [tilespmem:s11+$0x7550]  }
0x355: {  	v2 =	vadd.f32 v15, v2;
	v12 =	vld [tilespmem:s11+$0x7560];
	s11 =	sshra.s32 s13, $0x2;
	s13 =	sadd.s32 $0x200, s13  }
0x356: {  	v13 =	vld [tilespmem:s11+$0x7570]  }
0x357: {  	v14 =	vld [tilespmem:s11+$0x7500]  }
0x358: {  	v15 =	vld [tilespmem:s11+$0x7510]  }
0x359: {  	v16 =	vld [tilespmem:s11+$0x7520]  }
0x35a: {  	v17 =	vld [tilespmem:s11+$0x7540]  }
0x35b: {  	v3 =	vadd.f32 v5, v3;
	v5 =	vld [tilespmem:s11+$0x7550]  }
0x35c: {  	v4 =	vadd.f32 v6, v4;
	v6 =	vadd.f32 v7, v10;
	v7 =	vld [tilespmem:s11+$0x7560]  }
0x35d: {  	v10 =	vld [tilespmem:s11+$0x7530];
	v8 =	vadd.f32 v11, v8;
	v9 =	vadd.f32 v12, v9  }
0x35e: {  	v0 =	vadd.f32 v13, v0;
	v1 =	vadd.f32 v14, v1  }
0x35f: {  	v2 =	vadd.f32 v15, v2;
	v6 =	vadd.f32 v17, v6  }
0x360: {  	v3 =	vadd.f32 v16, v3;
	v5 =	vadd.f32 v5, v8  }
0x361: {  	v7 =	vadd.f32 v7, v9;
	v1 =	vadd.f32 v6, v1  }
0x362: {  	v4 =	vadd.f32 v10, v4;
	v2 =	vadd.f32 v5, v2  }
0x363: {  	[tilespmem:$0x107C0] =	vst v1;
	v1 =	vadd.f32 v7, v3  }
0x364: {  	[tilespmem:$0x107D0] =	vst v2;
	v0 =	vadd.f32 v0, v4  }
0x365: {  	[tilespmem:$0x107E0] =	vst v1  }
0x366: {  	[tilespmem:$0x107F0] =	vst v0  }
0x367: {  	_ =	swait.ge [sflag:s28], $0x1A00  }
0x368: {  	[sflag:s28] =	ssyncset.done $0x0  }
0x369: {  	s15 =	simm.s32 $0x0;
	[sflag:s28] =	ssyncadd.s32 $0xFFFFE600  }
0x36a: {  	v0 =	vld [tilespmem:s15+$0x8270]  }
0x36b: {  	v1 =	vld [tilespmem:s15+$0x8200]  }
0x36c: {  	v2 =	vld [tilespmem:s15+$0x8210]  }
0x36d: {  	v5 =	vld [tilespmem:s15+$0x8220]  }
0x36e: {  	v6 =	vld [tilespmem:s15+$0x8230]  }
0x36f: {  	v8 =	vimm.f32 $0.0e+00;
	v3 =	vimm.f32 $0.0e+00;
	v7 =	vld [tilespmem:s15+$0x8240]  }
0x370: {  	v10 =	vimm.f32 $0.0e+00;
	v9 =	vimm.f32 $0.0e+00;
	v11 =	vld [tilespmem:s15+$0x8250];
	v0 =	vadd.f32 v0, v3  }
0x371: {  	s13 =	simm.s32 $0x400;
	s11 =	simm.s32 $0x80;
	v4 =	vimm.f32 $0.0e+00;
	v12 =	vld [tilespmem:s15+$0x8260];
	v1 =	vadd.f32 v1, v3;
	v2 =	vadd.f32 v2, v3  }
.LBB2_52:
0x372: {  	p0 =	sne.s32 s13, $0x3000;
	v13 =	vld [tilespmem:s11+$0x8270];
	v3 =	vadd.f32 v5, v3  }
0x373: {  	v14 =	vld [tilespmem:s11+$0x8200];
	v4 =	vadd.f32 v6, v4  }
0x374: {  	v15 =	vld [tilespmem:s11+$0x8210];
	v10 =	vadd.f32 v7, v10  }
.Ltmp25:
0x375: {  	v5 =	vld [tilespmem:s11+$0x8220];
	v8 =	vadd.f32 v11, v8;
	(pc) =	sbr.rel @p0 .LBB2_52-.Ltmp25, $4  }
0x376: {  	v6 =	vld [tilespmem:s11+$0x8230];
	v9 =	vadd.f32 v12, v9  }
0x377: {  	v7 =	vld [tilespmem:s11+$0x8240];
	v0 =	vadd.f32 v13, v0  }
0x378: {  	v1 =	vadd.f32 v14, v1;
	v11 =	vld [tilespmem:s11+$0x8250]  }
0x379: {  	v2 =	vadd.f32 v15, v2;
	v12 =	vld [tilespmem:s11+$0x8260];
	s11 =	sshra.s32 s13, $0x2;
	s13 =	sadd.s32 $0x200, s13  }
0x37a: {  	v13 =	vld [tilespmem:s11+$0x8270]  }
0x37b: {  	v14 =	vld [tilespmem:s11+$0x8200]  }
0x37c: {  	v15 =	vld [tilespmem:s11+$0x8210]  }
0x37d: {  	v16 =	vld [tilespmem:s11+$0x8220]  }
0x37e: {  	v17 =	vld [tilespmem:s11+$0x8240]  }
0x37f: {  	v3 =	vadd.f32 v5, v3;
	v5 =	vld [tilespmem:s11+$0x8250]  }
0x380: {  	v4 =	vadd.f32 v6, v4;
	v6 =	vadd.f32 v7, v10;
	v7 =	vld [tilespmem:s11+$0x8260]  }
0x381: {  	v10 =	vld [tilespmem:s11+$0x8230];
	v8 =	vadd.f32 v11, v8;
	v9 =	vadd.f32 v12, v9  }
0x382: {  	v0 =	vadd.f32 v13, v0;
	v1 =	vadd.f32 v14, v1  }
0x383: {  	v2 =	vadd.f32 v15, v2;
	v6 =	vadd.f32 v17, v6  }
0x384: {  	v3 =	vadd.f32 v16, v3;
	v5 =	vadd.f32 v5, v8  }
0x385: {  	v7 =	vadd.f32 v7, v9;
	v1 =	vadd.f32 v6, v1  }
0x386: {  	v4 =	vadd.f32 v10, v4;
	v2 =	vadd.f32 v5, v2  }
0x387: {  	[tilespmem:$0x10800] =	vst v1;
	v1 =	vadd.f32 v7, v3  }
0x388: {  	[tilespmem:$0x10810] =	vst v2;
	v0 =	vadd.f32 v0, v4  }
0x389: {  	[tilespmem:$0x10820] =	vst v1  }
0x38a: {  	s15 =	simm.s32 $0x0;
	[tilespmem:$0x10830] =	vst v0  }
0x38b: {  	v0 =	vld [tilespmem:s15+$0x8F70]  }
0x38c: {  	v1 =	vld [tilespmem:s15+$0x8F00]  }
0x38d: {  	v2 =	vld [tilespmem:s15+$0x8F10]  }
0x38e: {  	v5 =	vld [tilespmem:s15+$0x8F20]  }
0x38f: {  	v6 =	vld [tilespmem:s15+$0x8F30]  }
0x390: {  	v8 =	vimm.f32 $0.0e+00;
	v3 =	vimm.f32 $0.0e+00;
	v7 =	vld [tilespmem:s15+$0x8F40]  }
0x391: {  	v10 =	vimm.f32 $0.0e+00;
	v9 =	vimm.f32 $0.0e+00;
	v11 =	vld [tilespmem:s15+$0x8F50];
	v0 =	vadd.f32 v0, v3  }
0x392: {  	s13 =	simm.s32 $0x400;
	s11 =	simm.s32 $0x80;
	v4 =	vimm.f32 $0.0e+00;
	v12 =	vld [tilespmem:s15+$0x8F60];
	v1 =	vadd.f32 v1, v3;
	v2 =	vadd.f32 v2, v3  }
.LBB2_54:
0x393: {  	p0 =	sne.s32 s13, $0x3000;
	v13 =	vld [tilespmem:s11+$0x8F70];
	v3 =	vadd.f32 v5, v3  }
0x394: {  	v14 =	vld [tilespmem:s11+$0x8F00];
	v4 =	vadd.f32 v6, v4  }
0x395: {  	v15 =	vld [tilespmem:s11+$0x8F10];
	v10 =	vadd.f32 v7, v10  }
.Ltmp26:
0x396: {  	v5 =	vld [tilespmem:s11+$0x8F20];
	v8 =	vadd.f32 v11, v8;
	(pc) =	sbr.rel @p0 .LBB2_54-.Ltmp26, $4  }
0x397: {  	v6 =	vld [tilespmem:s11+$0x8F30];
	v9 =	vadd.f32 v12, v9  }
0x398: {  	v7 =	vld [tilespmem:s11+$0x8F40];
	v0 =	vadd.f32 v13, v0  }
0x399: {  	v1 =	vadd.f32 v14, v1;
	v11 =	vld [tilespmem:s11+$0x8F50]  }
0x39a: {  	v2 =	vadd.f32 v15, v2;
	v12 =	vld [tilespmem:s11+$0x8F60];
	s11 =	sshra.s32 s13, $0x2;
	s13 =	sadd.s32 $0x200, s13  }
0x39b: {  	v13 =	vld [tilespmem:s11+$0x8F70]  }
0x39c: {  	v14 =	vld [tilespmem:s11+$0x8F00]  }
0x39d: {  	v15 =	vld [tilespmem:s11+$0x8F10]  }
0x39e: {  	v16 =	vld [tilespmem:s11+$0x8F20]  }
0x39f: {  	v17 =	vld [tilespmem:s11+$0x8F40]  }
0x3a0: {  	v3 =	vadd.f32 v5, v3;
	v5 =	vld [tilespmem:s11+$0x8F50]  }
0x3a1: {  	v4 =	vadd.f32 v6, v4;
	v6 =	vadd.f32 v7, v10;
	v7 =	vld [tilespmem:s11+$0x8F60]  }
0x3a2: {  	v10 =	vld [tilespmem:s11+$0x8F30];
	v8 =	vadd.f32 v11, v8;
	v9 =	vadd.f32 v12, v9  }
0x3a3: {  	v0 =	vadd.f32 v13, v0;
	v1 =	vadd.f32 v14, v1  }
0x3a4: {  	v2 =	vadd.f32 v15, v2;
	v6 =	vadd.f32 v17, v6  }
0x3a5: {  	v3 =	vadd.f32 v16, v3;
	v5 =	vadd.f32 v5, v8  }
0x3a6: {  	v7 =	vadd.f32 v7, v9;
	v1 =	vadd.f32 v6, v1  }
0x3a7: {  	v4 =	vadd.f32 v10, v4;
	v2 =	vadd.f32 v5, v2  }
0x3a8: {  	[tilespmem:$0x10840] =	vst v1;
	v1 =	vadd.f32 v7, v3  }
0x3a9: {  	[tilespmem:$0x10850] =	vst v2;
	v0 =	vadd.f32 v0, v4  }
0x3aa: {  	[tilespmem:$0x10860] =	vst v1  }
0x3ab: {  	[tilespmem:$0x10870] =	vst v0  }
0x3ac: {  	_ =	swait.ge [sflag:s29], $0x1A00  }
0x3ad: {  	[sflag:s29] =	ssyncset.done $0x0  }
0x3ae: {  	s15 =	simm.s32 $0x0;
	[sflag:s29] =	ssyncadd.s32 $0xFFFFE600  }
0x3af: {  	v0 =	vld [tilespmem:s15+$0x9C70]  }
0x3b0: {  	v1 =	vld [tilespmem:s15+$0x9C00]  }
0x3b1: {  	v2 =	vld [tilespmem:s15+$0x9C10]  }
0x3b2: {  	v5 =	vld [tilespmem:s15+$0x9C20]  }
0x3b3: {  	v6 =	vld [tilespmem:s15+$0x9C30]  }
0x3b4: {  	v8 =	vimm.f32 $0.0e+00;
	v3 =	vimm.f32 $0.0e+00;
	v7 =	vld [tilespmem:s15+$0x9C40]  }
0x3b5: {  	v10 =	vimm.f32 $0.0e+00;
	v9 =	vimm.f32 $0.0e+00;
	v11 =	vld [tilespmem:s15+$0x9C50];
	v0 =	vadd.f32 v0, v3  }
0x3b6: {  	s13 =	simm.s32 $0x400;
	s11 =	simm.s32 $0x80;
	v4 =	vimm.f32 $0.0e+00;
	v12 =	vld [tilespmem:s15+$0x9C60];
	v1 =	vadd.f32 v1, v3;
	v2 =	vadd.f32 v2, v3  }
.LBB2_56:
0x3b7: {  	p0 =	sne.s32 s13, $0x3000;
	v13 =	vld [tilespmem:s11+$0x9C70];
	v3 =	vadd.f32 v5, v3  }
0x3b8: {  	v14 =	vld [tilespmem:s11+$0x9C00];
	v4 =	vadd.f32 v6, v4  }
0x3b9: {  	v15 =	vld [tilespmem:s11+$0x9C10];
	v10 =	vadd.f32 v7, v10  }
.Ltmp27:
0x3ba: {  	v5 =	vld [tilespmem:s11+$0x9C20];
	v8 =	vadd.f32 v11, v8;
	(pc) =	sbr.rel @p0 .LBB2_56-.Ltmp27, $4  }
0x3bb: {  	v6 =	vld [tilespmem:s11+$0x9C30];
	v9 =	vadd.f32 v12, v9  }
0x3bc: {  	v7 =	vld [tilespmem:s11+$0x9C40];
	v0 =	vadd.f32 v13, v0  }
0x3bd: {  	v1 =	vadd.f32 v14, v1;
	v11 =	vld [tilespmem:s11+$0x9C50]  }
0x3be: {  	v2 =	vadd.f32 v15, v2;
	v12 =	vld [tilespmem:s11+$0x9C60];
	s11 =	sshra.s32 s13, $0x2;
	s13 =	sadd.s32 $0x200, s13  }
0x3bf: {  	v13 =	vld [tilespmem:s11+$0x9C70]  }
0x3c0: {  	v14 =	vld [tilespmem:s11+$0x9C00]  }
0x3c1: {  	v15 =	vld [tilespmem:s11+$0x9C10]  }
0x3c2: {  	v16 =	vld [tilespmem:s11+$0x9C20]  }
0x3c3: {  	v17 =	vld [tilespmem:s11+$0x9C40]  }
0x3c4: {  	v3 =	vadd.f32 v5, v3;
	v5 =	vld [tilespmem:s11+$0x9C50]  }
0x3c5: {  	v4 =	vadd.f32 v6, v4;
	v6 =	vadd.f32 v7, v10;
	v7 =	vld [tilespmem:s11+$0x9C60]  }
0x3c6: {  	v10 =	vld [tilespmem:s11+$0x9C30];
	v8 =	vadd.f32 v11, v8;
	v9 =	vadd.f32 v12, v9  }
0x3c7: {  	v0 =	vadd.f32 v13, v0;
	v1 =	vadd.f32 v14, v1  }
0x3c8: {  	v2 =	vadd.f32 v15, v2;
	v6 =	vadd.f32 v17, v6  }
0x3c9: {  	v3 =	vadd.f32 v16, v3;
	v5 =	vadd.f32 v5, v8  }
0x3ca: {  	v7 =	vadd.f32 v7, v9;
	v1 =	vadd.f32 v6, v1  }
0x3cb: {  	v4 =	vadd.f32 v10, v4;
	v2 =	vadd.f32 v5, v2  }
0x3cc: {  	[tilespmem:$0x10880] =	vst v1;
	v1 =	vadd.f32 v7, v3  }
0x3cd: {  	[tilespmem:$0x10890] =	vst v2;
	v0 =	vadd.f32 v0, v4  }
0x3ce: {  	[tilespmem:$0x108A0] =	vst v1  }
0x3cf: {  	s15 =	simm.s32 $0x0;
	[tilespmem:$0x108B0] =	vst v0  }
0x3d0: {  	v0 =	vld [tilespmem:s15+$0xA970]  }
0x3d1: {  	v1 =	vld [tilespmem:s15+$0xA900]  }
0x3d2: {  	v2 =	vld [tilespmem:s15+$0xA910]  }
0x3d3: {  	v5 =	vld [tilespmem:s15+$0xA920]  }
0x3d4: {  	v6 =	vld [tilespmem:s15+$0xA930]  }
0x3d5: {  	v8 =	vimm.f32 $0.0e+00;
	v3 =	vimm.f32 $0.0e+00;
	v7 =	vld [tilespmem:s15+$0xA940]  }
0x3d6: {  	v10 =	vimm.f32 $0.0e+00;
	v9 =	vimm.f32 $0.0e+00;
	v11 =	vld [tilespmem:s15+$0xA950];
	v0 =	vadd.f32 v0, v3  }
0x3d7: {  	s13 =	simm.s32 $0x400;
	s11 =	simm.s32 $0x80;
	v4 =	vimm.f32 $0.0e+00;
	v12 =	vld [tilespmem:s15+$0xA960];
	v1 =	vadd.f32 v1, v3;
	v2 =	vadd.f32 v2, v3  }
.LBB2_58:
0x3d8: {  	p0 =	sne.s32 s13, $0x3000;
	v13 =	vld [tilespmem:s11+$0xA970];
	v3 =	vadd.f32 v5, v3  }
0x3d9: {  	v14 =	vld [tilespmem:s11+$0xA900];
	v4 =	vadd.f32 v6, v4  }
0x3da: {  	v15 =	vld [tilespmem:s11+$0xA910];
	v10 =	vadd.f32 v7, v10  }
.Ltmp28:
0x3db: {  	v5 =	vld [tilespmem:s11+$0xA920];
	v8 =	vadd.f32 v11, v8;
	(pc) =	sbr.rel @p0 .LBB2_58-.Ltmp28, $4  }
0x3dc: {  	v6 =	vld [tilespmem:s11+$0xA930];
	v9 =	vadd.f32 v12, v9  }
0x3dd: {  	v7 =	vld [tilespmem:s11+$0xA940];
	v0 =	vadd.f32 v13, v0  }
0x3de: {  	v1 =	vadd.f32 v14, v1;
	v11 =	vld [tilespmem:s11+$0xA950]  }
0x3df: {  	v2 =	vadd.f32 v15, v2;
	v12 =	vld [tilespmem:s11+$0xA960];
	s11 =	sshra.s32 s13, $0x2;
	s13 =	sadd.s32 $0x200, s13  }
0x3e0: {  	v13 =	vld [tilespmem:s11+$0xA970]  }
0x3e1: {  	v14 =	vld [tilespmem:s11+$0xA900]  }
0x3e2: {  	v15 =	vld [tilespmem:s11+$0xA910]  }
0x3e3: {  	v16 =	vld [tilespmem:s11+$0xA920]  }
0x3e4: {  	v17 =	vld [tilespmem:s11+$0xA940]  }
0x3e5: {  	v3 =	vadd.f32 v5, v3;
	v5 =	vld [tilespmem:s11+$0xA950]  }
0x3e6: {  	v4 =	vadd.f32 v6, v4;
	v6 =	vadd.f32 v7, v10;
	v7 =	vld [tilespmem:s11+$0xA960]  }
0x3e7: {  	v10 =	vld [tilespmem:s11+$0xA930];
	v8 =	vadd.f32 v11, v8;
	v9 =	vadd.f32 v12, v9  }
0x3e8: {  	v0 =	vadd.f32 v13, v0;
	v1 =	vadd.f32 v14, v1  }
0x3e9: {  	v2 =	vadd.f32 v15, v2;
	v6 =	vadd.f32 v17, v6  }
0x3ea: {  	v3 =	vadd.f32 v16, v3;
	v5 =	vadd.f32 v5, v8  }
0x3eb: {  	v7 =	vadd.f32 v7, v9;
	v1 =	vadd.f32 v6, v1  }
0x3ec: {  	v4 =	vadd.f32 v10, v4;
	v2 =	vadd.f32 v5, v2  }
0x3ed: {  	[tilespmem:$0x108C0] =	vst v1;
	v1 =	vadd.f32 v7, v3  }
0x3ee: {  	[tilespmem:$0x108D0] =	vst v2;
	v0 =	vadd.f32 v0, v4  }
0x3ef: {  	[tilespmem:$0x108E0] =	vst v1  }
0x3f0: {  	[tilespmem:$0x108F0] =	vst v0  }
0x3f1: {  	_ =	swait.ge [sflag:s30], $0x1A00  }
0x3f2: {  	[sflag:s30] =	ssyncset.done $0x0  }
0x3f3: {  	s15 =	simm.s32 $0x0;
	[sflag:s30] =	ssyncadd.s32 $0xFFFFE600  }
0x3f4: {  	v0 =	vld [tilespmem:s15+$0xB670]  }
0x3f5: {  	v1 =	vld [tilespmem:s15+$0xB600]  }
0x3f6: {  	v2 =	vld [tilespmem:s15+$0xB610]  }
0x3f7: {  	v5 =	vld [tilespmem:s15+$0xB620]  }
0x3f8: {  	v6 =	vld [tilespmem:s15+$0xB630]  }
0x3f9: {  	v8 =	vimm.f32 $0.0e+00;
	v3 =	vimm.f32 $0.0e+00;
	v7 =	vld [tilespmem:s15+$0xB640]  }
0x3fa: {  	v10 =	vimm.f32 $0.0e+00;
	v9 =	vimm.f32 $0.0e+00;
	v11 =	vld [tilespmem:s15+$0xB650];
	v0 =	vadd.f32 v0, v3  }
0x3fb: {  	s13 =	simm.s32 $0x400;
	s11 =	simm.s32 $0x80;
	v4 =	vimm.f32 $0.0e+00;
	v12 =	vld [tilespmem:s15+$0xB660];
	v1 =	vadd.f32 v1, v3;
	v2 =	vadd.f32 v2, v3  }
.LBB2_60:
0x3fc: {  	p0 =	sne.s32 s13, $0x3000;
	v13 =	vld [tilespmem:s11+$0xB670];
	v3 =	vadd.f32 v5, v3  }
0x3fd: {  	v14 =	vld [tilespmem:s11+$0xB600];
	v4 =	vadd.f32 v6, v4  }
0x3fe: {  	v15 =	vld [tilespmem:s11+$0xB610];
	v10 =	vadd.f32 v7, v10  }
.Ltmp29:
0x3ff: {  	v5 =	vld [tilespmem:s11+$0xB620];
	v8 =	vadd.f32 v11, v8;
	(pc) =	sbr.rel @p0 .LBB2_60-.Ltmp29, $4  }
0x400: {  	v6 =	vld [tilespmem:s11+$0xB630];
	v9 =	vadd.f32 v12, v9  }
0x401: {  	v7 =	vld [tilespmem:s11+$0xB640];
	v0 =	vadd.f32 v13, v0  }
0x402: {  	v1 =	vadd.f32 v14, v1;
	v11 =	vld [tilespmem:s11+$0xB650]  }
0x403: {  	v2 =	vadd.f32 v15, v2;
	v12 =	vld [tilespmem:s11+$0xB660];
	s11 =	sshra.s32 s13, $0x2;
	s13 =	sadd.s32 $0x200, s13  }
0x404: {  	v13 =	vld [tilespmem:s11+$0xB670]  }
0x405: {  	v14 =	vld [tilespmem:s11+$0xB600]  }
0x406: {  	v15 =	vld [tilespmem:s11+$0xB610]  }
0x407: {  	v16 =	vld [tilespmem:s11+$0xB620]  }
0x408: {  	v17 =	vld [tilespmem:s11+$0xB640]  }
0x409: {  	v3 =	vadd.f32 v5, v3;
	v5 =	vld [tilespmem:s11+$0xB650]  }
0x40a: {  	v4 =	vadd.f32 v6, v4;
	v6 =	vadd.f32 v7, v10;
	v7 =	vld [tilespmem:s11+$0xB660]  }
0x40b: {  	v10 =	vld [tilespmem:s11+$0xB630];
	v8 =	vadd.f32 v11, v8;
	v9 =	vadd.f32 v12, v9  }
0x40c: {  	v0 =	vadd.f32 v13, v0;
	v1 =	vadd.f32 v14, v1  }
0x40d: {  	v2 =	vadd.f32 v15, v2;
	v6 =	vadd.f32 v17, v6  }
0x40e: {  	v3 =	vadd.f32 v16, v3;
	v5 =	vadd.f32 v5, v8  }
0x40f: {  	v7 =	vadd.f32 v7, v9;
	v1 =	vadd.f32 v6, v1  }
0x410: {  	v4 =	vadd.f32 v10, v4;
	v2 =	vadd.f32 v5, v2  }
0x411: {  	[tilespmem:$0x10900] =	vst v1;
	v1 =	vadd.f32 v7, v3  }
0x412: {  	[tilespmem:$0x10910] =	vst v2;
	v0 =	vadd.f32 v0, v4  }
0x413: {  	[tilespmem:$0x10920] =	vst v1  }
0x414: {  	s15 =	simm.s32 $0x0;
	[tilespmem:$0x10930] =	vst v0  }
0x415: {  	v0 =	vld [tilespmem:s15+$0xC370]  }
0x416: {  	v1 =	vld [tilespmem:s15+$0xC300]  }
0x417: {  	v2 =	vld [tilespmem:s15+$0xC310]  }
0x418: {  	v5 =	vld [tilespmem:s15+$0xC320]  }
0x419: {  	v6 =	vld [tilespmem:s15+$0xC330]  }
0x41a: {  	v8 =	vimm.f32 $0.0e+00;
	v3 =	vimm.f32 $0.0e+00;
	v7 =	vld [tilespmem:s15+$0xC340]  }
0x41b: {  	v10 =	vimm.f32 $0.0e+00;
	v9 =	vimm.f32 $0.0e+00;
	v11 =	vld [tilespmem:s15+$0xC350];
	v0 =	vadd.f32 v0, v3  }
0x41c: {  	s13 =	simm.s32 $0x400;
	s11 =	simm.s32 $0x80;
	v4 =	vimm.f32 $0.0e+00;
	v12 =	vld [tilespmem:s15+$0xC360];
	v1 =	vadd.f32 v1, v3;
	v2 =	vadd.f32 v2, v3  }
.LBB2_62:
0x41d: {  	p0 =	sne.s32 s13, $0x3000;
	v13 =	vld [tilespmem:s11+$0xC370];
	v3 =	vadd.f32 v5, v3  }
0x41e: {  	v14 =	vld [tilespmem:s11+$0xC300];
	v4 =	vadd.f32 v6, v4  }
0x41f: {  	v15 =	vld [tilespmem:s11+$0xC310];
	v10 =	vadd.f32 v7, v10  }
.Ltmp30:
0x420: {  	v5 =	vld [tilespmem:s11+$0xC320];
	v8 =	vadd.f32 v11, v8;
	(pc) =	sbr.rel @p0 .LBB2_62-.Ltmp30, $4  }
0x421: {  	v6 =	vld [tilespmem:s11+$0xC330];
	v9 =	vadd.f32 v12, v9  }
0x422: {  	v7 =	vld [tilespmem:s11+$0xC340];
	v0 =	vadd.f32 v13, v0  }
0x423: {  	v1 =	vadd.f32 v14, v1;
	v11 =	vld [tilespmem:s11+$0xC350]  }
0x424: {  	v2 =	vadd.f32 v15, v2;
	v12 =	vld [tilespmem:s11+$0xC360];
	s11 =	sshra.s32 s13, $0x2;
	s13 =	sadd.s32 $0x200, s13  }
0x425: {  	v13 =	vld [tilespmem:s11+$0xC370]  }
0x426: {  	v14 =	vld [tilespmem:s11+$0xC300]  }
0x427: {  	v15 =	vld [tilespmem:s11+$0xC310]  }
0x428: {  	v16 =	vld [tilespmem:s11+$0xC320]  }
0x429: {  	v17 =	vld [tilespmem:s11+$0xC340]  }
0x42a: {  	v3 =	vadd.f32 v5, v3;
	v5 =	vld [tilespmem:s11+$0xC350]  }
0x42b: {  	v4 =	vadd.f32 v6, v4;
	v6 =	vadd.f32 v7, v10;
	v7 =	vld [tilespmem:s11+$0xC360]  }
0x42c: {  	v10 =	vld [tilespmem:s11+$0xC330];
	v8 =	vadd.f32 v11, v8;
	v9 =	vadd.f32 v12, v9  }
0x42d: {  	v0 =	vadd.f32 v13, v0;
	v1 =	vadd.f32 v14, v1  }
0x42e: {  	v2 =	vadd.f32 v15, v2;
	v6 =	vadd.f32 v17, v6  }
0x42f: {  	v3 =	vadd.f32 v16, v3;
	v5 =	vadd.f32 v5, v8  }
0x430: {  	v7 =	vadd.f32 v7, v9;
	v1 =	vadd.f32 v6, v1  }
0x431: {  	v4 =	vadd.f32 v10, v4;
	v2 =	vadd.f32 v5, v2  }
0x432: {  	[tilespmem:$0x10940] =	vst v1;
	v1 =	vadd.f32 v7, v3  }
0x433: {  	[tilespmem:$0x10950] =	vst v2;
	v0 =	vadd.f32 v0, v4  }
0x434: {  	[tilespmem:$0x10960] =	vst v1  }
0x435: {  	[tilespmem:$0x10970] =	vst v0  }
0x436: {  	_ =	swait.ge [sflag:s31], $0x1A00  }
0x437: {  	[sflag:s31] =	ssyncset.done $0x0  }
0x438: {  	s15 =	simm.s32 $0x0;
	[sflag:s31] =	ssyncadd.s32 $0xFFFFE600  }
0x439: {  	v0 =	vld [tilespmem:s15+$0xD070]  }
0x43a: {  	v1 =	vld [tilespmem:s15+$0xD000]  }
0x43b: {  	v2 =	vld [tilespmem:s15+$0xD010]  }
0x43c: {  	v5 =	vld [tilespmem:s15+$0xD020]  }
0x43d: {  	v6 =	vld [tilespmem:s15+$0xD030]  }
0x43e: {  	v8 =	vimm.f32 $0.0e+00;
	v3 =	vimm.f32 $0.0e+00;
	v7 =	vld [tilespmem:s15+$0xD040]  }
0x43f: {  	v10 =	vimm.f32 $0.0e+00;
	v9 =	vimm.f32 $0.0e+00;
	v11 =	vld [tilespmem:s15+$0xD050];
	v0 =	vadd.f32 v0, v3  }
0x440: {  	s13 =	simm.s32 $0x400;
	s11 =	simm.s32 $0x80;
	v4 =	vimm.f32 $0.0e+00;
	v12 =	vld [tilespmem:s15+$0xD060];
	v1 =	vadd.f32 v1, v3;
	v2 =	vadd.f32 v2, v3  }
.LBB2_64:
0x441: {  	p0 =	sne.s32 s13, $0x3000;
	v13 =	vld [tilespmem:s11+$0xD070];
	v3 =	vadd.f32 v5, v3  }
0x442: {  	v14 =	vld [tilespmem:s11+$0xD000];
	v4 =	vadd.f32 v6, v4  }
0x443: {  	v15 =	vld [tilespmem:s11+$0xD010];
	v10 =	vadd.f32 v7, v10  }
.Ltmp31:
0x444: {  	v5 =	vld [tilespmem:s11+$0xD020];
	v8 =	vadd.f32 v11, v8;
	(pc) =	sbr.rel @p0 .LBB2_64-.Ltmp31, $4  }
0x445: {  	v6 =	vld [tilespmem:s11+$0xD030];
	v9 =	vadd.f32 v12, v9  }
0x446: {  	v7 =	vld [tilespmem:s11+$0xD040];
	v0 =	vadd.f32 v13, v0  }
0x447: {  	v1 =	vadd.f32 v14, v1;
	v11 =	vld [tilespmem:s11+$0xD050]  }
0x448: {  	v2 =	vadd.f32 v15, v2;
	v12 =	vld [tilespmem:s11+$0xD060];
	s11 =	sshra.s32 s13, $0x2;
	s13 =	sadd.s32 $0x200, s13  }
0x449: {  	v13 =	vld [tilespmem:s11+$0xD070]  }
0x44a: {  	v14 =	vld [tilespmem:s11+$0xD000]  }
0x44b: {  	v15 =	vld [tilespmem:s11+$0xD010]  }
0x44c: {  	v16 =	vld [tilespmem:s11+$0xD020]  }
0x44d: {  	v17 =	vld [tilespmem:s11+$0xD040]  }
0x44e: {  	v3 =	vadd.f32 v5, v3;
	v5 =	vld [tilespmem:s11+$0xD050]  }
0x44f: {  	v4 =	vadd.f32 v6, v4;
	v6 =	vadd.f32 v7, v10;
	v7 =	vld [tilespmem:s11+$0xD060]  }
0x450: {  	v10 =	vld [tilespmem:s11+$0xD030];
	v8 =	vadd.f32 v11, v8;
	v9 =	vadd.f32 v12, v9  }
0x451: {  	v0 =	vadd.f32 v13, v0;
	v1 =	vadd.f32 v14, v1  }
0x452: {  	v2 =	vadd.f32 v15, v2;
	v6 =	vadd.f32 v17, v6  }
0x453: {  	v3 =	vadd.f32 v16, v3;
	v5 =	vadd.f32 v5, v8  }
0x454: {  	v7 =	vadd.f32 v7, v9;
	v1 =	vadd.f32 v6, v1  }
0x455: {  	v4 =	vadd.f32 v10, v4;
	v2 =	vadd.f32 v5, v2  }
0x456: {  	[tilespmem:$0x10980] =	vst v1;
	v1 =	vadd.f32 v7, v3  }
0x457: {  	[tilespmem:$0x10990] =	vst v2;
	v0 =	vadd.f32 v0, v4  }
0x458: {  	[tilespmem:$0x109A0] =	vst v1  }
0x459: {  	s15 =	simm.s32 $0x0;
	[tilespmem:$0x109B0] =	vst v0  }
0x45a: {  	v0 =	vld [tilespmem:s15+$0xDD70]  }
0x45b: {  	v1 =	vld [tilespmem:s15+$0xDD00]  }
0x45c: {  	v2 =	vld [tilespmem:s15+$0xDD10]  }
0x45d: {  	v5 =	vld [tilespmem:s15+$0xDD20]  }
0x45e: {  	v6 =	vld [tilespmem:s15+$0xDD30]  }
0x45f: {  	v8 =	vimm.f32 $0.0e+00;
	v3 =	vimm.f32 $0.0e+00;
	v7 =	vld [tilespmem:s15+$0xDD40]  }
0x460: {  	v10 =	vimm.f32 $0.0e+00;
	v9 =	vimm.f32 $0.0e+00;
	v11 =	vld [tilespmem:s15+$0xDD50];
	v0 =	vadd.f32 v0, v3  }
0x461: {  	s13 =	simm.s32 $0x400;
	s11 =	simm.s32 $0x80;
	v4 =	vimm.f32 $0.0e+00;
	v12 =	vld [tilespmem:s15+$0xDD60];
	v1 =	vadd.f32 v1, v3;
	v2 =	vadd.f32 v2, v3  }
.LBB2_66:
0x462: {  	p0 =	sne.s32 s13, $0x3000;
	v13 =	vld [tilespmem:s11+$0xDD70];
	v3 =	vadd.f32 v5, v3  }
0x463: {  	v14 =	vld [tilespmem:s11+$0xDD00];
	v4 =	vadd.f32 v6, v4  }
0x464: {  	v15 =	vld [tilespmem:s11+$0xDD10];
	v10 =	vadd.f32 v7, v10  }
.Ltmp32:
0x465: {  	v5 =	vld [tilespmem:s11+$0xDD20];
	v8 =	vadd.f32 v11, v8;
	(pc) =	sbr.rel @p0 .LBB2_66-.Ltmp32, $4  }
0x466: {  	v6 =	vld [tilespmem:s11+$0xDD30];
	v9 =	vadd.f32 v12, v9  }
0x467: {  	v7 =	vld [tilespmem:s11+$0xDD40];
	v0 =	vadd.f32 v13, v0  }
0x468: {  	v1 =	vadd.f32 v14, v1;
	v11 =	vld [tilespmem:s11+$0xDD50]  }
0x469: {  	v2 =	vadd.f32 v15, v2;
	v12 =	vld [tilespmem:s11+$0xDD60];
	s11 =	sshra.s32 s13, $0x2;
	s13 =	sadd.s32 $0x200, s13  }
0x46a: {  	v13 =	vld [tilespmem:s11+$0xDD70]  }
0x46b: {  	v14 =	vld [tilespmem:s11+$0xDD00]  }
0x46c: {  	v15 =	vld [tilespmem:s11+$0xDD10]  }
0x46d: {  	v16 =	vld [tilespmem:s11+$0xDD20]  }
0x46e: {  	v17 =	vld [tilespmem:s11+$0xDD40]  }
0x46f: {  	v3 =	vadd.f32 v5, v3;
	v59 =	vld [tilespmem:s11+$0xDD50]  }
0x470: {  	v62 =	vld [tilespmem:s11+$0xDD30];
	v4 =	vadd.f32 v6, v4;
	v60 =	vadd.f32 v7, v10  }
0x471: {  	v61 =	vld [tilespmem:s11+$0xDD60];
	v8 =	vadd.f32 v11, v8;
	v9 =	vadd.f32 v12, v9  }
0x472: {  	v0 =	vadd.f32 v13, v0;
	v1 =	vadd.f32 v14, v1  }
0x473: {  	v2 =	vadd.f32 v15, v2;
	v6 =	vadd.f32 v17, v60  }
0x474: {  	v3 =	vadd.f32 v16, v3;
	v5 =	vadd.f32 v59, v8  }
0x475: {  	v4 =	vadd.f32 v62, v4;
	v1 =	vadd.f32 v6, v1  }
0x476: {  	v7 =	vadd.f32 v61, v9;
	v2 =	vadd.f32 v5, v2  }
0x477: {  	v0 =	vadd.f32 v0, v4;
	[tilespmem:$0x109C0] =	vst v1  }
0x478: {  	s1 =	sadd.s32 $0x1, s1;
	v63 =	vadd.f32 v7, v3;
	[tilespmem:$0x109D0] =	vst v2  }
0x479: {  	p0 =	sne.s32 s1, s6;
	[tilespmem:$0x109F0] =	vst v0  }
.Ltmp33:
0x47a: {  	[tilespmem:$0x109E0] =	vst v63;
	(pc) =	sbr.rel @p0 .LBB2_1-.Ltmp33, $4  }
0x47b: {  	[hbm4b:s5+s2] =	stream.linear.scatter [tilespmem:s0], [sflag:$0x9], $0x2000, $0x38;
	[tilespmem:$0x10A00] =	vst v63  }
0x47c: {  	_ =	swait.ge [sflag:s7], $0x2000  }
0x47d: {  	[sflag:s7] =	ssyncset.done $0x0  }
0x47e: {  	[sflag:s7] =	ssyncadd.s32 $0xFFFFE000  }
0x47f: {  	_ =	sfence.sel $0x180000  }
0x480: {  	[bflag:$0x0] =	sbarrier.arrive $0xFFFF  }
0x481: {  	_ =	strace $0x90000047  }
0x482: {  	s0 =	stileid.u32;
	[bflag:$0x2] =	sbarrier.arrive $0xFFFF  }
0x483: {  	p0 =	sne.s32 s0, $0x0;
	s0 =	rddreg [dreg:$0x3]  }
0x484: {  	s0 =	sadd.s32 @!p0 $0x100000, s0  }
0x485: {  	[sflag:s0] =	ssyncadd.tile.s32 @!p0 $0x1;
	_ =	shalt  }
.Lfunc_end2:
_tile_overlayer_lowered:
.L_overlay_start_2:
0x486: {  	(tag) =	ssettag $0x2  }
0x487: {  	s0 =	rddreg [dreg:$0x0];
	s2 =	stileid.u32  }
0x488: {  	s1 =	rddreg [dreg:$0x1];
	p0 =	sne.s32 s2, $0x0  }
0x489: {  	s3 =	rddreg [dreg:$0x2];
	[bflag:$0x3] =	sbarrier.arrive $0xFFFF;
	s2 =	simm.s32 @!p0 $0x1C09  }
0x48a: {  	[timem:s3], [sflag:s2] =	dma.local @!p0 [hbm:s0], s1  }
0x48b: {  	s0 =	simm.s32 @!p0 $0x9  }
0x48c: {  	_ =	swait.ge @!p0 [sflag:s0], s1  }
0x48d: {  	s1 =	ssub.s32 @!p0 $0x0, s1;
	[sflag:s0] =	ssyncset.done @!p0 $0x0  }
0x48e: {  	[sflag:s0] =	ssyncadd.s32 @!p0 s1  }
0x48f: {  	[bflag:$0x3] =	sbarrier.arrive $0xFFFF  }
0x490: {  	_ =	shalt  }

</sc_bundles>
